<compile_context>
chip_gen: v7x
topology: tpu7x:2x2x1
jax: 0.10.2.dev20260603
libtpu: 0.0.44.dev20260713+nightly
codegen_flags: <defaults>
</compile_context>

<pallas_src>
import jax
import jax.numpy as jnp
from jax import lax
from jax.experimental import pallas as pl
from jax.experimental.pallas import tpu as pltpu
from jax.experimental.pallas import tpu_sc as plsc

T = 2048
E = 64
H = 1024
I = 512
K = 2
TILE = 128
MAX_TILES = (T * K) // TILE + E
PADDED = MAX_TILES * TILE
NW = 32
ROWS_PER_W = PADDED // NW
GCHUNK = 48
TOK_PER_W = T // NW


def _router_body(x_ref, gw_ref, pos_ref, wts_ref, meta_ref):
    x = x_ref[...]
    gw = gw_ref[...]
    logits = lax.dot_general(x, gw, (((1,), (1,)), ((), ())),
                             preferred_element_type=jnp.float32)
    iota_e = lax.broadcasted_iota(jnp.int32, (T, E), 1)
    m1 = jnp.max(logits, axis=1, keepdims=True)
    idx1 = jnp.min(jnp.where(logits == m1, iota_e, E), axis=1, keepdims=True)
    masked = jnp.where(iota_e == idx1, -jnp.inf, logits)
    m2 = jnp.max(masked, axis=1, keepdims=True)
    idx2 = jnp.min(jnp.where(masked == m2, iota_e, E), axis=1, keepdims=True)
    e2 = jnp.exp(m2 - m1)
    wa = 1.0 / (1.0 + e2)
    wb = e2 / (1.0 + e2)

    iota_l = lax.broadcasted_iota(jnp.int32, (T, 128), 1)
    oh0 = (iota_l == idx1).astype(jnp.int32)
    oh1 = (iota_l == idx2).astype(jnp.int32)

    def cumsum_rows(a):
        d = 1
        while d < T:
            a = a + jnp.concatenate(
                [jnp.zeros((d, 128), jnp.int32), a[: T - d, :]], axis=0)
            d *= 2
        return a

    c0 = cumsum_rows(oh0)
    c1 = cumsum_rows(oh1)
    ex0 = c0 - oh0
    ex1 = c1 - oh1
    cnt0 = c0[T - 1:T, :]
    counts = cnt0 + c1[T - 1:T, :]
    ptiles = (counts + (TILE - 1)) // TILE

    def cumsum_lanes(a):
        d = 1
        while d < 128:
            a = a + jnp.concatenate(
                [jnp.zeros((1, d), jnp.int32), a[:, : 128 - d]], axis=1)
            d *= 2
        return a

    pt_inc = cumsum_lanes(ptiles)
    poff = (pt_inc - ptiles) * TILE
    pos0 = jnp.sum(oh0 * (poff + ex0), axis=1, keepdims=True)
    pos1 = jnp.sum(oh1 * (poff + cnt0 + ex1), axis=1, keepdims=True)
    pos_ref[...] = jnp.concatenate([pos0, pos1], axis=1)
    wts_ref[...] = jnp.concatenate([wa, wb], axis=1)

    iota_t = lax.broadcasted_iota(jnp.int32, (1, 128), 1)
    te = jnp.zeros((1, 128), jnp.int32)
    for e in range(E):
        te = te + jnp.where(pt_inc[0, e] <= iota_t, 1, 0)
    te = jnp.minimum(te, E - 1)
    nact = pt_inc[0, E - 1]
    row_i = lax.broadcasted_iota(jnp.int32, (8, 128), 0)
    meta = jnp.where(row_i == 0, jnp.broadcast_to(te, (8, 128)), nact)
    meta_ref[...] = meta


def _router_call(x, gw):
    return pl.pallas_call(
        _router_body,
        out_shape=(
            jax.ShapeDtypeStruct((T, K), jnp.int32),
            jax.ShapeDtypeStruct((T, K), jnp.float32),
            jax.ShapeDtypeStruct((8, 128), jnp.int32),
        ),
    )(x, gw)


def _dispatch_body(pos_hbm, wts_hbm, x_hbm, nrows_hbm, xs_hbm, ws_hbm,
                   pos_v, wts_v, inv_v, wsf_v, rowbuf0, rowbuf1, nrows_s,
                   sem0, sem1):
    wid = lax.axis_index("s") * 2 + lax.axis_index("c")
    base = wid * ROWS_PER_W
    pltpu.sync_copy(nrows_hbm, nrows_s)
    nrows = jnp.max(nrows_s[...], axis=0)

    @pl.when(base < nrows)
    def _():
        with jax.named_scope("disp_copy"):
            pltpu.sync_copy(pos_hbm, pos_v)
            pltpu.sync_copy(wts_hbm, wts_v)

        lane = lax.iota(jnp.int32, 16)

        def zero_body(i, _):
            inv_v[pl.ds(i * 16, 16)] = (lane + i * 16 + base) & (T - 1)
            wsf_v[pl.ds(i * 16, 16)] = jnp.zeros((16,), jnp.float32)
            return 0

        with jax.named_scope("disp_zero"):
            lax.fori_loop(0, ROWS_PER_W // 16, zero_body, 0, unroll=4)

        def scat_body(i, _):
            idx = pos_v[pl.ds(i * 16, 16)] - base
            ok = (idx >= 0) & (idx < ROWS_PER_W)
            idxc = jnp.minimum(jnp.maximum(idx, 0), ROWS_PER_W - 1)
            tok = (lane + i * 16) & (T - 1)
            plsc.store_scatter(inv_v, [idxc], tok, mask=ok)
            w = wts_v[pl.ds(i * 16, 16)]
            plsc.store_scatter(wsf_v, [idxc], w, mask=ok)
            return 0

        with jax.named_scope("disp_scat"):
            lax.fori_loop(0, (T * K) // 16, scat_body, 0, unroll=8)

        with jax.named_scope("disp_gather"):
            pltpu.sync_copy(wsf_v, ws_hbm.at[pl.ds(base, ROWS_PER_W)])
            nch = ROWS_PER_W // GCHUNK
            bufs = (rowbuf0, rowbuf1)
            sems = (sem0, sem1)
            copies = [None, None]
            for c in range(nch + 1):
                if c < nch:
                    copies[c % 2] = pltpu.async_copy(
                        x_hbm.at[inv_v.at[pl.ds(c * GCHUNK, GCHUNK)]],
                        bufs[c % 2], sems[c % 2])
                if c >= 1:
                    p = (c - 1) % 2
                    copies[p].wait()
                    pltpu.sync_copy(
                        bufs[p],
                        xs_hbm.at[pl.ds(base + (c - 1) * GCHUNK, GCHUNK)])


def _dispatch_call(pos, wts, x, nrows):
    mesh = plsc.VectorSubcoreMesh(core_axis_name="c", subcore_axis_name="s")
    fn = pl.kernel(
        _dispatch_body,
        out_type=(
            jax.ShapeDtypeStruct((PADDED, H), jnp.float32),
            jax.ShapeDtypeStruct((PADDED,), jnp.float32),
        ),
        mesh=mesh,
        scratch_types=[
            pltpu.VMEM((T * K,), jnp.int32),
            pltpu.VMEM((T * K,), jnp.float32),
            pltpu.VMEM((ROWS_PER_W,), jnp.int32),
            pltpu.VMEM((ROWS_PER_W,), jnp.float32),
            pltpu.VMEM((GCHUNK, H), jnp.float32),
            pltpu.VMEM((GCHUNK, H), jnp.float32),
            pltpu.VMEM((16,), jnp.int32),
            pltpu.SemaphoreType.DMA,
            pltpu.SemaphoreType.DMA,
        ],
        compiler_params=pltpu.CompilerParams(needs_layout_passes=False),
    )
    return fn(pos, wts, x, nrows)


def _gmm_body(te_ref, nact_ref, xs_ref, w1_ref, w3_ref, w2_ref, ws_ref,
              ys_ref):
    i = pl.program_id(0)

    @pl.when(i < nact_ref[0])
    def _():
        x = xs_ref[...]
        g = lax.dot_general(x, w1_ref[0], (((1,), (1,)), ((), ())),
                            preferred_element_type=jnp.float32)
        u = lax.dot_general(x, w3_ref[0], (((1,), (1,)), ((), ())),
                            preferred_element_type=jnp.float32)
        h = g * (1.0 / (1.0 + jnp.exp(-g))) * u
        y = lax.dot_general(h, w2_ref[0], (((1,), (1,)), ((), ())),
                            preferred_element_type=jnp.float32)
        ys_ref[...] = y * ws_ref[...]


def _gmm_call(te, nact, xs, w1, w3, w2, ws):
    grid_spec = pltpu.PrefetchScalarGridSpec(
        num_scalar_prefetch=2,
        grid=(MAX_TILES,),
        in_specs=[
            pl.BlockSpec((TILE, H), lambda i, te, na: (i, 0)),
            pl.BlockSpec((1, I, H), lambda i, te, na: (te[i], 0, 0)),
            pl.BlockSpec((1, I, H), lambda i, te, na: (te[i], 0, 0)),
            pl.BlockSpec((1, H, I), lambda i, te, na: (te[i], 0, 0)),
            pl.BlockSpec((TILE, 1), lambda i, te, na: (i, 0)),
        ],
        out_specs=pl.BlockSpec((TILE, H), lambda i, te, na: (i, 0)),
    )
    return pl.pallas_call(
        _gmm_body,
        grid_spec=grid_spec,
        out_shape=jax.ShapeDtypeStruct((PADDED, H), jnp.float32),
        compiler_params=pltpu.CompilerParams(
            dimension_semantics=("arbitrary",)),
    )(te, nact, xs, w1, w3, w2, ws)


CCH = 32


def _combine_body(pos_hbm, ys_hbm, out_hbm, i0_v, i1_v, buf0, buf1, sem0,
                  sem1):
    wid = lax.axis_index("s") * 2 + lax.axis_index("c")
    base = wid * TOK_PER_W
    pltpu.sync_copy(pos_hbm.at[pl.ds(base, TOK_PER_W)], i0_v)
    pltpu.sync_copy(pos_hbm.at[pl.ds(T + base, TOK_PER_W)], i1_v)
    for c in range(TOK_PER_W // CCH):
        c0 = pltpu.async_copy(
            ys_hbm.at[i0_v.at[pl.ds(c * CCH, CCH)]], buf0, sem0)
        c1 = pltpu.async_copy(
            ys_hbm.at[i1_v.at[pl.ds(c * CCH, CCH)]], buf1, sem1)
        c0.wait()
        c1.wait()

        def add_body(k, _):
            r = k // (H // 16)
            col = (k % (H // 16)) * 16
            buf0[r, pl.ds(col, 16)] = (
                buf0[r, pl.ds(col, 16)] + buf1[r, pl.ds(col, 16)])
            return 0

        lax.fori_loop(0, CCH * (H // 16), add_body, 0, unroll=4)
        pltpu.sync_copy(buf0, out_hbm.at[pl.ds(base + c * CCH, CCH)])


def _combine_call(pos, ys):
    mesh = plsc.VectorSubcoreMesh(core_axis_name="c", subcore_axis_name="s")
    fn = pl.kernel(
        _combine_body,
        out_type=jax.ShapeDtypeStruct((T, H), jnp.float32),
        mesh=mesh,
        scratch_types=[
            pltpu.VMEM((TOK_PER_W,), jnp.int32),
            pltpu.VMEM((TOK_PER_W,), jnp.int32),
            pltpu.VMEM((CCH, H), jnp.float32),
            pltpu.VMEM((CCH, H), jnp.float32),
            pltpu.SemaphoreType.DMA,
            pltpu.SemaphoreType.DMA,
        ],
        compiler_params=pltpu.CompilerParams(needs_layout_passes=False),
    )
    return fn(pos, ys)


def kernel(hidden_states, gate_w, w1, w3, w2):
    orig_shape = hidden_states.shape
    x = hidden_states.reshape(-1, H)
    pos2, wts2, meta = _router_call(x, gate_w)
    pos = jnp.concatenate([pos2[:, 0], pos2[:, 1]])
    wts = jnp.concatenate([wts2[:, 0], wts2[:, 1]])
    nact = meta[1, 0:1]
    nrows16 = jnp.broadcast_to(nact * TILE, (16,))
    xs, ws = _dispatch_call(pos, wts, x, nrows16)
    te = meta[0]
    ys = _gmm_call(te, nact, xs, w1, w3, w2, ws.reshape(PADDED, 1))
    out = _combine_call(pos, ys)
    return out.reshape(orig_shape)

# --- scband reference (transcript-rebuilt; emitter-appended) ---
"""Pipeline reference for scband-granite-moe-mo-e-47536698032450 (READ-ONLY COPY).

The authoritative reference and input builder live on the scoring server;
editing this copy changes nothing except your own understanding.
"""

import jax, jax.numpy as jnp
import numpy as np

NUM_EXPERTS = 64
TOP_K = 2
HIDDEN = 1024
INTER = 512
TOKENS = 2048


def setup_inputs(seed: int = 0) -> dict:
    key = jax.random.key(seed)
    k0, k1, k2, k3, k4 = jax.random.split(key, 5)
    hidden_states = jax.random.normal(k0, (TOKENS, HIDDEN), dtype=jnp.float32)
    # gate: ReplicatedLinear(hidden_size, num_experts, bias=False) -> weight [E, H]
    gate_w = jax.random.normal(k1, (NUM_EXPERTS, HIDDEN), dtype=jnp.float32) * (1.0 / np.sqrt(HIDDEN))
    # FusedMoE expert weights: w1 (gate proj) [E, I, H], w3 (up proj) [E, I, H], w2 (down proj) [E, H, I]
    w1 = jax.random.normal(k2, (NUM_EXPERTS, INTER, HIDDEN), dtype=jnp.float32) * (1.0 / np.sqrt(HIDDEN))
    w3 = jax.random.normal(k3, (NUM_EXPERTS, INTER, HIDDEN), dtype=jnp.float32) * (1.0 / np.sqrt(HIDDEN))
    w2 = jax.random.normal(k4, (NUM_EXPERTS, HIDDEN, INTER), dtype=jnp.float32) * (1.0 / np.sqrt(INTER))
    return {"hidden_states": hidden_states, "gate_w": gate_w, "w1": w1, "w3": w3, "w2": w2}


def reference(hidden_states, gate_w, w1, w3, w2):
    orig_shape = hidden_states.shape
    x = hidden_states.reshape(-1, HIDDEN)
    # router: gate linear -> logits [T, E]
    router_logits = x @ gate_w.T
    # FusedMoE with renormalize=True: softmax over all experts, take top_k,
    # renormalize the top_k probabilities to sum to 1 per token.
    probs = jax.nn.softmax(router_logits, axis=-1)
    topk_p, topk_idx = jax.lax.top_k(probs, TOP_K)
    routing_weights = topk_p / jnp.sum(topk_p, axis=-1, keepdims=True)
    out = jnp.zeros_like(x)
    for e in range(NUM_EXPERTS):
        weight_e = jnp.sum(
            jnp.where(topk_idx == e, routing_weights, jnp.zeros_like(routing_weights)),
            axis=-1,
        )
        # SwiGLU expert MLP: silu(x @ w1^T) * (x @ w3^T) @ w2^T
        h = jax.nn.silu(x @ w1[e].T) * (x @ w3[e].T)
        ye = h @ w2[e].T
        out = out + ye * weight_e[:, None]
    return out.reshape(orig_shape)

if __name__ == "__main__":
    import jax
    _d = setup_inputs()
    print(jax.jit(kernel)(*tuple(_d.values())))

</pallas_src>

<mosaic_0001>
#map = affine_map<(d0, d1) -> (0)>
#map1 = affine_map<(d0, d1) -> (0, 0)>
module attributes {stable_mosaic.version = 14 : i64} {
  func.func @_combine_body(%arg0: i32, %arg1: i32, %arg2: memref<4096xi32, #tpu.memory_space<hbm>>, %arg3: memref<12288x1024xf32, #tpu.memory_space<hbm>>, %arg4: memref<2048x1024xf32, #tpu.memory_space<hbm>>, %arg5: memref<64xi32, #tpu.memory_space<vmem>>, %arg6: memref<64xi32, #tpu.memory_space<vmem>>, %arg7: memref<32x1024xf32, #tpu.memory_space<vmem>>, %arg8: memref<32x1024xf32, #tpu.memory_space<vmem>>, %arg9: memref<!tpu.dma_semaphore, #tpu.memory_space<semaphore_mem>>, %arg10: memref<!tpu.dma_semaphore, #tpu.memory_space<semaphore_mem>>) attributes {dimension_semantics = [#tpu.dimension_semantics<core_parallel>, #tpu.dimension_semantics<subcore_parallel>], iteration_bounds = array<i64: 2, 16>, scalar_prefetch = 0 : i64, scratch_operands = 6 : i64, tpu.core_type = #tpu.core_type<sc_vector_subcore>, window_params = [{transform_indices = #map}, {transform_indices = #map1}, {transform_indices = #map1}]} {
    %mul3A = arith.constant 2 : i32
    %mul3A_0 = arith.muli %arg1, %mul3A : i32
    %add3A = arith.addi %mul3A_0, %arg0 : i32
    %mul3A_1 = arith.constant 64 : i32
    %mul3A_2 = arith.muli %add3A, %mul3A_1 : i32
    "tpu.region"() ({
      %run_scoped3A = tpu.sem_alloc : memref<!tpu.dma_semaphore, #tpu.memory_space<semaphore_mem>>
      %dma_start3A_60 = tpu.memref_slice %arg2[%mul3A_2] : memref<4096xi32, #tpu.memory_space<hbm>> -> memref<64xi32, #tpu.memory_space<hbm>>
      %dma_start3A_61 = tpu.memref_slice %arg2[%mul3A_2] : memref<4096xi32, #tpu.memory_space<hbm>> -> memref<64xi32, #tpu.memory_space<hbm>>
      tpu.enqueue_dma source(%dma_start3A_61 : memref<64xi32, #tpu.memory_space<hbm>>) target(%arg5 : memref<64xi32, #tpu.memory_space<vmem>>) target_semaphore(%run_scoped3A : memref<!tpu.dma_semaphore, #tpu.memory_space<semaphore_mem>>)
      %dma_wait3A_62 = tpu.memref_slice %arg2[%mul3A_2] : memref<4096xi32, #tpu.memory_space<hbm>> -> memref<64xi32, #tpu.memory_space<hbm>>
      %dma_wait3A_63 = tpu.memref_slice %arg2[%mul3A_2] : memref<4096xi32, #tpu.memory_space<hbm>> -> memref<64xi32, #tpu.memory_space<hbm>>
      tpu.wait_dma2 semaphore(%run_scoped3A : memref<!tpu.dma_semaphore, #tpu.memory_space<semaphore_mem>>) src(%dma_wait3A_63 : memref<64xi32, #tpu.memory_space<hbm>>) dst(%arg5 : memref<64xi32, #tpu.memory_space<vmem>>)
      tpu.yield
    }) : () -> ()
    %add3A_3 = arith.constant 2048 : i32
    %add3A_4 = arith.addi %add3A_3, %mul3A_2 : i32
    "tpu.region"() ({
      %run_scoped3A = tpu.sem_alloc : memref<!tpu.dma_semaphore, #tpu.memory_space<semaphore_mem>>
      %dma_start3A_60 = tpu.memref_slice %arg2[%add3A_4] : memref<4096xi32, #tpu.memory_space<hbm>> -> memref<64xi32, #tpu.memory_space<hbm>>
      %dma_start3A_61 = tpu.memref_slice %arg2[%add3A_4] : memref<4096xi32, #tpu.memory_space<hbm>> -> memref<64xi32, #tpu.memory_space<hbm>>
      tpu.enqueue_dma source(%dma_start3A_61 : memref<64xi32, #tpu.memory_space<hbm>>) target(%arg6 : memref<64xi32, #tpu.memory_space<vmem>>) target_semaphore(%run_scoped3A : memref<!tpu.dma_semaphore, #tpu.memory_space<semaphore_mem>>)
      %dma_wait3A_62 = tpu.memref_slice %arg2[%add3A_4] : memref<4096xi32, #tpu.memory_space<hbm>> -> memref<64xi32, #tpu.memory_space<hbm>>
      %dma_wait3A_63 = tpu.memref_slice %arg2[%add3A_4] : memref<4096xi32, #tpu.memory_space<hbm>> -> memref<64xi32, #tpu.memory_space<hbm>>
      tpu.wait_dma2 semaphore(%run_scoped3A : memref<!tpu.dma_semaphore, #tpu.memory_space<semaphore_mem>>) src(%dma_wait3A_63 : memref<64xi32, #tpu.memory_space<hbm>>) dst(%arg6 : memref<64xi32, #tpu.memory_space<vmem>>)
      tpu.yield
    }) : () -> ()
    %dma_start3A = arith.constant 0 : i32
    %dma_start3A_5 = tpu.memref_slice %arg5[%dma_start3A] : memref<64xi32, #tpu.memory_space<vmem>> -> memref<32xi32, #tpu.memory_space<vmem>>
    %dma_start3A_6 = arith.constant 0 : i32
    %dma_start3A_7 = arith.constant 0 : i32
    %dma_start3A_8 = tpu.memref_slice %arg3[%dma_start3A_6, %dma_start3A_7] : memref<12288x1024xf32, #tpu.memory_space<hbm>> -> memref<12288x1024xf32, #tpu.memory_space<hbm>>
    tpu.enqueue_indirect_dma source(%dma_start3A_8 : memref<12288x1024xf32, #tpu.memory_space<hbm>>) target(%arg7 : memref<32x1024xf32, #tpu.memory_space<vmem>>) offsets(%dma_start3A_5 : memref<32xi32, #tpu.memory_space<vmem>>) semaphore(%arg9 : memref<!tpu.dma_semaphore, #tpu.memory_space<semaphore_mem>>)
    %dma_start3A_9 = arith.constant 0 : i32
    %dma_start3A_10 = tpu.memref_slice %arg6[%dma_start3A_9] : memref<64xi32, #tpu.memory_space<vmem>> -> memref<32xi32, #tpu.memory_space<vmem>>
    %dma_start3A_11 = arith.constant 0 : i32
    %dma_start3A_12 = arith.constant 0 : i32
    %dma_start3A_13 = tpu.memref_slice %arg3[%dma_start3A_11, %dma_start3A_12] : memref<12288x1024xf32, #tpu.memory_space<hbm>> -> memref<12288x1024xf32, #tpu.memory_space<hbm>>
    tpu.enqueue_indirect_dma source(%dma_start3A_13 : memref<12288x1024xf32, #tpu.memory_space<hbm>>) target(%arg8 : memref<32x1024xf32, #tpu.memory_space<vmem>>) offsets(%dma_start3A_10 : memref<32xi32, #tpu.memory_space<vmem>>) semaphore(%arg10 : memref<!tpu.dma_semaphore, #tpu.memory_space<semaphore_mem>>)
    %dma_wait3A = arith.constant 0 : i32
    %dma_wait3A_14 = tpu.memref_slice %arg5[%dma_wait3A] : memref<64xi32, #tpu.memory_space<vmem>> -> memref<32xi32, #tpu.memory_space<vmem>>
    %dma_wait3A_15 = arith.constant 0 : i32
    %dma_wait3A_16 = arith.constant 0 : i32
    %dma_wait3A_17 = tpu.memref_slice %arg3[%dma_wait3A_15, %dma_wait3A_16] : memref<12288x1024xf32, #tpu.memory_space<hbm>> -> memref<12288x1024xf32, #tpu.memory_space<hbm>>
    tpu.wait_indirect_dma semaphore(%arg9 : memref<!tpu.dma_semaphore, #tpu.memory_space<semaphore_mem>>) src(%dma_wait3A_17 : memref<12288x1024xf32, #tpu.memory_space<hbm>>) dst(%arg7 : memref<32x1024xf32, #tpu.memory_space<vmem>>)
    %dma_wait3A_18 = arith.constant 0 : i32
    %dma_wait3A_19 = tpu.memref_slice %arg6[%dma_wait3A_18] : memref<64xi32, #tpu.memory_space<vmem>> -> memref<32xi32, #tpu.memory_space<vmem>>
    %dma_wait3A_20 = arith.constant 0 : i32
    %dma_wait3A_21 = arith.constant 0 : i32
    %dma_wait3A_22 = tpu.memref_slice %arg3[%dma_wait3A_20, %dma_wait3A_21] : memref<12288x1024xf32, #tpu.memory_space<hbm>> -> memref<12288x1024xf32, #tpu.memory_space<hbm>>
    tpu.wait_indirect_dma semaphore(%arg10 : memref<!tpu.dma_semaphore, #tpu.memory_space<semaphore_mem>>) src(%dma_wait3A_22 : memref<12288x1024xf32, #tpu.memory_space<hbm>>) dst(%arg8 : memref<32x1024xf32, #tpu.memory_space<vmem>>)
    %scan3A = arith.constant 0 : i32
    %scan3A_23 = arith.constant 0 : i32
    %scan3A_24 = arith.constant 2048 : i32
    %scan3A_25 = arith.addi %scan3A_23, %scan3A_24 : i32
    %scan3A_26 = arith.constant 4 : i32
    %scan3A_27 = scf.for %scan3A_60 = %scan3A_23 to %scan3A_25 step %scan3A_26 iter_args(%scan3A_61 = %scan3A) -> (i32)  : i32 {
      %jit3A = arith.constant 64 : i32
      %div3A = arith.divsi %scan3A_60, %jit3A : i32
      %sign3A = arith.constant 0 : i32
      %sign3A_62 = arith.cmpi sgt, %scan3A_60, %sign3A : i32
      %sign3A_63 = arith.extui %sign3A_62 : i1 to i32
      %sign3A_64 = arith.constant 0 : i32
      %sign3A_65 = arith.cmpi slt, %scan3A_60, %sign3A_64 : i32
      %sign3A_66 = arith.extui %sign3A_65 : i1 to i32
      %sign3A_67 = arith.subi %sign3A_63, %sign3A_66 : i32
      %sign3A_68 = arith.constant 0 : i32
      %sign3A_69 = arith.cmpi sgt, %jit3A, %sign3A_68 : i32
      %sign3A_70 = arith.extui %sign3A_69 : i1 to i32
      %sign3A_71 = arith.constant 0 : i32
      %sign3A_72 = arith.cmpi slt, %jit3A, %sign3A_71 : i32
      %sign3A_73 = arith.extui %sign3A_72 : i1 to i32
      %sign3A_74 = arith.subi %sign3A_70, %sign3A_73 : i32
      %ne3A = arith.cmpi ne, %sign3A_67, %sign3A_74 : i32
      %rem3A = arith.remsi %scan3A_60, %jit3A : i32
      %ne3A_75 = arith.constant 0 : i32
      %ne3A_76 = arith.cmpi ne, %rem3A, %ne3A_75 : i32
      %and3A = arith.andi %ne3A, %ne3A_76 : i1
      %sub3A = arith.constant 1 : i32
      %sub3A_77 = arith.subi %div3A, %sub3A : i32
      %select_n3A = arith.select %and3A, %sub3A_77, %div3A : i32
      %jit3A_78 = arith.constant 64 : i32
      %eq3A = arith.constant 0 : i32
      %eq3A_79 = arith.cmpi eq, %jit3A_78, %eq3A : i32
      %jit3A_80 = arith.constant 1 : i32
      %select_n3A_81 = arith.select %eq3A_79, %jit3A_80, %jit3A_78 : i32
      %rem3A_82 = arith.remsi %scan3A_60, %select_n3A_81 : i32
      %ne3A_83 = arith.constant 0 : i32
      %ne3A_84 = arith.cmpi ne, %rem3A_82, %ne3A_83 : i32
      %lt3A = arith.constant 0 : i32
      %lt3A_85 = arith.cmpi slt, %rem3A_82, %lt3A : i32
      %lt3A_86 = arith.constant 0 : i32
      %lt3A_87 = arith.cmpi slt, %select_n3A_81, %lt3A_86 : i32
      %ne3A_88 = arith.xori %lt3A_85, %lt3A_87 : i1
      %and3A_89 = arith.andi %ne3A_88, %ne3A_84 : i1
      %add3A_90 = arith.addi %rem3A_82, %select_n3A_81 : i32
      %select_n3A_91 = arith.select %and3A_89, %add3A_90, %rem3A_82 : i32
      %mul3A_92 = arith.constant 16 : i32
      %mul3A_93 = arith.muli %select_n3A_91, %mul3A_92 : i32
      %get3A = arith.index_cast %select_n3A : i32 to index
      %get3A_94 = arith.index_cast %mul3A_93 : i32 to index
      %get3A_95 = tpu.vector_load %arg7[%get3A, %get3A_94] {strides = array<i32>} : memref<32x1024xf32, #tpu.memory_space<vmem>>, vector<16xf32>,
      %get3A_96 = arith.index_cast %select_n3A : i32 to index
      %get3A_97 = arith.index_cast %mul3A_93 : i32 to index
      %get3A_98 = tpu.vector_load %arg8[%get3A_96, %get3A_97] {strides = array<i32>} : memref<32x1024xf32, #tpu.memory_space<vmem>>, vector<16xf32>,
      %add3A_99 = arith.addf %get3A_95, %get3A_98 : vector<16xf32>
      %swap3A = arith.index_cast %select_n3A : i32 to index
      %swap3A_100 = arith.index_cast %mul3A_93 : i32 to index
      %swap3A_101 = tpu.vector_load %arg7[%swap3A, %swap3A_100] {strides = array<i32>} : memref<32x1024xf32, #tpu.memory_space<vmem>>, vector<16xf32>,
      tpu.vector_store %arg7[%swap3A, %swap3A_100], %add3A_99 {strides = array<i32>} : memref<32x1024xf32, #tpu.memory_space<vmem>>, vector<16xf32>,
      %scan3A_102 = arith.constant 0 : i32
      %scan3A_103 = arith.constant 1 : i32
      %scan3A_104 = arith.addi %scan3A_60, %scan3A_103 : i32
      %jit3A_105 = arith.constant 64 : i32
      %div3A_106 = arith.divsi %scan3A_104, %jit3A_105 : i32
      %sign3A_107 = arith.constant 0 : i32
      %sign3A_108 = arith.cmpi sgt, %scan3A_104, %sign3A_107 : i32
      %sign3A_109 = arith.extui %sign3A_108 : i1 to i32
      %sign3A_110 = arith.constant 0 : i32
      %sign3A_111 = arith.cmpi slt, %scan3A_104, %sign3A_110 : i32
      %sign3A_112 = arith.extui %sign3A_111 : i1 to i32
      %sign3A_113 = arith.subi %sign3A_109, %sign3A_112 : i32
      %sign3A_114 = arith.constant 0 : i32
      %sign3A_115 = arith.cmpi sgt, %jit3A_105, %sign3A_114 : i32
      %sign3A_116 = arith.extui %sign3A_115 : i1 to i32
      %sign3A_117 = arith.constant 0 : i32
      %sign3A_118 = arith.cmpi slt, %jit3A_105, %sign3A_117 : i32
      %sign3A_119 = arith.extui %sign3A_118 : i1 to i32
      %sign3A_120 = arith.subi %sign3A_116, %sign3A_119 : i32
      %ne3A_121 = arith.cmpi ne, %sign3A_113, %sign3A_120 : i32
      %rem3A_122 = arith.remsi %scan3A_104, %jit3A_105 : i32
      %ne3A_123 = arith.constant 0 : i32
      %ne3A_124 = arith.cmpi ne, %rem3A_122, %ne3A_123 : i32
      %and3A_125 = arith.andi %ne3A_121, %ne3A_124 : i1
      %sub3A_126 = arith.constant 1 : i32
      %sub3A_127 = arith.subi %div3A_106, %sub3A_126 : i32
      %select_n3A_128 = arith.select %and3A_125, %sub3A_127, %div3A_106 : i32
      %jit3A_129 = arith.constant 64 : i32
      %eq3A_130 = arith.constant 0 : i32
      %eq3A_131 = arith.cmpi eq, %jit3A_129, %eq3A_130 : i32
      %jit3A_132 = arith.constant 1 : i32
      %select_n3A_133 = arith.select %eq3A_131, %jit3A_132, %jit3A_129 : i32
      %rem3A_134 = arith.remsi %scan3A_104, %select_n3A_133 : i32
      %ne3A_135 = arith.constant 0 : i32
      %ne3A_136 = arith.cmpi ne, %rem3A_134, %ne3A_135 : i32
      %lt3A_137 = arith.constant 0 : i32
      %lt3A_138 = arith.cmpi slt, %rem3A_134, %lt3A_137 : i32
      %lt3A_139 = arith.constant 0 : i32
      %lt3A_140 = arith.cmpi slt, %select_n3A_133, %lt3A_139 : i32
      %ne3A_141 = arith.xori %lt3A_138, %lt3A_140 : i1
      %and3A_142 = arith.andi %ne3A_141, %ne3A_136 : i1
      %add3A_143 = arith.addi %rem3A_134, %select_n3A_133 : i32
      %select_n3A_144 = arith.select %and3A_142, %add3A_143, %rem3A_134 : i32
      %mul3A_145 = arith.constant 16 : i32
      %mul3A_146 = arith.muli %select_n3A_144, %mul3A_145 : i32
      %get3A_147 = arith.index_cast %select_n3A_128 : i32 to index
      %get3A_148 = arith.index_cast %mul3A_146 : i32 to index
      %get3A_149 = tpu.vector_load %arg7[%get3A_147, %get3A_148] {strides = array<i32>} : memref<32x1024xf32, #tpu.memory_space<vmem>>, vector<16xf32>,
      %get3A_150 = arith.index_cast %select_n3A_128 : i32 to index
      %get3A_151 = arith.index_cast %mul3A_146 : i32 to index
      %get3A_152 = tpu.vector_load %arg8[%get3A_150, %get3A_151] {strides = array<i32>} : memref<32x1024xf32, #tpu.memory_space<vmem>>, vector<16xf32>,
      %add3A_153 = arith.addf %get3A_149, %get3A_152 : vector<16xf32>
      %swap3A_154 = arith.index_cast %select_n3A_128 : i32 to index
      %swap3A_155 = arith.index_cast %mul3A_146 : i32 to index
      %swap3A_156 = tpu.vector_load %arg7[%swap3A_154, %swap3A_155] {strides = array<i32>} : memref<32x1024xf32, #tpu.memory_space<vmem>>, vector<16xf32>,
      tpu.vector_store %arg7[%swap3A_154, %swap3A_155], %add3A_153 {strides = array<i32>} : memref<32x1024xf32, #tpu.memory_space<vmem>>, vector<16xf32>,
      %scan3A_157 = arith.constant 0 : i32
      %scan3A_158 = arith.constant 2 : i32
      %scan3A_159 = arith.addi %scan3A_60, %scan3A_158 : i32
      %jit3A_160 = arith.constant 64 : i32
      %div3A_161 = arith.divsi %scan3A_159, %jit3A_160 : i32
      %sign3A_162 = arith.constant 0 : i32
      %sign3A_163 = arith.cmpi sgt, %scan3A_159, %sign3A_162 : i32
      %sign3A_164 = arith.extui %sign3A_163 : i1 to i32
      %sign3A_165 = arith.constant 0 : i32
      %sign3A_166 = arith.cmpi slt, %scan3A_159, %sign3A_165 : i32
      %sign3A_167 = arith.extui %sign3A_166 : i1 to i32
      %sign3A_168 = arith.subi %sign3A_164, %sign3A_167 : i32
      %sign3A_169 = arith.constant 0 : i32
      %sign3A_170 = arith.cmpi sgt, %jit3A_160, %sign3A_169 : i32
      %sign3A_171 = arith.extui %sign3A_170 : i1 to i32
      %sign3A_172 = arith.constant 0 : i32
      %sign3A_173 = arith.cmpi slt, %jit3A_160, %sign3A_172 : i32
      %sign3A_174 = arith.extui %sign3A_173 : i1 to i32
      %sign3A_175 = arith.subi %sign3A_171, %sign3A_174 : i32
      %ne3A_176 = arith.cmpi ne, %sign3A_168, %sign3A_175 : i32
      %rem3A_177 = arith.remsi %scan3A_159, %jit3A_160 : i32
      %ne3A_178 = arith.constant 0 : i32
      %ne3A_179 = arith.cmpi ne, %rem3A_177, %ne3A_178 : i32
      %and3A_180 = arith.andi %ne3A_176, %ne3A_179 : i1
      %sub3A_181 = arith.constant 1 : i32
      %sub3A_182 = arith.subi %div3A_161, %sub3A_181 : i32
      %select_n3A_183 = arith.select %and3A_180, %sub3A_182, %div3A_161 : i32
      %jit3A_184 = arith.constant 64 : i32
      %eq3A_185 = arith.constant 0 : i32
      %eq3A_186 = arith.cmpi eq, %jit3A_184, %eq3A_185 : i32
      %jit3A_187 = arith.constant 1 : i32
      %select_n3A_188 = arith.select %eq3A_186, %jit3A_187, %jit3A_184 : i32
      %rem3A_189 = arith.remsi %scan3A_159, %select_n3A_188 : i32
      %ne3A_190 = arith.constant 0 : i32
      %ne3A_191 = arith.cmpi ne, %rem3A_189, %ne3A_190 : i32
      %lt3A_192 = arith.constant 0 : i32
      %lt3A_193 = arith.cmpi slt, %rem3A_189, %lt3A_192 : i32
      %lt3A_194 = arith.constant 0 : i32
      %lt3A_195 = arith.cmpi slt, %select_n3A_188, %lt3A_194 : i32
      %ne3A_196 = arith.xori %lt3A_193, %lt3A_195 : i1
      %and3A_197 = arith.andi %ne3A_196, %ne3A_191 : i1
      %add3A_198 = arith.addi %rem3A_189, %select_n3A_188 : i32
      %select_n3A_199 = arith.select %and3A_197, %add3A_198, %rem3A_189 : i32
      %mul3A_200 = arith.constant 16 : i32
      %mul3A_201 = arith.muli %select_n3A_199, %mul3A_200 : i32
      %get3A_202 = arith.index_cast %select_n3A_183 : i32 to index
      %get3A_203 = arith.index_cast %mul3A_201 : i32 to index
      %get3A_204 = tpu.vector_load %arg7[%get3A_202, %get3A_203] {strides = array<i32>} : memref<32x1024xf32, #tpu.memory_space<vmem>>, vector<16xf32>,
      %get3A_205 = arith.index_cast %select_n3A_183 : i32 to index
      %get3A_206 = arith.index_cast %mul3A_201 : i32 to index
      %get3A_207 = tpu.vector_load %arg8[%get3A_205, %get3A_206] {strides = array<i32>} : memref<32x1024xf32, #tpu.memory_space<vmem>>, vector<16xf32>,
      %add3A_208 = arith.addf %get3A_204, %get3A_207 : vector<16xf32>
      %swap3A_209 = arith.index_cast %select_n3A_183 : i32 to index
      %swap3A_210 = arith.index_cast %mul3A_201 : i32 to index
      %swap3A_211 = tpu.vector_load %arg7[%swap3A_209, %swap3A_210] {strides = array<i32>} : memref<32x1024xf32, #tpu.memory_space<vmem>>, vector<16xf32>,
      tpu.vector_store %arg7[%swap3A_209, %swap3A_210], %add3A_208 {strides = array<i32>} : memref<32x1024xf32, #tpu.memory_space<vmem>>, vector<16xf32>,
      %scan3A_212 = arith.constant 0 : i32
      %scan3A_213 = arith.constant 3 : i32
      %scan3A_214 = arith.addi %scan3A_60, %scan3A_213 : i32
      %jit3A_215 = arith.constant 64 : i32
      %div3A_216 = arith.divsi %scan3A_214, %jit3A_215 : i32
      %sign3A_217 = arith.constant 0 : i32
      %sign3A_218 = arith.cmpi sgt, %scan3A_214, %sign3A_217 : i32
      %sign3A_219 = arith.extui %sign3A_218 : i1 to i32
      %sign3A_220 = arith.constant 0 : i32
      %sign3A_221 = arith.cmpi slt, %scan3A_214, %sign3A_220 : i32
      %sign3A_222 = arith.extui %sign3A_221 : i1 to i32
      %sign3A_223 = arith.subi %sign3A_219, %sign3A_222 : i32
      %sign3A_224 = arith.constant 0 : i32
      %sign3A_225 = arith.cmpi sgt, %jit3A_215, %sign3A_224 : i32
      %sign3A_226 = arith.extui %sign3A_225 : i1 to i32
      %sign3A_227 = arith.constant 0 : i32
      %sign3A_228 = arith.cmpi slt, %jit3A_215, %sign3A_227 : i32
      %sign3A_229 = arith.extui %sign3A_228 : i1 to i32
      %sign3A_230 = arith.subi %sign3A_226, %sign3A_229 : i32
      %ne3A_231 = arith.cmpi ne, %sign3A_223, %sign3A_230 : i32
      %rem3A_232 = arith.remsi %scan3A_214, %jit3A_215 : i32
      %ne3A_233 = arith.constant 0 : i32
      %ne3A_234 = arith.cmpi ne, %rem3A_232, %ne3A_233 : i32
      %and3A_235 = arith.andi %ne3A_231, %ne3A_234 : i1
      %sub3A_236 = arith.constant 1 : i32
      %sub3A_237 = arith.subi %div3A_216, %sub3A_236 : i32
      %select_n3A_238 = arith.select %and3A_235, %sub3A_237, %div3A_216 : i32
      %jit3A_239 = arith.constant 64 : i32
      %eq3A_240 = arith.constant 0 : i32
      %eq3A_241 = arith.cmpi eq, %jit3A_239, %eq3A_240 : i32
      %jit3A_242 = arith.constant 1 : i32
      %select_n3A_243 = arith.select %eq3A_241, %jit3A_242, %jit3A_239 : i32
      %rem3A_244 = arith.remsi %scan3A_214, %select_n3A_243 : i32
      %ne3A_245 = arith.constant 0 : i32
      %ne3A_246 = arith.cmpi ne, %rem3A_244, %ne3A_245 : i32
      %lt3A_247 = arith.constant 0 : i32
      %lt3A_248 = arith.cmpi slt, %rem3A_244, %lt3A_247 : i32
      %lt3A_249 = arith.constant 0 : i32
      %lt3A_250 = arith.cmpi slt, %select_n3A_243, %lt3A_249 : i32
      %ne3A_251 = arith.xori %lt3A_248, %lt3A_250 : i1
      %and3A_252 = arith.andi %ne3A_251, %ne3A_246 : i1
      %add3A_253 = arith.addi %rem3A_244, %select_n3A_243 : i32
      %select_n3A_254 = arith.select %and3A_252, %add3A_253, %rem3A_244 : i32
      %mul3A_255 = arith.constant 16 : i32
      %mul3A_256 = arith.muli %select_n3A_254, %mul3A_255 : i32
      %get3A_257 = arith.index_cast %select_n3A_238 : i32 to index
      %get3A_258 = arith.index_cast %mul3A_256 : i32 to index
      %get3A_259 = tpu.vector_load %arg7[%get3A_257, %get3A_258] {strides = array<i32>} : memref<32x1024xf32, #tpu.memory_space<vmem>>, vector<16xf32>,
      %get3A_260 = arith.index_cast %select_n3A_238 : i32 to index
      %get3A_261 = arith.index_cast %mul3A_256 : i32 to index
      %get3A_262 = tpu.vector_load %arg8[%get3A_260, %get3A_261] {strides = array<i32>} : memref<32x1024xf32, #tpu.memory_space<vmem>>, vector<16xf32>,
      %add3A_263 = arith.addf %get3A_259, %get3A_262 : vector<16xf32>
      %swap3A_264 = arith.index_cast %select_n3A_238 : i32 to index
      %swap3A_265 = arith.index_cast %mul3A_256 : i32 to index
      %swap3A_266 = tpu.vector_load %arg7[%swap3A_264, %swap3A_265] {strides = array<i32>} : memref<32x1024xf32, #tpu.memory_space<vmem>>, vector<16xf32>,
      tpu.vector_store %arg7[%swap3A_264, %swap3A_265], %add3A_263 {strides = array<i32>} : memref<32x1024xf32, #tpu.memory_space<vmem>>, vector<16xf32>,
      %scan3A_267 = arith.constant 0 : i32
      scf.yield %scan3A_267 : i32
    }
    %scan3A_28 = arith.constant 2048 : i32
    %add3A_29 = arith.constant 0 : i32
    %add3A_30 = arith.addi %mul3A_2, %add3A_29 : i32
    "tpu.region"() ({
      %run_scoped3A = tpu.sem_alloc : memref<!tpu.dma_semaphore, #tpu.memory_space<semaphore_mem>>
      %dma_start3A_60 = arith.constant 0 : i32
      %dma_start3A_61 = tpu.memref_slice %arg4[%add3A_30, %dma_start3A_60] : memref<2048x1024xf32, #tpu.memory_space<hbm>> -> memref<32x1024xf32, #tpu.memory_space<hbm>>
      %dma_start3A_62 = arith.constant 0 : i32
      %dma_start3A_63 = tpu.memref_slice %arg4[%add3A_30, %dma_start3A_62] : memref<2048x1024xf32, #tpu.memory_space<hbm>> -> memref<32x1024xf32, #tpu.memory_space<hbm>>
      tpu.enqueue_dma source(%arg7 : memref<32x1024xf32, #tpu.memory_space<vmem>>) target(%dma_start3A_63 : memref<32x1024xf32, #tpu.memory_space<hbm>>) target_semaphore(%run_scoped3A : memref<!tpu.dma_semaphore, #tpu.memory_space<semaphore_mem>>)
      %dma_wait3A_64 = arith.constant 0 : i32
      %dma_wait3A_65 = tpu.memref_slice %arg4[%add3A_30, %dma_wait3A_64] : memref<2048x1024xf32, #tpu.memory_space<hbm>> -> memref<32x1024xf32, #tpu.memory_space<hbm>>
      %dma_wait3A_66 = arith.constant 0 : i32
      %dma_wait3A_67 = tpu.memref_slice %arg4[%add3A_30, %dma_wait3A_66] : memref<2048x1024xf32, #tpu.memory_space<hbm>> -> memref<32x1024xf32, #tpu.memory_space<hbm>>
      tpu.wait_dma2 semaphore(%run_scoped3A : memref<!tpu.dma_semaphore, #tpu.memory_space<semaphore_mem>>) src(%arg7 : memref<32x1024xf32, #tpu.memory_space<vmem>>) dst(%dma_wait3A_67 : memref<32x1024xf32, #tpu.memory_space<hbm>>)
      tpu.yield
    }) : () -> ()
    %dma_start3A_31 = arith.constant 32 : i32
    %dma_start3A_32 = tpu.memref_slice %arg5[%dma_start3A_31] : memref<64xi32, #tpu.memory_space<vmem>> -> memref<32xi32, #tpu.memory_space<vmem>>
    %dma_start3A_33 = arith.constant 0 : i32
    %dma_start3A_34 = arith.constant 0 : i32
    %dma_start3A_35 = tpu.memref_slice %arg3[%dma_start3A_33, %dma_start3A_34] : memref<12288x1024xf32, #tpu.memory_space<hbm>> -> memref<12288x1024xf32, #tpu.memory_space<hbm>>
    tpu.enqueue_indirect_dma source(%dma_start3A_35 : memref<12288x1024xf32, #tpu.memory_space<hbm>>) target(%arg7 : memref<32x1024xf32, #tpu.memory_space<vmem>>) offsets(%dma_start3A_32 : memref<32xi32, #tpu.memory_space<vmem>>) semaphore(%arg9 : memref<!tpu.dma_semaphore, #tpu.memory_space<semaphore_mem>>)
    %dma_start3A_36 = arith.constant 32 : i32
    %dma_start3A_37 = tpu.memref_slice %arg6[%dma_start3A_36] : memref<64xi32, #tpu.memory_space<vmem>> -> memref<32xi32, #tpu.memory_space<vmem>>
    %dma_start3A_38 = arith.constant 0 : i32
    %dma_start3A_39 = arith.constant 0 : i32
    %dma_start3A_40 = tpu.memref_slice %arg3[%dma_start3A_38, %dma_start3A_39] : memref<12288x1024xf32, #tpu.memory_space<hbm>> -> memref<12288x1024xf32, #tpu.memory_space<hbm>>
    tpu.enqueue_indirect_dma source(%dma_start3A_40 : memref<12288x1024xf32, #tpu.memory_space<hbm>>) target(%arg8 : memref<32x1024xf32, #tpu.memory_space<vmem>>) offsets(%dma_start3A_37 : memref<32xi32, #tpu.memory_space<vmem>>) semaphore(%arg10 : memref<!tpu.dma_semaphore, #tpu.memory_space<semaphore_mem>>)
    %dma_wait3A_41 = arith.constant 32 : i32
    %dma_wait3A_42 = tpu.memref_slice %arg5[%dma_wait3A_41] : memref<64xi32, #tpu.memory_space<vmem>> -> memref<32xi32, #tpu.memory_space<vmem>>
    %dma_wait3A_43 = arith.constant 0 : i32
    %dma_wait3A_44 = arith.constant 0 : i32
    %dma_wait3A_45 = tpu.memref_slice %arg3[%dma_wait3A_43, %dma_wait3A_44] : memref<12288x1024xf32, #tpu.memory_space<hbm>> -> memref<12288x1024xf32, #tpu.memory_space<hbm>>
    tpu.wait_indirect_dma semaphore(%arg9 : memref<!tpu.dma_semaphore, #tpu.memory_space<semaphore_mem>>) src(%dma_wait3A_45 : memref<12288x1024xf32, #tpu.memory_space<hbm>>) dst(%arg7 : memref<32x1024xf32, #tpu.memory_space<vmem>>)
    %dma_wait3A_46 = arith.constant 32 : i32
    %dma_wait3A_47 = tpu.memref_slice %arg6[%dma_wait3A_46] : memref<64xi32, #tpu.memory_space<vmem>> -> memref<32xi32, #tpu.memory_space<vmem>>
    %dma_wait3A_48 = arith.constant 0 : i32
    %dma_wait3A_49 = arith.constant 0 : i32
    %dma_wait3A_50 = tpu.memref_slice %arg3[%dma_wait3A_48, %dma_wait3A_49] : memref<12288x1024xf32, #tpu.memory_space<hbm>> -> memref<12288x1024xf32, #tpu.memory_space<hbm>>
    tpu.wait_indirect_dma semaphore(%arg10 : memref<!tpu.dma_semaphore, #tpu.memory_space<semaphore_mem>>) src(%dma_wait3A_50 : memref<12288x1024xf32, #tpu.memory_space<hbm>>) dst(%arg8 : memref<32x1024xf32, #tpu.memory_space<vmem>>)
    %scan3A_51 = arith.constant 0 : i32
    %scan3A_52 = arith.constant 0 : i32
    %scan3A_53 = arith.constant 2048 : i32
    %scan3A_54 = arith.addi %scan3A_52, %scan3A_53 : i32
    %scan3A_55 = arith.constant 4 : i32
    %scan3A_56 = scf.for %scan3A_60 = %scan3A_52 to %scan3A_54 step %scan3A_55 iter_args(%scan3A_61 = %scan3A_51) -> (i32)  : i32 {
      %jit3A = arith.constant 64 : i32
      %div3A = arith.divsi %scan3A_60, %jit3A : i32
      %sign3A = arith.constant 0 : i32
      %sign3A_62 = arith.cmpi sgt, %scan3A_60, %sign3A : i32
      %sign3A_63 = arith.extui %sign3A_62 : i1 to i32
      %sign3A_64 = arith.constant 0 : i32
      %sign3A_65 = arith.cmpi slt, %scan3A_60, %sign3A_64 : i32
      %sign3A_66 = arith.extui %sign3A_65 : i1 to i32
      %sign3A_67 = arith.subi %sign3A_63, %sign3A_66 : i32
      %sign3A_68 = arith.constant 0 : i32
      %sign3A_69 = arith.cmpi sgt, %jit3A, %sign3A_68 : i32
      %sign3A_70 = arith.extui %sign3A_69 : i1 to i32
      %sign3A_71 = arith.constant 0 : i32
      %sign3A_72 = arith.cmpi slt, %jit3A, %sign3A_71 : i32
      %sign3A_73 = arith.extui %sign3A_72 : i1 to i32
      %sign3A_74 = arith.subi %sign3A_70, %sign3A_73 : i32
      %ne3A = arith.cmpi ne, %sign3A_67, %sign3A_74 : i32
      %rem3A = arith.remsi %scan3A_60, %jit3A : i32
      %ne3A_75 = arith.constant 0 : i32
      %ne3A_76 = arith.cmpi ne, %rem3A, %ne3A_75 : i32
      %and3A = arith.andi %ne3A, %ne3A_76 : i1
      %sub3A = arith.constant 1 : i32
      %sub3A_77 = arith.subi %div3A, %sub3A : i32
      %select_n3A = arith.select %and3A, %sub3A_77, %div3A : i32
      %jit3A_78 = arith.constant 64 : i32
      %eq3A = arith.constant 0 : i32
      %eq3A_79 = arith.cmpi eq, %jit3A_78, %eq3A : i32
      %jit3A_80 = arith.constant 1 : i32
      %select_n3A_81 = arith.select %eq3A_79, %jit3A_80, %jit3A_78 : i32
      %rem3A_82 = arith.remsi %scan3A_60, %select_n3A_81 : i32
      %ne3A_83 = arith.constant 0 : i32
      %ne3A_84 = arith.cmpi ne, %rem3A_82, %ne3A_83 : i32
      %lt3A = arith.constant 0 : i32
      %lt3A_85 = arith.cmpi slt, %rem3A_82, %lt3A : i32
      %lt3A_86 = arith.constant 0 : i32
      %lt3A_87 = arith.cmpi slt, %select_n3A_81, %lt3A_86 : i32
      %ne3A_88 = arith.xori %lt3A_85, %lt3A_87 : i1
      %and3A_89 = arith.andi %ne3A_88, %ne3A_84 : i1
      %add3A_90 = arith.addi %rem3A_82, %select_n3A_81 : i32
      %select_n3A_91 = arith.select %and3A_89, %add3A_90, %rem3A_82 : i32
      %mul3A_92 = arith.constant 16 : i32
      %mul3A_93 = arith.muli %select_n3A_91, %mul3A_92 : i32
      %get3A = arith.index_cast %select_n3A : i32 to index
      %get3A_94 = arith.index_cast %mul3A_93 : i32 to index
      %get3A_95 = tpu.vector_load %arg7[%get3A, %get3A_94] {strides = array<i32>} : memref<32x1024xf32, #tpu.memory_space<vmem>>, vector<16xf32>,
      %get3A_96 = arith.index_cast %select_n3A : i32 to index
      %get3A_97 = arith.index_cast %mul3A_93 : i32 to index
      %get3A_98 = tpu.vector_load %arg8[%get3A_96, %get3A_97] {strides = array<i32>} : memref<32x1024xf32, #tpu.memory_space<vmem>>, vector<16xf32>,
      %add3A_99 = arith.addf %get3A_95, %get3A_98 : vector<16xf32>
      %swap3A = arith.index_cast %select_n3A : i32 to index
      %swap3A_100 = arith.index_cast %mul3A_93 : i32 to index
      %swap3A_101 = tpu.vector_load %arg7[%swap3A, %swap3A_100] {strides = array<i32>} : memref<32x1024xf32, #tpu.memory_space<vmem>>, vector<16xf32>,
      tpu.vector_store %arg7[%swap3A, %swap3A_100], %add3A_99 {strides = array<i32>} : memref<32x1024xf32, #tpu.memory_space<vmem>>, vector<16xf32>,
      %scan3A_102 = arith.constant 0 : i32
      %scan3A_103 = arith.constant 1 : i32
      %scan3A_104 = arith.addi %scan3A_60, %scan3A_103 : i32
      %jit3A_105 = arith.constant 64 : i32
      %div3A_106 = arith.divsi %scan3A_104, %jit3A_105 : i32
      %sign3A_107 = arith.constant 0 : i32
      %sign3A_108 = arith.cmpi sgt, %scan3A_104, %sign3A_107 : i32
      %sign3A_109 = arith.extui %sign3A_108 : i1 to i32
      %sign3A_110 = arith.constant 0 : i32
      %sign3A_111 = arith.cmpi slt, %scan3A_104, %sign3A_110 : i32
      %sign3A_112 = arith.extui %sign3A_111 : i1 to i32
      %sign3A_113 = arith.subi %sign3A_109, %sign3A_112 : i32
      %sign3A_114 = arith.constant 0 : i32
      %sign3A_115 = arith.cmpi sgt, %jit3A_105, %sign3A_114 : i32
      %sign3A_116 = arith.extui %sign3A_115 : i1 to i32
      %sign3A_117 = arith.constant 0 : i32
      %sign3A_118 = arith.cmpi slt, %jit3A_105, %sign3A_117 : i32
      %sign3A_119 = arith.extui %sign3A_118 : i1 to i32
      %sign3A_120 = arith.subi %sign3A_116, %sign3A_119 : i32
      %ne3A_121 = arith.cmpi ne, %sign3A_113, %sign3A_120 : i32
      %rem3A_122 = arith.remsi %scan3A_104, %jit3A_105 : i32
      %ne3A_123 = arith.constant 0 : i32
      %ne3A_124 = arith.cmpi ne, %rem3A_122, %ne3A_123 : i32
      %and3A_125 = arith.andi %ne3A_121, %ne3A_124 : i1
      %sub3A_126 = arith.constant 1 : i32
      %sub3A_127 = arith.subi %div3A_106, %sub3A_126 : i32
      %select_n3A_128 = arith.select %and3A_125, %sub3A_127, %div3A_106 : i32
      %jit3A_129 = arith.constant 64 : i32
      %eq3A_130 = arith.constant 0 : i32
      %eq3A_131 = arith.cmpi eq, %jit3A_129, %eq3A_130 : i32
      %jit3A_132 = arith.constant 1 : i32
      %select_n3A_133 = arith.select %eq3A_131, %jit3A_132, %jit3A_129 : i32
      %rem3A_134 = arith.remsi %scan3A_104, %select_n3A_133 : i32
      %ne3A_135 = arith.constant 0 : i32
      %ne3A_136 = arith.cmpi ne, %rem3A_134, %ne3A_135 : i32
      %lt3A_137 = arith.constant 0 : i32
      %lt3A_138 = arith.cmpi slt, %rem3A_134, %lt3A_137 : i32
      %lt3A_139 = arith.constant 0 : i32
      %lt3A_140 = arith.cmpi slt, %select_n3A_133, %lt3A_139 : i32
      %ne3A_141 = arith.xori %lt3A_138, %lt3A_140 : i1
      %and3A_142 = arith.andi %ne3A_141, %ne3A_136 : i1
      %add3A_143 = arith.addi %rem3A_134, %select_n3A_133 : i32
      %select_n3A_144 = arith.select %and3A_142, %add3A_143, %rem3A_134 : i32
      %mul3A_145 = arith.constant 16 : i32
      %mul3A_146 = arith.muli %select_n3A_144, %mul3A_145 : i32
      %get3A_147 = arith.index_cast %select_n3A_128 : i32 to index
      %get3A_148 = arith.index_cast %mul3A_146 : i32 to index
      %get3A_149 = tpu.vector_load %arg7[%get3A_147, %get3A_148] {strides = array<i32>} : memref<32x1024xf32, #tpu.memory_space<vmem>>, vector<16xf32>,
      %get3A_150 = arith.index_cast %select_n3A_128 : i32 to index
      %get3A_151 = arith.index_cast %mul3A_146 : i32 to index
      %get3A_152 = tpu.vector_load %arg8[%get3A_150, %get3A_151] {strides = array<i32>} : memref<32x1024xf32, #tpu.memory_space<vmem>>, vector<16xf32>,
      %add3A_153 = arith.addf %get3A_149, %get3A_152 : vector<16xf32>
      %swap3A_154 = arith.index_cast %select_n3A_128 : i32 to index
      %swap3A_155 = arith.index_cast %mul3A_146 : i32 to index
      %swap3A_156 = tpu.vector_load %arg7[%swap3A_154, %swap3A_155] {strides = array<i32>} : memref<32x1024xf32, #tpu.memory_space<vmem>>, vector<16xf32>,
      tpu.vector_store %arg7[%swap3A_154, %swap3A_155], %add3A_153 {strides = array<i32>} : memref<32x1024xf32, #tpu.memory_space<vmem>>, vector<16xf32>,
      %scan3A_157 = arith.constant 0 : i32
      %scan3A_158 = arith.constant 2 : i32
      %scan3A_159 = arith.addi %scan3A_60, %scan3A_158 : i32
      %jit3A_160 = arith.constant 64 : i32
      %div3A_161 = arith.divsi %scan3A_159, %jit3A_160 : i32
      %sign3A_162 = arith.constant 0 : i32
      %sign3A_163 = arith.cmpi sgt, %scan3A_159, %sign3A_162 : i32
      %sign3A_164 = arith.extui %sign3A_163 : i1 to i32
      %sign3A_165 = arith.constant 0 : i32
      %sign3A_166 = arith.cmpi slt, %scan3A_159, %sign3A_165 : i32
      %sign3A_167 = arith.extui %sign3A_166 : i1 to i32
      %sign3A_168 = arith.subi %sign3A_164, %sign3A_167 : i32
      %sign3A_169 = arith.constant 0 : i32
      %sign3A_170 = arith.cmpi sgt, %jit3A_160, %sign3A_169 : i32
      %sign3A_171 = arith.extui %sign3A_170 : i1 to i32
      %sign3A_172 = arith.constant 0 : i32
      %sign3A_173 = arith.cmpi slt, %jit3A_160, %sign3A_172 : i32
      %sign3A_174 = arith.extui %sign3A_173 : i1 to i32
      %sign3A_175 = arith.subi %sign3A_171, %sign3A_174 : i32
      %ne3A_176 = arith.cmpi ne, %sign3A_168, %sign3A_175 : i32
      %rem3A_177 = arith.remsi %scan3A_159, %jit3A_160 : i32
      %ne3A_178 = arith.constant 0 : i32
      %ne3A_179 = arith.cmpi ne, %rem3A_177, %ne3A_178 : i32
      %and3A_180 = arith.andi %ne3A_176, %ne3A_179 : i1
      %sub3A_181 = arith.constant 1 : i32
      %sub3A_182 = arith.subi %div3A_161, %sub3A_181 : i32
      %select_n3A_183 = arith.select %and3A_180, %sub3A_182, %div3A_161 : i32
      %jit3A_184 = arith.constant 64 : i32
      %eq3A_185 = arith.constant 0 : i32
      %eq3A_186 = arith.cmpi eq, %jit3A_184, %eq3A_185 : i32
      %jit3A_187 = arith.constant 1 : i32
      %select_n3A_188 = arith.select %eq3A_186, %jit3A_187, %jit3A_184 : i32
      %rem3A_189 = arith.remsi %scan3A_159, %select_n3A_188 : i32
      %ne3A_190 = arith.constant 0 : i32
      %ne3A_191 = arith.cmpi ne, %rem3A_189, %ne3A_190 : i32
      %lt3A_192 = arith.constant 0 : i32
      %lt3A_193 = arith.cmpi slt, %rem3A_189, %lt3A_192 : i32
      %lt3A_194 = arith.constant 0 : i32
      %lt3A_195 = arith.cmpi slt, %select_n3A_188, %lt3A_194 : i32
      %ne3A_196 = arith.xori %lt3A_193, %lt3A_195 : i1
      %and3A_197 = arith.andi %ne3A_196, %ne3A_191 : i1
      %add3A_198 = arith.addi %rem3A_189, %select_n3A_188 : i32
      %select_n3A_199 = arith.select %and3A_197, %add3A_198, %rem3A_189 : i32
      %mul3A_200 = arith.constant 16 : i32
      %mul3A_201 = arith.muli %select_n3A_199, %mul3A_200 : i32
      %get3A_202 = arith.index_cast %select_n3A_183 : i32 to index
      %get3A_203 = arith.index_cast %mul3A_201 : i32 to index
      %get3A_204 = tpu.vector_load %arg7[%get3A_202, %get3A_203] {strides = array<i32>} : memref<32x1024xf32, #tpu.memory_space<vmem>>, vector<16xf32>,
      %get3A_205 = arith.index_cast %select_n3A_183 : i32 to index
      %get3A_206 = arith.index_cast %mul3A_201 : i32 to index
      %get3A_207 = tpu.vector_load %arg8[%get3A_205, %get3A_206] {strides = array<i32>} : memref<32x1024xf32, #tpu.memory_space<vmem>>, vector<16xf32>,
      %add3A_208 = arith.addf %get3A_204, %get3A_207 : vector<16xf32>
      %swap3A_209 = arith.index_cast %select_n3A_183 : i32 to index
      %swap3A_210 = arith.index_cast %mul3A_201 : i32 to index
      %swap3A_211 = tpu.vector_load %arg7[%swap3A_209, %swap3A_210] {strides = array<i32>} : memref<32x1024xf32, #tpu.memory_space<vmem>>, vector<16xf32>,
      tpu.vector_store %arg7[%swap3A_209, %swap3A_210], %add3A_208 {strides = array<i32>} : memref<32x1024xf32, #tpu.memory_space<vmem>>, vector<16xf32>,
      %scan3A_212 = arith.constant 0 : i32
      %scan3A_213 = arith.constant 3 : i32
      %scan3A_214 = arith.addi %scan3A_60, %scan3A_213 : i32
      %jit3A_215 = arith.constant 64 : i32
      %div3A_216 = arith.divsi %scan3A_214, %jit3A_215 : i32
      %sign3A_217 = arith.constant 0 : i32
      %sign3A_218 = arith.cmpi sgt, %scan3A_214, %sign3A_217 : i32
      %sign3A_219 = arith.extui %sign3A_218 : i1 to i32
      %sign3A_220 = arith.constant 0 : i32
      %sign3A_221 = arith.cmpi slt, %scan3A_214, %sign3A_220 : i32
      %sign3A_222 = arith.extui %sign3A_221 : i1 to i32
      %sign3A_223 = arith.subi %sign3A_219, %sign3A_222 : i32
      %sign3A_224 = arith.constant 0 : i32
      %sign3A_225 = arith.cmpi sgt, %jit3A_215, %sign3A_224 : i32
      %sign3A_226 = arith.extui %sign3A_225 : i1 to i32
      %sign3A_227 = arith.constant 0 : i32
      %sign3A_228 = arith.cmpi slt, %jit3A_215, %sign3A_227 : i32
      %sign3A_229 = arith.extui %sign3A_228 : i1 to i32
      %sign3A_230 = arith.subi %sign3A_226, %sign3A_229 : i32
      %ne3A_231 = arith.cmpi ne, %sign3A_223, %sign3A_230 : i32
      %rem3A_232 = arith.remsi %scan3A_214, %jit3A_215 : i32
      %ne3A_233 = arith.constant 0 : i32
      %ne3A_234 = arith.cmpi ne, %rem3A_232, %ne3A_233 : i32
      %and3A_235 = arith.andi %ne3A_231, %ne3A_234 : i1
      %sub3A_236 = arith.constant 1 : i32
      %sub3A_237 = arith.subi %div3A_216, %sub3A_236 : i32
      %select_n3A_238 = arith.select %and3A_235, %sub3A_237, %div3A_216 : i32
      %jit3A_239 = arith.constant 64 : i32
      %eq3A_240 = arith.constant 0 : i32
      %eq3A_241 = arith.cmpi eq, %jit3A_239, %eq3A_240 : i32
      %jit3A_242 = arith.constant 1 : i32
      %select_n3A_243 = arith.select %eq3A_241, %jit3A_242, %jit3A_239 : i32
      %rem3A_244 = arith.remsi %scan3A_214, %select_n3A_243 : i32
      %ne3A_245 = arith.constant 0 : i32
      %ne3A_246 = arith.cmpi ne, %rem3A_244, %ne3A_245 : i32
      %lt3A_247 = arith.constant 0 : i32
      %lt3A_248 = arith.cmpi slt, %rem3A_244, %lt3A_247 : i32
      %lt3A_249 = arith.constant 0 : i32
      %lt3A_250 = arith.cmpi slt, %select_n3A_243, %lt3A_249 : i32
      %ne3A_251 = arith.xori %lt3A_248, %lt3A_250 : i1
      %and3A_252 = arith.andi %ne3A_251, %ne3A_246 : i1
      %add3A_253 = arith.addi %rem3A_244, %select_n3A_243 : i32
      %select_n3A_254 = arith.select %and3A_252, %add3A_253, %rem3A_244 : i32
      %mul3A_255 = arith.constant 16 : i32
      %mul3A_256 = arith.muli %select_n3A_254, %mul3A_255 : i32
      %get3A_257 = arith.index_cast %select_n3A_238 : i32 to index
      %get3A_258 = arith.index_cast %mul3A_256 : i32 to index
      %get3A_259 = tpu.vector_load %arg7[%get3A_257, %get3A_258] {strides = array<i32>} : memref<32x1024xf32, #tpu.memory_space<vmem>>, vector<16xf32>,
      %get3A_260 = arith.index_cast %select_n3A_238 : i32 to index
      %get3A_261 = arith.index_cast %mul3A_256 : i32 to index
      %get3A_262 = tpu.vector_load %arg8[%get3A_260, %get3A_261] {strides = array<i32>} : memref<32x1024xf32, #tpu.memory_space<vmem>>, vector<16xf32>,
      %add3A_263 = arith.addf %get3A_259, %get3A_262 : vector<16xf32>
      %swap3A_264 = arith.index_cast %select_n3A_238 : i32 to index
      %swap3A_265 = arith.index_cast %mul3A_256 : i32 to index
      %swap3A_266 = tpu.vector_load %arg7[%swap3A_264, %swap3A_265] {strides = array<i32>} : memref<32x1024xf32, #tpu.memory_space<vmem>>, vector<16xf32>,
      tpu.vector_store %arg7[%swap3A_264, %swap3A_265], %add3A_263 {strides = array<i32>} : memref<32x1024xf32, #tpu.memory_space<vmem>>, vector<16xf32>,
      %scan3A_267 = arith.constant 0 : i32
      scf.yield %scan3A_267 : i32
    }
    %scan3A_57 = arith.constant 2048 : i32
    %add3A_58 = arith.constant 32 : i32
    %add3A_59 = arith.addi %mul3A_2, %add3A_58 : i32
    "tpu.region"() ({
      %run_scoped3A = tpu.sem_alloc : memref<!tpu.dma_semaphore, #tpu.memory_space<semaphore_mem>>
      %dma_start3A_60 = arith.constant 0 : i32
      %dma_start3A_61 = tpu.memref_slice %arg4[%add3A_59, %dma_start3A_60] : memref<2048x1024xf32, #tpu.memory_space<hbm>> -> memref<32x1024xf32, #tpu.memory_space<hbm>>
      %dma_start3A_62 = arith.constant 0 : i32
      %dma_start3A_63 = tpu.memref_slice %arg4[%add3A_59, %dma_start3A_62] : memref<2048x1024xf32, #tpu.memory_space<hbm>> -> memref<32x1024xf32, #tpu.memory_space<hbm>>
      tpu.enqueue_dma source(%arg7 : memref<32x1024xf32, #tpu.memory_space<vmem>>) target(%dma_start3A_63 : memref<32x1024xf32, #tpu.memory_space<hbm>>) target_semaphore(%run_scoped3A : memref<!tpu.dma_semaphore, #tpu.memory_space<semaphore_mem>>)
      %dma_wait3A_64 = arith.constant 0 : i32
      %dma_wait3A_65 = tpu.memref_slice %arg4[%add3A_59, %dma_wait3A_64] : memref<2048x1024xf32, #tpu.memory_space<hbm>> -> memref<32x1024xf32, #tpu.memory_space<hbm>>
      %dma_wait3A_66 = arith.constant 0 : i32
      %dma_wait3A_67 = tpu.memref_slice %arg4[%add3A_59, %dma_wait3A_66] : memref<2048x1024xf32, #tpu.memory_space<hbm>> -> memref<32x1024xf32, #tpu.memory_space<hbm>>
      tpu.wait_dma2 semaphore(%run_scoped3A : memref<!tpu.dma_semaphore, #tpu.memory_space<semaphore_mem>>) src(%arg7 : memref<32x1024xf32, #tpu.memory_space<vmem>>) dst(%dma_wait3A_67 : memref<32x1024xf32, #tpu.memory_space<hbm>>)
      tpu.yield
    }) : () -> ()
    return
  }
}

#map = affine_map<(d0, d1) -> (0)>
#map1 = affine_map<(d0, d1) -> (0, 0)>
module attributes {stable_mosaic.version = 14 : i64} {
  func.func @_dispatch_body(%arg0: i32, %arg1: i32, %arg2: memref<4096xi32, #tpu.memory_space<hbm>>, %arg3: memref<4096xf32, #tpu.memory_space<hbm>>, %arg4: memref<2048x1024xf32, #tpu.memory_space<hbm>>, %arg5: memref<16xi32, #tpu.memory_space<hbm>>, %arg6: memref<12288x1024xf32, #tpu.memory_space<hbm>>, %arg7: memref<12288xf32, #tpu.memory_space<hbm>>, %arg8: memref<4096xi32, #tpu.memory_space<vmem>>, %arg9: memref<4096xf32, #tpu.memory_space<vmem>>, %arg10: memref<384xi32, #tpu.memory_space<vmem>>, %arg11: memref<384xf32, #tpu.memory_space<vmem>>, %arg12: memref<48x1024xf32, #tpu.memory_space<vmem>>, %arg13: memref<48x1024xf32, #tpu.memory_space<vmem>>, %arg14: memref<16xi32, #tpu.memory_space<vmem>>, %arg15: memref<!tpu.dma_semaphore, #tpu.memory_space<semaphore_mem>>, %arg16: memref<!tpu.dma_semaphore, #tpu.memory_space<semaphore_mem>>) attributes {dimension_semantics = [#tpu.dimension_semantics<core_parallel>, #tpu.dimension_semantics<subcore_parallel>], iteration_bounds = array<i64: 2, 16>, scalar_prefetch = 0 : i64, scratch_operands = 9 : i64, tpu.core_type = #tpu.core_type<sc_vector_subcore>, window_params = [{transform_indices = #map}, {transform_indices = #map}, {transform_indices = #map1}, {transform_indices = #map}, {transform_indices = #map1}, {transform_indices = #map}]} {
    %mul3A = arith.constant 2 : i32
    %mul3A_0 = arith.muli %arg1, %mul3A : i32
    %add3A = arith.addi %mul3A_0, %arg0 : i32
    %mul3A_1 = arith.constant 384 : i32
    %mul3A_2 = arith.muli %add3A, %mul3A_1 : i32
    "tpu.region"() ({
      %run_scoped3A = tpu.sem_alloc : memref<!tpu.dma_semaphore, #tpu.memory_space<semaphore_mem>>
      tpu.enqueue_dma source(%arg5 : memref<16xi32, #tpu.memory_space<hbm>>) target(%arg14 : memref<16xi32, #tpu.memory_space<vmem>>) target_semaphore(%run_scoped3A : memref<!tpu.dma_semaphore, #tpu.memory_space<semaphore_mem>>)
      tpu.wait_dma2 semaphore(%run_scoped3A : memref<!tpu.dma_semaphore, #tpu.memory_space<semaphore_mem>>) src(%arg5 : memref<16xi32, #tpu.memory_space<hbm>>) dst(%arg14 : memref<16xi32, #tpu.memory_space<vmem>>)
      tpu.yield
    }) : () -> ()
    %get3A = arith.constant 0 : index
    %get3A_3 = tpu.vector_load %arg14[%get3A] {strides = array<i32>} : memref<16xi32, #tpu.memory_space<vmem>>, vector<16xi32>,
    %reduce_max3A = arith.constant true
    %reduce_max3A_4 = vector.broadcast %reduce_max3A : i1 to vector<16xi1>
    %reduce_max3A_5 = arith.constant -2147483648 : i32
    %reduce_max3A_6 = vector.broadcast %reduce_max3A_5 : i32 to vector<16xi32>
    %reduce_max3A_7 = arith.xori %get3A_3, %reduce_max3A_6 : vector<16xi32>
    %reduce_max3A_8 = tpu.scan <max>, %reduce_max3A_7 masked %reduce_max3A_4 : vector<16xi32>, vector<16xi1> -> vector<16xi32>
    %reduce_max3A_9 = arith.xori %reduce_max3A_8, %reduce_max3A_6 : vector<16xi32>
    %reduce_max3A_10 = vector.extract %reduce_max3A_9[15] : i32 from vector<16xi32>
    %lt3A = arith.cmpi slt, %mul3A_2, %reduce_max3A_10 : i32
    %convert_element_type3A = arith.extui %lt3A : i1 to i32
    %cond3A = arith.constant 0 : i32
    %cond3A_11 = arith.cmpi ne, %convert_element_type3A, %cond3A : i32
    scf.if %cond3A_11 {
      "tpu.trace_start"() <{level = 10 : i32, message = "disp_copy"}> : () -> ()
      "tpu.region"() ({
        %run_scoped3A = tpu.sem_alloc : memref<!tpu.dma_semaphore, #tpu.memory_space<semaphore_mem>>
        tpu.enqueue_dma source(%arg2 : memref<4096xi32, #tpu.memory_space<hbm>>) target(%arg8 : memref<4096xi32, #tpu.memory_space<vmem>>) target_semaphore(%run_scoped3A : memref<!tpu.dma_semaphore, #tpu.memory_space<semaphore_mem>>)
        tpu.wait_dma2 semaphore(%run_scoped3A : memref<!tpu.dma_semaphore, #tpu.memory_space<semaphore_mem>>) src(%arg2 : memref<4096xi32, #tpu.memory_space<hbm>>) dst(%arg8 : memref<4096xi32, #tpu.memory_space<vmem>>)
        tpu.yield
      }) : () -> ()
      "tpu.region"() ({
        %run_scoped3A = tpu.sem_alloc : memref<!tpu.dma_semaphore, #tpu.memory_space<semaphore_mem>>
        tpu.enqueue_dma source(%arg3 : memref<4096xf32, #tpu.memory_space<hbm>>) target(%arg9 : memref<4096xf32, #tpu.memory_space<vmem>>) target_semaphore(%run_scoped3A : memref<!tpu.dma_semaphore, #tpu.memory_space<semaphore_mem>>)
        tpu.wait_dma2 semaphore(%run_scoped3A : memref<!tpu.dma_semaphore, #tpu.memory_space<semaphore_mem>>) src(%arg3 : memref<4096xf32, #tpu.memory_space<hbm>>) dst(%arg9 : memref<4096xf32, #tpu.memory_space<vmem>>)
        tpu.yield
      }) : () -> ()
      "tpu.trace_stop"() : () -> ()
      %iota3A = tpu.iota {dimensions = array<i32: 0>} : vector<16xi32>
      "tpu.trace_start"() <{level = 10 : i32, message = "disp_zero"}> : () -> ()
      %scan3A = arith.constant 0 : i32
      %scan3A_12 = arith.constant 0 : i32
      %scan3A_13 = arith.constant 24 : i32
      %scan3A_14 = arith.addi %scan3A_12, %scan3A_13 : i32
      %scan3A_15 = arith.constant 4 : i32
      %scan3A_16 = scf.for %scan3A_119 = %scan3A_12 to %scan3A_14 step %scan3A_15 iter_args(%scan3A_120 = %scan3A) -> (i32)  : i32 {
        %mul3A_121 = arith.constant 16 : i32
        %mul3A_122 = arith.muli %scan3A_119, %mul3A_121 : i32
        %add3A_123 = vector.broadcast %mul3A_122 : i32 to vector<16xi32>
        %add3A_124 = arith.addi %iota3A, %add3A_123 : vector<16xi32>
        %add3A_125 = vector.broadcast %mul3A_2 : i32 to vector<16xi32>
        %add3A_126 = arith.addi %add3A_124, %add3A_125 : vector<16xi32>
        %and3A = arith.constant 2047 : i32
        %and3A_127 = vector.broadcast %and3A : i32 to vector<16xi32>
        %and3A_128 = arith.andi %add3A_126, %and3A_127 : vector<16xi32>
        %mul3A_129 = arith.constant 16 : i32
        %mul3A_130 = arith.muli %scan3A_119, %mul3A_129 : i32
        %swap3A = arith.index_cast %mul3A_130 : i32 to index
        %swap3A_131 = tpu.vector_load %arg10[%swap3A] {strides = array<i32>} : memref<384xi32, #tpu.memory_space<vmem>>, vector<16xi32>,
        tpu.vector_store %arg10[%swap3A], %and3A_128 {strides = array<i32>} : memref<384xi32, #tpu.memory_space<vmem>>, vector<16xi32>,
        %broadcast_in_dim3A = arith.constant 0.000000e+00 : f32
        %broadcast_in_dim3A_132 = vector.broadcast %broadcast_in_dim3A : f32 to vector<16xf32>
        %mul3A_133 = arith.constant 16 : i32
        %mul3A_134 = arith.muli %scan3A_119, %mul3A_133 : i32
        %swap3A_135 = arith.index_cast %mul3A_134 : i32 to index
        %swap3A_136 = tpu.vector_load %arg11[%swap3A_135] {strides = array<i32>} : memref<384xf32, #tpu.memory_space<vmem>>, vector<16xf32>,
        tpu.vector_store %arg11[%swap3A_135], %broadcast_in_dim3A_132 {strides = array<i32>} : memref<384xf32, #tpu.memory_space<vmem>>, vector<16xf32>,
        %scan3A_137 = arith.constant 0 : i32
        %scan3A_138 = arith.constant 1 : i32
        %scan3A_139 = arith.addi %scan3A_119, %scan3A_138 : i32
        %mul3A_140 = arith.constant 16 : i32
        %mul3A_141 = arith.muli %scan3A_139, %mul3A_140 : i32
        %add3A_142 = vector.broadcast %mul3A_141 : i32 to vector<16xi32>
        %add3A_143 = arith.addi %iota3A, %add3A_142 : vector<16xi32>
        %add3A_144 = vector.broadcast %mul3A_2 : i32 to vector<16xi32>
        %add3A_145 = arith.addi %add3A_143, %add3A_144 : vector<16xi32>
        %and3A_146 = arith.constant 2047 : i32
        %and3A_147 = vector.broadcast %and3A_146 : i32 to vector<16xi32>
        %and3A_148 = arith.andi %add3A_145, %and3A_147 : vector<16xi32>
        %mul3A_149 = arith.constant 16 : i32
        %mul3A_150 = arith.muli %scan3A_139, %mul3A_149 : i32
        %swap3A_151 = arith.index_cast %mul3A_150 : i32 to index
        %swap3A_152 = tpu.vector_load %arg10[%swap3A_151] {strides = array<i32>} : memref<384xi32, #tpu.memory_space<vmem>>, vector<16xi32>,
        tpu.vector_store %arg10[%swap3A_151], %and3A_148 {strides = array<i32>} : memref<384xi32, #tpu.memory_space<vmem>>, vector<16xi32>,
        %broadcast_in_dim3A_153 = arith.constant 0.000000e+00 : f32
        %broadcast_in_dim3A_154 = vector.broadcast %broadcast_in_dim3A_153 : f32 to vector<16xf32>
        %mul3A_155 = arith.constant 16 : i32
        %mul3A_156 = arith.muli %scan3A_139, %mul3A_155 : i32
        %swap3A_157 = arith.index_cast %mul3A_156 : i32 to index
        %swap3A_158 = tpu.vector_load %arg11[%swap3A_157] {strides = array<i32>} : memref<384xf32, #tpu.memory_space<vmem>>, vector<16xf32>,
        tpu.vector_store %arg11[%swap3A_157], %broadcast_in_dim3A_154 {strides = array<i32>} : memref<384xf32, #tpu.memory_space<vmem>>, vector<16xf32>,
        %scan3A_159 = arith.constant 0 : i32
        %scan3A_160 = arith.constant 2 : i32
        %scan3A_161 = arith.addi %scan3A_119, %scan3A_160 : i32
        %mul3A_162 = arith.constant 16 : i32
        %mul3A_163 = arith.muli %scan3A_161, %mul3A_162 : i32
        %add3A_164 = vector.broadcast %mul3A_163 : i32 to vector<16xi32>
        %add3A_165 = arith.addi %iota3A, %add3A_164 : vector<16xi32>
        %add3A_166 = vector.broadcast %mul3A_2 : i32 to vector<16xi32>
        %add3A_167 = arith.addi %add3A_165, %add3A_166 : vector<16xi32>
        %and3A_168 = arith.constant 2047 : i32
        %and3A_169 = vector.broadcast %and3A_168 : i32 to vector<16xi32>
        %and3A_170 = arith.andi %add3A_167, %and3A_169 : vector<16xi32>
        %mul3A_171 = arith.constant 16 : i32
        %mul3A_172 = arith.muli %scan3A_161, %mul3A_171 : i32
        %swap3A_173 = arith.index_cast %mul3A_172 : i32 to index
        %swap3A_174 = tpu.vector_load %arg10[%swap3A_173] {strides = array<i32>} : memref<384xi32, #tpu.memory_space<vmem>>, vector<16xi32>,
        tpu.vector_store %arg10[%swap3A_173], %and3A_170 {strides = array<i32>} : memref<384xi32, #tpu.memory_space<vmem>>, vector<16xi32>,
        %broadcast_in_dim3A_175 = arith.constant 0.000000e+00 : f32
        %broadcast_in_dim3A_176 = vector.broadcast %broadcast_in_dim3A_175 : f32 to vector<16xf32>
        %mul3A_177 = arith.constant 16 : i32
        %mul3A_178 = arith.muli %scan3A_161, %mul3A_177 : i32
        %swap3A_179 = arith.index_cast %mul3A_178 : i32 to index
        %swap3A_180 = tpu.vector_load %arg11[%swap3A_179] {strides = array<i32>} : memref<384xf32, #tpu.memory_space<vmem>>, vector<16xf32>,
        tpu.vector_store %arg11[%swap3A_179], %broadcast_in_dim3A_176 {strides = array<i32>} : memref<384xf32, #tpu.memory_space<vmem>>, vector<16xf32>,
        %scan3A_181 = arith.constant 0 : i32
        %scan3A_182 = arith.constant 3 : i32
        %scan3A_183 = arith.addi %scan3A_119, %scan3A_182 : i32
        %mul3A_184 = arith.constant 16 : i32
        %mul3A_185 = arith.muli %scan3A_183, %mul3A_184 : i32
        %add3A_186 = vector.broadcast %mul3A_185 : i32 to vector<16xi32>
        %add3A_187 = arith.addi %iota3A, %add3A_186 : vector<16xi32>
        %add3A_188 = vector.broadcast %mul3A_2 : i32 to vector<16xi32>
        %add3A_189 = arith.addi %add3A_187, %add3A_188 : vector<16xi32>
        %and3A_190 = arith.constant 2047 : i32
        %and3A_191 = vector.broadcast %and3A_190 : i32 to vector<16xi32>
        %and3A_192 = arith.andi %add3A_189, %and3A_191 : vector<16xi32>
        %mul3A_193 = arith.constant 16 : i32
        %mul3A_194 = arith.muli %scan3A_183, %mul3A_193 : i32
        %swap3A_195 = arith.index_cast %mul3A_194 : i32 to index
        %swap3A_196 = tpu.vector_load %arg10[%swap3A_195] {strides = array<i32>} : memref<384xi32, #tpu.memory_space<vmem>>, vector<16xi32>,
        tpu.vector_store %arg10[%swap3A_195], %and3A_192 {strides = array<i32>} : memref<384xi32, #tpu.memory_space<vmem>>, vector<16xi32>,
        %broadcast_in_dim3A_197 = arith.constant 0.000000e+00 : f32
        %broadcast_in_dim3A_198 = vector.broadcast %broadcast_in_dim3A_197 : f32 to vector<16xf32>
        %mul3A_199 = arith.constant 16 : i32
        %mul3A_200 = arith.muli %scan3A_183, %mul3A_199 : i32
        %swap3A_201 = arith.index_cast %mul3A_200 : i32 to index
        %swap3A_202 = tpu.vector_load %arg11[%swap3A_201] {strides = array<i32>} : memref<384xf32, #tpu.memory_space<vmem>>, vector<16xf32>,
        tpu.vector_store %arg11[%swap3A_201], %broadcast_in_dim3A_198 {strides = array<i32>} : memref<384xf32, #tpu.memory_space<vmem>>, vector<16xf32>,
        %scan3A_203 = arith.constant 0 : i32
        scf.yield %scan3A_203 : i32
      }
      %scan3A_17 = arith.constant 24 : i32
      "tpu.trace_stop"() : () -> ()
      "tpu.trace_start"() <{level = 10 : i32, message = "disp_scat"}> : () -> ()
      %scan3A_18 = arith.constant 0 : i32
      %scan3A_19 = arith.constant 0 : i32
      %scan3A_20 = arith.constant 256 : i32
      %scan3A_21 = arith.addi %scan3A_19, %scan3A_20 : i32
      %scan3A_22 = arith.constant 8 : i32
      %scan3A_23 = scf.for %scan3A_119 = %scan3A_19 to %scan3A_21 step %scan3A_22 iter_args(%scan3A_120 = %scan3A_18) -> (i32)  : i32 {
        %mul3A_121 = arith.constant 16 : i32
        %mul3A_122 = arith.muli %scan3A_119, %mul3A_121 : i32
        %get3A_123 = arith.index_cast %mul3A_122 : i32 to index
        %get3A_124 = tpu.vector_load %arg8[%get3A_123] {strides = array<i32>} : memref<4096xi32, #tpu.memory_space<vmem>>, vector<16xi32>,
        %sub3A = vector.broadcast %mul3A_2 : i32 to vector<16xi32>
        %sub3A_125 = arith.subi %get3A_124, %sub3A : vector<16xi32>
        %ge3A = arith.constant 0 : i32
        %ge3A_126 = vector.broadcast %ge3A : i32 to vector<16xi32>
        %ge3A_127 = arith.cmpi sge, %sub3A_125, %ge3A_126 : vector<16xi32>
        %lt3A_128 = arith.constant 384 : i32
        %lt3A_129 = vector.broadcast %lt3A_128 : i32 to vector<16xi32>
        %lt3A_130 = arith.cmpi slt, %sub3A_125, %lt3A_129 : vector<16xi32>
        %and3A = arith.andi %ge3A_127, %lt3A_130 : vector<16xi1>
        %max3A = arith.constant 0 : i32
        %max3A_131 = vector.broadcast %max3A : i32 to vector<16xi32>
        %max3A_132 = arith.maxsi %sub3A_125, %max3A_131 : vector<16xi32>
        %min3A = arith.constant 383 : i32
        %min3A_133 = vector.broadcast %min3A : i32 to vector<16xi32>
        %min3A_134 = arith.minsi %max3A_132, %min3A_133 : vector<16xi32>
        %mul3A_135 = arith.constant 16 : i32
        %mul3A_136 = arith.muli %scan3A_119, %mul3A_135 : i32
        %add3A_137 = vector.broadcast %mul3A_136 : i32 to vector<16xi32>
        %add3A_138 = arith.addi %iota3A, %add3A_137 : vector<16xi32>
        %and3A_139 = arith.constant 2047 : i32
        %and3A_140 = vector.broadcast %and3A_139 : i32 to vector<16xi32>
        %and3A_141 = arith.andi %add3A_138, %and3A_140 : vector<16xi32>
        tpu.vector_store_idx %arg10[%min3A_134], %and3A_141 masked %and3A : memref<384xi32, #tpu.memory_space<vmem>>[vector<16xi32>], vector<16xi32>, vector<16xi1>
        %mul3A_142 = arith.constant 16 : i32
        %mul3A_143 = arith.muli %scan3A_119, %mul3A_142 : i32
        %get3A_144 = arith.index_cast %mul3A_143 : i32 to index
        %get3A_145 = tpu.vector_load %arg9[%get3A_144] {strides = array<i32>} : memref<4096xf32, #tpu.memory_space<vmem>>, vector<16xf32>,
        tpu.vector_store_idx %arg11[%min3A_134], %get3A_145 masked %and3A : memref<384xf32, #tpu.memory_space<vmem>>[vector<16xi32>], vector<16xf32>, vector<16xi1>
        %scan3A_146 = arith.constant 0 : i32
        %scan3A_147 = arith.constant 1 : i32
        %scan3A_148 = arith.addi %scan3A_119, %scan3A_147 : i32
        %mul3A_149 = arith.constant 16 : i32
        %mul3A_150 = arith.muli %scan3A_148, %mul3A_149 : i32
        %get3A_151 = arith.index_cast %mul3A_150 : i32 to index
        %get3A_152 = tpu.vector_load %arg8[%get3A_151] {strides = array<i32>} : memref<4096xi32, #tpu.memory_space<vmem>>, vector<16xi32>,
        %sub3A_153 = vector.broadcast %mul3A_2 : i32 to vector<16xi32>
        %sub3A_154 = arith.subi %get3A_152, %sub3A_153 : vector<16xi32>
        %ge3A_155 = arith.constant 0 : i32
        %ge3A_156 = vector.broadcast %ge3A_155 : i32 to vector<16xi32>
        %ge3A_157 = arith.cmpi sge, %sub3A_154, %ge3A_156 : vector<16xi32>
        %lt3A_158 = arith.constant 384 : i32
        %lt3A_159 = vector.broadcast %lt3A_158 : i32 to vector<16xi32>
        %lt3A_160 = arith.cmpi slt, %sub3A_154, %lt3A_159 : vector<16xi32>
        %and3A_161 = arith.andi %ge3A_157, %lt3A_160 : vector<16xi1>
        %max3A_162 = arith.constant 0 : i32
        %max3A_163 = vector.broadcast %max3A_162 : i32 to vector<16xi32>
        %max3A_164 = arith.maxsi %sub3A_154, %max3A_163 : vector<16xi32>
        %min3A_165 = arith.constant 383 : i32
        %min3A_166 = vector.broadcast %min3A_165 : i32 to vector<16xi32>
        %min3A_167 = arith.minsi %max3A_164, %min3A_166 : vector<16xi32>
        %mul3A_168 = arith.constant 16 : i32
        %mul3A_169 = arith.muli %scan3A_148, %mul3A_168 : i32
        %add3A_170 = vector.broadcast %mul3A_169 : i32 to vector<16xi32>
        %add3A_171 = arith.addi %iota3A, %add3A_170 : vector<16xi32>
        %and3A_172 = arith.constant 2047 : i32
        %and3A_173 = vector.broadcast %and3A_172 : i32 to vector<16xi32>
        %and3A_174 = arith.andi %add3A_171, %and3A_173 : vector<16xi32>
        tpu.vector_store_idx %arg10[%min3A_167], %and3A_174 masked %and3A_161 : memref<384xi32, #tpu.memory_space<vmem>>[vector<16xi32>], vector<16xi32>, vector<16xi1>
        %mul3A_175 = arith.constant 16 : i32
        %mul3A_176 = arith.muli %scan3A_148, %mul3A_175 : i32
        %get3A_177 = arith.index_cast %mul3A_176 : i32 to index
        %get3A_178 = tpu.vector_load %arg9[%get3A_177] {strides = array<i32>} : memref<4096xf32, #tpu.memory_space<vmem>>, vector<16xf32>,
        tpu.vector_store_idx %arg11[%min3A_167], %get3A_178 masked %and3A_161 : memref<384xf32, #tpu.memory_space<vmem>>[vector<16xi32>], vector<16xf32>, vector<16xi1>
        %scan3A_179 = arith.constant 0 : i32
        %scan3A_180 = arith.constant 2 : i32
        %scan3A_181 = arith.addi %scan3A_119, %scan3A_180 : i32
        %mul3A_182 = arith.constant 16 : i32
        %mul3A_183 = arith.muli %scan3A_181, %mul3A_182 : i32
        %get3A_184 = arith.index_cast %mul3A_183 : i32 to index
        %get3A_185 = tpu.vector_load %arg8[%get3A_184] {strides = array<i32>} : memref<4096xi32, #tpu.memory_space<vmem>>, vector<16xi32>,
        %sub3A_186 = vector.broadcast %mul3A_2 : i32 to vector<16xi32>
        %sub3A_187 = arith.subi %get3A_185, %sub3A_186 : vector<16xi32>
        %ge3A_188 = arith.constant 0 : i32
        %ge3A_189 = vector.broadcast %ge3A_188 : i32 to vector<16xi32>
        %ge3A_190 = arith.cmpi sge, %sub3A_187, %ge3A_189 : vector<16xi32>
        %lt3A_191 = arith.constant 384 : i32
        %lt3A_192 = vector.broadcast %lt3A_191 : i32 to vector<16xi32>
        %lt3A_193 = arith.cmpi slt, %sub3A_187, %lt3A_192 : vector<16xi32>
        %and3A_194 = arith.andi %ge3A_190, %lt3A_193 : vector<16xi1>
        %max3A_195 = arith.constant 0 : i32
        %max3A_196 = vector.broadcast %max3A_195 : i32 to vector<16xi32>
        %max3A_197 = arith.maxsi %sub3A_187, %max3A_196 : vector<16xi32>
        %min3A_198 = arith.constant 383 : i32
        %min3A_199 = vector.broadcast %min3A_198 : i32 to vector<16xi32>
        %min3A_200 = arith.minsi %max3A_197, %min3A_199 : vector<16xi32>
        %mul3A_201 = arith.constant 16 : i32
        %mul3A_202 = arith.muli %scan3A_181, %mul3A_201 : i32
        %add3A_203 = vector.broadcast %mul3A_202 : i32 to vector<16xi32>
        %add3A_204 = arith.addi %iota3A, %add3A_203 : vector<16xi32>
        %and3A_205 = arith.constant 2047 : i32
        %and3A_206 = vector.broadcast %and3A_205 : i32 to vector<16xi32>
        %and3A_207 = arith.andi %add3A_204, %and3A_206 : vector<16xi32>
        tpu.vector_store_idx %arg10[%min3A_200], %and3A_207 masked %and3A_194 : memref<384xi32, #tpu.memory_space<vmem>>[vector<16xi32>], vector<16xi32>, vector<16xi1>
        %mul3A_208 = arith.constant 16 : i32
        %mul3A_209 = arith.muli %scan3A_181, %mul3A_208 : i32
        %get3A_210 = arith.index_cast %mul3A_209 : i32 to index
        %get3A_211 = tpu.vector_load %arg9[%get3A_210] {strides = array<i32>} : memref<4096xf32, #tpu.memory_space<vmem>>, vector<16xf32>,
        tpu.vector_store_idx %arg11[%min3A_200], %get3A_211 masked %and3A_194 : memref<384xf32, #tpu.memory_space<vmem>>[vector<16xi32>], vector<16xf32>, vector<16xi1>
        %scan3A_212 = arith.constant 0 : i32
        %scan3A_213 = arith.constant 3 : i32
        %scan3A_214 = arith.addi %scan3A_119, %scan3A_213 : i32
        %mul3A_215 = arith.constant 16 : i32
        %mul3A_216 = arith.muli %scan3A_214, %mul3A_215 : i32
        %get3A_217 = arith.index_cast %mul3A_216 : i32 to index
        %get3A_218 = tpu.vector_load %arg8[%get3A_217] {strides = array<i32>} : memref<4096xi32, #tpu.memory_space<vmem>>, vector<16xi32>,
        %sub3A_219 = vector.broadcast %mul3A_2 : i32 to vector<16xi32>
        %sub3A_220 = arith.subi %get3A_218, %sub3A_219 : vector<16xi32>
        %ge3A_221 = arith.constant 0 : i32
        %ge3A_222 = vector.broadcast %ge3A_221 : i32 to vector<16xi32>
        %ge3A_223 = arith.cmpi sge, %sub3A_220, %ge3A_222 : vector<16xi32>
        %lt3A_224 = arith.constant 384 : i32
        %lt3A_225 = vector.broadcast %lt3A_224 : i32 to vector<16xi32>
        %lt3A_226 = arith.cmpi slt, %sub3A_220, %lt3A_225 : vector<16xi32>
        %and3A_227 = arith.andi %ge3A_223, %lt3A_226 : vector<16xi1>
        %max3A_228 = arith.constant 0 : i32
        %max3A_229 = vector.broadcast %max3A_228 : i32 to vector<16xi32>
        %max3A_230 = arith.maxsi %sub3A_220, %max3A_229 : vector<16xi32>
        %min3A_231 = arith.constant 383 : i32
        %min3A_232 = vector.broadcast %min3A_231 : i32 to vector<16xi32>
        %min3A_233 = arith.minsi %max3A_230, %min3A_232 : vector<16xi32>
        %mul3A_234 = arith.constant 16 : i32
        %mul3A_235 = arith.muli %scan3A_214, %mul3A_234 : i32
        %add3A_236 = vector.broadcast %mul3A_235 : i32 to vector<16xi32>
        %add3A_237 = arith.addi %iota3A, %add3A_236 : vector<16xi32>
        %and3A_238 = arith.constant 2047 : i32
        %and3A_239 = vector.broadcast %and3A_238 : i32 to vector<16xi32>
        %and3A_240 = arith.andi %add3A_237, %and3A_239 : vector<16xi32>
        tpu.vector_store_idx %arg10[%min3A_233], %and3A_240 masked %and3A_227 : memref<384xi32, #tpu.memory_space<vmem>>[vector<16xi32>], vector<16xi32>, vector<16xi1>
        %mul3A_241 = arith.constant 16 : i32
        %mul3A_242 = arith.muli %scan3A_214, %mul3A_241 : i32
        %get3A_243 = arith.index_cast %mul3A_242 : i32 to index
        %get3A_244 = tpu.vector_load %arg9[%get3A_243] {strides = array<i32>} : memref<4096xf32, #tpu.memory_space<vmem>>, vector<16xf32>,
        tpu.vector_store_idx %arg11[%min3A_233], %get3A_244 masked %and3A_227 : memref<384xf32, #tpu.memory_space<vmem>>[vector<16xi32>], vector<16xf32>, vector<16xi1>
        %scan3A_245 = arith.constant 0 : i32
        %scan3A_246 = arith.constant 4 : i32
        %scan3A_247 = arith.addi %scan3A_119, %scan3A_246 : i32
        %mul3A_248 = arith.constant 16 : i32
        %mul3A_249 = arith.muli %scan3A_247, %mul3A_248 : i32
        %get3A_250 = arith.index_cast %mul3A_249 : i32 to index
        %get3A_251 = tpu.vector_load %arg8[%get3A_250] {strides = array<i32>} : memref<4096xi32, #tpu.memory_space<vmem>>, vector<16xi32>,
        %sub3A_252 = vector.broadcast %mul3A_2 : i32 to vector<16xi32>
        %sub3A_253 = arith.subi %get3A_251, %sub3A_252 : vector<16xi32>
        %ge3A_254 = arith.constant 0 : i32
        %ge3A_255 = vector.broadcast %ge3A_254 : i32 to vector<16xi32>
        %ge3A_256 = arith.cmpi sge, %sub3A_253, %ge3A_255 : vector<16xi32>
        %lt3A_257 = arith.constant 384 : i32
        %lt3A_258 = vector.broadcast %lt3A_257 : i32 to vector<16xi32>
        %lt3A_259 = arith.cmpi slt, %sub3A_253, %lt3A_258 : vector<16xi32>
        %and3A_260 = arith.andi %ge3A_256, %lt3A_259 : vector<16xi1>
        %max3A_261 = arith.constant 0 : i32
        %max3A_262 = vector.broadcast %max3A_261 : i32 to vector<16xi32>
        %max3A_263 = arith.maxsi %sub3A_253, %max3A_262 : vector<16xi32>
        %min3A_264 = arith.constant 383 : i32
        %min3A_265 = vector.broadcast %min3A_264 : i32 to vector<16xi32>
        %min3A_266 = arith.minsi %max3A_263, %min3A_265 : vector<16xi32>
        %mul3A_267 = arith.constant 16 : i32
        %mul3A_268 = arith.muli %scan3A_247, %mul3A_267 : i32
        %add3A_269 = vector.broadcast %mul3A_268 : i32 to vector<16xi32>
        %add3A_270 = arith.addi %iota3A, %add3A_269 : vector<16xi32>
        %and3A_271 = arith.constant 2047 : i32
        %and3A_272 = vector.broadcast %and3A_271 : i32 to vector<16xi32>
        %and3A_273 = arith.andi %add3A_270, %and3A_272 : vector<16xi32>
        tpu.vector_store_idx %arg10[%min3A_266], %and3A_273 masked %and3A_260 : memref<384xi32, #tpu.memory_space<vmem>>[vector<16xi32>], vector<16xi32>, vector<16xi1>
        %mul3A_274 = arith.constant 16 : i32
        %mul3A_275 = arith.muli %scan3A_247, %mul3A_274 : i32
        %get3A_276 = arith.index_cast %mul3A_275 : i32 to index
        %get3A_277 = tpu.vector_load %arg9[%get3A_276] {strides = array<i32>} : memref<4096xf32, #tpu.memory_space<vmem>>, vector<16xf32>,
        tpu.vector_store_idx %arg11[%min3A_266], %get3A_277 masked %and3A_260 : memref<384xf32, #tpu.memory_space<vmem>>[vector<16xi32>], vector<16xf32>, vector<16xi1>
        %scan3A_278 = arith.constant 0 : i32
        %scan3A_279 = arith.constant 5 : i32
        %scan3A_280 = arith.addi %scan3A_119, %scan3A_279 : i32
        %mul3A_281 = arith.constant 16 : i32
        %mul3A_282 = arith.muli %scan3A_280, %mul3A_281 : i32
        %get3A_283 = arith.index_cast %mul3A_282 : i32 to index
        %get3A_284 = tpu.vector_load %arg8[%get3A_283] {strides = array<i32>} : memref<4096xi32, #tpu.memory_space<vmem>>, vector<16xi32>,
        %sub3A_285 = vector.broadcast %mul3A_2 : i32 to vector<16xi32>
        %sub3A_286 = arith.subi %get3A_284, %sub3A_285 : vector<16xi32>
        %ge3A_287 = arith.constant 0 : i32
        %ge3A_288 = vector.broadcast %ge3A_287 : i32 to vector<16xi32>
        %ge3A_289 = arith.cmpi sge, %sub3A_286, %ge3A_288 : vector<16xi32>
        %lt3A_290 = arith.constant 384 : i32
        %lt3A_291 = vector.broadcast %lt3A_290 : i32 to vector<16xi32>
        %lt3A_292 = arith.cmpi slt, %sub3A_286, %lt3A_291 : vector<16xi32>
        %and3A_293 = arith.andi %ge3A_289, %lt3A_292 : vector<16xi1>
        %max3A_294 = arith.constant 0 : i32
        %max3A_295 = vector.broadcast %max3A_294 : i32 to vector<16xi32>
        %max3A_296 = arith.maxsi %sub3A_286, %max3A_295 : vector<16xi32>
        %min3A_297 = arith.constant 383 : i32
        %min3A_298 = vector.broadcast %min3A_297 : i32 to vector<16xi32>
        %min3A_299 = arith.minsi %max3A_296, %min3A_298 : vector<16xi32>
        %mul3A_300 = arith.constant 16 : i32
        %mul3A_301 = arith.muli %scan3A_280, %mul3A_300 : i32
        %add3A_302 = vector.broadcast %mul3A_301 : i32 to vector<16xi32>
        %add3A_303 = arith.addi %iota3A, %add3A_302 : vector<16xi32>
        %and3A_304 = arith.constant 2047 : i32
        %and3A_305 = vector.broadcast %and3A_304 : i32 to vector<16xi32>
        %and3A_306 = arith.andi %add3A_303, %and3A_305 : vector<16xi32>
        tpu.vector_store_idx %arg10[%min3A_299], %and3A_306 masked %and3A_293 : memref<384xi32, #tpu.memory_space<vmem>>[vector<16xi32>], vector<16xi32>, vector<16xi1>
        %mul3A_307 = arith.constant 16 : i32
        %mul3A_308 = arith.muli %scan3A_280, %mul3A_307 : i32
        %get3A_309 = arith.index_cast %mul3A_308 : i32 to index
        %get3A_310 = tpu.vector_load %arg9[%get3A_309] {strides = array<i32>} : memref<4096xf32, #tpu.memory_space<vmem>>, vector<16xf32>,
        tpu.vector_store_idx %arg11[%min3A_299], %get3A_310 masked %and3A_293 : memref<384xf32, #tpu.memory_space<vmem>>[vector<16xi32>], vector<16xf32>, vector<16xi1>
        %scan3A_311 = arith.constant 0 : i32
        %scan3A_312 = arith.constant 6 : i32
        %scan3A_313 = arith.addi %scan3A_119, %scan3A_312 : i32
        %mul3A_314 = arith.constant 16 : i32
        %mul3A_315 = arith.muli %scan3A_313, %mul3A_314 : i32
        %get3A_316 = arith.index_cast %mul3A_315 : i32 to index
        %get3A_317 = tpu.vector_load %arg8[%get3A_316] {strides = array<i32>} : memref<4096xi32, #tpu.memory_space<vmem>>, vector<16xi32>,
        %sub3A_318 = vector.broadcast %mul3A_2 : i32 to vector<16xi32>
        %sub3A_319 = arith.subi %get3A_317, %sub3A_318 : vector<16xi32>
        %ge3A_320 = arith.constant 0 : i32
        %ge3A_321 = vector.broadcast %ge3A_320 : i32 to vector<16xi32>
        %ge3A_322 = arith.cmpi sge, %sub3A_319, %ge3A_321 : vector<16xi32>
        %lt3A_323 = arith.constant 384 : i32
        %lt3A_324 = vector.broadcast %lt3A_323 : i32 to vector<16xi32>
        %lt3A_325 = arith.cmpi slt, %sub3A_319, %lt3A_324 : vector<16xi32>
        %and3A_326 = arith.andi %ge3A_322, %lt3A_325 : vector<16xi1>
        %max3A_327 = arith.constant 0 : i32
        %max3A_328 = vector.broadcast %max3A_327 : i32 to vector<16xi32>
        %max3A_329 = arith.maxsi %sub3A_319, %max3A_328 : vector<16xi32>
        %min3A_330 = arith.constant 383 : i32
        %min3A_331 = vector.broadcast %min3A_330 : i32 to vector<16xi32>
        %min3A_332 = arith.minsi %max3A_329, %min3A_331 : vector<16xi32>
        %mul3A_333 = arith.constant 16 : i32
        %mul3A_334 = arith.muli %scan3A_313, %mul3A_333 : i32
        %add3A_335 = vector.broadcast %mul3A_334 : i32 to vector<16xi32>
        %add3A_336 = arith.addi %iota3A, %add3A_335 : vector<16xi32>
        %and3A_337 = arith.constant 2047 : i32
        %and3A_338 = vector.broadcast %and3A_337 : i32 to vector<16xi32>
        %and3A_339 = arith.andi %add3A_336, %and3A_338 : vector<16xi32>
        tpu.vector_store_idx %arg10[%min3A_332], %and3A_339 masked %and3A_326 : memref<384xi32, #tpu.memory_space<vmem>>[vector<16xi32>], vector<16xi32>, vector<16xi1>
        %mul3A_340 = arith.constant 16 : i32
        %mul3A_341 = arith.muli %scan3A_313, %mul3A_340 : i32
        %get3A_342 = arith.index_cast %mul3A_341 : i32 to index
        %get3A_343 = tpu.vector_load %arg9[%get3A_342] {strides = array<i32>} : memref<4096xf32, #tpu.memory_space<vmem>>, vector<16xf32>,
        tpu.vector_store_idx %arg11[%min3A_332], %get3A_343 masked %and3A_326 : memref<384xf32, #tpu.memory_space<vmem>>[vector<16xi32>], vector<16xf32>, vector<16xi1>
        %scan3A_344 = arith.constant 0 : i32
        %scan3A_345 = arith.constant 7 : i32
        %scan3A_346 = arith.addi %scan3A_119, %scan3A_345 : i32
        %mul3A_347 = arith.constant 16 : i32
        %mul3A_348 = arith.muli %scan3A_346, %mul3A_347 : i32
        %get3A_349 = arith.index_cast %mul3A_348 : i32 to index
        %get3A_350 = tpu.vector_load %arg8[%get3A_349] {strides = array<i32>} : memref<4096xi32, #tpu.memory_space<vmem>>, vector<16xi32>,
        %sub3A_351 = vector.broadcast %mul3A_2 : i32 to vector<16xi32>
        %sub3A_352 = arith.subi %get3A_350, %sub3A_351 : vector<16xi32>
        %ge3A_353 = arith.constant 0 : i32
        %ge3A_354 = vector.broadcast %ge3A_353 : i32 to vector<16xi32>
        %ge3A_355 = arith.cmpi sge, %sub3A_352, %ge3A_354 : vector<16xi32>
        %lt3A_356 = arith.constant 384 : i32
        %lt3A_357 = vector.broadcast %lt3A_356 : i32 to vector<16xi32>
        %lt3A_358 = arith.cmpi slt, %sub3A_352, %lt3A_357 : vector<16xi32>
        %and3A_359 = arith.andi %ge3A_355, %lt3A_358 : vector<16xi1>
        %max3A_360 = arith.constant 0 : i32
        %max3A_361 = vector.broadcast %max3A_360 : i32 to vector<16xi32>
        %max3A_362 = arith.maxsi %sub3A_352, %max3A_361 : vector<16xi32>
        %min3A_363 = arith.constant 383 : i32
        %min3A_364 = vector.broadcast %min3A_363 : i32 to vector<16xi32>
        %min3A_365 = arith.minsi %max3A_362, %min3A_364 : vector<16xi32>
        %mul3A_366 = arith.constant 16 : i32
        %mul3A_367 = arith.muli %scan3A_346, %mul3A_366 : i32
        %add3A_368 = vector.broadcast %mul3A_367 : i32 to vector<16xi32>
        %add3A_369 = arith.addi %iota3A, %add3A_368 : vector<16xi32>
        %and3A_370 = arith.constant 2047 : i32
        %and3A_371 = vector.broadcast %and3A_370 : i32 to vector<16xi32>
        %and3A_372 = arith.andi %add3A_369, %and3A_371 : vector<16xi32>
        tpu.vector_store_idx %arg10[%min3A_365], %and3A_372 masked %and3A_359 : memref<384xi32, #tpu.memory_space<vmem>>[vector<16xi32>], vector<16xi32>, vector<16xi1>
        %mul3A_373 = arith.constant 16 : i32
        %mul3A_374 = arith.muli %scan3A_346, %mul3A_373 : i32
        %get3A_375 = arith.index_cast %mul3A_374 : i32 to index
        %get3A_376 = tpu.vector_load %arg9[%get3A_375] {strides = array<i32>} : memref<4096xf32, #tpu.memory_space<vmem>>, vector<16xf32>,
        tpu.vector_store_idx %arg11[%min3A_365], %get3A_376 masked %and3A_359 : memref<384xf32, #tpu.memory_space<vmem>>[vector<16xi32>], vector<16xf32>, vector<16xi1>
        %scan3A_377 = arith.constant 0 : i32
        scf.yield %scan3A_377 : i32
      }
      %scan3A_24 = arith.constant 256 : i32
      "tpu.trace_stop"() : () -> ()
      "tpu.trace_start"() <{level = 10 : i32, message = "disp_gather"}> : () -> ()
      "tpu.region"() ({
        %run_scoped3A = tpu.sem_alloc : memref<!tpu.dma_semaphore, #tpu.memory_space<semaphore_mem>>
        %dma_start3A_119 = tpu.memref_slice %arg7[%mul3A_2] : memref<12288xf32, #tpu.memory_space<hbm>> -> memref<384xf32, #tpu.memory_space<hbm>>
        %dma_start3A_120 = tpu.memref_slice %arg7[%mul3A_2] : memref<12288xf32, #tpu.memory_space<hbm>> -> memref<384xf32, #tpu.memory_space<hbm>>
        tpu.enqueue_dma source(%arg11 : memref<384xf32, #tpu.memory_space<vmem>>) target(%dma_start3A_120 : memref<384xf32, #tpu.memory_space<hbm>>) target_semaphore(%run_scoped3A : memref<!tpu.dma_semaphore, #tpu.memory_space<semaphore_mem>>)
        %dma_wait3A_121 = tpu.memref_slice %arg7[%mul3A_2] : memref<12288xf32, #tpu.memory_space<hbm>> -> memref<384xf32, #tpu.memory_space<hbm>>
        %dma_wait3A_122 = tpu.memref_slice %arg7[%mul3A_2] : memref<12288xf32, #tpu.memory_space<hbm>> -> memref<384xf32, #tpu.memory_space<hbm>>
        tpu.wait_dma2 semaphore(%run_scoped3A : memref<!tpu.dma_semaphore, #tpu.memory_space<semaphore_mem>>) src(%arg11 : memref<384xf32, #tpu.memory_space<vmem>>) dst(%dma_wait3A_122 : memref<384xf32, #tpu.memory_space<hbm>>)
        tpu.yield
      }) : () -> ()
      %dma_start3A = arith.constant 0 : i32
      %dma_start3A_25 = tpu.memref_slice %arg10[%dma_start3A] : memref<384xi32, #tpu.memory_space<vmem>> -> memref<48xi32, #tpu.memory_space<vmem>>
      %dma_start3A_26 = arith.constant 0 : i32
      %dma_start3A_27 = arith.constant 0 : i32
      %dma_start3A_28 = tpu.memref_slice %arg4[%dma_start3A_26, %dma_start3A_27] : memref<2048x1024xf32, #tpu.memory_space<hbm>> -> memref<2048x1024xf32, #tpu.memory_space<hbm>>
      tpu.enqueue_indirect_dma source(%dma_start3A_28 : memref<2048x1024xf32, #tpu.memory_space<hbm>>) target(%arg12 : memref<48x1024xf32, #tpu.memory_space<vmem>>) offsets(%dma_start3A_25 : memref<48xi32, #tpu.memory_space<vmem>>) semaphore(%arg15 : memref<!tpu.dma_semaphore, #tpu.memory_space<semaphore_mem>>)
      %dma_start3A_29 = arith.constant 48 : i32
      %dma_start3A_30 = tpu.memref_slice %arg10[%dma_start3A_29] : memref<384xi32, #tpu.memory_space<vmem>> -> memref<48xi32, #tpu.memory_space<vmem>>
      %dma_start3A_31 = arith.constant 0 : i32
      %dma_start3A_32 = arith.constant 0 : i32
      %dma_start3A_33 = tpu.memref_slice %arg4[%dma_start3A_31, %dma_start3A_32] : memref<2048x1024xf32, #tpu.memory_space<hbm>> -> memref<2048x1024xf32, #tpu.memory_space<hbm>>
      tpu.enqueue_indirect_dma source(%dma_start3A_33 : memref<2048x1024xf32, #tpu.memory_space<hbm>>) target(%arg13 : memref<48x1024xf32, #tpu.memory_space<vmem>>) offsets(%dma_start3A_30 : memref<48xi32, #tpu.memory_space<vmem>>) semaphore(%arg16 : memref<!tpu.dma_semaphore, #tpu.memory_space<semaphore_mem>>)
      %dma_wait3A = arith.constant 0 : i32
      %dma_wait3A_34 = tpu.memref_slice %arg10[%dma_wait3A] : memref<384xi32, #tpu.memory_space<vmem>> -> memref<48xi32, #tpu.memory_space<vmem>>
      %dma_wait3A_35 = arith.constant 0 : i32
      %dma_wait3A_36 = arith.constant 0 : i32
      %dma_wait3A_37 = tpu.memref_slice %arg4[%dma_wait3A_35, %dma_wait3A_36] : memref<2048x1024xf32, #tpu.memory_space<hbm>> -> memref<2048x1024xf32, #tpu.memory_space<hbm>>
      tpu.wait_indirect_dma semaphore(%arg15 : memref<!tpu.dma_semaphore, #tpu.memory_space<semaphore_mem>>) src(%dma_wait3A_37 : memref<2048x1024xf32, #tpu.memory_space<hbm>>) dst(%arg12 : memref<48x1024xf32, #tpu.memory_space<vmem>>)
      %add3A_38 = arith.constant 0 : i32
      %add3A_39 = arith.addi %mul3A_2, %add3A_38 : i32
      "tpu.region"() ({
        %run_scoped3A = tpu.sem_alloc : memref<!tpu.dma_semaphore, #tpu.memory_space<semaphore_mem>>
        %dma_start3A_119 = arith.constant 0 : i32
        %dma_start3A_120 = tpu.memref_slice %arg6[%add3A_39, %dma_start3A_119] : memref<12288x1024xf32, #tpu.memory_space<hbm>> -> memref<48x1024xf32, #tpu.memory_space<hbm>>
        %dma_start3A_121 = arith.constant 0 : i32
        %dma_start3A_122 = tpu.memref_slice %arg6[%add3A_39, %dma_start3A_121] : memref<12288x1024xf32, #tpu.memory_space<hbm>> -> memref<48x1024xf32, #tpu.memory_space<hbm>>
        tpu.enqueue_dma source(%arg12 : memref<48x1024xf32, #tpu.memory_space<vmem>>) target(%dma_start3A_122 : memref<48x1024xf32, #tpu.memory_space<hbm>>) target_semaphore(%run_scoped3A : memref<!tpu.dma_semaphore, #tpu.memory_space<semaphore_mem>>)
        %dma_wait3A_123 = arith.constant 0 : i32
        %dma_wait3A_124 = tpu.memref_slice %arg6[%add3A_39, %dma_wait3A_123] : memref<12288x1024xf32, #tpu.memory_space<hbm>> -> memref<48x1024xf32, #tpu.memory_space<hbm>>
        %dma_wait3A_125 = arith.constant 0 : i32
        %dma_wait3A_126 = tpu.memref_slice %arg6[%add3A_39, %dma_wait3A_125] : memref<12288x1024xf32, #tpu.memory_space<hbm>> -> memref<48x1024xf32, #tpu.memory_space<hbm>>
        tpu.wait_dma2 semaphore(%run_scoped3A : memref<!tpu.dma_semaphore, #tpu.memory_space<semaphore_mem>>) src(%arg12 : memref<48x1024xf32, #tpu.memory_space<vmem>>) dst(%dma_wait3A_126 : memref<48x1024xf32, #tpu.memory_space<hbm>>)
        tpu.yield
      }) : () -> ()
      %dma_start3A_40 = arith.constant 96 : i32
      %dma_start3A_41 = tpu.memref_slice %arg10[%dma_start3A_40] : memref<384xi32, #tpu.memory_space<vmem>> -> memref<48xi32, #tpu.memory_space<vmem>>
      %dma_start3A_42 = arith.constant 0 : i32
      %dma_start3A_43 = arith.constant 0 : i32
      %dma_start3A_44 = tpu.memref_slice %arg4[%dma_start3A_42, %dma_start3A_43] : memref<2048x1024xf32, #tpu.memory_space<hbm>> -> memref<2048x1024xf32, #tpu.memory_space<hbm>>
      tpu.enqueue_indirect_dma source(%dma_start3A_44 : memref<2048x1024xf32, #tpu.memory_space<hbm>>) target(%arg12 : memref<48x1024xf32, #tpu.memory_space<vmem>>) offsets(%dma_start3A_41 : memref<48xi32, #tpu.memory_space<vmem>>) semaphore(%arg15 : memref<!tpu.dma_semaphore, #tpu.memory_space<semaphore_mem>>)
      %dma_wait3A_45 = arith.constant 48 : i32
      %dma_wait3A_46 = tpu.memref_slice %arg10[%dma_wait3A_45] : memref<384xi32, #tpu.memory_space<vmem>> -> memref<48xi32, #tpu.memory_space<vmem>>
      %dma_wait3A_47 = arith.constant 0 : i32
      %dma_wait3A_48 = arith.constant 0 : i32
      %dma_wait3A_49 = tpu.memref_slice %arg4[%dma_wait3A_47, %dma_wait3A_48] : memref<2048x1024xf32, #tpu.memory_space<hbm>> -> memref<2048x1024xf32, #tpu.memory_space<hbm>>
      tpu.wait_indirect_dma semaphore(%arg16 : memref<!tpu.dma_semaphore, #tpu.memory_space<semaphore_mem>>) src(%dma_wait3A_49 : memref<2048x1024xf32, #tpu.memory_space<hbm>>) dst(%arg13 : memref<48x1024xf32, #tpu.memory_space<vmem>>)
      %add3A_50 = arith.constant 48 : i32
      %add3A_51 = arith.addi %mul3A_2, %add3A_50 : i32
      "tpu.region"() ({
        %run_scoped3A = tpu.sem_alloc : memref<!tpu.dma_semaphore, #tpu.memory_space<semaphore_mem>>
        %dma_start3A_119 = arith.constant 0 : i32
        %dma_start3A_120 = tpu.memref_slice %arg6[%add3A_51, %dma_start3A_119] : memref<12288x1024xf32, #tpu.memory_space<hbm>> -> memref<48x1024xf32, #tpu.memory_space<hbm>>
        %dma_start3A_121 = arith.constant 0 : i32
        %dma_start3A_122 = tpu.memref_slice %arg6[%add3A_51, %dma_start3A_121] : memref<12288x1024xf32, #tpu.memory_space<hbm>> -> memref<48x1024xf32, #tpu.memory_space<hbm>>
        tpu.enqueue_dma source(%arg13 : memref<48x1024xf32, #tpu.memory_space<vmem>>) target(%dma_start3A_122 : memref<48x1024xf32, #tpu.memory_space<hbm>>) target_semaphore(%run_scoped3A : memref<!tpu.dma_semaphore, #tpu.memory_space<semaphore_mem>>)
        %dma_wait3A_123 = arith.constant 0 : i32
        %dma_wait3A_124 = tpu.memref_slice %arg6[%add3A_51, %dma_wait3A_123] : memref<12288x1024xf32, #tpu.memory_space<hbm>> -> memref<48x1024xf32, #tpu.memory_space<hbm>>
        %dma_wait3A_125 = arith.constant 0 : i32
        %dma_wait3A_126 = tpu.memref_slice %arg6[%add3A_51, %dma_wait3A_125] : memref<12288x1024xf32, #tpu.memory_space<hbm>> -> memref<48x1024xf32, #tpu.memory_space<hbm>>
        tpu.wait_dma2 semaphore(%run_scoped3A : memref<!tpu.dma_semaphore, #tpu.memory_space<semaphore_mem>>) src(%arg13 : memref<48x1024xf32, #tpu.memory_space<vmem>>) dst(%dma_wait3A_126 : memref<48x1024xf32, #tpu.memory_space<hbm>>)
        tpu.yield
      }) : () -> ()
      %dma_start3A_52 = arith.constant 144 : i32
      %dma_start3A_53 = tpu.memref_slice %arg10[%dma_start3A_52] : memref<384xi32, #tpu.memory_space<vmem>> -> memref<48xi32, #tpu.memory_space<vmem>>
      %dma_start3A_54 = arith.constant 0 : i32
      %dma_start3A_55 = arith.constant 0 : i32
      %dma_start3A_56 = tpu.memref_slice %arg4[%dma_start3A_54, %dma_start3A_55] : memref<2048x1024xf32, #tpu.memory_space<hbm>> -> memref<2048x1024xf32, #tpu.memory_space<hbm>>
      tpu.enqueue_indirect_dma source(%dma_start3A_56 : memref<2048x1024xf32, #tpu.memory_space<hbm>>) target(%arg13 : memref<48x1024xf32, #tpu.memory_space<vmem>>) offsets(%dma_start3A_53 : memref<48xi32, #tpu.memory_space<vmem>>) semaphore(%arg16 : memref<!tpu.dma_semaphore, #tpu.memory_space<semaphore_mem>>)
      %dma_wait3A_57 = arith.constant 96 : i32
      %dma_wait3A_58 = tpu.memref_slice %arg10[%dma_wait3A_57] : memref<384xi32, #tpu.memory_space<vmem>> -> memref<48xi32, #tpu.memory_space<vmem>>
      %dma_wait3A_59 = arith.constant 0 : i32
      %dma_wait3A_60 = arith.constant 0 : i32
      %dma_wait3A_61 = tpu.memref_slice %arg4[%dma_wait3A_59, %dma_wait3A_60] : memref<2048x1024xf32, #tpu.memory_space<hbm>> -> memref<2048x1024xf32, #tpu.memory_space<hbm>>
      tpu.wait_indirect_dma semaphore(%arg15 : memref<!tpu.dma_semaphore, #tpu.memory_space<semaphore_mem>>) src(%dma_wait3A_61 : memref<2048x1024xf32, #tpu.memory_space<hbm>>) dst(%arg12 : memref<48x1024xf32, #tpu.memory_space<vmem>>)
      %add3A_62 = arith.constant 96 : i32
      %add3A_63 = arith.addi %mul3A_2, %add3A_62 : i32
      "tpu.region"() ({
        %run_scoped3A = tpu.sem_alloc : memref<!tpu.dma_semaphore, #tpu.memory_space<semaphore_mem>>
        %dma_start3A_119 = arith.constant 0 : i32
        %dma_start3A_120 = tpu.memref_slice %arg6[%add3A_63, %dma_start3A_119] : memref<12288x1024xf32, #tpu.memory_space<hbm>> -> memref<48x1024xf32, #tpu.memory_space<hbm>>
        %dma_start3A_121 = arith.constant 0 : i32
        %dma_start3A_122 = tpu.memref_slice %arg6[%add3A_63, %dma_start3A_121] : memref<12288x1024xf32, #tpu.memory_space<hbm>> -> memref<48x1024xf32, #tpu.memory_space<hbm>>
        tpu.enqueue_dma source(%arg12 : memref<48x1024xf32, #tpu.memory_space<vmem>>) target(%dma_start3A_122 : memref<48x1024xf32, #tpu.memory_space<hbm>>) target_semaphore(%run_scoped3A : memref<!tpu.dma_semaphore, #tpu.memory_space<semaphore_mem>>)
        %dma_wait3A_123 = arith.constant 0 : i32
        %dma_wait3A_124 = tpu.memref_slice %arg6[%add3A_63, %dma_wait3A_123] : memref<12288x1024xf32, #tpu.memory_space<hbm>> -> memref<48x1024xf32, #tpu.memory_space<hbm>>
        %dma_wait3A_125 = arith.constant 0 : i32
        %dma_wait3A_126 = tpu.memref_slice %arg6[%add3A_63, %dma_wait3A_125] : memref<12288x1024xf32, #tpu.memory_space<hbm>> -> memref<48x1024xf32, #tpu.memory_space<hbm>>
        tpu.wait_dma2 semaphore(%run_scoped3A : memref<!tpu.dma_semaphore, #tpu.memory_space<semaphore_mem>>) src(%arg12 : memref<48x1024xf32, #tpu.memory_space<vmem>>) dst(%dma_wait3A_126 : memref<48x1024xf32, #tpu.memory_space<hbm>>)
        tpu.yield
      }) : () -> ()
      %dma_start3A_64 = arith.constant 192 : i32
      %dma_start3A_65 = tpu.memref_slice %arg10[%dma_start3A_64] : memref<384xi32, #tpu.memory_space<vmem>> -> memref<48xi32, #tpu.memory_space<vmem>>
      %dma_start3A_66 = arith.constant 0 : i32
      %dma_start3A_67 = arith.constant 0 : i32
      %dma_start3A_68 = tpu.memref_slice %arg4[%dma_start3A_66, %dma_start3A_67] : memref<2048x1024xf32, #tpu.memory_space<hbm>> -> memref<2048x1024xf32, #tpu.memory_space<hbm>>
      tpu.enqueue_indirect_dma source(%dma_start3A_68 : memref<2048x1024xf32, #tpu.memory_space<hbm>>) target(%arg12 : memref<48x1024xf32, #tpu.memory_space<vmem>>) offsets(%dma_start3A_65 : memref<48xi32, #tpu.memory_space<vmem>>) semaphore(%arg15 : memref<!tpu.dma_semaphore, #tpu.memory_space<semaphore_mem>>)
      %dma_wait3A_69 = arith.constant 144 : i32
      %dma_wait3A_70 = tpu.memref_slice %arg10[%dma_wait3A_69] : memref<384xi32, #tpu.memory_space<vmem>> -> memref<48xi32, #tpu.memory_space<vmem>>
      %dma_wait3A_71 = arith.constant 0 : i32
      %dma_wait3A_72 = arith.constant 0 : i32
      %dma_wait3A_73 = tpu.memref_slice %arg4[%dma_wait3A_71, %dma_wait3A_72] : memref<2048x1024xf32, #tpu.memory_space<hbm>> -> memref<2048x1024xf32, #tpu.memory_space<hbm>>
      tpu.wait_indirect_dma semaphore(%arg16 : memref<!tpu.dma_semaphore, #tpu.memory_space<semaphore_mem>>) src(%dma_wait3A_73 : memref<2048x1024xf32, #tpu.memory_space<hbm>>) dst(%arg13 : memref<48x1024xf32, #tpu.memory_space<vmem>>)
      %add3A_74 = arith.constant 144 : i32
      %add3A_75 = arith.addi %mul3A_2, %add3A_74 : i32
      "tpu.region"() ({
        %run_scoped3A = tpu.sem_alloc : memref<!tpu.dma_semaphore, #tpu.memory_space<semaphore_mem>>
        %dma_start3A_119 = arith.constant 0 : i32
        %dma_start3A_120 = tpu.memref_slice %arg6[%add3A_75, %dma_start3A_119] : memref<12288x1024xf32, #tpu.memory_space<hbm>> -> memref<48x1024xf32, #tpu.memory_space<hbm>>
        %dma_start3A_121 = arith.constant 0 : i32
        %dma_start3A_122 = tpu.memref_slice %arg6[%add3A_75, %dma_start3A_121] : memref<12288x1024xf32, #tpu.memory_space<hbm>> -> memref<48x1024xf32, #tpu.memory_space<hbm>>
        tpu.enqueue_dma source(%arg13 : memref<48x1024xf32, #tpu.memory_space<vmem>>) target(%dma_start3A_122 : memref<48x1024xf32, #tpu.memory_space<hbm>>) target_semaphore(%run_scoped3A : memref<!tpu.dma_semaphore, #tpu.memory_space<semaphore_mem>>)
        %dma_wait3A_123 = arith.constant 0 : i32
        %dma_wait3A_124 = tpu.memref_slice %arg6[%add3A_75, %dma_wait3A_123] : memref<12288x1024xf32, #tpu.memory_space<hbm>> -> memref<48x1024xf32, #tpu.memory_space<hbm>>
        %dma_wait3A_125 = arith.constant 0 : i32
        %dma_wait3A_126 = tpu.memref_slice %arg6[%add3A_75, %dma_wait3A_125] : memref<12288x1024xf32, #tpu.memory_space<hbm>> -> memref<48x1024xf32, #tpu.memory_space<hbm>>
        tpu.wait_dma2 semaphore(%run_scoped3A : memref<!tpu.dma_semaphore, #tpu.memory_space<semaphore_mem>>) src(%arg13 : memref<48x1024xf32, #tpu.memory_space<vmem>>) dst(%dma_wait3A_126 : memref<48x1024xf32, #tpu.memory_space<hbm>>)
        tpu.yield
      }) : () -> ()
      %dma_start3A_76 = arith.constant 240 : i32
      %dma_start3A_77 = tpu.memref_slice %arg10[%dma_start3A_76] : memref<384xi32, #tpu.memory_space<vmem>> -> memref<48xi32, #tpu.memory_space<vmem>>
      %dma_start3A_78 = arith.constant 0 : i32
      %dma_start3A_79 = arith.constant 0 : i32
      %dma_start3A_80 = tpu.memref_slice %arg4[%dma_start3A_78, %dma_start3A_79] : memref<2048x1024xf32, #tpu.memory_space<hbm>> -> memref<2048x1024xf32, #tpu.memory_space<hbm>>
      tpu.enqueue_indirect_dma source(%dma_start3A_80 : memref<2048x1024xf32, #tpu.memory_space<hbm>>) target(%arg13 : memref<48x1024xf32, #tpu.memory_space<vmem>>) offsets(%dma_start3A_77 : memref<48xi32, #tpu.memory_space<vmem>>) semaphore(%arg16 : memref<!tpu.dma_semaphore, #tpu.memory_space<semaphore_mem>>)
      %dma_wait3A_81 = arith.constant 192 : i32
      %dma_wait3A_82 = tpu.memref_slice %arg10[%dma_wait3A_81] : memref<384xi32, #tpu.memory_space<vmem>> -> memref<48xi32, #tpu.memory_space<vmem>>
      %dma_wait3A_83 = arith.constant 0 : i32
      %dma_wait3A_84 = arith.constant 0 : i32
      %dma_wait3A_85 = tpu.memref_slice %arg4[%dma_wait3A_83, %dma_wait3A_84] : memref<2048x1024xf32, #tpu.memory_space<hbm>> -> memref<2048x1024xf32, #tpu.memory_space<hbm>>
      tpu.wait_indirect_dma semaphore(%arg15 : memref<!tpu.dma_semaphore, #tpu.memory_space<semaphore_mem>>) src(%dma_wait3A_85 : memref<2048x1024xf32, #tpu.memory_space<hbm>>) dst(%arg12 : memref<48x1024xf32, #tpu.memory_space<vmem>>)
      %add3A_86 = arith.constant 192 : i32
      %add3A_87 = arith.addi %mul3A_2, %add3A_86 : i32
      "tpu.region"() ({
        %run_scoped3A = tpu.sem_alloc : memref<!tpu.dma_semaphore, #tpu.memory_space<semaphore_mem>>
        %dma_start3A_119 = arith.constant 0 : i32
        %dma_start3A_120 = tpu.memref_slice %arg6[%add3A_87, %dma_start3A_119] : memref<12288x1024xf32, #tpu.memory_space<hbm>> -> memref<48x1024xf32, #tpu.memory_space<hbm>>
        %dma_start3A_121 = arith.constant 0 : i32
        %dma_start3A_122 = tpu.memref_slice %arg6[%add3A_87, %dma_start3A_121] : memref<12288x1024xf32, #tpu.memory_space<hbm>> -> memref<48x1024xf32, #tpu.memory_space<hbm>>
        tpu.enqueue_dma source(%arg12 : memref<48x1024xf32, #tpu.memory_space<vmem>>) target(%dma_start3A_122 : memref<48x1024xf32, #tpu.memory_space<hbm>>) target_semaphore(%run_scoped3A : memref<!tpu.dma_semaphore, #tpu.memory_space<semaphore_mem>>)
        %dma_wait3A_123 = arith.constant 0 : i32
        %dma_wait3A_124 = tpu.memref_slice %arg6[%add3A_87, %dma_wait3A_123] : memref<12288x1024xf32, #tpu.memory_space<hbm>> -> memref<48x1024xf32, #tpu.memory_space<hbm>>
        %dma_wait3A_125 = arith.constant 0 : i32
        %dma_wait3A_126 = tpu.memref_slice %arg6[%add3A_87, %dma_wait3A_125] : memref<12288x1024xf32, #tpu.memory_space<hbm>> -> memref<48x1024xf32, #tpu.memory_space<hbm>>
        tpu.wait_dma2 semaphore(%run_scoped3A : memref<!tpu.dma_semaphore, #tpu.memory_space<semaphore_mem>>) src(%arg12 : memref<48x1024xf32, #tpu.memory_space<vmem>>) dst(%dma_wait3A_126 : memref<48x1024xf32, #tpu.memory_space<hbm>>)
        tpu.yield
      }) : () -> ()
      %dma_start3A_88 = arith.constant 288 : i32
      %dma_start3A_89 = tpu.memref_slice %arg10[%dma_start3A_88] : memref<384xi32, #tpu.memory_space<vmem>> -> memref<48xi32, #tpu.memory_space<vmem>>
      %dma_start3A_90 = arith.constant 0 : i32
      %dma_start3A_91 = arith.constant 0 : i32
      %dma_start3A_92 = tpu.memref_slice %arg4[%dma_start3A_90, %dma_start3A_91] : memref<2048x1024xf32, #tpu.memory_space<hbm>> -> memref<2048x1024xf32, #tpu.memory_space<hbm>>
      tpu.enqueue_indirect_dma source(%dma_start3A_92 : memref<2048x1024xf32, #tpu.memory_space<hbm>>) target(%arg12 : memref<48x1024xf32, #tpu.memory_space<vmem>>) offsets(%dma_start3A_89 : memref<48xi32, #tpu.memory_space<vmem>>) semaphore(%arg15 : memref<!tpu.dma_semaphore, #tpu.memory_space<semaphore_mem>>)
      %dma_wait3A_93 = arith.constant 240 : i32
      %dma_wait3A_94 = tpu.memref_slice %arg10[%dma_wait3A_93] : memref<384xi32, #tpu.memory_space<vmem>> -> memref<48xi32, #tpu.memory_space<vmem>>
      %dma_wait3A_95 = arith.constant 0 : i32
      %dma_wait3A_96 = arith.constant 0 : i32
      %dma_wait3A_97 = tpu.memref_slice %arg4[%dma_wait3A_95, %dma_wait3A_96] : memref<2048x1024xf32, #tpu.memory_space<hbm>> -> memref<2048x1024xf32, #tpu.memory_space<hbm>>
      tpu.wait_indirect_dma semaphore(%arg16 : memref<!tpu.dma_semaphore, #tpu.memory_space<semaphore_mem>>) src(%dma_wait3A_97 : memref<2048x1024xf32, #tpu.memory_space<hbm>>) dst(%arg13 : memref<48x1024xf32, #tpu.memory_space<vmem>>)
      %add3A_98 = arith.constant 240 : i32
      %add3A_99 = arith.addi %mul3A_2, %add3A_98 : i32
      "tpu.region"() ({
        %run_scoped3A = tpu.sem_alloc : memref<!tpu.dma_semaphore, #tpu.memory_space<semaphore_mem>>
        %dma_start3A_119 = arith.constant 0 : i32
        %dma_start3A_120 = tpu.memref_slice %arg6[%add3A_99, %dma_start3A_119] : memref<12288x1024xf32, #tpu.memory_space<hbm>> -> memref<48x1024xf32, #tpu.memory_space<hbm>>
        %dma_start3A_121 = arith.constant 0 : i32
        %dma_start3A_122 = tpu.memref_slice %arg6[%add3A_99, %dma_start3A_121] : memref<12288x1024xf32, #tpu.memory_space<hbm>> -> memref<48x1024xf32, #tpu.memory_space<hbm>>
        tpu.enqueue_dma source(%arg13 : memref<48x1024xf32, #tpu.memory_space<vmem>>) target(%dma_start3A_122 : memref<48x1024xf32, #tpu.memory_space<hbm>>) target_semaphore(%run_scoped3A : memref<!tpu.dma_semaphore, #tpu.memory_space<semaphore_mem>>)
        %dma_wait3A_123 = arith.constant 0 : i32
        %dma_wait3A_124 = tpu.memref_slice %arg6[%add3A_99, %dma_wait3A_123] : memref<12288x1024xf32, #tpu.memory_space<hbm>> -> memref<48x1024xf32, #tpu.memory_space<hbm>>
        %dma_wait3A_125 = arith.constant 0 : i32
        %dma_wait3A_126 = tpu.memref_slice %arg6[%add3A_99, %dma_wait3A_125] : memref<12288x1024xf32, #tpu.memory_space<hbm>> -> memref<48x1024xf32, #tpu.memory_space<hbm>>
        tpu.wait_dma2 semaphore(%run_scoped3A : memref<!tpu.dma_semaphore, #tpu.memory_space<semaphore_mem>>) src(%arg13 : memref<48x1024xf32, #tpu.memory_space<vmem>>) dst(%dma_wait3A_126 : memref<48x1024xf32, #tpu.memory_space<hbm>>)
        tpu.yield
      }) : () -> ()
      %dma_start3A_100 = arith.constant 336 : i32
      %dma_start3A_101 = tpu.memref_slice %arg10[%dma_start3A_100] : memref<384xi32, #tpu.memory_space<vmem>> -> memref<48xi32, #tpu.memory_space<vmem>>
      %dma_start3A_102 = arith.constant 0 : i32
      %dma_start3A_103 = arith.constant 0 : i32
      %dma_start3A_104 = tpu.memref_slice %arg4[%dma_start3A_102, %dma_start3A_103] : memref<2048x1024xf32, #tpu.memory_space<hbm>> -> memref<2048x1024xf32, #tpu.memory_space<hbm>>
      tpu.enqueue_indirect_dma source(%dma_start3A_104 : memref<2048x1024xf32, #tpu.memory_space<hbm>>) target(%arg13 : memref<48x1024xf32, #tpu.memory_space<vmem>>) offsets(%dma_start3A_101 : memref<48xi32, #tpu.memory_space<vmem>>) semaphore(%arg16 : memref<!tpu.dma_semaphore, #tpu.memory_space<semaphore_mem>>)
      %dma_wait3A_105 = arith.constant 288 : i32
      %dma_wait3A_106 = tpu.memref_slice %arg10[%dma_wait3A_105] : memref<384xi32, #tpu.memory_space<vmem>> -> memref<48xi32, #tpu.memory_space<vmem>>
      %dma_wait3A_107 = arith.constant 0 : i32
      %dma_wait3A_108 = arith.constant 0 : i32
      %dma_wait3A_109 = tpu.memref_slice %arg4[%dma_wait3A_107, %dma_wait3A_108] : memref<2048x1024xf32, #tpu.memory_space<hbm>> -> memref<2048x1024xf32, #tpu.memory_space<hbm>>
      tpu.wait_indirect_dma semaphore(%arg15 : memref<!tpu.dma_semaphore, #tpu.memory_space<semaphore_mem>>) src(%dma_wait3A_109 : memref<2048x1024xf32, #tpu.memory_space<hbm>>) dst(%arg12 : memref<48x1024xf32, #tpu.memory_space<vmem>>)
      %add3A_110 = arith.constant 288 : i32
      %add3A_111 = arith.addi %mul3A_2, %add3A_110 : i32
      "tpu.region"() ({
        %run_scoped3A = tpu.sem_alloc : memref<!tpu.dma_semaphore, #tpu.memory_space<semaphore_mem>>
        %dma_start3A_119 = arith.constant 0 : i32
        %dma_start3A_120 = tpu.memref_slice %arg6[%add3A_111, %dma_start3A_119] : memref<12288x1024xf32, #tpu.memory_space<hbm>> -> memref<48x1024xf32, #tpu.memory_space<hbm>>
        %dma_start3A_121 = arith.constant 0 : i32
        %dma_start3A_122 = tpu.memref_slice %arg6[%add3A_111, %dma_start3A_121] : memref<12288x1024xf32, #tpu.memory_space<hbm>> -> memref<48x1024xf32, #tpu.memory_space<hbm>>
        tpu.enqueue_dma source(%arg12 : memref<48x1024xf32, #tpu.memory_space<vmem>>) target(%dma_start3A_122 : memref<48x1024xf32, #tpu.memory_space<hbm>>) target_semaphore(%run_scoped3A : memref<!tpu.dma_semaphore, #tpu.memory_space<semaphore_mem>>)
        %dma_wait3A_123 = arith.constant 0 : i32
        %dma_wait3A_124 = tpu.memref_slice %arg6[%add3A_111, %dma_wait3A_123] : memref<12288x1024xf32, #tpu.memory_space<hbm>> -> memref<48x1024xf32, #tpu.memory_space<hbm>>
        %dma_wait3A_125 = arith.constant 0 : i32
        %dma_wait3A_126 = tpu.memref_slice %arg6[%add3A_111, %dma_wait3A_125] : memref<12288x1024xf32, #tpu.memory_space<hbm>> -> memref<48x1024xf32, #tpu.memory_space<hbm>>
        tpu.wait_dma2 semaphore(%run_scoped3A : memref<!tpu.dma_semaphore, #tpu.memory_space<semaphore_mem>>) src(%arg12 : memref<48x1024xf32, #tpu.memory_space<vmem>>) dst(%dma_wait3A_126 : memref<48x1024xf32, #tpu.memory_space<hbm>>)
        tpu.yield
      }) : () -> ()
      %dma_wait3A_112 = arith.constant 336 : i32
      %dma_wait3A_113 = tpu.memref_slice %arg10[%dma_wait3A_112] : memref<384xi32, #tpu.memory_space<vmem>> -> memref<48xi32, #tpu.memory_space<vmem>>
      %dma_wait3A_114 = arith.constant 0 : i32
      %dma_wait3A_115 = arith.constant 0 : i32
      %dma_wait3A_116 = tpu.memref_slice %arg4[%dma_wait3A_114, %dma_wait3A_115] : memref<2048x1024xf32, #tpu.memory_space<hbm>> -> memref<2048x1024xf32, #tpu.memory_space<hbm>>
      tpu.wait_indirect_dma semaphore(%arg16 : memref<!tpu.dma_semaphore, #tpu.memory_space<semaphore_mem>>) src(%dma_wait3A_116 : memref<2048x1024xf32, #tpu.memory_space<hbm>>) dst(%arg13 : memref<48x1024xf32, #tpu.memory_space<vmem>>)
      %add3A_117 = arith.constant 336 : i32
      %add3A_118 = arith.addi %mul3A_2, %add3A_117 : i32
      "tpu.region"() ({
        %run_scoped3A = tpu.sem_alloc : memref<!tpu.dma_semaphore, #tpu.memory_space<semaphore_mem>>
        %dma_start3A_119 = arith.constant 0 : i32
        %dma_start3A_120 = tpu.memref_slice %arg6[%add3A_118, %dma_start3A_119] : memref<12288x1024xf32, #tpu.memory_space<hbm>> -> memref<48x1024xf32, #tpu.memory_space<hbm>>
        %dma_start3A_121 = arith.constant 0 : i32
        %dma_start3A_122 = tpu.memref_slice %arg6[%add3A_118, %dma_start3A_121] : memref<12288x1024xf32, #tpu.memory_space<hbm>> -> memref<48x1024xf32, #tpu.memory_space<hbm>>
        tpu.enqueue_dma source(%arg13 : memref<48x1024xf32, #tpu.memory_space<vmem>>) target(%dma_start3A_122 : memref<48x1024xf32, #tpu.memory_space<hbm>>) target_semaphore(%run_scoped3A : memref<!tpu.dma_semaphore, #tpu.memory_space<semaphore_mem>>)
        %dma_wait3A_123 = arith.constant 0 : i32
        %dma_wait3A_124 = tpu.memref_slice %arg6[%add3A_118, %dma_wait3A_123] : memref<12288x1024xf32, #tpu.memory_space<hbm>> -> memref<48x1024xf32, #tpu.memory_space<hbm>>
        %dma_wait3A_125 = arith.constant 0 : i32
        %dma_wait3A_126 = tpu.memref_slice %arg6[%add3A_118, %dma_wait3A_125] : memref<12288x1024xf32, #tpu.memory_space<hbm>> -> memref<48x1024xf32, #tpu.memory_space<hbm>>
        tpu.wait_dma2 semaphore(%run_scoped3A : memref<!tpu.dma_semaphore, #tpu.memory_space<semaphore_mem>>) src(%arg13 : memref<48x1024xf32, #tpu.memory_space<vmem>>) dst(%dma_wait3A_126 : memref<48x1024xf32, #tpu.memory_space<hbm>>)
        tpu.yield
      }) : () -> ()
      "tpu.trace_stop"() : () -> ()
    } else {
    }
    return
  }
}

module attributes {stable_mosaic.version = 14 : i64} {
  func.func @_router_body(%arg0: memref<2048x1024xf32, #tpu.memory_space<vmem>>, %arg1: memref<64x1024xf32, #tpu.memory_space<vmem>>, %arg2: memref<2048x2xi32, #tpu.memory_space<vmem>>, %arg3: memref<2048x2xf32, #tpu.memory_space<vmem>>, %arg4: memref<8x128xi32, #tpu.memory_space<vmem>>) attributes {dimension_semantics = [], scalar_prefetch = 0 : i64, scratch_operands = 0 : i64, tpu.core_type = #tpu.core_type<tc>} {
    %get3A = arith.constant 0 : index
    %get3A_0 = arith.constant 0 : index
    %get3A_1 = vector.load %arg0[%get3A, %get3A_0] : memref<2048x1024xf32, #tpu.memory_space<vmem>>, vector<2048x1024xf32>
    %get3A_2 = arith.constant 0 : index
    %get3A_3 = arith.constant 0 : index
    %get3A_4 = vector.load %arg1[%get3A_2, %get3A_3] : memref<64x1024xf32, #tpu.memory_space<vmem>>, vector<64x1024xf32>
    %dot_general3A = arith.constant dense<0.000000e+00> : vector<2048x64xf32>
    %dot_general3A_5 = tpu.matmul %get3A_1, %get3A_4, %dot_general3A {dimension_numbers = #tpu.dot_dimension_numbers<[1], [1], [0], [0], [0, 0, 1, 0], [], []>, transpose_lhs_hint = false} : vector<2048x1024xf32>, vector<64x1024xf32>, vector<2048x64xf32> -> vector<2048x64xf32>
    %iota3A = tpu.iota {dimensions = array<i32: 1>} : vector<2048x64xi32>
    %reduce_max3A = arith.constant dense<0xFF800000> : vector<2048xf32>
    %reduce_max3A_6 = vector.multi_reduction <maximumf>, %dot_general3A_5, %reduce_max3A [1] : vector<2048x64xf32> to vector<2048xf32>
    %broadcast_in_dim3A = vector.shape_cast %reduce_max3A_6 : vector<2048xf32> to vector<2048x1xf32>
    %eq3A = vector.broadcast %broadcast_in_dim3A : vector<2048x1xf32> to vector<2048x64xf32>
    %eq3A_7 = arith.cmpf oeq, %dot_general3A_5, %eq3A : vector<2048x64xf32>
    %jit3A = arith.constant 64 : i32
    %broadcast_in_dim3A_8 = vector.broadcast %jit3A : i32 to vector<2048x64xi32>
    %select_n3A = arith.select %eq3A_7, %iota3A, %broadcast_in_dim3A_8 : vector<2048x64xi1>, vector<2048x64xi32>
    %reduce_min3A = arith.constant dense<2147483647> : vector<2048xi32>
    %reduce_min3A_9 = vector.multi_reduction <minsi>, %select_n3A, %reduce_min3A [1] : vector<2048x64xi32> to vector<2048xi32>
    %broadcast_in_dim3A_10 = vector.shape_cast %reduce_min3A_9 : vector<2048xi32> to vector<2048x1xi32>
    %eq3A_11 = vector.broadcast %broadcast_in_dim3A_10 : vector<2048x1xi32> to vector<2048x64xi32>
    %eq3A_12 = arith.cmpi eq, %iota3A, %eq3A_11 : vector<2048x64xi32>
    %jit3A_13 = arith.constant 0xFF800000 : f32
    %broadcast_in_dim3A_14 = vector.broadcast %jit3A_13 : f32 to vector<2048x64xf32>
    %select_n3A_15 = arith.select %eq3A_12, %broadcast_in_dim3A_14, %dot_general3A_5 : vector<2048x64xi1>, vector<2048x64xf32>
    %reduce_max3A_16 = arith.constant dense<0xFF800000> : vector<2048xf32>
    %reduce_max3A_17 = vector.multi_reduction <maximumf>, %select_n3A_15, %reduce_max3A_16 [1] : vector<2048x64xf32> to vector<2048xf32>
    %broadcast_in_dim3A_18 = vector.shape_cast %reduce_max3A_17 : vector<2048xf32> to vector<2048x1xf32>
    %eq3A_19 = vector.broadcast %broadcast_in_dim3A_18 : vector<2048x1xf32> to vector<2048x64xf32>
    %eq3A_20 = arith.cmpf oeq, %select_n3A_15, %eq3A_19 : vector<2048x64xf32>
    %jit3A_21 = arith.constant 64 : i32
    %broadcast_in_dim3A_22 = vector.broadcast %jit3A_21 : i32 to vector<2048x64xi32>
    %select_n3A_23 = arith.select %eq3A_20, %iota3A, %broadcast_in_dim3A_22 : vector<2048x64xi1>, vector<2048x64xi32>
    %reduce_min3A_24 = arith.constant dense<2147483647> : vector<2048xi32>
    %reduce_min3A_25 = vector.multi_reduction <minsi>, %select_n3A_23, %reduce_min3A_24 [1] : vector<2048x64xi32> to vector<2048xi32>
    %broadcast_in_dim3A_26 = vector.shape_cast %reduce_min3A_25 : vector<2048xi32> to vector<2048x1xi32>
    %sub3A = arith.subf %broadcast_in_dim3A_18, %broadcast_in_dim3A : vector<2048x1xf32>
    %exp3A = math.exp %sub3A : vector<2048x1xf32>
    %add3A = arith.constant 1.000000e+00 : f32
    %add3A_27 = vector.broadcast %add3A : f32 to vector<2048x1xf32>
    %add3A_28 = arith.addf %add3A_27, %exp3A : vector<2048x1xf32>
    %div3A = arith.constant 1.000000e+00 : f32
    %div3A_29 = vector.broadcast %div3A : f32 to vector<2048x1xf32>
    %div3A_30 = arith.divf %div3A_29, %add3A_28 : vector<2048x1xf32>
    %add3A_31 = arith.constant 1.000000e+00 : f32
    %add3A_32 = vector.broadcast %add3A_31 : f32 to vector<2048x1xf32>
    %add3A_33 = arith.addf %add3A_32, %exp3A : vector<2048x1xf32>
    %div3A_34 = arith.divf %exp3A, %add3A_33 : vector<2048x1xf32>
    %iota3A_35 = tpu.iota {dimensions = array<i32: 1>} : vector<2048x128xi32>
    %eq3A_36 = vector.broadcast %broadcast_in_dim3A_10 : vector<2048x1xi32> to vector<2048x128xi32>
    %eq3A_37 = arith.cmpi eq, %iota3A_35, %eq3A_36 : vector<2048x128xi32>
    %convert_element_type3A = arith.extui %eq3A_37 : vector<2048x128xi1> to vector<2048x128xi32>
    %eq3A_38 = vector.broadcast %broadcast_in_dim3A_26 : vector<2048x1xi32> to vector<2048x128xi32>
    %eq3A_39 = arith.cmpi eq, %iota3A_35, %eq3A_38 : vector<2048x128xi32>
    %convert_element_type3A_40 = arith.extui %eq3A_39 : vector<2048x128xi1> to vector<2048x128xi32>
    %broadcast_in_dim3A_41 = arith.constant 0 : i32
    %broadcast_in_dim3A_42 = vector.broadcast %broadcast_in_dim3A_41 : i32 to vector<1x128xi32>
    %slice3A = vector.extract_strided_slice %convert_element_type3A {offsets = [0, 0], sizes = [2047, 128], strides = [1, 1]} : vector<2048x128xi32> to vector<2047x128xi32>
    %concatenate3A = tpu.concatenate %broadcast_in_dim3A_42, %slice3A in 0 : vector<1x128xi32>, vector<2047x128xi32> -> vector<2048x128xi32>
    %add3A_43 = arith.addi %convert_element_type3A, %concatenate3A : vector<2048x128xi32>
    %broadcast_in_dim3A_44 = arith.constant 0 : i32
    %broadcast_in_dim3A_45 = vector.broadcast %broadcast_in_dim3A_44 : i32 to vector<2x128xi32>
    %slice3A_46 = vector.extract_strided_slice %add3A_43 {offsets = [0, 0], sizes = [2046, 128], strides = [1, 1]} : vector<2048x128xi32> to vector<2046x128xi32>
    %concatenate3A_47 = tpu.concatenate %broadcast_in_dim3A_45, %slice3A_46 in 0 : vector<2x128xi32>, vector<2046x128xi32> -> vector<2048x128xi32>
    %add3A_48 = arith.addi %add3A_43, %concatenate3A_47 : vector<2048x128xi32>
    %broadcast_in_dim3A_49 = arith.constant 0 : i32
    %broadcast_in_dim3A_50 = vector.broadcast %broadcast_in_dim3A_49 : i32 to vector<4x128xi32>
    %slice3A_51 = vector.extract_strided_slice %add3A_48 {offsets = [0, 0], sizes = [2044, 128], strides = [1, 1]} : vector<2048x128xi32> to vector<2044x128xi32>
    %concatenate3A_52 = tpu.concatenate %broadcast_in_dim3A_50, %slice3A_51 in 0 : vector<4x128xi32>, vector<2044x128xi32> -> vector<2048x128xi32>
    %add3A_53 = arith.addi %add3A_48, %concatenate3A_52 : vector<2048x128xi32>
    %broadcast_in_dim3A_54 = arith.constant 0 : i32
    %broadcast_in_dim3A_55 = vector.broadcast %broadcast_in_dim3A_54 : i32 to vector<8x128xi32>
    %slice3A_56 = vector.extract_strided_slice %add3A_53 {offsets = [0, 0], sizes = [2040, 128], strides = [1, 1]} : vector<2048x128xi32> to vector<2040x128xi32>
    %concatenate3A_57 = tpu.concatenate %broadcast_in_dim3A_55, %slice3A_56 in 0 : vector<8x128xi32>, vector<2040x128xi32> -> vector<2048x128xi32>
    %add3A_58 = arith.addi %add3A_53, %concatenate3A_57 : vector<2048x128xi32>
    %broadcast_in_dim3A_59 = arith.constant 0 : i32
    %broadcast_in_dim3A_60 = vector.broadcast %broadcast_in_dim3A_59 : i32 to vector<16x128xi32>
    %slice3A_61 = vector.extract_strided_slice %add3A_58 {offsets = [0, 0], sizes = [2032, 128], strides = [1, 1]} : vector<2048x128xi32> to vector<2032x128xi32>
    %concatenate3A_62 = tpu.concatenate %broadcast_in_dim3A_60, %slice3A_61 in 0 : vector<16x128xi32>, vector<2032x128xi32> -> vector<2048x128xi32>
    %add3A_63 = arith.addi %add3A_58, %concatenate3A_62 : vector<2048x128xi32>
    %broadcast_in_dim3A_64 = arith.constant 0 : i32
    %broadcast_in_dim3A_65 = vector.broadcast %broadcast_in_dim3A_64 : i32 to vector<32x128xi32>
    %slice3A_66 = vector.extract_strided_slice %add3A_63 {offsets = [0, 0], sizes = [2016, 128], strides = [1, 1]} : vector<2048x128xi32> to vector<2016x128xi32>
    %concatenate3A_67 = tpu.concatenate %broadcast_in_dim3A_65, %slice3A_66 in 0 : vector<32x128xi32>, vector<2016x128xi32> -> vector<2048x128xi32>
    %add3A_68 = arith.addi %add3A_63, %concatenate3A_67 : vector<2048x128xi32>
    %broadcast_in_dim3A_69 = arith.constant 0 : i32
    %broadcast_in_dim3A_70 = vector.broadcast %broadcast_in_dim3A_69 : i32 to vector<64x128xi32>
    %slice3A_71 = vector.extract_strided_slice %add3A_68 {offsets = [0, 0], sizes = [1984, 128], strides = [1, 1]} : vector<2048x128xi32> to vector<1984x128xi32>
    %concatenate3A_72 = tpu.concatenate %broadcast_in_dim3A_70, %slice3A_71 in 0 : vector<64x128xi32>, vector<1984x128xi32> -> vector<2048x128xi32>
    %add3A_73 = arith.addi %add3A_68, %concatenate3A_72 : vector<2048x128xi32>
    %broadcast_in_dim3A_74 = arith.constant 0 : i32
    %broadcast_in_dim3A_75 = vector.broadcast %broadcast_in_dim3A_74 : i32 to vector<128x128xi32>
    %slice3A_76 = vector.extract_strided_slice %add3A_73 {offsets = [0, 0], sizes = [1920, 128], strides = [1, 1]} : vector<2048x128xi32> to vector<1920x128xi32>
    %concatenate3A_77 = tpu.concatenate %broadcast_in_dim3A_75, %slice3A_76 in 0 : vector<128x128xi32>, vector<1920x128xi32> -> vector<2048x128xi32>
    %add3A_78 = arith.addi %add3A_73, %concatenate3A_77 : vector<2048x128xi32>
    %broadcast_in_dim3A_79 = arith.constant 0 : i32
    %broadcast_in_dim3A_80 = vector.broadcast %broadcast_in_dim3A_79 : i32 to vector<256x128xi32>
    %slice3A_81 = vector.extract_strided_slice %add3A_78 {offsets = [0, 0], sizes = [1792, 128], strides = [1, 1]} : vector<2048x128xi32> to vector<1792x128xi32>
    %concatenate3A_82 = tpu.concatenate %broadcast_in_dim3A_80, %slice3A_81 in 0 : vector<256x128xi32>, vector<1792x128xi32> -> vector<2048x128xi32>
    %add3A_83 = arith.addi %add3A_78, %concatenate3A_82 : vector<2048x128xi32>
    %broadcast_in_dim3A_84 = arith.constant 0 : i32
    %broadcast_in_dim3A_85 = vector.broadcast %broadcast_in_dim3A_84 : i32 to vector<512x128xi32>
    %slice3A_86 = vector.extract_strided_slice %add3A_83 {offsets = [0, 0], sizes = [1536, 128], strides = [1, 1]} : vector<2048x128xi32> to vector<1536x128xi32>
    %concatenate3A_87 = tpu.concatenate %broadcast_in_dim3A_85, %slice3A_86 in 0 : vector<512x128xi32>, vector<1536x128xi32> -> vector<2048x128xi32>
    %add3A_88 = arith.addi %add3A_83, %concatenate3A_87 : vector<2048x128xi32>
    %broadcast_in_dim3A_89 = arith.constant 0 : i32
    %broadcast_in_dim3A_90 = vector.broadcast %broadcast_in_dim3A_89 : i32 to vector<1024x128xi32>
    %slice3A_91 = vector.extract_strided_slice %add3A_88 {offsets = [0, 0], sizes = [1024, 128], strides = [1, 1]} : vector<2048x128xi32> to vector<1024x128xi32>
    %concatenate3A_92 = tpu.concatenate %broadcast_in_dim3A_90, %slice3A_91 in 0 : vector<1024x128xi32>, vector<1024x128xi32> -> vector<2048x128xi32>
    %add3A_93 = arith.addi %add3A_88, %concatenate3A_92 : vector<2048x128xi32>
    %broadcast_in_dim3A_94 = arith.constant 0 : i32
    %broadcast_in_dim3A_95 = vector.broadcast %broadcast_in_dim3A_94 : i32 to vector<1x128xi32>
    %slice3A_96 = vector.extract_strided_slice %convert_element_type3A_40 {offsets = [0, 0], sizes = [2047, 128], strides = [1, 1]} : vector<2048x128xi32> to vector<2047x128xi32>
    %concatenate3A_97 = tpu.concatenate %broadcast_in_dim3A_95, %slice3A_96 in 0 : vector<1x128xi32>, vector<2047x128xi32> -> vector<2048x128xi32>
    %add3A_98 = arith.addi %convert_element_type3A_40, %concatenate3A_97 : vector<2048x128xi32>
    %broadcast_in_dim3A_99 = arith.constant 0 : i32
    %broadcast_in_dim3A_100 = vector.broadcast %broadcast_in_dim3A_99 : i32 to vector<2x128xi32>
    %slice3A_101 = vector.extract_strided_slice %add3A_98 {offsets = [0, 0], sizes = [2046, 128], strides = [1, 1]} : vector<2048x128xi32> to vector<2046x128xi32>
    %concatenate3A_102 = tpu.concatenate %broadcast_in_dim3A_100, %slice3A_101 in 0 : vector<2x128xi32>, vector<2046x128xi32> -> vector<2048x128xi32>
    %add3A_103 = arith.addi %add3A_98, %concatenate3A_102 : vector<2048x128xi32>
    %broadcast_in_dim3A_104 = arith.constant 0 : i32
    %broadcast_in_dim3A_105 = vector.broadcast %broadcast_in_dim3A_104 : i32 to vector<4x128xi32>
    %slice3A_106 = vector.extract_strided_slice %add3A_103 {offsets = [0, 0], sizes = [2044, 128], strides = [1, 1]} : vector<2048x128xi32> to vector<2044x128xi32>
    %concatenate3A_107 = tpu.concatenate %broadcast_in_dim3A_105, %slice3A_106 in 0 : vector<4x128xi32>, vector<2044x128xi32> -> vector<2048x128xi32>
    %add3A_108 = arith.addi %add3A_103, %concatenate3A_107 : vector<2048x128xi32>
    %broadcast_in_dim3A_109 = arith.constant 0 : i32
    %broadcast_in_dim3A_110 = vector.broadcast %broadcast_in_dim3A_109 : i32 to vector<8x128xi32>
    %slice3A_111 = vector.extract_strided_slice %add3A_108 {offsets = [0, 0], sizes = [2040, 128], strides = [1, 1]} : vector<2048x128xi32> to vector<2040x128xi32>
    %concatenate3A_112 = tpu.concatenate %broadcast_in_dim3A_110, %slice3A_111 in 0 : vector<8x128xi32>, vector<2040x128xi32> -> vector<2048x128xi32>
    %add3A_113 = arith.addi %add3A_108, %concatenate3A_112 : vector<2048x128xi32>
    %broadcast_in_dim3A_114 = arith.constant 0 : i32
    %broadcast_in_dim3A_115 = vector.broadcast %broadcast_in_dim3A_114 : i32 to vector<16x128xi32>
    %slice3A_116 = vector.extract_strided_slice %add3A_113 {offsets = [0, 0], sizes = [2032, 128], strides = [1, 1]} : vector<2048x128xi32> to vector<2032x128xi32>
    %concatenate3A_117 = tpu.concatenate %broadcast_in_dim3A_115, %slice3A_116 in 0 : vector<16x128xi32>, vector<2032x128xi32> -> vector<2048x128xi32>
    %add3A_118 = arith.addi %add3A_113, %concatenate3A_117 : vector<2048x128xi32>
    %broadcast_in_dim3A_119 = arith.constant 0 : i32
    %broadcast_in_dim3A_120 = vector.broadcast %broadcast_in_dim3A_119 : i32 to vector<32x128xi32>
    %slice3A_121 = vector.extract_strided_slice %add3A_118 {offsets = [0, 0], sizes = [2016, 128], strides = [1, 1]} : vector<2048x128xi32> to vector<2016x128xi32>
    %concatenate3A_122 = tpu.concatenate %broadcast_in_dim3A_120, %slice3A_121 in 0 : vector<32x128xi32>, vector<2016x128xi32> -> vector<2048x128xi32>
    %add3A_123 = arith.addi %add3A_118, %concatenate3A_122 : vector<2048x128xi32>
    %broadcast_in_dim3A_124 = arith.constant 0 : i32
    %broadcast_in_dim3A_125 = vector.broadcast %broadcast_in_dim3A_124 : i32 to vector<64x128xi32>
    %slice3A_126 = vector.extract_strided_slice %add3A_123 {offsets = [0, 0], sizes = [1984, 128], strides = [1, 1]} : vector<2048x128xi32> to vector<1984x128xi32>
    %concatenate3A_127 = tpu.concatenate %broadcast_in_dim3A_125, %slice3A_126 in 0 : vector<64x128xi32>, vector<1984x128xi32> -> vector<2048x128xi32>
    %add3A_128 = arith.addi %add3A_123, %concatenate3A_127 : vector<2048x128xi32>
    %broadcast_in_dim3A_129 = arith.constant 0 : i32
    %broadcast_in_dim3A_130 = vector.broadcast %broadcast_in_dim3A_129 : i32 to vector<128x128xi32>
    %slice3A_131 = vector.extract_strided_slice %add3A_128 {offsets = [0, 0], sizes = [1920, 128], strides = [1, 1]} : vector<2048x128xi32> to vector<1920x128xi32>
    %concatenate3A_132 = tpu.concatenate %broadcast_in_dim3A_130, %slice3A_131 in 0 : vector<128x128xi32>, vector<1920x128xi32> -> vector<2048x128xi32>
    %add3A_133 = arith.addi %add3A_128, %concatenate3A_132 : vector<2048x128xi32>
    %broadcast_in_dim3A_134 = arith.constant 0 : i32
    %broadcast_in_dim3A_135 = vector.broadcast %broadcast_in_dim3A_134 : i32 to vector<256x128xi32>
    %slice3A_136 = vector.extract_strided_slice %add3A_133 {offsets = [0, 0], sizes = [1792, 128], strides = [1, 1]} : vector<2048x128xi32> to vector<1792x128xi32>
    %concatenate3A_137 = tpu.concatenate %broadcast_in_dim3A_135, %slice3A_136 in 0 : vector<256x128xi32>, vector<1792x128xi32> -> vector<2048x128xi32>
    %add3A_138 = arith.addi %add3A_133, %concatenate3A_137 : vector<2048x128xi32>
    %broadcast_in_dim3A_139 = arith.constant 0 : i32
    %broadcast_in_dim3A_140 = vector.broadcast %broadcast_in_dim3A_139 : i32 to vector<512x128xi32>
    %slice3A_141 = vector.extract_strided_slice %add3A_138 {offsets = [0, 0], sizes = [1536, 128], strides = [1, 1]} : vector<2048x128xi32> to vector<1536x128xi32>
    %concatenate3A_142 = tpu.concatenate %broadcast_in_dim3A_140, %slice3A_141 in 0 : vector<512x128xi32>, vector<1536x128xi32> -> vector<2048x128xi32>
    %add3A_143 = arith.addi %add3A_138, %concatenate3A_142 : vector<2048x128xi32>
    %broadcast_in_dim3A_144 = arith.constant 0 : i32
    %broadcast_in_dim3A_145 = vector.broadcast %broadcast_in_dim3A_144 : i32 to vector<1024x128xi32>
    %slice3A_146 = vector.extract_strided_slice %add3A_143 {offsets = [0, 0], sizes = [1024, 128], strides = [1, 1]} : vector<2048x128xi32> to vector<1024x128xi32>
    %concatenate3A_147 = tpu.concatenate %broadcast_in_dim3A_145, %slice3A_146 in 0 : vector<1024x128xi32>, vector<1024x128xi32> -> vector<2048x128xi32>
    %add3A_148 = arith.addi %add3A_143, %concatenate3A_147 : vector<2048x128xi32>
    %sub3A_149 = arith.subi %add3A_93, %convert_element_type3A : vector<2048x128xi32>
    %sub3A_150 = arith.subi %add3A_148, %convert_element_type3A_40 : vector<2048x128xi32>
    %slice3A_151 = vector.extract_strided_slice %add3A_93 {offsets = [2047, 0], sizes = [1, 128], strides = [1, 1]} : vector<2048x128xi32> to vector<1x128xi32>
    %slice3A_152 = vector.extract_strided_slice %add3A_148 {offsets = [2047, 0], sizes = [1, 128], strides = [1, 1]} : vector<2048x128xi32> to vector<1x128xi32>
    %add3A_153 = arith.addi %slice3A_151, %slice3A_152 : vector<1x128xi32>
    %add3A_154 = arith.constant 127 : i32
    %add3A_155 = vector.broadcast %add3A_154 : i32 to vector<1x128xi32>
    %add3A_156 = arith.addi %add3A_153, %add3A_155 : vector<1x128xi32>
    %jit3A_157 = arith.constant 128 : i32
    %div3A_158 = vector.broadcast %jit3A_157 : i32 to vector<1x128xi32>
    %div3A_159 = arith.divsi %add3A_156, %div3A_158 : vector<1x128xi32>
    %sign3A = arith.constant 0 : i32
    %sign3A_160 = vector.broadcast %sign3A : i32 to vector<1x128xi32>
    %sign3A_161 = arith.cmpi sgt, %add3A_156, %sign3A_160 : vector<1x128xi32>
    %sign3A_162 = arith.extui %sign3A_161 : vector<1x128xi1> to vector<1x128xi32>
    %sign3A_163 = arith.constant 0 : i32
    %sign3A_164 = vector.broadcast %sign3A_163 : i32 to vector<1x128xi32>
    %sign3A_165 = arith.cmpi slt, %add3A_156, %sign3A_164 : vector<1x128xi32>
    %sign3A_166 = arith.extui %sign3A_165 : vector<1x128xi1> to vector<1x128xi32>
    %sign3A_167 = arith.subi %sign3A_162, %sign3A_166 : vector<1x128xi32>
    %sign3A_168 = arith.constant 0 : i32
    %sign3A_169 = arith.cmpi sgt, %jit3A_157, %sign3A_168 : i32
    %sign3A_170 = arith.extui %sign3A_169 : i1 to i32
    %sign3A_171 = arith.constant 0 : i32
    %sign3A_172 = arith.cmpi slt, %jit3A_157, %sign3A_171 : i32
    %sign3A_173 = arith.extui %sign3A_172 : i1 to i32
    %sign3A_174 = arith.subi %sign3A_170, %sign3A_173 : i32
    %ne3A = vector.broadcast %sign3A_174 : i32 to vector<1x128xi32>
    %ne3A_175 = arith.cmpi ne, %sign3A_167, %ne3A : vector<1x128xi32>
    %rem3A = vector.broadcast %jit3A_157 : i32 to vector<1x128xi32>
    %rem3A_176 = arith.remsi %add3A_156, %rem3A : vector<1x128xi32>
    %ne3A_177 = arith.constant 0 : i32
    %ne3A_178 = vector.broadcast %ne3A_177 : i32 to vector<1x128xi32>
    %ne3A_179 = arith.cmpi ne, %rem3A_176, %ne3A_178 : vector<1x128xi32>
    %and3A = arith.andi %ne3A_175, %ne3A_179 : vector<1x128xi1>
    %sub3A_180 = arith.constant 1 : i32
    %sub3A_181 = vector.broadcast %sub3A_180 : i32 to vector<1x128xi32>
    %sub3A_182 = arith.subi %div3A_159, %sub3A_181 : vector<1x128xi32>
    %select_n3A_183 = arith.select %and3A, %sub3A_182, %div3A_159 : vector<1x128xi1>, vector<1x128xi32>
    %broadcast_in_dim3A_184 = arith.constant 0 : i32
    %broadcast_in_dim3A_185 = vector.broadcast %broadcast_in_dim3A_184 : i32 to vector<1x1xi32>
    %slice3A_186 = vector.extract_strided_slice %select_n3A_183 {offsets = [0, 0], sizes = [1, 127], strides = [1, 1]} : vector<1x128xi32> to vector<1x127xi32>
    %concatenate3A_187 = tpu.concatenate %broadcast_in_dim3A_185, %slice3A_186 in 1 : vector<1x1xi32>, vector<1x127xi32> -> vector<1x128xi32>
    %add3A_188 = arith.addi %select_n3A_183, %concatenate3A_187 : vector<1x128xi32>
    %broadcast_in_dim3A_189 = arith.constant 0 : i32
    %broadcast_in_dim3A_190 = vector.broadcast %broadcast_in_dim3A_189 : i32 to vector<1x2xi32>
    %slice3A_191 = vector.extract_strided_slice %add3A_188 {offsets = [0, 0], sizes = [1, 126], strides = [1, 1]} : vector<1x128xi32> to vector<1x126xi32>
    %concatenate3A_192 = tpu.concatenate %broadcast_in_dim3A_190, %slice3A_191 in 1 : vector<1x2xi32>, vector<1x126xi32> -> vector<1x128xi32>
    %add3A_193 = arith.addi %add3A_188, %concatenate3A_192 : vector<1x128xi32>
    %broadcast_in_dim3A_194 = arith.constant 0 : i32
    %broadcast_in_dim3A_195 = vector.broadcast %broadcast_in_dim3A_194 : i32 to vector<1x4xi32>
    %slice3A_196 = vector.extract_strided_slice %add3A_193 {offsets = [0, 0], sizes = [1, 124], strides = [1, 1]} : vector<1x128xi32> to vector<1x124xi32>
    %concatenate3A_197 = tpu.concatenate %broadcast_in_dim3A_195, %slice3A_196 in 1 : vector<1x4xi32>, vector<1x124xi32> -> vector<1x128xi32>
    %add3A_198 = arith.addi %add3A_193, %concatenate3A_197 : vector<1x128xi32>
    %broadcast_in_dim3A_199 = arith.constant 0 : i32
    %broadcast_in_dim3A_200 = vector.broadcast %broadcast_in_dim3A_199 : i32 to vector<1x8xi32>
    %slice3A_201 = vector.extract_strided_slice %add3A_198 {offsets = [0, 0], sizes = [1, 120], strides = [1, 1]} : vector<1x128xi32> to vector<1x120xi32>
    %concatenate3A_202 = tpu.concatenate %broadcast_in_dim3A_200, %slice3A_201 in 1 : vector<1x8xi32>, vector<1x120xi32> -> vector<1x128xi32>
    %add3A_203 = arith.addi %add3A_198, %concatenate3A_202 : vector<1x128xi32>
    %broadcast_in_dim3A_204 = arith.constant 0 : i32
    %broadcast_in_dim3A_205 = vector.broadcast %broadcast_in_dim3A_204 : i32 to vector<1x16xi32>
    %slice3A_206 = vector.extract_strided_slice %add3A_203 {offsets = [0, 0], sizes = [1, 112], strides = [1, 1]} : vector<1x128xi32> to vector<1x112xi32>
    %concatenate3A_207 = tpu.concatenate %broadcast_in_dim3A_205, %slice3A_206 in 1 : vector<1x16xi32>, vector<1x112xi32> -> vector<1x128xi32>
    %add3A_208 = arith.addi %add3A_203, %concatenate3A_207 : vector<1x128xi32>
    %broadcast_in_dim3A_209 = arith.constant 0 : i32
    %broadcast_in_dim3A_210 = vector.broadcast %broadcast_in_dim3A_209 : i32 to vector<1x32xi32>
    %slice3A_211 = vector.extract_strided_slice %add3A_208 {offsets = [0, 0], sizes = [1, 96], strides = [1, 1]} : vector<1x128xi32> to vector<1x96xi32>
    %concatenate3A_212 = tpu.concatenate %broadcast_in_dim3A_210, %slice3A_211 in 1 : vector<1x32xi32>, vector<1x96xi32> -> vector<1x128xi32>
    %add3A_213 = arith.addi %add3A_208, %concatenate3A_212 : vector<1x128xi32>
    %broadcast_in_dim3A_214 = arith.constant 0 : i32
    %broadcast_in_dim3A_215 = vector.broadcast %broadcast_in_dim3A_214 : i32 to vector<1x64xi32>
    %slice3A_216 = vector.extract_strided_slice %add3A_213 {offsets = [0, 0], sizes = [1, 64], strides = [1, 1]} : vector<1x128xi32> to vector<1x64xi32>
    %concatenate3A_217 = tpu.concatenate %broadcast_in_dim3A_215, %slice3A_216 in 1 : vector<1x64xi32>, vector<1x64xi32> -> vector<1x128xi32>
    %add3A_218 = arith.addi %add3A_213, %concatenate3A_217 : vector<1x128xi32>
    %sub3A_219 = arith.subi %add3A_218, %select_n3A_183 : vector<1x128xi32>
    %mul3A = arith.constant 128 : i32
    %mul3A_220 = vector.broadcast %mul3A : i32 to vector<1x128xi32>
    %mul3A_221 = arith.muli %sub3A_219, %mul3A_220 : vector<1x128xi32>
    %add3A_222 = vector.broadcast %mul3A_221 : vector<1x128xi32> to vector<2048x128xi32>
    %add3A_223 = arith.addi %add3A_222, %sub3A_149 : vector<2048x128xi32>
    %mul3A_224 = arith.muli %convert_element_type3A, %add3A_223 : vector<2048x128xi32>
    %reduce_sum3A = arith.constant dense<0> : vector<2048xi32>
    %reduce_sum3A_225 = vector.multi_reduction <add>, %mul3A_224, %reduce_sum3A [1] : vector<2048x128xi32> to vector<2048xi32>
    %broadcast_in_dim3A_226 = vector.shape_cast %reduce_sum3A_225 : vector<2048xi32> to vector<2048x1xi32>
    %add3A_227 = arith.addi %mul3A_221, %slice3A_151 : vector<1x128xi32>
    %add3A_228 = vector.broadcast %add3A_227 : vector<1x128xi32> to vector<2048x128xi32>
    %add3A_229 = arith.addi %add3A_228, %sub3A_150 : vector<2048x128xi32>
    %mul3A_230 = arith.muli %convert_element_type3A_40, %add3A_229 : vector<2048x128xi32>
    %reduce_sum3A_231 = arith.constant dense<0> : vector<2048xi32>
    %reduce_sum3A_232 = vector.multi_reduction <add>, %mul3A_230, %reduce_sum3A_231 [1] : vector<2048x128xi32> to vector<2048xi32>
    %broadcast_in_dim3A_233 = vector.shape_cast %reduce_sum3A_232 : vector<2048xi32> to vector<2048x1xi32>
    %concatenate3A_234 = tpu.concatenate %broadcast_in_dim3A_226, %broadcast_in_dim3A_233 in 1 : vector<2048x1xi32>, vector<2048x1xi32> -> vector<2048x2xi32>
    %swap3A = arith.constant 0 : index
    %swap3A_235 = arith.constant 0 : index
    %swap3A_236 = vector.load %arg2[%swap3A, %swap3A_235] : memref<2048x2xi32, #tpu.memory_space<vmem>>, vector<2048x2xi32>
    tpu.vector_store %arg2[%swap3A, %swap3A_235], %concatenate3A_234 {strides = array<i32>} : memref<2048x2xi32, #tpu.memory_space<vmem>>, vector<2048x2xi32>,
    %concatenate3A_237 = tpu.concatenate %div3A_30, %div3A_34 in 1 : vector<2048x1xf32>, vector<2048x1xf32> -> vector<2048x2xf32>
    %swap3A_238 = arith.constant 0 : index
    %swap3A_239 = arith.constant 0 : index
    %swap3A_240 = vector.load %arg3[%swap3A_238, %swap3A_239] : memref<2048x2xf32, #tpu.memory_space<vmem>>, vector<2048x2xf32>
    tpu.vector_store %arg3[%swap3A_238, %swap3A_239], %concatenate3A_237 {strides = array<i32>} : memref<2048x2xf32, #tpu.memory_space<vmem>>, vector<2048x2xf32>,
    %iota3A_241 = tpu.iota {dimensions = array<i32: 1>} : vector<1x128xi32>
    %broadcast_in_dim3A_242 = arith.constant 0 : i32
    %broadcast_in_dim3A_243 = vector.broadcast %broadcast_in_dim3A_242 : i32 to vector<1x128xi32>
    %slice3A_244 = vector.extract_strided_slice %add3A_218 {offsets = [0, 0], sizes = [1, 1], strides = [1, 1]} : vector<1x128xi32> to vector<1x1xi32>
    %squeeze3A = vector.extract %slice3A_244[0, 0] : i32 from vector<1x1xi32>
    %le3A = vector.broadcast %squeeze3A : i32 to vector<1x128xi32>
    %le3A_245 = arith.cmpi sle, %le3A, %iota3A_241 : vector<1x128xi32>
    %jit3A_246 = arith.constant 1 : i32
    %jit3A_247 = arith.constant 0 : i32
    %broadcast_in_dim3A_248 = vector.broadcast %jit3A_246 : i32 to vector<1x128xi32>
    %broadcast_in_dim3A_249 = vector.broadcast %jit3A_247 : i32 to vector<1x128xi32>
    %select_n3A_250 = arith.select %le3A_245, %broadcast_in_dim3A_248, %broadcast_in_dim3A_249 : vector<1x128xi1>, vector<1x128xi32>
    %add3A_251 = arith.addi %broadcast_in_dim3A_243, %select_n3A_250 : vector<1x128xi32>
    %slice3A_252 = vector.extract_strided_slice %add3A_218 {offsets = [0, 1], sizes = [1, 1], strides = [1, 1]} : vector<1x128xi32> to vector<1x1xi32>
    %squeeze3A_253 = vector.extract %slice3A_252[0, 0] : i32 from vector<1x1xi32>
    %le3A_254 = vector.broadcast %squeeze3A_253 : i32 to vector<1x128xi32>
    %le3A_255 = arith.cmpi sle, %le3A_254, %iota3A_241 : vector<1x128xi32>
    %jit3A_256 = arith.constant 1 : i32
    %jit3A_257 = arith.constant 0 : i32
    %broadcast_in_dim3A_258 = vector.broadcast %jit3A_256 : i32 to vector<1x128xi32>
    %broadcast_in_dim3A_259 = vector.broadcast %jit3A_257 : i32 to vector<1x128xi32>
    %select_n3A_260 = arith.select %le3A_255, %broadcast_in_dim3A_258, %broadcast_in_dim3A_259 : vector<1x128xi1>, vector<1x128xi32>
    %add3A_261 = arith.addi %add3A_251, %select_n3A_260 : vector<1x128xi32>
    %slice3A_262 = vector.extract_strided_slice %add3A_218 {offsets = [0, 2], sizes = [1, 1], strides = [1, 1]} : vector<1x128xi32> to vector<1x1xi32>
    %squeeze3A_263 = vector.extract %slice3A_262[0, 0] : i32 from vector<1x1xi32>
    %le3A_264 = vector.broadcast %squeeze3A_263 : i32 to vector<1x128xi32>
    %le3A_265 = arith.cmpi sle, %le3A_264, %iota3A_241 : vector<1x128xi32>
    %jit3A_266 = arith.constant 1 : i32
    %jit3A_267 = arith.constant 0 : i32
    %broadcast_in_dim3A_268 = vector.broadcast %jit3A_266 : i32 to vector<1x128xi32>
    %broadcast_in_dim3A_269 = vector.broadcast %jit3A_267 : i32 to vector<1x128xi32>
    %select_n3A_270 = arith.select %le3A_265, %broadcast_in_dim3A_268, %broadcast_in_dim3A_269 : vector<1x128xi1>, vector<1x128xi32>
    %add3A_271 = arith.addi %add3A_261, %select_n3A_270 : vector<1x128xi32>
    %slice3A_272 = vector.extract_strided_slice %add3A_218 {offsets = [0, 3], sizes = [1, 1], strides = [1, 1]} : vector<1x128xi32> to vector<1x1xi32>
    %squeeze3A_273 = vector.extract %slice3A_272[0, 0] : i32 from vector<1x1xi32>
    %le3A_274 = vector.broadcast %squeeze3A_273 : i32 to vector<1x128xi32>
    %le3A_275 = arith.cmpi sle, %le3A_274, %iota3A_241 : vector<1x128xi32>
    %jit3A_276 = arith.constant 1 : i32
    %jit3A_277 = arith.constant 0 : i32
    %broadcast_in_dim3A_278 = vector.broadcast %jit3A_276 : i32 to vector<1x128xi32>
    %broadcast_in_dim3A_279 = vector.broadcast %jit3A_277 : i32 to vector<1x128xi32>
    %select_n3A_280 = arith.select %le3A_275, %broadcast_in_dim3A_278, %broadcast_in_dim3A_279 : vector<1x128xi1>, vector<1x128xi32>
    %add3A_281 = arith.addi %add3A_271, %select_n3A_280 : vector<1x128xi32>
    %slice3A_282 = vector.extract_strided_slice %add3A_218 {offsets = [0, 4], sizes = [1, 1], strides = [1, 1]} : vector<1x128xi32> to vector<1x1xi32>
    %squeeze3A_283 = vector.extract %slice3A_282[0, 0] : i32 from vector<1x1xi32>
    %le3A_284 = vector.broadcast %squeeze3A_283 : i32 to vector<1x128xi32>
    %le3A_285 = arith.cmpi sle, %le3A_284, %iota3A_241 : vector<1x128xi32>
    %jit3A_286 = arith.constant 1 : i32
    %jit3A_287 = arith.constant 0 : i32
    %broadcast_in_dim3A_288 = vector.broadcast %jit3A_286 : i32 to vector<1x128xi32>
    %broadcast_in_dim3A_289 = vector.broadcast %jit3A_287 : i32 to vector<1x128xi32>
    %select_n3A_290 = arith.select %le3A_285, %broadcast_in_dim3A_288, %broadcast_in_dim3A_289 : vector<1x128xi1>, vector<1x128xi32>
    %add3A_291 = arith.addi %add3A_281, %select_n3A_290 : vector<1x128xi32>
    %slice3A_292 = vector.extract_strided_slice %add3A_218 {offsets = [0, 5], sizes = [1, 1], strides = [1, 1]} : vector<1x128xi32> to vector<1x1xi32>
    %squeeze3A_293 = vector.extract %slice3A_292[0, 0] : i32 from vector<1x1xi32>
    %le3A_294 = vector.broadcast %squeeze3A_293 : i32 to vector<1x128xi32>
    %le3A_295 = arith.cmpi sle, %le3A_294, %iota3A_241 : vector<1x128xi32>
    %jit3A_296 = arith.constant 1 : i32
    %jit3A_297 = arith.constant 0 : i32
    %broadcast_in_dim3A_298 = vector.broadcast %jit3A_296 : i32 to vector<1x128xi32>
    %broadcast_in_dim3A_299 = vector.broadcast %jit3A_297 : i32 to vector<1x128xi32>
    %select_n3A_300 = arith.select %le3A_295, %broadcast_in_dim3A_298, %broadcast_in_dim3A_299 : vector<1x128xi1>, vector<1x128xi32>
    %add3A_301 = arith.addi %add3A_291, %select_n3A_300 : vector<1x128xi32>
    %slice3A_302 = vector.extract_strided_slice %add3A_218 {offsets = [0, 6], sizes = [1, 1], strides = [1, 1]} : vector<1x128xi32> to vector<1x1xi32>
    %squeeze3A_303 = vector.extract %slice3A_302[0, 0] : i32 from vector<1x1xi32>
    %le3A_304 = vector.broadcast %squeeze3A_303 : i32 to vector<1x128xi32>
    %le3A_305 = arith.cmpi sle, %le3A_304, %iota3A_241 : vector<1x128xi32>
    %jit3A_306 = arith.constant 1 : i32
    %jit3A_307 = arith.constant 0 : i32
    %broadcast_in_dim3A_308 = vector.broadcast %jit3A_306 : i32 to vector<1x128xi32>
    %broadcast_in_dim3A_309 = vector.broadcast %jit3A_307 : i32 to vector<1x128xi32>
    %select_n3A_310 = arith.select %le3A_305, %broadcast_in_dim3A_308, %broadcast_in_dim3A_309 : vector<1x128xi1>, vector<1x128xi32>
    %add3A_311 = arith.addi %add3A_301, %select_n3A_310 : vector<1x128xi32>
    %slice3A_312 = vector.extract_strided_slice %add3A_218 {offsets = [0, 7], sizes = [1, 1], strides = [1, 1]} : vector<1x128xi32> to vector<1x1xi32>
    %squeeze3A_313 = vector.extract %slice3A_312[0, 0] : i32 from vector<1x1xi32>
    %le3A_314 = vector.broadcast %squeeze3A_313 : i32 to vector<1x128xi32>
    %le3A_315 = arith.cmpi sle, %le3A_314, %iota3A_241 : vector<1x128xi32>
    %jit3A_316 = arith.constant 1 : i32
    %jit3A_317 = arith.constant 0 : i32
    %broadcast_in_dim3A_318 = vector.broadcast %jit3A_316 : i32 to vector<1x128xi32>
    %broadcast_in_dim3A_319 = vector.broadcast %jit3A_317 : i32 to vector<1x128xi32>
    %select_n3A_320 = arith.select %le3A_315, %broadcast_in_dim3A_318, %broadcast_in_dim3A_319 : vector<1x128xi1>, vector<1x128xi32>
    %add3A_321 = arith.addi %add3A_311, %select_n3A_320 : vector<1x128xi32>
    %slice3A_322 = vector.extract_strided_slice %add3A_218 {offsets = [0, 8], sizes = [1, 1], strides = [1, 1]} : vector<1x128xi32> to vector<1x1xi32>
    %squeeze3A_323 = vector.extract %slice3A_322[0, 0] : i32 from vector<1x1xi32>
    %le3A_324 = vector.broadcast %squeeze3A_323 : i32 to vector<1x128xi32>
    %le3A_325 = arith.cmpi sle, %le3A_324, %iota3A_241 : vector<1x128xi32>
    %jit3A_326 = arith.constant 1 : i32
    %jit3A_327 = arith.constant 0 : i32
    %broadcast_in_dim3A_328 = vector.broadcast %jit3A_326 : i32 to vector<1x128xi32>
    %broadcast_in_dim3A_329 = vector.broadcast %jit3A_327 : i32 to vector<1x128xi32>
    %select_n3A_330 = arith.select %le3A_325, %broadcast_in_dim3A_328, %broadcast_in_dim3A_329 : vector<1x128xi1>, vector<1x128xi32>
    %add3A_331 = arith.addi %add3A_321, %select_n3A_330 : vector<1x128xi32>
    %slice3A_332 = vector.extract_strided_slice %add3A_218 {offsets = [0, 9], sizes = [1, 1], strides = [1, 1]} : vector<1x128xi32> to vector<1x1xi32>
    %squeeze3A_333 = vector.extract %slice3A_332[0, 0] : i32 from vector<1x1xi32>
    %le3A_334 = vector.broadcast %squeeze3A_333 : i32 to vector<1x128xi32>
    %le3A_335 = arith.cmpi sle, %le3A_334, %iota3A_241 : vector<1x128xi32>
    %jit3A_336 = arith.constant 1 : i32
    %jit3A_337 = arith.constant 0 : i32
    %broadcast_in_dim3A_338 = vector.broadcast %jit3A_336 : i32 to vector<1x128xi32>
    %broadcast_in_dim3A_339 = vector.broadcast %jit3A_337 : i32 to vector<1x128xi32>
    %select_n3A_340 = arith.select %le3A_335, %broadcast_in_dim3A_338, %broadcast_in_dim3A_339 : vector<1x128xi1>, vector<1x128xi32>
    %add3A_341 = arith.addi %add3A_331, %select_n3A_340 : vector<1x128xi32>
    %slice3A_342 = vector.extract_strided_slice %add3A_218 {offsets = [0, 10], sizes = [1, 1], strides = [1, 1]} : vector<1x128xi32> to vector<1x1xi32>
    %squeeze3A_343 = vector.extract %slice3A_342[0, 0] : i32 from vector<1x1xi32>
    %le3A_344 = vector.broadcast %squeeze3A_343 : i32 to vector<1x128xi32>
    %le3A_345 = arith.cmpi sle, %le3A_344, %iota3A_241 : vector<1x128xi32>
    %jit3A_346 = arith.constant 1 : i32
    %jit3A_347 = arith.constant 0 : i32
    %broadcast_in_dim3A_348 = vector.broadcast %jit3A_346 : i32 to vector<1x128xi32>
    %broadcast_in_dim3A_349 = vector.broadcast %jit3A_347 : i32 to vector<1x128xi32>
    %select_n3A_350 = arith.select %le3A_345, %broadcast_in_dim3A_348, %broadcast_in_dim3A_349 : vector<1x128xi1>, vector<1x128xi32>
    %add3A_351 = arith.addi %add3A_341, %select_n3A_350 : vector<1x128xi32>
    %slice3A_352 = vector.extract_strided_slice %add3A_218 {offsets = [0, 11], sizes = [1, 1], strides = [1, 1]} : vector<1x128xi32> to vector<1x1xi32>
    %squeeze3A_353 = vector.extract %slice3A_352[0, 0] : i32 from vector<1x1xi32>
    %le3A_354 = vector.broadcast %squeeze3A_353 : i32 to vector<1x128xi32>
    %le3A_355 = arith.cmpi sle, %le3A_354, %iota3A_241 : vector<1x128xi32>
    %jit3A_356 = arith.constant 1 : i32
    %jit3A_357 = arith.constant 0 : i32
    %broadcast_in_dim3A_358 = vector.broadcast %jit3A_356 : i32 to vector<1x128xi32>
    %broadcast_in_dim3A_359 = vector.broadcast %jit3A_357 : i32 to vector<1x128xi32>
    %select_n3A_360 = arith.select %le3A_355, %broadcast_in_dim3A_358, %broadcast_in_dim3A_359 : vector<1x128xi1>, vector<1x128xi32>
    %add3A_361 = arith.addi %add3A_351, %select_n3A_360 : vector<1x128xi32>
    %slice3A_362 = vector.extract_strided_slice %add3A_218 {offsets = [0, 12], sizes = [1, 1], strides = [1, 1]} : vector<1x128xi32> to vector<1x1xi32>
    %squeeze3A_363 = vector.extract %slice3A_362[0, 0] : i32 from vector<1x1xi32>
    %le3A_364 = vector.broadcast %squeeze3A_363 : i32 to vector<1x128xi32>
    %le3A_365 = arith.cmpi sle, %le3A_364, %iota3A_241 : vector<1x128xi32>
    %jit3A_366 = arith.constant 1 : i32
    %jit3A_367 = arith.constant 0 : i32
    %broadcast_in_dim3A_368 = vector.broadcast %jit3A_366 : i32 to vector<1x128xi32>
    %broadcast_in_dim3A_369 = vector.broadcast %jit3A_367 : i32 to vector<1x128xi32>
    %select_n3A_370 = arith.select %le3A_365, %broadcast_in_dim3A_368, %broadcast_in_dim3A_369 : vector<1x128xi1>, vector<1x128xi32>
    %add3A_371 = arith.addi %add3A_361, %select_n3A_370 : vector<1x128xi32>
    %slice3A_372 = vector.extract_strided_slice %add3A_218 {offsets = [0, 13], sizes = [1, 1], strides = [1, 1]} : vector<1x128xi32> to vector<1x1xi32>
    %squeeze3A_373 = vector.extract %slice3A_372[0, 0] : i32 from vector<1x1xi32>
    %le3A_374 = vector.broadcast %squeeze3A_373 : i32 to vector<1x128xi32>
    %le3A_375 = arith.cmpi sle, %le3A_374, %iota3A_241 : vector<1x128xi32>
    %jit3A_376 = arith.constant 1 : i32
    %jit3A_377 = arith.constant 0 : i32
    %broadcast_in_dim3A_378 = vector.broadcast %jit3A_376 : i32 to vector<1x128xi32>
    %broadcast_in_dim3A_379 = vector.broadcast %jit3A_377 : i32 to vector<1x128xi32>
    %select_n3A_380 = arith.select %le3A_375, %broadcast_in_dim3A_378, %broadcast_in_dim3A_379 : vector<1x128xi1>, vector<1x128xi32>
    %add3A_381 = arith.addi %add3A_371, %select_n3A_380 : vector<1x128xi32>
    %slice3A_382 = vector.extract_strided_slice %add3A_218 {offsets = [0, 14], sizes = [1, 1], strides = [1, 1]} : vector<1x128xi32> to vector<1x1xi32>
    %squeeze3A_383 = vector.extract %slice3A_382[0, 0] : i32 from vector<1x1xi32>
    %le3A_384 = vector.broadcast %squeeze3A_383 : i32 to vector<1x128xi32>
    %le3A_385 = arith.cmpi sle, %le3A_384, %iota3A_241 : vector<1x128xi32>
    %jit3A_386 = arith.constant 1 : i32
    %jit3A_387 = arith.constant 0 : i32
    %broadcast_in_dim3A_388 = vector.broadcast %jit3A_386 : i32 to vector<1x128xi32>
    %broadcast_in_dim3A_389 = vector.broadcast %jit3A_387 : i32 to vector<1x128xi32>
    %select_n3A_390 = arith.select %le3A_385, %broadcast_in_dim3A_388, %broadcast_in_dim3A_389 : vector<1x128xi1>, vector<1x128xi32>
    %add3A_391 = arith.addi %add3A_381, %select_n3A_390 : vector<1x128xi32>
    %slice3A_392 = vector.extract_strided_slice %add3A_218 {offsets = [0, 15], sizes = [1, 1], strides = [1, 1]} : vector<1x128xi32> to vector<1x1xi32>
    %squeeze3A_393 = vector.extract %slice3A_392[0, 0] : i32 from vector<1x1xi32>
    %le3A_394 = vector.broadcast %squeeze3A_393 : i32 to vector<1x128xi32>
    %le3A_395 = arith.cmpi sle, %le3A_394, %iota3A_241 : vector<1x128xi32>
    %jit3A_396 = arith.constant 1 : i32
    %jit3A_397 = arith.constant 0 : i32
    %broadcast_in_dim3A_398 = vector.broadcast %jit3A_396 : i32 to vector<1x128xi32>
    %broadcast_in_dim3A_399 = vector.broadcast %jit3A_397 : i32 to vector<1x128xi32>
    %select_n3A_400 = arith.select %le3A_395, %broadcast_in_dim3A_398, %broadcast_in_dim3A_399 : vector<1x128xi1>, vector<1x128xi32>
    %add3A_401 = arith.addi %add3A_391, %select_n3A_400 : vector<1x128xi32>
    %slice3A_402 = vector.extract_strided_slice %add3A_218 {offsets = [0, 16], sizes = [1, 1], strides = [1, 1]} : vector<1x128xi32> to vector<1x1xi32>
    %squeeze3A_403 = vector.extract %slice3A_402[0, 0] : i32 from vector<1x1xi32>
    %le3A_404 = vector.broadcast %squeeze3A_403 : i32 to vector<1x128xi32>
    %le3A_405 = arith.cmpi sle, %le3A_404, %iota3A_241 : vector<1x128xi32>
    %jit3A_406 = arith.constant 1 : i32
    %jit3A_407 = arith.constant 0 : i32
    %broadcast_in_dim3A_408 = vector.broadcast %jit3A_406 : i32 to vector<1x128xi32>
    %broadcast_in_dim3A_409 = vector.broadcast %jit3A_407 : i32 to vector<1x128xi32>
    %select_n3A_410 = arith.select %le3A_405, %broadcast_in_dim3A_408, %broadcast_in_dim3A_409 : vector<1x128xi1>, vector<1x128xi32>
    %add3A_411 = arith.addi %add3A_401, %select_n3A_410 : vector<1x128xi32>
    %slice3A_412 = vector.extract_strided_slice %add3A_218 {offsets = [0, 17], sizes = [1, 1], strides = [1, 1]} : vector<1x128xi32> to vector<1x1xi32>
    %squeeze3A_413 = vector.extract %slice3A_412[0, 0] : i32 from vector<1x1xi32>
    %le3A_414 = vector.broadcast %squeeze3A_413 : i32 to vector<1x128xi32>
    %le3A_415 = arith.cmpi sle, %le3A_414, %iota3A_241 : vector<1x128xi32>
    %jit3A_416 = arith.constant 1 : i32
    %jit3A_417 = arith.constant 0 : i32
    %broadcast_in_dim3A_418 = vector.broadcast %jit3A_416 : i32 to vector<1x128xi32>
    %broadcast_in_dim3A_419 = vector.broadcast %jit3A_417 : i32 to vector<1x128xi32>
    %select_n3A_420 = arith.select %le3A_415, %broadcast_in_dim3A_418, %broadcast_in_dim3A_419 : vector<1x128xi1>, vector<1x128xi32>
    %add3A_421 = arith.addi %add3A_411, %select_n3A_420 : vector<1x128xi32>
    %slice3A_422 = vector.extract_strided_slice %add3A_218 {offsets = [0, 18], sizes = [1, 1], strides = [1, 1]} : vector<1x128xi32> to vector<1x1xi32>
    %squeeze3A_423 = vector.extract %slice3A_422[0, 0] : i32 from vector<1x1xi32>
    %le3A_424 = vector.broadcast %squeeze3A_423 : i32 to vector<1x128xi32>
    %le3A_425 = arith.cmpi sle, %le3A_424, %iota3A_241 : vector<1x128xi32>
    %jit3A_426 = arith.constant 1 : i32
    %jit3A_427 = arith.constant 0 : i32
    %broadcast_in_dim3A_428 = vector.broadcast %jit3A_426 : i32 to vector<1x128xi32>
    %broadcast_in_dim3A_429 = vector.broadcast %jit3A_427 : i32 to vector<1x128xi32>
    %select_n3A_430 = arith.select %le3A_425, %broadcast_in_dim3A_428, %broadcast_in_dim3A_429 : vector<1x128xi1>, vector<1x128xi32>
    %add3A_431 = arith.addi %add3A_421, %select_n3A_430 : vector<1x128xi32>
    %slice3A_432 = vector.extract_strided_slice %add3A_218 {offsets = [0, 19], sizes = [1, 1], strides = [1, 1]} : vector<1x128xi32> to vector<1x1xi32>
    %squeeze3A_433 = vector.extract %slice3A_432[0, 0] : i32 from vector<1x1xi32>
    %le3A_434 = vector.broadcast %squeeze3A_433 : i32 to vector<1x128xi32>
    %le3A_435 = arith.cmpi sle, %le3A_434, %iota3A_241 : vector<1x128xi32>
    %jit3A_436 = arith.constant 1 : i32
    %jit3A_437 = arith.constant 0 : i32
    %broadcast_in_dim3A_438 = vector.broadcast %jit3A_436 : i32 to vector<1x128xi32>
    %broadcast_in_dim3A_439 = vector.broadcast %jit3A_437 : i32 to vector<1x128xi32>
    %select_n3A_440 = arith.select %le3A_435, %broadcast_in_dim3A_438, %broadcast_in_dim3A_439 : vector<1x128xi1>, vector<1x128xi32>
    %add3A_441 = arith.addi %add3A_431, %select_n3A_440 : vector<1x128xi32>
    %slice3A_442 = vector.extract_strided_slice %add3A_218 {offsets = [0, 20], sizes = [1, 1], strides = [1, 1]} : vector<1x128xi32> to vector<1x1xi32>
    %squeeze3A_443 = vector.extract %slice3A_442[0, 0] : i32 from vector<1x1xi32>
    %le3A_444 = vector.broadcast %squeeze3A_443 : i32 to vector<1x128xi32>
    %le3A_445 = arith.cmpi sle, %le3A_444, %iota3A_241 : vector<1x128xi32>
    %jit3A_446 = arith.constant 1 : i32
    %jit3A_447 = arith.constant 0 : i32
    %broadcast_in_dim3A_448 = vector.broadcast %jit3A_446 : i32 to vector<1x128xi32>
    %broadcast_in_dim3A_449 = vector.broadcast %jit3A_447 : i32 to vector<1x128xi32>
    %select_n3A_450 = arith.select %le3A_445, %broadcast_in_dim3A_448, %broadcast_in_dim3A_449 : vector<1x128xi1>, vector<1x128xi32>
    %add3A_451 = arith.addi %add3A_441, %select_n3A_450 : vector<1x128xi32>
    %slice3A_452 = vector.extract_strided_slice %add3A_218 {offsets = [0, 21], sizes = [1, 1], strides = [1, 1]} : vector<1x128xi32> to vector<1x1xi32>
    %squeeze3A_453 = vector.extract %slice3A_452[0, 0] : i32 from vector<1x1xi32>
    %le3A_454 = vector.broadcast %squeeze3A_453 : i32 to vector<1x128xi32>
    %le3A_455 = arith.cmpi sle, %le3A_454, %iota3A_241 : vector<1x128xi32>
    %jit3A_456 = arith.constant 1 : i32
    %jit3A_457 = arith.constant 0 : i32
    %broadcast_in_dim3A_458 = vector.broadcast %jit3A_456 : i32 to vector<1x128xi32>
    %broadcast_in_dim3A_459 = vector.broadcast %jit3A_457 : i32 to vector<1x128xi32>
    %select_n3A_460 = arith.select %le3A_455, %broadcast_in_dim3A_458, %broadcast_in_dim3A_459 : vector<1x128xi1>, vector<1x128xi32>
    %add3A_461 = arith.addi %add3A_451, %select_n3A_460 : vector<1x128xi32>
    %slice3A_462 = vector.extract_strided_slice %add3A_218 {offsets = [0, 22], sizes = [1, 1], strides = [1, 1]} : vector<1x128xi32> to vector<1x1xi32>
    %squeeze3A_463 = vector.extract %slice3A_462[0, 0] : i32 from vector<1x1xi32>
    %le3A_464 = vector.broadcast %squeeze3A_463 : i32 to vector<1x128xi32>
    %le3A_465 = arith.cmpi sle, %le3A_464, %iota3A_241 : vector<1x128xi32>
    %jit3A_466 = arith.constant 1 : i32
    %jit3A_467 = arith.constant 0 : i32
    %broadcast_in_dim3A_468 = vector.broadcast %jit3A_466 : i32 to vector<1x128xi32>
    %broadcast_in_dim3A_469 = vector.broadcast %jit3A_467 : i32 to vector<1x128xi32>
    %select_n3A_470 = arith.select %le3A_465, %broadcast_in_dim3A_468, %broadcast_in_dim3A_469 : vector<1x128xi1>, vector<1x128xi32>
    %add3A_471 = arith.addi %add3A_461, %select_n3A_470 : vector<1x128xi32>
    %slice3A_472 = vector.extract_strided_slice %add3A_218 {offsets = [0, 23], sizes = [1, 1], strides = [1, 1]} : vector<1x128xi32> to vector<1x1xi32>
    %squeeze3A_473 = vector.extract %slice3A_472[0, 0] : i32 from vector<1x1xi32>
    %le3A_474 = vector.broadcast %squeeze3A_473 : i32 to vector<1x128xi32>
    %le3A_475 = arith.cmpi sle, %le3A_474, %iota3A_241 : vector<1x128xi32>
    %jit3A_476 = arith.constant 1 : i32
    %jit3A_477 = arith.constant 0 : i32
    %broadcast_in_dim3A_478 = vector.broadcast %jit3A_476 : i32 to vector<1x128xi32>
    %broadcast_in_dim3A_479 = vector.broadcast %jit3A_477 : i32 to vector<1x128xi32>
    %select_n3A_480 = arith.select %le3A_475, %broadcast_in_dim3A_478, %broadcast_in_dim3A_479 : vector<1x128xi1>, vector<1x128xi32>
    %add3A_481 = arith.addi %add3A_471, %select_n3A_480 : vector<1x128xi32>
    %slice3A_482 = vector.extract_strided_slice %add3A_218 {offsets = [0, 24], sizes = [1, 1], strides = [1, 1]} : vector<1x128xi32> to vector<1x1xi32>
    %squeeze3A_483 = vector.extract %slice3A_482[0, 0] : i32 from vector<1x1xi32>
    %le3A_484 = vector.broadcast %squeeze3A_483 : i32 to vector<1x128xi32>
    %le3A_485 = arith.cmpi sle, %le3A_484, %iota3A_241 : vector<1x128xi32>
    %jit3A_486 = arith.constant 1 : i32
    %jit3A_487 = arith.constant 0 : i32
    %broadcast_in_dim3A_488 = vector.broadcast %jit3A_486 : i32 to vector<1x128xi32>
    %broadcast_in_dim3A_489 = vector.broadcast %jit3A_487 : i32 to vector<1x128xi32>
    %select_n3A_490 = arith.select %le3A_485, %broadcast_in_dim3A_488, %broadcast_in_dim3A_489 : vector<1x128xi1>, vector<1x128xi32>
    %add3A_491 = arith.addi %add3A_481, %select_n3A_490 : vector<1x128xi32>
    %slice3A_492 = vector.extract_strided_slice %add3A_218 {offsets = [0, 25], sizes = [1, 1], strides = [1, 1]} : vector<1x128xi32> to vector<1x1xi32>
    %squeeze3A_493 = vector.extract %slice3A_492[0, 0] : i32 from vector<1x1xi32>
    %le3A_494 = vector.broadcast %squeeze3A_493 : i32 to vector<1x128xi32>
    %le3A_495 = arith.cmpi sle, %le3A_494, %iota3A_241 : vector<1x128xi32>
    %jit3A_496 = arith.constant 1 : i32
    %jit3A_497 = arith.constant 0 : i32
    %broadcast_in_dim3A_498 = vector.broadcast %jit3A_496 : i32 to vector<1x128xi32>
    %broadcast_in_dim3A_499 = vector.broadcast %jit3A_497 : i32 to vector<1x128xi32>
    %select_n3A_500 = arith.select %le3A_495, %broadcast_in_dim3A_498, %broadcast_in_dim3A_499 : vector<1x128xi1>, vector<1x128xi32>
    %add3A_501 = arith.addi %add3A_491, %select_n3A_500 : vector<1x128xi32>
    %slice3A_502 = vector.extract_strided_slice %add3A_218 {offsets = [0, 26], sizes = [1, 1], strides = [1, 1]} : vector<1x128xi32> to vector<1x1xi32>
    %squeeze3A_503 = vector.extract %slice3A_502[0, 0] : i32 from vector<1x1xi32>
    %le3A_504 = vector.broadcast %squeeze3A_503 : i32 to vector<1x128xi32>
    %le3A_505 = arith.cmpi sle, %le3A_504, %iota3A_241 : vector<1x128xi32>
    %jit3A_506 = arith.constant 1 : i32
    %jit3A_507 = arith.constant 0 : i32
    %broadcast_in_dim3A_508 = vector.broadcast %jit3A_506 : i32 to vector<1x128xi32>
    %broadcast_in_dim3A_509 = vector.broadcast %jit3A_507 : i32 to vector<1x128xi32>
    %select_n3A_510 = arith.select %le3A_505, %broadcast_in_dim3A_508, %broadcast_in_dim3A_509 : vector<1x128xi1>, vector<1x128xi32>
    %add3A_511 = arith.addi %add3A_501, %select_n3A_510 : vector<1x128xi32>
    %slice3A_512 = vector.extract_strided_slice %add3A_218 {offsets = [0, 27], sizes = [1, 1], strides = [1, 1]} : vector<1x128xi32> to vector<1x1xi32>
    %squeeze3A_513 = vector.extract %slice3A_512[0, 0] : i32 from vector<1x1xi32>
    %le3A_514 = vector.broadcast %squeeze3A_513 : i32 to vector<1x128xi32>
    %le3A_515 = arith.cmpi sle, %le3A_514, %iota3A_241 : vector<1x128xi32>
    %jit3A_516 = arith.constant 1 : i32
    %jit3A_517 = arith.constant 0 : i32
    %broadcast_in_dim3A_518 = vector.broadcast %jit3A_516 : i32 to vector<1x128xi32>
    %broadcast_in_dim3A_519 = vector.broadcast %jit3A_517 : i32 to vector<1x128xi32>
    %select_n3A_520 = arith.select %le3A_515, %broadcast_in_dim3A_518, %broadcast_in_dim3A_519 : vector<1x128xi1>, vector<1x128xi32>
    %add3A_521 = arith.addi %add3A_511, %select_n3A_520 : vector<1x128xi32>
    %slice3A_522 = vector.extract_strided_slice %add3A_218 {offsets = [0, 28], sizes = [1, 1], strides = [1, 1]} : vector<1x128xi32> to vector<1x1xi32>
    %squeeze3A_523 = vector.extract %slice3A_522[0, 0] : i32 from vector<1x1xi32>
    %le3A_524 = vector.broadcast %squeeze3A_523 : i32 to vector<1x128xi32>
    %le3A_525 = arith.cmpi sle, %le3A_524, %iota3A_241 : vector<1x128xi32>
    %jit3A_526 = arith.constant 1 : i32
    %jit3A_527 = arith.constant 0 : i32
    %broadcast_in_dim3A_528 = vector.broadcast %jit3A_526 : i32 to vector<1x128xi32>
    %broadcast_in_dim3A_529 = vector.broadcast %jit3A_527 : i32 to vector<1x128xi32>
    %select_n3A_530 = arith.select %le3A_525, %broadcast_in_dim3A_528, %broadcast_in_dim3A_529 : vector<1x128xi1>, vector<1x128xi32>
    %add3A_531 = arith.addi %add3A_521, %select_n3A_530 : vector<1x128xi32>
    %slice3A_532 = vector.extract_strided_slice %add3A_218 {offsets = [0, 29], sizes = [1, 1], strides = [1, 1]} : vector<1x128xi32> to vector<1x1xi32>
    %squeeze3A_533 = vector.extract %slice3A_532[0, 0] : i32 from vector<1x1xi32>
    %le3A_534 = vector.broadcast %squeeze3A_533 : i32 to vector<1x128xi32>
    %le3A_535 = arith.cmpi sle, %le3A_534, %iota3A_241 : vector<1x128xi32>
    %jit3A_536 = arith.constant 1 : i32
    %jit3A_537 = arith.constant 0 : i32
    %broadcast_in_dim3A_538 = vector.broadcast %jit3A_536 : i32 to vector<1x128xi32>
    %broadcast_in_dim3A_539 = vector.broadcast %jit3A_537 : i32 to vector<1x128xi32>
    %select_n3A_540 = arith.select %le3A_535, %broadcast_in_dim3A_538, %broadcast_in_dim3A_539 : vector<1x128xi1>, vector<1x128xi32>
    %add3A_541 = arith.addi %add3A_531, %select_n3A_540 : vector<1x128xi32>
    %slice3A_542 = vector.extract_strided_slice %add3A_218 {offsets = [0, 30], sizes = [1, 1], strides = [1, 1]} : vector<1x128xi32> to vector<1x1xi32>
    %squeeze3A_543 = vector.extract %slice3A_542[0, 0] : i32 from vector<1x1xi32>
    %le3A_544 = vector.broadcast %squeeze3A_543 : i32 to vector<1x128xi32>
    %le3A_545 = arith.cmpi sle, %le3A_544, %iota3A_241 : vector<1x128xi32>
    %jit3A_546 = arith.constant 1 : i32
    %jit3A_547 = arith.constant 0 : i32
    %broadcast_in_dim3A_548 = vector.broadcast %jit3A_546 : i32 to vector<1x128xi32>
    %broadcast_in_dim3A_549 = vector.broadcast %jit3A_547 : i32 to vector<1x128xi32>
    %select_n3A_550 = arith.select %le3A_545, %broadcast_in_dim3A_548, %broadcast_in_dim3A_549 : vector<1x128xi1>, vector<1x128xi32>
    %add3A_551 = arith.addi %add3A_541, %select_n3A_550 : vector<1x128xi32>
    %slice3A_552 = vector.extract_strided_slice %add3A_218 {offsets = [0, 31], sizes = [1, 1], strides = [1, 1]} : vector<1x128xi32> to vector<1x1xi32>
    %squeeze3A_553 = vector.extract %slice3A_552[0, 0] : i32 from vector<1x1xi32>
    %le3A_554 = vector.broadcast %squeeze3A_553 : i32 to vector<1x128xi32>
    %le3A_555 = arith.cmpi sle, %le3A_554, %iota3A_241 : vector<1x128xi32>
    %jit3A_556 = arith.constant 1 : i32
    %jit3A_557 = arith.constant 0 : i32
    %broadcast_in_dim3A_558 = vector.broadcast %jit3A_556 : i32 to vector<1x128xi32>
    %broadcast_in_dim3A_559 = vector.broadcast %jit3A_557 : i32 to vector<1x128xi32>
    %select_n3A_560 = arith.select %le3A_555, %broadcast_in_dim3A_558, %broadcast_in_dim3A_559 : vector<1x128xi1>, vector<1x128xi32>
    %add3A_561 = arith.addi %add3A_551, %select_n3A_560 : vector<1x128xi32>
    %slice3A_562 = vector.extract_strided_slice %add3A_218 {offsets = [0, 32], sizes = [1, 1], strides = [1, 1]} : vector<1x128xi32> to vector<1x1xi32>
    %squeeze3A_563 = vector.extract %slice3A_562[0, 0] : i32 from vector<1x1xi32>
    %le3A_564 = vector.broadcast %squeeze3A_563 : i32 to vector<1x128xi32>
    %le3A_565 = arith.cmpi sle, %le3A_564, %iota3A_241 : vector<1x128xi32>
    %jit3A_566 = arith.constant 1 : i32
    %jit3A_567 = arith.constant 0 : i32
    %broadcast_in_dim3A_568 = vector.broadcast %jit3A_566 : i32 to vector<1x128xi32>
    %broadcast_in_dim3A_569 = vector.broadcast %jit3A_567 : i32 to vector<1x128xi32>
    %select_n3A_570 = arith.select %le3A_565, %broadcast_in_dim3A_568, %broadcast_in_dim3A_569 : vector<1x128xi1>, vector<1x128xi32>
    %add3A_571 = arith.addi %add3A_561, %select_n3A_570 : vector<1x128xi32>
    %slice3A_572 = vector.extract_strided_slice %add3A_218 {offsets = [0, 33], sizes = [1, 1], strides = [1, 1]} : vector<1x128xi32> to vector<1x1xi32>
    %squeeze3A_573 = vector.extract %slice3A_572[0, 0] : i32 from vector<1x1xi32>
    %le3A_574 = vector.broadcast %squeeze3A_573 : i32 to vector<1x128xi32>
    %le3A_575 = arith.cmpi sle, %le3A_574, %iota3A_241 : vector<1x128xi32>
    %jit3A_576 = arith.constant 1 : i32
    %jit3A_577 = arith.constant 0 : i32
    %broadcast_in_dim3A_578 = vector.broadcast %jit3A_576 : i32 to vector<1x128xi32>
    %broadcast_in_dim3A_579 = vector.broadcast %jit3A_577 : i32 to vector<1x128xi32>
    %select_n3A_580 = arith.select %le3A_575, %broadcast_in_dim3A_578, %broadcast_in_dim3A_579 : vector<1x128xi1>, vector<1x128xi32>
    %add3A_581 = arith.addi %add3A_571, %select_n3A_580 : vector<1x128xi32>
    %slice3A_582 = vector.extract_strided_slice %add3A_218 {offsets = [0, 34], sizes = [1, 1], strides = [1, 1]} : vector<1x128xi32> to vector<1x1xi32>
    %squeeze3A_583 = vector.extract %slice3A_582[0, 0] : i32 from vector<1x1xi32>
    %le3A_584 = vector.broadcast %squeeze3A_583 : i32 to vector<1x128xi32>
    %le3A_585 = arith.cmpi sle, %le3A_584, %iota3A_241 : vector<1x128xi32>
    %jit3A_586 = arith.constant 1 : i32
    %jit3A_587 = arith.constant 0 : i32
    %broadcast_in_dim3A_588 = vector.broadcast %jit3A_586 : i32 to vector<1x128xi32>
    %broadcast_in_dim3A_589 = vector.broadcast %jit3A_587 : i32 to vector<1x128xi32>
    %select_n3A_590 = arith.select %le3A_585, %broadcast_in_dim3A_588, %broadcast_in_dim3A_589 : vector<1x128xi1>, vector<1x128xi32>
    %add3A_591 = arith.addi %add3A_581, %select_n3A_590 : vector<1x128xi32>
    %slice3A_592 = vector.extract_strided_slice %add3A_218 {offsets = [0, 35], sizes = [1, 1], strides = [1, 1]} : vector<1x128xi32> to vector<1x1xi32>
    %squeeze3A_593 = vector.extract %slice3A_592[0, 0] : i32 from vector<1x1xi32>
    %le3A_594 = vector.broadcast %squeeze3A_593 : i32 to vector<1x128xi32>
    %le3A_595 = arith.cmpi sle, %le3A_594, %iota3A_241 : vector<1x128xi32>
    %jit3A_596 = arith.constant 1 : i32
    %jit3A_597 = arith.constant 0 : i32
    %broadcast_in_dim3A_598 = vector.broadcast %jit3A_596 : i32 to vector<1x128xi32>
    %broadcast_in_dim3A_599 = vector.broadcast %jit3A_597 : i32 to vector<1x128xi32>
    %select_n3A_600 = arith.select %le3A_595, %broadcast_in_dim3A_598, %broadcast_in_dim3A_599 : vector<1x128xi1>, vector<1x128xi32>
    %add3A_601 = arith.addi %add3A_591, %select_n3A_600 : vector<1x128xi32>
    %slice3A_602 = vector.extract_strided_slice %add3A_218 {offsets = [0, 36], sizes = [1, 1], strides = [1, 1]} : vector<1x128xi32> to vector<1x1xi32>
    %squeeze3A_603 = vector.extract %slice3A_602[0, 0] : i32 from vector<1x1xi32>
    %le3A_604 = vector.broadcast %squeeze3A_603 : i32 to vector<1x128xi32>
    %le3A_605 = arith.cmpi sle, %le3A_604, %iota3A_241 : vector<1x128xi32>
    %jit3A_606 = arith.constant 1 : i32
    %jit3A_607 = arith.constant 0 : i32
    %broadcast_in_dim3A_608 = vector.broadcast %jit3A_606 : i32 to vector<1x128xi32>
    %broadcast_in_dim3A_609 = vector.broadcast %jit3A_607 : i32 to vector<1x128xi32>
    %select_n3A_610 = arith.select %le3A_605, %broadcast_in_dim3A_608, %broadcast_in_dim3A_609 : vector<1x128xi1>, vector<1x128xi32>
    %add3A_611 = arith.addi %add3A_601, %select_n3A_610 : vector<1x128xi32>
    %slice3A_612 = vector.extract_strided_slice %add3A_218 {offsets = [0, 37], sizes = [1, 1], strides = [1, 1]} : vector<1x128xi32> to vector<1x1xi32>
    %squeeze3A_613 = vector.extract %slice3A_612[0, 0] : i32 from vector<1x1xi32>
    %le3A_614 = vector.broadcast %squeeze3A_613 : i32 to vector<1x128xi32>
    %le3A_615 = arith.cmpi sle, %le3A_614, %iota3A_241 : vector<1x128xi32>
    %jit3A_616 = arith.constant 1 : i32
    %jit3A_617 = arith.constant 0 : i32
    %broadcast_in_dim3A_618 = vector.broadcast %jit3A_616 : i32 to vector<1x128xi32>
    %broadcast_in_dim3A_619 = vector.broadcast %jit3A_617 : i32 to vector<1x128xi32>
    %select_n3A_620 = arith.select %le3A_615, %broadcast_in_dim3A_618, %broadcast_in_dim3A_619 : vector<1x128xi1>, vector<1x128xi32>
    %add3A_621 = arith.addi %add3A_611, %select_n3A_620 : vector<1x128xi32>
    %slice3A_622 = vector.extract_strided_slice %add3A_218 {offsets = [0, 38], sizes = [1, 1], strides = [1, 1]} : vector<1x128xi32> to vector<1x1xi32>
    %squeeze3A_623 = vector.extract %slice3A_622[0, 0] : i32 from vector<1x1xi32>
    %le3A_624 = vector.broadcast %squeeze3A_623 : i32 to vector<1x128xi32>
    %le3A_625 = arith.cmpi sle, %le3A_624, %iota3A_241 : vector<1x128xi32>
    %jit3A_626 = arith.constant 1 : i32
    %jit3A_627 = arith.constant 0 : i32
    %broadcast_in_dim3A_628 = vector.broadcast %jit3A_626 : i32 to vector<1x128xi32>
    %broadcast_in_dim3A_629 = vector.broadcast %jit3A_627 : i32 to vector<1x128xi32>
    %select_n3A_630 = arith.select %le3A_625, %broadcast_in_dim3A_628, %broadcast_in_dim3A_629 : vector<1x128xi1>, vector<1x128xi32>
    %add3A_631 = arith.addi %add3A_621, %select_n3A_630 : vector<1x128xi32>
    %slice3A_632 = vector.extract_strided_slice %add3A_218 {offsets = [0, 39], sizes = [1, 1], strides = [1, 1]} : vector<1x128xi32> to vector<1x1xi32>
    %squeeze3A_633 = vector.extract %slice3A_632[0, 0] : i32 from vector<1x1xi32>
    %le3A_634 = vector.broadcast %squeeze3A_633 : i32 to vector<1x128xi32>
    %le3A_635 = arith.cmpi sle, %le3A_634, %iota3A_241 : vector<1x128xi32>
    %jit3A_636 = arith.constant 1 : i32
    %jit3A_637 = arith.constant 0 : i32
    %broadcast_in_dim3A_638 = vector.broadcast %jit3A_636 : i32 to vector<1x128xi32>
    %broadcast_in_dim3A_639 = vector.broadcast %jit3A_637 : i32 to vector<1x128xi32>
    %select_n3A_640 = arith.select %le3A_635, %broadcast_in_dim3A_638, %broadcast_in_dim3A_639 : vector<1x128xi1>, vector<1x128xi32>
    %add3A_641 = arith.addi %add3A_631, %select_n3A_640 : vector<1x128xi32>
    %slice3A_642 = vector.extract_strided_slice %add3A_218 {offsets = [0, 40], sizes = [1, 1], strides = [1, 1]} : vector<1x128xi32> to vector<1x1xi32>
    %squeeze3A_643 = vector.extract %slice3A_642[0, 0] : i32 from vector<1x1xi32>
    %le3A_644 = vector.broadcast %squeeze3A_643 : i32 to vector<1x128xi32>
    %le3A_645 = arith.cmpi sle, %le3A_644, %iota3A_241 : vector<1x128xi32>
    %jit3A_646 = arith.constant 1 : i32
    %jit3A_647 = arith.constant 0 : i32
    %broadcast_in_dim3A_648 = vector.broadcast %jit3A_646 : i32 to vector<1x128xi32>
    %broadcast_in_dim3A_649 = vector.broadcast %jit3A_647 : i32 to vector<1x128xi32>
    %select_n3A_650 = arith.select %le3A_645, %broadcast_in_dim3A_648, %broadcast_in_dim3A_649 : vector<1x128xi1>, vector<1x128xi32>
    %add3A_651 = arith.addi %add3A_641, %select_n3A_650 : vector<1x128xi32>
    %slice3A_652 = vector.extract_strided_slice %add3A_218 {offsets = [0, 41], sizes = [1, 1], strides = [1, 1]} : vector<1x128xi32> to vector<1x1xi32>
    %squeeze3A_653 = vector.extract %slice3A_652[0, 0] : i32 from vector<1x1xi32>
    %le3A_654 = vector.broadcast %squeeze3A_653 : i32 to vector<1x128xi32>
    %le3A_655 = arith.cmpi sle, %le3A_654, %iota3A_241 : vector<1x128xi32>
    %jit3A_656 = arith.constant 1 : i32
    %jit3A_657 = arith.constant 0 : i32
    %broadcast_in_dim3A_658 = vector.broadcast %jit3A_656 : i32 to vector<1x128xi32>
    %broadcast_in_dim3A_659 = vector.broadcast %jit3A_657 : i32 to vector<1x128xi32>
    %select_n3A_660 = arith.select %le3A_655, %broadcast_in_dim3A_658, %broadcast_in_dim3A_659 : vector<1x128xi1>, vector<1x128xi32>
    %add3A_661 = arith.addi %add3A_651, %select_n3A_660 : vector<1x128xi32>
    %slice3A_662 = vector.extract_strided_slice %add3A_218 {offsets = [0, 42], sizes = [1, 1], strides = [1, 1]} : vector<1x128xi32> to vector<1x1xi32>
    %squeeze3A_663 = vector.extract %slice3A_662[0, 0] : i32 from vector<1x1xi32>
    %le3A_664 = vector.broadcast %squeeze3A_663 : i32 to vector<1x128xi32>
    %le3A_665 = arith.cmpi sle, %le3A_664, %iota3A_241 : vector<1x128xi32>
    %jit3A_666 = arith.constant 1 : i32
    %jit3A_667 = arith.constant 0 : i32
    %broadcast_in_dim3A_668 = vector.broadcast %jit3A_666 : i32 to vector<1x128xi32>
    %broadcast_in_dim3A_669 = vector.broadcast %jit3A_667 : i32 to vector<1x128xi32>
    %select_n3A_670 = arith.select %le3A_665, %broadcast_in_dim3A_668, %broadcast_in_dim3A_669 : vector<1x128xi1>, vector<1x128xi32>
    %add3A_671 = arith.addi %add3A_661, %select_n3A_670 : vector<1x128xi32>
    %slice3A_672 = vector.extract_strided_slice %add3A_218 {offsets = [0, 43], sizes = [1, 1], strides = [1, 1]} : vector<1x128xi32> to vector<1x1xi32>
    %squeeze3A_673 = vector.extract %slice3A_672[0, 0] : i32 from vector<1x1xi32>
    %le3A_674 = vector.broadcast %squeeze3A_673 : i32 to vector<1x128xi32>
    %le3A_675 = arith.cmpi sle, %le3A_674, %iota3A_241 : vector<1x128xi32>
    %jit3A_676 = arith.constant 1 : i32
    %jit3A_677 = arith.constant 0 : i32
    %broadcast_in_dim3A_678 = vector.broadcast %jit3A_676 : i32 to vector<1x128xi32>
    %broadcast_in_dim3A_679 = vector.broadcast %jit3A_677 : i32 to vector<1x128xi32>
    %select_n3A_680 = arith.select %le3A_675, %broadcast_in_dim3A_678, %broadcast_in_dim3A_679 : vector<1x128xi1>, vector<1x128xi32>
    %add3A_681 = arith.addi %add3A_671, %select_n3A_680 : vector<1x128xi32>
    %slice3A_682 = vector.extract_strided_slice %add3A_218 {offsets = [0, 44], sizes = [1, 1], strides = [1, 1]} : vector<1x128xi32> to vector<1x1xi32>
    %squeeze3A_683 = vector.extract %slice3A_682[0, 0] : i32 from vector<1x1xi32>
    %le3A_684 = vector.broadcast %squeeze3A_683 : i32 to vector<1x128xi32>
    %le3A_685 = arith.cmpi sle, %le3A_684, %iota3A_241 : vector<1x128xi32>
    %jit3A_686 = arith.constant 1 : i32
    %jit3A_687 = arith.constant 0 : i32
    %broadcast_in_dim3A_688 = vector.broadcast %jit3A_686 : i32 to vector<1x128xi32>
    %broadcast_in_dim3A_689 = vector.broadcast %jit3A_687 : i32 to vector<1x128xi32>
    %select_n3A_690 = arith.select %le3A_685, %broadcast_in_dim3A_688, %broadcast_in_dim3A_689 : vector<1x128xi1>, vector<1x128xi32>
    %add3A_691 = arith.addi %add3A_681, %select_n3A_690 : vector<1x128xi32>
    %slice3A_692 = vector.extract_strided_slice %add3A_218 {offsets = [0, 45], sizes = [1, 1], strides = [1, 1]} : vector<1x128xi32> to vector<1x1xi32>
    %squeeze3A_693 = vector.extract %slice3A_692[0, 0] : i32 from vector<1x1xi32>
    %le3A_694 = vector.broadcast %squeeze3A_693 : i32 to vector<1x128xi32>
    %le3A_695 = arith.cmpi sle, %le3A_694, %iota3A_241 : vector<1x128xi32>
    %jit3A_696 = arith.constant 1 : i32
    %jit3A_697 = arith.constant 0 : i32
    %broadcast_in_dim3A_698 = vector.broadcast %jit3A_696 : i32 to vector<1x128xi32>
    %broadcast_in_dim3A_699 = vector.broadcast %jit3A_697 : i32 to vector<1x128xi32>
    %select_n3A_700 = arith.select %le3A_695, %broadcast_in_dim3A_698, %broadcast_in_dim3A_699 : vector<1x128xi1>, vector<1x128xi32>
    %add3A_701 = arith.addi %add3A_691, %select_n3A_700 : vector<1x128xi32>
    %slice3A_702 = vector.extract_strided_slice %add3A_218 {offsets = [0, 46], sizes = [1, 1], strides = [1, 1]} : vector<1x128xi32> to vector<1x1xi32>
    %squeeze3A_703 = vector.extract %slice3A_702[0, 0] : i32 from vector<1x1xi32>
    %le3A_704 = vector.broadcast %squeeze3A_703 : i32 to vector<1x128xi32>
    %le3A_705 = arith.cmpi sle, %le3A_704, %iota3A_241 : vector<1x128xi32>
    %jit3A_706 = arith.constant 1 : i32
    %jit3A_707 = arith.constant 0 : i32
    %broadcast_in_dim3A_708 = vector.broadcast %jit3A_706 : i32 to vector<1x128xi32>
    %broadcast_in_dim3A_709 = vector.broadcast %jit3A_707 : i32 to vector<1x128xi32>
    %select_n3A_710 = arith.select %le3A_705, %broadcast_in_dim3A_708, %broadcast_in_dim3A_709 : vector<1x128xi1>, vector<1x128xi32>
    %add3A_711 = arith.addi %add3A_701, %select_n3A_710 : vector<1x128xi32>
    %slice3A_712 = vector.extract_strided_slice %add3A_218 {offsets = [0, 47], sizes = [1, 1], strides = [1, 1]} : vector<1x128xi32> to vector<1x1xi32>
    %squeeze3A_713 = vector.extract %slice3A_712[0, 0] : i32 from vector<1x1xi32>
    %le3A_714 = vector.broadcast %squeeze3A_713 : i32 to vector<1x128xi32>
    %le3A_715 = arith.cmpi sle, %le3A_714, %iota3A_241 : vector<1x128xi32>
    %jit3A_716 = arith.constant 1 : i32
    %jit3A_717 = arith.constant 0 : i32
    %broadcast_in_dim3A_718 = vector.broadcast %jit3A_716 : i32 to vector<1x128xi32>
    %broadcast_in_dim3A_719 = vector.broadcast %jit3A_717 : i32 to vector<1x128xi32>
    %select_n3A_720 = arith.select %le3A_715, %broadcast_in_dim3A_718, %broadcast_in_dim3A_719 : vector<1x128xi1>, vector<1x128xi32>
    %add3A_721 = arith.addi %add3A_711, %select_n3A_720 : vector<1x128xi32>
    %slice3A_722 = vector.extract_strided_slice %add3A_218 {offsets = [0, 48], sizes = [1, 1], strides = [1, 1]} : vector<1x128xi32> to vector<1x1xi32>
    %squeeze3A_723 = vector.extract %slice3A_722[0, 0] : i32 from vector<1x1xi32>
    %le3A_724 = vector.broadcast %squeeze3A_723 : i32 to vector<1x128xi32>
    %le3A_725 = arith.cmpi sle, %le3A_724, %iota3A_241 : vector<1x128xi32>
    %jit3A_726 = arith.constant 1 : i32
    %jit3A_727 = arith.constant 0 : i32
    %broadcast_in_dim3A_728 = vector.broadcast %jit3A_726 : i32 to vector<1x128xi32>
    %broadcast_in_dim3A_729 = vector.broadcast %jit3A_727 : i32 to vector<1x128xi32>
    %select_n3A_730 = arith.select %le3A_725, %broadcast_in_dim3A_728, %broadcast_in_dim3A_729 : vector<1x128xi1>, vector<1x128xi32>
    %add3A_731 = arith.addi %add3A_721, %select_n3A_730 : vector<1x128xi32>
    %slice3A_732 = vector.extract_strided_slice %add3A_218 {offsets = [0, 49], sizes = [1, 1], strides = [1, 1]} : vector<1x128xi32> to vector<1x1xi32>
    %squeeze3A_733 = vector.extract %slice3A_732[0, 0] : i32 from vector<1x1xi32>
    %le3A_734 = vector.broadcast %squeeze3A_733 : i32 to vector<1x128xi32>
    %le3A_735 = arith.cmpi sle, %le3A_734, %iota3A_241 : vector<1x128xi32>
    %jit3A_736 = arith.constant 1 : i32
    %jit3A_737 = arith.constant 0 : i32
    %broadcast_in_dim3A_738 = vector.broadcast %jit3A_736 : i32 to vector<1x128xi32>
    %broadcast_in_dim3A_739 = vector.broadcast %jit3A_737 : i32 to vector<1x128xi32>
    %select_n3A_740 = arith.select %le3A_735, %broadcast_in_dim3A_738, %broadcast_in_dim3A_739 : vector<1x128xi1>, vector<1x128xi32>
    %add3A_741 = arith.addi %add3A_731, %select_n3A_740 : vector<1x128xi32>
    %slice3A_742 = vector.extract_strided_slice %add3A_218 {offsets = [0, 50], sizes = [1, 1], strides = [1, 1]} : vector<1x128xi32> to vector<1x1xi32>
    %squeeze3A_743 = vector.extract %slice3A_742[0, 0] : i32 from vector<1x1xi32>
    %le3A_744 = vector.broadcast %squeeze3A_743 : i32 to vector<1x128xi32>
    %le3A_745 = arith.cmpi sle, %le3A_744, %iota3A_241 : vector<1x128xi32>
    %jit3A_746 = arith.constant 1 : i32
    %jit3A_747 = arith.constant 0 : i32
    %broadcast_in_dim3A_748 = vector.broadcast %jit3A_746 : i32 to vector<1x128xi32>
    %broadcast_in_dim3A_749 = vector.broadcast %jit3A_747 : i32 to vector<1x128xi32>
    %select_n3A_750 = arith.select %le3A_745, %broadcast_in_dim3A_748, %broadcast_in_dim3A_749 : vector<1x128xi1>, vector<1x128xi32>
    %add3A_751 = arith.addi %add3A_741, %select_n3A_750 : vector<1x128xi32>
    %slice3A_752 = vector.extract_strided_slice %add3A_218 {offsets = [0, 51], sizes = [1, 1], strides = [1, 1]} : vector<1x128xi32> to vector<1x1xi32>
    %squeeze3A_753 = vector.extract %slice3A_752[0, 0] : i32 from vector<1x1xi32>
    %le3A_754 = vector.broadcast %squeeze3A_753 : i32 to vector<1x128xi32>
    %le3A_755 = arith.cmpi sle, %le3A_754, %iota3A_241 : vector<1x128xi32>
    %jit3A_756 = arith.constant 1 : i32
    %jit3A_757 = arith.constant 0 : i32
    %broadcast_in_dim3A_758 = vector.broadcast %jit3A_756 : i32 to vector<1x128xi32>
    %broadcast_in_dim3A_759 = vector.broadcast %jit3A_757 : i32 to vector<1x128xi32>
    %select_n3A_760 = arith.select %le3A_755, %broadcast_in_dim3A_758, %broadcast_in_dim3A_759 : vector<1x128xi1>, vector<1x128xi32>
    %add3A_761 = arith.addi %add3A_751, %select_n3A_760 : vector<1x128xi32>
    %slice3A_762 = vector.extract_strided_slice %add3A_218 {offsets = [0, 52], sizes = [1, 1], strides = [1, 1]} : vector<1x128xi32> to vector<1x1xi32>
    %squeeze3A_763 = vector.extract %slice3A_762[0, 0] : i32 from vector<1x1xi32>
    %le3A_764 = vector.broadcast %squeeze3A_763 : i32 to vector<1x128xi32>
    %le3A_765 = arith.cmpi sle, %le3A_764, %iota3A_241 : vector<1x128xi32>
    %jit3A_766 = arith.constant 1 : i32
    %jit3A_767 = arith.constant 0 : i32
    %broadcast_in_dim3A_768 = vector.broadcast %jit3A_766 : i32 to vector<1x128xi32>
    %broadcast_in_dim3A_769 = vector.broadcast %jit3A_767 : i32 to vector<1x128xi32>
    %select_n3A_770 = arith.select %le3A_765, %broadcast_in_dim3A_768, %broadcast_in_dim3A_769 : vector<1x128xi1>, vector<1x128xi32>
    %add3A_771 = arith.addi %add3A_761, %select_n3A_770 : vector<1x128xi32>
    %slice3A_772 = vector.extract_strided_slice %add3A_218 {offsets = [0, 53], sizes = [1, 1], strides = [1, 1]} : vector<1x128xi32> to vector<1x1xi32>
    %squeeze3A_773 = vector.extract %slice3A_772[0, 0] : i32 from vector<1x1xi32>
    %le3A_774 = vector.broadcast %squeeze3A_773 : i32 to vector<1x128xi32>
    %le3A_775 = arith.cmpi sle, %le3A_774, %iota3A_241 : vector<1x128xi32>
    %jit3A_776 = arith.constant 1 : i32
    %jit3A_777 = arith.constant 0 : i32
    %broadcast_in_dim3A_778 = vector.broadcast %jit3A_776 : i32 to vector<1x128xi32>
    %broadcast_in_dim3A_779 = vector.broadcast %jit3A_777 : i32 to vector<1x128xi32>
    %select_n3A_780 = arith.select %le3A_775, %broadcast_in_dim3A_778, %broadcast_in_dim3A_779 : vector<1x128xi1>, vector<1x128xi32>
    %add3A_781 = arith.addi %add3A_771, %select_n3A_780 : vector<1x128xi32>
    %slice3A_782 = vector.extract_strided_slice %add3A_218 {offsets = [0, 54], sizes = [1, 1], strides = [1, 1]} : vector<1x128xi32> to vector<1x1xi32>
    %squeeze3A_783 = vector.extract %slice3A_782[0, 0] : i32 from vector<1x1xi32>
    %le3A_784 = vector.broadcast %squeeze3A_783 : i32 to vector<1x128xi32>
    %le3A_785 = arith.cmpi sle, %le3A_784, %iota3A_241 : vector<1x128xi32>
    %jit3A_786 = arith.constant 1 : i32
    %jit3A_787 = arith.constant 0 : i32
    %broadcast_in_dim3A_788 = vector.broadcast %jit3A_786 : i32 to vector<1x128xi32>
    %broadcast_in_dim3A_789 = vector.broadcast %jit3A_787 : i32 to vector<1x128xi32>
    %select_n3A_790 = arith.select %le3A_785, %broadcast_in_dim3A_788, %broadcast_in_dim3A_789 : vector<1x128xi1>, vector<1x128xi32>
    %add3A_791 = arith.addi %add3A_781, %select_n3A_790 : vector<1x128xi32>
    %slice3A_792 = vector.extract_strided_slice %add3A_218 {offsets = [0, 55], sizes = [1, 1], strides = [1, 1]} : vector<1x128xi32> to vector<1x1xi32>
    %squeeze3A_793 = vector.extract %slice3A_792[0, 0] : i32 from vector<1x1xi32>
    %le3A_794 = vector.broadcast %squeeze3A_793 : i32 to vector<1x128xi32>
    %le3A_795 = arith.cmpi sle, %le3A_794, %iota3A_241 : vector<1x128xi32>
    %jit3A_796 = arith.constant 1 : i32
    %jit3A_797 = arith.constant 0 : i32
    %broadcast_in_dim3A_798 = vector.broadcast %jit3A_796 : i32 to vector<1x128xi32>
    %broadcast_in_dim3A_799 = vector.broadcast %jit3A_797 : i32 to vector<1x128xi32>
    %select_n3A_800 = arith.select %le3A_795, %broadcast_in_dim3A_798, %broadcast_in_dim3A_799 : vector<1x128xi1>, vector<1x128xi32>
    %add3A_801 = arith.addi %add3A_791, %select_n3A_800 : vector<1x128xi32>
    %slice3A_802 = vector.extract_strided_slice %add3A_218 {offsets = [0, 56], sizes = [1, 1], strides = [1, 1]} : vector<1x128xi32> to vector<1x1xi32>
    %squeeze3A_803 = vector.extract %slice3A_802[0, 0] : i32 from vector<1x1xi32>
    %le3A_804 = vector.broadcast %squeeze3A_803 : i32 to vector<1x128xi32>
    %le3A_805 = arith.cmpi sle, %le3A_804, %iota3A_241 : vector<1x128xi32>
    %jit3A_806 = arith.constant 1 : i32
    %jit3A_807 = arith.constant 0 : i32
    %broadcast_in_dim3A_808 = vector.broadcast %jit3A_806 : i32 to vector<1x128xi32>
    %broadcast_in_dim3A_809 = vector.broadcast %jit3A_807 : i32 to vector<1x128xi32>
    %select_n3A_810 = arith.select %le3A_805, %broadcast_in_dim3A_808, %broadcast_in_dim3A_809 : vector<1x128xi1>, vector<1x128xi32>
    %add3A_811 = arith.addi %add3A_801, %select_n3A_810 : vector<1x128xi32>
    %slice3A_812 = vector.extract_strided_slice %add3A_218 {offsets = [0, 57], sizes = [1, 1], strides = [1, 1]} : vector<1x128xi32> to vector<1x1xi32>
    %squeeze3A_813 = vector.extract %slice3A_812[0, 0] : i32 from vector<1x1xi32>
    %le3A_814 = vector.broadcast %squeeze3A_813 : i32 to vector<1x128xi32>
    %le3A_815 = arith.cmpi sle, %le3A_814, %iota3A_241 : vector<1x128xi32>
    %jit3A_816 = arith.constant 1 : i32
    %jit3A_817 = arith.constant 0 : i32
    %broadcast_in_dim3A_818 = vector.broadcast %jit3A_816 : i32 to vector<1x128xi32>
    %broadcast_in_dim3A_819 = vector.broadcast %jit3A_817 : i32 to vector<1x128xi32>
    %select_n3A_820 = arith.select %le3A_815, %broadcast_in_dim3A_818, %broadcast_in_dim3A_819 : vector<1x128xi1>, vector<1x128xi32>
    %add3A_821 = arith.addi %add3A_811, %select_n3A_820 : vector<1x128xi32>
    %slice3A_822 = vector.extract_strided_slice %add3A_218 {offsets = [0, 58], sizes = [1, 1], strides = [1, 1]} : vector<1x128xi32> to vector<1x1xi32>
    %squeeze3A_823 = vector.extract %slice3A_822[0, 0] : i32 from vector<1x1xi32>
    %le3A_824 = vector.broadcast %squeeze3A_823 : i32 to vector<1x128xi32>
    %le3A_825 = arith.cmpi sle, %le3A_824, %iota3A_241 : vector<1x128xi32>
    %jit3A_826 = arith.constant 1 : i32
    %jit3A_827 = arith.constant 0 : i32
    %broadcast_in_dim3A_828 = vector.broadcast %jit3A_826 : i32 to vector<1x128xi32>
    %broadcast_in_dim3A_829 = vector.broadcast %jit3A_827 : i32 to vector<1x128xi32>
    %select_n3A_830 = arith.select %le3A_825, %broadcast_in_dim3A_828, %broadcast_in_dim3A_829 : vector<1x128xi1>, vector<1x128xi32>
    %add3A_831 = arith.addi %add3A_821, %select_n3A_830 : vector<1x128xi32>
    %slice3A_832 = vector.extract_strided_slice %add3A_218 {offsets = [0, 59], sizes = [1, 1], strides = [1, 1]} : vector<1x128xi32> to vector<1x1xi32>
    %squeeze3A_833 = vector.extract %slice3A_832[0, 0] : i32 from vector<1x1xi32>
    %le3A_834 = vector.broadcast %squeeze3A_833 : i32 to vector<1x128xi32>
    %le3A_835 = arith.cmpi sle, %le3A_834, %iota3A_241 : vector<1x128xi32>
    %jit3A_836 = arith.constant 1 : i32
    %jit3A_837 = arith.constant 0 : i32
    %broadcast_in_dim3A_838 = vector.broadcast %jit3A_836 : i32 to vector<1x128xi32>
    %broadcast_in_dim3A_839 = vector.broadcast %jit3A_837 : i32 to vector<1x128xi32>
    %select_n3A_840 = arith.select %le3A_835, %broadcast_in_dim3A_838, %broadcast_in_dim3A_839 : vector<1x128xi1>, vector<1x128xi32>
    %add3A_841 = arith.addi %add3A_831, %select_n3A_840 : vector<1x128xi32>
    %slice3A_842 = vector.extract_strided_slice %add3A_218 {offsets = [0, 60], sizes = [1, 1], strides = [1, 1]} : vector<1x128xi32> to vector<1x1xi32>
    %squeeze3A_843 = vector.extract %slice3A_842[0, 0] : i32 from vector<1x1xi32>
    %le3A_844 = vector.broadcast %squeeze3A_843 : i32 to vector<1x128xi32>
    %le3A_845 = arith.cmpi sle, %le3A_844, %iota3A_241 : vector<1x128xi32>
    %jit3A_846 = arith.constant 1 : i32
    %jit3A_847 = arith.constant 0 : i32
    %broadcast_in_dim3A_848 = vector.broadcast %jit3A_846 : i32 to vector<1x128xi32>
    %broadcast_in_dim3A_849 = vector.broadcast %jit3A_847 : i32 to vector<1x128xi32>
    %select_n3A_850 = arith.select %le3A_845, %broadcast_in_dim3A_848, %broadcast_in_dim3A_849 : vector<1x128xi1>, vector<1x128xi32>
    %add3A_851 = arith.addi %add3A_841, %select_n3A_850 : vector<1x128xi32>
    %slice3A_852 = vector.extract_strided_slice %add3A_218 {offsets = [0, 61], sizes = [1, 1], strides = [1, 1]} : vector<1x128xi32> to vector<1x1xi32>
    %squeeze3A_853 = vector.extract %slice3A_852[0, 0] : i32 from vector<1x1xi32>
    %le3A_854 = vector.broadcast %squeeze3A_853 : i32 to vector<1x128xi32>
    %le3A_855 = arith.cmpi sle, %le3A_854, %iota3A_241 : vector<1x128xi32>
    %jit3A_856 = arith.constant 1 : i32
    %jit3A_857 = arith.constant 0 : i32
    %broadcast_in_dim3A_858 = vector.broadcast %jit3A_856 : i32 to vector<1x128xi32>
    %broadcast_in_dim3A_859 = vector.broadcast %jit3A_857 : i32 to vector<1x128xi32>
    %select_n3A_860 = arith.select %le3A_855, %broadcast_in_dim3A_858, %broadcast_in_dim3A_859 : vector<1x128xi1>, vector<1x128xi32>
    %add3A_861 = arith.addi %add3A_851, %select_n3A_860 : vector<1x128xi32>
    %slice3A_862 = vector.extract_strided_slice %add3A_218 {offsets = [0, 62], sizes = [1, 1], strides = [1, 1]} : vector<1x128xi32> to vector<1x1xi32>
    %squeeze3A_863 = vector.extract %slice3A_862[0, 0] : i32 from vector<1x1xi32>
    %le3A_864 = vector.broadcast %squeeze3A_863 : i32 to vector<1x128xi32>
    %le3A_865 = arith.cmpi sle, %le3A_864, %iota3A_241 : vector<1x128xi32>
    %jit3A_866 = arith.constant 1 : i32
    %jit3A_867 = arith.constant 0 : i32
    %broadcast_in_dim3A_868 = vector.broadcast %jit3A_866 : i32 to vector<1x128xi32>
    %broadcast_in_dim3A_869 = vector.broadcast %jit3A_867 : i32 to vector<1x128xi32>
    %select_n3A_870 = arith.select %le3A_865, %broadcast_in_dim3A_868, %broadcast_in_dim3A_869 : vector<1x128xi1>, vector<1x128xi32>
    %add3A_871 = arith.addi %add3A_861, %select_n3A_870 : vector<1x128xi32>
    %slice3A_872 = vector.extract_strided_slice %add3A_218 {offsets = [0, 63], sizes = [1, 1], strides = [1, 1]} : vector<1x128xi32> to vector<1x1xi32>
    %squeeze3A_873 = vector.extract %slice3A_872[0, 0] : i32 from vector<1x1xi32>
    %le3A_874 = vector.broadcast %squeeze3A_873 : i32 to vector<1x128xi32>
    %le3A_875 = arith.cmpi sle, %le3A_874, %iota3A_241 : vector<1x128xi32>
    %jit3A_876 = arith.constant 1 : i32
    %jit3A_877 = arith.constant 0 : i32
    %broadcast_in_dim3A_878 = vector.broadcast %jit3A_876 : i32 to vector<1x128xi32>
    %broadcast_in_dim3A_879 = vector.broadcast %jit3A_877 : i32 to vector<1x128xi32>
    %select_n3A_880 = arith.select %le3A_875, %broadcast_in_dim3A_878, %broadcast_in_dim3A_879 : vector<1x128xi1>, vector<1x128xi32>
    %add3A_881 = arith.addi %add3A_871, %select_n3A_880 : vector<1x128xi32>
    %min3A = arith.constant 63 : i32
    %min3A_882 = vector.broadcast %min3A : i32 to vector<1x128xi32>
    %min3A_883 = arith.minsi %add3A_881, %min3A_882 : vector<1x128xi32>
    %slice3A_884 = vector.extract_strided_slice %add3A_218 {offsets = [0, 63], sizes = [1, 1], strides = [1, 1]} : vector<1x128xi32> to vector<1x1xi32>
    %squeeze3A_885 = vector.extract %slice3A_884[0, 0] : i32 from vector<1x1xi32>
    %iota3A_886 = tpu.iota {dimensions = array<i32: 0>} : vector<8x128xi32>
    %eq3A_887 = arith.constant 0 : i32
    %eq3A_888 = vector.broadcast %eq3A_887 : i32 to vector<8x128xi32>
    %eq3A_889 = arith.cmpi eq, %iota3A_886, %eq3A_888 : vector<8x128xi32>
    %broadcast_in_dim3A_890 = vector.shape_cast %min3A_883 : vector<1x128xi32> to vector<1x128xi32>
    %broadcast_in_dim3A_891 = vector.broadcast %broadcast_in_dim3A_890 : vector<1x128xi32> to vector<8x128xi32>
    %broadcast_in_dim3A_892 = vector.broadcast %squeeze3A_885 : i32 to vector<8x128xi32>
    %select_n3A_893 = arith.select %eq3A_889, %broadcast_in_dim3A_891, %broadcast_in_dim3A_892 : vector<8x128xi1>, vector<8x128xi32>
    %swap3A_894 = arith.constant 0 : index
    %swap3A_895 = arith.constant 0 : index
    %swap3A_896 = vector.load %arg4[%swap3A_894, %swap3A_895] : memref<8x128xi32, #tpu.memory_space<vmem>>, vector<8x128xi32>
    tpu.vector_store %arg4[%swap3A_894, %swap3A_895], %select_n3A_893 {strides = array<i32>} : memref<8x128xi32, #tpu.memory_space<vmem>>, vector<8x128xi32>,
    return
  }
}

module attributes {stable_mosaic.version = 14 : i64} {
  func.func @_gmm_body(%arg0: i32, %arg1: memref<128xi32, #tpu.memory_space<smem>>, %arg2: memref<1xi32, #tpu.memory_space<smem>>, %arg3: memref<128x1024xf32, #tpu.memory_space<vmem>>, %arg4: memref<1x512x1024xf32, #tpu.memory_space<vmem>>, %arg5: memref<1x512x1024xf32, #tpu.memory_space<vmem>>, %arg6: memref<1x1024x512xf32, #tpu.memory_space<vmem>>, %arg7: memref<128x1xf32, #tpu.memory_space<vmem>>, %arg8: memref<128x1024xf32, #tpu.memory_space<vmem>>) attributes {dimension_semantics = [#tpu.dimension_semantics<arbitrary>], iteration_bounds = array<i64: 96>, scalar_prefetch = 2 : i64, scratch_operands = 0 : i64, tpu.core_type = #tpu.core_type<tc>, window_params = [{transform_indices = @transform_0, window_bounds = array<i64: 128, 1024>}, {transform_indices = @transform_1, window_bounds = array<i64: 1, 512, 1024>}, {transform_indices = @transform_2, window_bounds = array<i64: 1, 512, 1024>}, {transform_indices = @transform_3, window_bounds = array<i64: 1, 1024, 512>}, {transform_indices = @transform_4, window_bounds = array<i64: 128, 1>}, {transform_indices = @transform_5, window_bounds = array<i64: 128, 1024>}]} {
    %get3A = arith.constant 0 : index
    %get3A_0 = memref.load %arg2[%get3A] : memref<1xi32, #tpu.memory_space<smem>>
    %lt3A = arith.cmpi slt, %arg0, %get3A_0 : i32
    %convert_element_type3A = arith.extui %lt3A : i1 to i32
    %cond3A = arith.constant 0 : i32
    %cond3A_1 = arith.cmpi ne, %convert_element_type3A, %cond3A : i32
    scf.if %cond3A_1 {
      %get3A_2 = arith.constant 0 : index
      %get3A_3 = arith.constant 0 : index
      %get3A_4 = vector.load %arg3[%get3A_2, %get3A_3] : memref<128x1024xf32, #tpu.memory_space<vmem>>, vector<128x1024xf32>
      %get3A_5 = arith.constant 0 : index
      %get3A_6 = arith.constant 0 : index
      %get3A_7 = arith.constant 0 : index
      %get3A_8 = vector.load %arg4[%get3A_5, %get3A_6, %get3A_7] : memref<1x512x1024xf32, #tpu.memory_space<vmem>>, vector<1x512x1024xf32>
      %get3A_9 = vector.shape_cast %get3A_8 : vector<1x512x1024xf32> to vector<512x1024xf32>
      %dot_general3A = arith.constant dense<0.000000e+00> : vector<128x512xf32>
      %dot_general3A_10 = tpu.matmul %get3A_4, %get3A_9, %dot_general3A {dimension_numbers = #tpu.dot_dimension_numbers<[1], [1], [0], [0], [0, 0, 1, 0], [], []>, transpose_lhs_hint = false} : vector<128x1024xf32>, vector<512x1024xf32>, vector<128x512xf32> -> vector<128x512xf32>
      %get3A_11 = arith.constant 0 : index
      %get3A_12 = arith.constant 0 : index
      %get3A_13 = arith.constant 0 : index
      %get3A_14 = vector.load %arg5[%get3A_11, %get3A_12, %get3A_13] : memref<1x512x1024xf32, #tpu.memory_space<vmem>>, vector<1x512x1024xf32>
      %get3A_15 = vector.shape_cast %get3A_14 : vector<1x512x1024xf32> to vector<512x1024xf32>
      %dot_general3A_16 = arith.constant dense<0.000000e+00> : vector<128x512xf32>
      %dot_general3A_17 = tpu.matmul %get3A_4, %get3A_15, %dot_general3A_16 {dimension_numbers = #tpu.dot_dimension_numbers<[1], [1], [0], [0], [0, 0, 1, 0], [], []>, transpose_lhs_hint = false} : vector<128x1024xf32>, vector<512x1024xf32>, vector<128x512xf32> -> vector<128x512xf32>
      %neg3A = arith.constant 0.000000e+00 : f32
      %neg3A_18 = vector.broadcast %neg3A : f32 to vector<128x512xf32>
      %neg3A_19 = arith.subf %neg3A_18, %dot_general3A_10 : vector<128x512xf32>
      %exp3A = math.exp %neg3A_19 : vector<128x512xf32>
      %add3A = arith.constant 1.000000e+00 : f32
      %add3A_20 = vector.broadcast %add3A : f32 to vector<128x512xf32>
      %add3A_21 = arith.addf %add3A_20, %exp3A : vector<128x512xf32>
      %div3A = arith.constant 1.000000e+00 : f32
      %div3A_22 = vector.broadcast %div3A : f32 to vector<128x512xf32>
      %div3A_23 = arith.divf %div3A_22, %add3A_21 : vector<128x512xf32>
      %mul3A = arith.mulf %dot_general3A_10, %div3A_23 : vector<128x512xf32>
      %mul3A_24 = arith.mulf %mul3A, %dot_general3A_17 : vector<128x512xf32>
      %get3A_25 = arith.constant 0 : index
      %get3A_26 = arith.constant 0 : index
      %get3A_27 = arith.constant 0 : index
      %get3A_28 = vector.load %arg6[%get3A_25, %get3A_26, %get3A_27] : memref<1x1024x512xf32, #tpu.memory_space<vmem>>, vector<1x1024x512xf32>
      %get3A_29 = vector.shape_cast %get3A_28 : vector<1x1024x512xf32> to vector<1024x512xf32>
      %dot_general3A_30 = arith.constant dense<0.000000e+00> : vector<128x1024xf32>
      %dot_general3A_31 = tpu.matmul %mul3A_24, %get3A_29, %dot_general3A_30 {dimension_numbers = #tpu.dot_dimension_numbers<[1], [1], [0], [0], [0, 0, 1, 0], [], []>, transpose_lhs_hint = false} : vector<128x512xf32>, vector<1024x512xf32>, vector<128x1024xf32> -> vector<128x1024xf32>
      %get3A_32 = arith.constant 0 : index
      %get3A_33 = arith.constant 0 : index
      %get3A_34 = vector.load %arg7[%get3A_32, %get3A_33] : memref<128x1xf32, #tpu.memory_space<vmem>>, vector<128x1xf32>
      %mul3A_35 = vector.broadcast %get3A_34 : vector<128x1xf32> to vector<128x1024xf32>
      %mul3A_36 = arith.mulf %dot_general3A_31, %mul3A_35 : vector<128x1024xf32>
      %swap3A = arith.constant 0 : index
      %swap3A_37 = arith.constant 0 : index
      %swap3A_38 = vector.load %arg8[%swap3A, %swap3A_37] : memref<128x1024xf32, #tpu.memory_space<vmem>>, vector<128x1024xf32>
      tpu.vector_store %arg8[%swap3A, %swap3A_37], %mul3A_36 {strides = array<i32>} : memref<128x1024xf32, #tpu.memory_space<vmem>>, vector<128x1024xf32>,
    } else {
    }
    return
  }
  func.func @transform_0(%arg0: i32, %arg1: memref<128xi32, #tpu.memory_space<smem>>, %arg2: memref<1xi32, #tpu.memory_space<smem>>) -> (i32, i32) {
    %c0_i32 = arith.constant 0 : i32
    %c0_i32_0 = arith.constant 0 : i32
    return %arg0, %c0_i32 : i32, i32
  }
  func.func @transform_1(%arg0: i32, %arg1: memref<128xi32, #tpu.memory_space<smem>>, %arg2: memref<1xi32, #tpu.memory_space<smem>>) -> (i32, i32, i32) {
    %get3A = arith.index_cast %arg0 : i32 to index
    %get3A_0 = memref.load %arg1[%get3A] : memref<128xi32, #tpu.memory_space<smem>>
    %c0_i32 = arith.constant 0 : i32
    %c0_i32_1 = arith.constant 0 : i32
    %c0_i32_2 = arith.constant 0 : i32
    return %get3A_0, %c0_i32, %c0_i32_1 : i32, i32, i32
  }
  func.func @transform_2(%arg0: i32, %arg1: memref<128xi32, #tpu.memory_space<smem>>, %arg2: memref<1xi32, #tpu.memory_space<smem>>) -> (i32, i32, i32) {
    %get3A = arith.index_cast %arg0 : i32 to index
    %get3A_0 = memref.load %arg1[%get3A] : memref<128xi32, #tpu.memory_space<smem>>
    %c0_i32 = arith.constant 0 : i32
    %c0_i32_1 = arith.constant 0 : i32
    %c0_i32_2 = arith.constant 0 : i32
    return %get3A_0, %c0_i32, %c0_i32_1 : i32, i32, i32
  }
  func.func @transform_3(%arg0: i32, %arg1: memref<128xi32, #tpu.memory_space<smem>>, %arg2: memref<1xi32, #tpu.memory_space<smem>>) -> (i32, i32, i32) {
    %get3A = arith.index_cast %arg0 : i32 to index
    %get3A_0 = memref.load %arg1[%get3A] : memref<128xi32, #tpu.memory_space<smem>>
    %c0_i32 = arith.constant 0 : i32
    %c0_i32_1 = arith.constant 0 : i32
    %c0_i32_2 = arith.constant 0 : i32
    return %get3A_0, %c0_i32, %c0_i32_1 : i32, i32, i32
  }
  func.func @transform_4(%arg0: i32, %arg1: memref<128xi32, #tpu.memory_space<smem>>, %arg2: memref<1xi32, #tpu.memory_space<smem>>) -> (i32, i32) {
    %c0_i32 = arith.constant 0 : i32
    %c0_i32_0 = arith.constant 0 : i32
    return %arg0, %c0_i32 : i32, i32
  }
  func.func @transform_5(%arg0: i32, %arg1: memref<128xi32, #tpu.memory_space<smem>>, %arg2: memref<1xi32, #tpu.memory_space<smem>>) -> (i32, i32) {
    %c0_i32 = arith.constant 0 : i32
    %c0_i32_0 = arith.constant 0 : i32
    return %arg0, %c0_i32 : i32, i32
  }
}

</mosaic_0001>

<sc_bundles>
// kernel: kernel.6.cloned.1.call-start
scs
__scs_entry_jumppad:
0x0: {  	(pc) =	sbr.rel $0x88, $3  }
0x1: {  	(tag) =	ssettag $0x0;
	lr =	simm.s32 $0x1  }
0x2: {  	[smem:$0x3F9C] =	sst lr;
	_ =	strace $0xD0000000  }
0x3: {  	_ = 	snop  }
0x4: {  	_ = 	snop  }
0x5: {  	_ = 	snop  }
0x6: {  	_ = 	snop  }
0x7: {  	_ = 	snop  }
__scs_overlays_trampoline_lowered:
0x8: {  	[smem:$0x3FAB] =	sst s0  }
0x9: {  	[smem:$0x3FAC] =	sst s1  }
0xa: {  	[smem:$0x3FAD] =	sst s2  }
0xb: {  	[smem:$0x3FAE] =	sst s3  }
0xc: {  	[smem:$0x3FAF] =	sst s4  }
0xd: {  	[smem:$0x3FB0] =	sst s5  }
0xe: {  	[smem:$0x3FB1] =	sst s6  }
0xf: {  	[smem:$0x3FB2] =	sst s7  }
0x10: {  	[smem:$0x3FB3] =	sst s8  }
0x11: {  	[smem:$0x3FB4] =	sst s9;
	s0 =	simm.s32 @!p0 $0x0  }
0x12: {  	s1 =	sld [smem:$0x3F9A];
	s0 =	simm.s32 @p0 $0x1  }
0x13: {  	[smem:$0x3FB5] =	sst s0;
	s0 =	simm.s32 @!p1 $0x0  }
0x14: {  	s2 =	sld [smem:$0x3F99];
	s0 =	simm.s32 @p1 $0x1  }
0x15: {  	[smem:$0x3FB6] =	sst s0;
	s0 =	simm.s32 @!p2 $0x0  }
0x16: {  	s3 =	sld [smem:$0x3FDB];
	s0 =	simm.s32 @p2 $0x1  }
0x17: {  	s4 =	simm.s32 $0x1BF5;
	[smem:$0x3FB8] =	sst s0  }
0x18: {  	s0 =	sld [smem:$0x3F9B];
	_ =	swait.ge [sflag:s4], $0x0  }
0x19: {  	s7 =	sld [smem:$0x3F9C]  }
0x1a: {  	s8 =	sadd.s32 $0xFFFFE003, lr  }
0x1b: {  	s9 =	sadd.s32 $0xFFFFFEF7, lr;
	s5 =	simm.s32 $0xFFFFFFFF;
	p2 =	slt.u32 s8, $0xFFFFF086  }
0x1c: {  	p1 =	slt.u32 s9, $0xF7A;
	s5 =	simm.s32 @!p2 $0x0  }
0x1d: {  	s5 =	simm.s32 @p1 $0x1;
	p0 =	seq.s32 s7, s2  }
0x1e: {  	s7 =	smul.u32 @!p0 $0xF7A, s2;
	p2 =	seq.s32 @!p0 s5, $0x0  }
0x1f: {  	s9 =	smul.u32 $0xF7A, s1;
	s8 =	simm.s32 @!p0 $0x1BF5;
	p2 =	por !p2, p0  }
0x20: {  	[sflag:s8] =	ssyncset.s32 @!p0 $0xFFFFF086;
	s6 =	sadd.s32 @!p0 s3, s7;
	s7 =	simm.s32 @!p0 $0x108  }
0x21: {  	s3 =	sadd.s32 s3, s9;
	s6 =	sadd.s32 @!p0 $0x88, s6;
	s7 =	simm.s32 @p2 $0x1082  }
0x22: {  	[simem:s7], [sflag:s8] =	dma.local @!p0 [hbm:s6], $0xF7A  }
0x23: {  	s9 =	sor.u32 $0xD0000000, s2;
	s6 =	simm.s32 $0x108;
	_ =	swait.ge @!p0 [sflag:s8], $0x0  }
0x24: {  	s3 =	sadd.s32 $0x88, s3;
	s6 =	simm.s32 @!p1 $0x1082;
	[sflag:s4] =	ssyncset.s32 $0xFFFFF086  }
0x25: {  	[simem:s6], [sflag:s4] =	dma.local [hbm:s3], $0xF7A  }
0x26: {  	[smem:$0x3F9C] =	sst s1;
	(tag) =	ssettag s2;
	_ =	strace s9  }
0x27: {  	s1 =	sld [smem:$0x3FAC]  }
0x28: {  	s2 =	sld [smem:$0x3FAD]  }
0x29: {  	s4 =	sld [smem:$0x3FAF]  }
0x2a: {  	p0 =	seq.s32 s5, $0x0;
	s5 =	sld [smem:$0x3FB0]  }
0x2b: {  	s6 =	sld [smem:$0x3FB1]  }
0x2c: {  	s7 =	sld [smem:$0x3FB2]  }
0x2d: {  	s3 =	simm.s32 $0x108;
	s8 =	sld [smem:$0x3FB3]  }
0x2e: {  	s3 =	simm.s32 @!p0 $0x1082;
	s9 =	sld [smem:$0x3FB4]  }
0x2f: {  	lr =	sadd.s32 s0, s3;
	s0 =	sld [smem:$0x3FAB]  }
0x30: {  	s3 =	sld [smem:$0x3FAE]  }
0x31: {  	[smem:$0x3FB7] =	sst s10  }
0x32: {  	s10 =	sld [smem:$0x3FB5];
	_ =	sdelay $0x3  }
0x33: {  	p0 =	seq.s32 s10, $0x1;
	s10 =	sld [smem:$0x3FB7];
	_ =	sdelay $0x3  }
0x34: {  	[smem:$0x3FB7] =	sst s10  }
0x35: {  	s10 =	sld [smem:$0x3FB6];
	_ =	sdelay $0x3  }
0x36: {  	p1 =	seq.s32 s10, $0x1;
	s10 =	sld [smem:$0x3FB7];
	_ =	sdelay $0x3  }
0x37: {  	[smem:$0x3FB7] =	sst s10  }
0x38: {  	s10 =	sld [smem:$0x3FB8]  }
0x39: {  	_ = 	snop;
	(pc) =	sbr.ind lr, $3  }
0x3a: {  	_ = 	snop  }
0x3b: {  	_ = 	snop  }
0x3c: {  	p2 =	seq.s32 s10, $0x1;
	s10 =	sld [smem:$0x3FB7]  }
0x3d: {  	_ =	shalt  }
0x3e: {  	_ =	shalt  }
0x3f: {  	_ =	shalt  }
0x40: {  	_ =	shalt  }
0x41: {  	_ =	shalt  }
0x42: {  	_ =	shalt  }
0x43: {  	_ =	shalt  }
0x44: {  	_ =	shalt  }
0x45: {  	_ =	shalt  }
0x46: {  	_ =	shalt  }
0x47: {  	_ =	shalt  }
0x48: {  	_ =	shalt  }
0x49: {  	_ =	shalt  }
0x4a: {  	_ =	shalt  }
0x4b: {  	_ =	shalt  }
0x4c: {  	_ =	shalt  }
0x4d: {  	_ =	shalt  }
0x4e: {  	_ =	shalt  }
0x4f: {  	_ =	shalt  }
0x50: {  	_ =	shalt  }
0x51: {  	_ =	shalt  }
0x52: {  	_ =	shalt  }
0x53: {  	_ =	shalt  }
0x54: {  	_ =	shalt  }
0x55: {  	_ =	shalt  }
0x56: {  	_ =	shalt  }
0x57: {  	_ =	shalt  }
0x58: {  	_ =	shalt  }
0x59: {  	_ =	shalt  }
0x5a: {  	_ =	shalt  }
0x5b: {  	_ =	shalt  }
0x5c: {  	_ =	shalt  }
0x5d: {  	_ =	shalt  }
0x5e: {  	_ =	shalt  }
0x5f: {  	_ =	shalt  }
0x60: {  	_ =	shalt  }
0x61: {  	_ =	shalt  }
0x62: {  	_ =	shalt  }
0x63: {  	_ =	shalt  }
0x64: {  	_ =	shalt  }
0x65: {  	_ =	shalt  }
0x66: {  	_ =	shalt  }
0x67: {  	_ =	shalt  }
0x68: {  	_ =	shalt  }
0x69: {  	_ =	shalt  }
0x6a: {  	_ =	shalt  }
0x6b: {  	_ =	shalt  }
0x6c: {  	_ =	shalt  }
0x6d: {  	_ =	shalt  }
0x6e: {  	_ =	shalt  }
0x6f: {  	_ =	shalt  }
0x70: {  	_ =	shalt  }
0x71: {  	_ =	shalt  }
0x72: {  	_ =	shalt  }
0x73: {  	_ =	shalt  }
0x74: {  	_ =	shalt  }
0x75: {  	_ =	shalt  }
0x76: {  	_ =	shalt  }
0x77: {  	_ =	shalt  }
0x78: {  	_ =	shalt  }
0x79: {  	_ =	shalt  }
0x7a: {  	_ =	shalt  }
0x7b: {  	_ =	shalt  }
0x7c: {  	_ =	shalt  }
0x7d: {  	_ =	shalt  }
0x7e: {  	_ =	shalt  }
0x7f: {  	_ =	shalt  }
0x80: {  	_ =	shalt  }
0x81: {  	_ =	shalt  }
0x82: {  	_ =	shalt  }
0x83: {  	_ =	shalt  }
0x84: {  	_ =	shalt  }
0x85: {  	_ =	shalt  }
0x86: {  	_ =	shalt  }
0x87: {  	_ =	shalt  }
.Lfunc_end0:
.L_simem_size_0:
called_computation_lowered:
.L_overlay_start_0:
0x88: {  	s2 =	sld [smem:$0x3FD9]  }
0x89: {  	s3 =	sld [smem:$0x3FFE];
	_ =	sdelay $0x1  }
0x8a: {  	s1 =	srdreg.scid  }
0x8b: {  	s0 =	sand.u32 $0x1, s1  }
0x8c: {  	s17 =	sshll.u32 s0, $0xA;
	s2 =	sadd.s32 s3, s2  }
0x8d: {  	s2 =	sadd.s32 s2, s17  }
0x8e: {  	[smem:$0x3FC3] =	sst s2  }
0x8f: {  	_ = 	snop  }
0x90: {  	s2 =	sld [smem:$0x3FC9]  }
0x91: {  	s18 =	sld [smem:$0x3FD0];
	(tm) =	ssettm $0x1  }
0x92: {  	s4 =	sld [smem:$0x3FFB];
	_ =	sdelay $0x3  }
0x93: {  	_ =	strace s4  }
0x94: {  	s4 =	sld [smem:$0x3FFC];
	_ =	sdelay $0x3  }
0x95: {  	_ =	strace s4  }
0x96: {  	s4 =	sld [smem:$0x3FFD];
	_ =	sdelay $0x3  }
0x97: {  	_ =	strace s4  }
0x98: {  	_ =	strace $0x8FFFFFFF  }
0x99: {  	s19 =	sld [smem:$0x3FDB];
	_ =	sdelay $0x1  }
0x9a: {  	s5 =	simm.s32 $_scs_section_size  }
0x9b: {  	s6 =	simm.s32 $_size__tile_overlayer_lowered;
	s7 =	simm.s32 $_tile_overlayer_lowered  }
0x9c: {  	s22 =	simm.s32 $0x1BFF;
	s21 =	sshll.u32 s7, $0x1;
	s4 =	sadd.s32 s5, s19  }
0x9d: {  	s8 =	simm.s32 $0x0;
	s20 =	sshll.u32 s6, $0x1;
	s6 =	sadd.s32 s21, s4  }
0x9e: {  	[timem:s8], [sflag:s22] =	dma.local [hbm:s6], s20  }
0x9f: {  	_ =	swait.ge [sflag:s22], s20  }
0xa0: {  	s5 =	ssub.s32 $0x0, s20;
	[sflag:s22] =	ssyncset.done $0x0  }
0xa1: {  	[sflag:s22] =	ssyncadd.s32 s5;
	_ =	sdelay $0x1  }
0xa2: {  	s23 =	simm.s32 $0x1B8B  }
0xa3: {  	_ =	swait.ge [sflag:s23], $0x1  }
0xa4: {  	[sflag:s23] =	ssyncset.done $0x0  }
0xa5: {  	s25 =	simm.s32 $0x1B8E;
	s24 =	sld [smem:$0x3FFE];
	[sflag:s23] =	ssyncadd.s32 $0xFFFFFFFF  }
0xa6: {  	s26 =	simm.s32 $execute0_lowered;
	[smem:$0x3FD2] =	sst s25  }
0xa7: {  	s6 =	sshll.u32 s26, $0x1;
	_ =	strace $0x80000046;
	[dreg:$0x1] =	wrdreg $0xFFFFFFFF  }
0xa8: {  	s28 =	simm.s32 $_size_execute0_lowered;
	s4 =	sadd.s32 s4, s6;
	[dreg:$0x0] =	wrdreg $0x0  }
0xa9: {  	s6 =	sshll.u32 s28, $0x1;
	[dreg:$0x2] =	wrdreg s4  }
0xaa: {  	[dreg:$0x3] =	wrdreg s6  }
0xab: {  	[dreg:$0x4] =	wrdreg $0xC0  }
0xac: {  	_ =	task [dreg:s8], $0x5FFFF  }
0xad: {  	[dreg:$0x1] =	wrdreg $0xFFFFFFFF  }
0xae: {  	[dreg:$0x0] =	wrdreg $0x60  }
0xaf: {  	[dreg:$0x2] =	wrdreg s24  }
0xb0: {  	[dreg:$0x3] =	wrdreg s2  }
0xb1: {  	[dreg:$0x4] =	wrdreg s18  }
0xb2: {  	[dreg:$0x5] =	wrdreg $0x9  }
0xb3: {  	_ =	task.clear_ibuf [dreg:s8], $0x6FFFF;
	_ =	strace $0x90000046  }
0xb4: {  	s29 =	simm.s32 $0x9;
	_ =	strace $0x8000004C  }
0xb5: {  	_ =	swait.ge [sflag:s29], $0x1  }
0xb6: {  	[sflag:s29] =	ssyncadd.s32 $0xFFFFFFFF  }
0xb7: {  	_ =	strace $0x9000004C  }
0xb8: {  	_ =	sfence  }
0xb9: {  	s30 =	sld [smem:$0x0];
	_ =	sdelay $0x2  }
0xba: {  	s31 =	sshll.u32 s1, $0xD;
	s1 =	sshrl.u32 s1, $0x2  }
0xbb: {  	s3 =	sand.u32 $0x4000, s31;
	s1 =	sadd.s32 s1, s30  }
0xbc: {  	s0 =	sor.u32 s3, s0;
	s1 =	sshll.u32 s1, $0x11  }
0xbd: {  	s0 =	sor.u32 s1, s0  }
0xbe: {  	s0 =	sadd.s32 $0x8F2B, s0  }
0xbf: {  	[sflag:s0] =	ssyncadd.remote.s32 $0x1  }
0xc0: {  	_ =	sfence.sel $0xFFFF  }
0xc1: {  	[dreg:$0x0] =	wrdreg $0xFFFFFFFF;
	(pc) =	sbr.abs _section_cstart, $3  }
0xc2: {  	[dreg:$0x1] =	wrdreg $0xFFFFFFFF  }
0xc3: {  	_ =	task.clear_ibuf [dreg:s8], $0x2FFFF;
	_ =	strace $0x9FFFFFFF  }
0xc4: {  	(tm) =	ssettm $0x7FFFFFFF  }
0xc5: {  	_ =	shalt  }
tec
execute0_lowered:
.L_overlay_start_1:
0x0: {  	(tag) =	ssettag $0x1  }
0x1: {  	s0 =	rddreg [dreg:$0x0]  }
0x2: {  	s1 =	rddreg [dreg:$0x1]  }
0x3: {  	s2 =	rddreg [dreg:$0x2];
	s3 =	simm.s32 $0x0;
	s4 =	srdreg.scid  }
0x4: {  	s5 =	stileid.u32;
	s13 =	simm.s32 $0x1A300;
	s31 =	simm.s32 $0x2300  }
0x5: {  	[smem:$0x7FF] =	sst s3;
	s4 =	sand.u32 $0x1, s4;
	s5 =	sshll.u32 s5, $0x1  }
0x6: {  	s6 =	sadd.s32 $0x200, s0;
	s21 =	sadd.s32 $0x400, s0;
	s16 =	sadd.s32 $0x600, s0  }
0x7: {  	s0 =	sadd.s32 $0x800, s0;
	s10 =	sadd.s32 $0x200, s1;
	s5 =	sor.u32 s4, s5  }
0x8: {  	_ =	strace $0x80000047;
	[dreg:$0x4] =	wrdreg s6;
	s7 =	smul.u32 $0x180, s5  }
0x9: {  	[dreg:$0x5] =	wrdreg s21;
	s4 =	ssub.s32 $0x2, s4;
	s22 =	smul.u32 $0xC000, s5  }
0xa: {  	[dreg:$0x11] =	wrdreg s16;
	s8 =	sshrl.u32 s4, $0x1;
	s5 =	smul.u32 $0x60000, s5  }
0xb: {  	s4 =	ssub.s32 s4, s8;
	s6 =	sadd.s32 s0, s22;
	[dreg:$0xf] =	wrdreg s7  }
0xc: {  	s9 =	sshrl.u32 s7, $0x3;
	s17 =	smax.u32 s4, $0x1;
	[dreg:$0x7] =	wrdreg s6  }
0xd: {  	s12 =	sadd.s32 $0x300, s1;
	s2 =	sadd.s32 s2, s9;
	[dreg:$0x10] =	wrdreg s17  }
0xe: {  	s23 =	sshrl.u32 s5, $0x3;
	s24 =	sadd.s32 $0x1800, s6;
	[dreg:$0x6] =	wrdreg s2  }
0xf: {  	s0 =	sadd.s32 s0, s23;
	s25 =	sadd.s32 $0x3000, s6;
	[dreg:$0x8] =	wrdreg s24  }
0x10: {  	s22 =	simm.s32 $0x3;
	[dreg:$0x9] =	wrdreg s25;
	s26 =	sadd.s32 $0x4800, s0  }
.Ltmp0:
0x11: {  	s28 =	sadd.s32 $0x6000, s0;
	[dreg:$0xa] =	wrdreg s26;
	(pc) =	sbr.rel .LBB2_1-.Ltmp0, $4  }
0x12: {  	s5 =	simm.s32 $0x0;
	s29 =	sadd.s32 $0x7800, s0;
	[dreg:$0xb] =	wrdreg s28  }
0x13: {  	v0 =	vlaneseq.u32;
	v3 =	vimm.f32 $0.0e+00;
	vm0 =	vmmov $0xffff;
	s4 =	simm.s32 $0x1;
	s30 =	sadd.s32 $0x9000, s0;
	[dreg:$0xc] =	wrdreg s29  }
0x14: {  	v4 =	vand.u32 $0x7, v0;
	v5 =	vshrl.u32 v0, $0x3;
	v6 =	vor.u32 $0x8, v0;
	s9 =	sadd.s32 $0x100, s1;
	s0 =	sadd.s32 $0xA800, s0;
	[dreg:$0xd] =	wrdreg s30  }
0x15: {  	v5 =	vmul.u32 $0x8, v5;
	v1 =	vmov s7;
	v2 =	vor.u32 s7, v0;
	s24 =	simm.s32 $0x2000;
	s25 =	simm.s32 $0x2180;
	[dreg:$0xe] =	wrdreg s0  }
.LBB2_7:
0x16: {  	s5 =	sadd.s32 $0x1, s5  }
0x17: {  	p0 =	sne.s32 s5, s17  }
.Ltmp1:
0x18: {  	_ = 	snop;
	(pc) =	sbr.rel @!p0 .LBB2_8-.Ltmp1, $1  }
0x19: {  	_ =	sdelay $0x3  }
.LBB2_1:
0x1a: {  	[tilespmem:s13], [sflag:$0x3] =	stream.linear.gather [hbm4b:s16+s3], $0x80, $0x38;
	[tilespmem:$0x1A380] =	vst v63  }
0x1b: {  	_ =	swait.ge [sflag:s22], $0x80  }
0x1c: {  	[sflag:s22] =	ssyncset.done $0x0  }
0x1d: {  	[sflag:s22] =	ssyncadd.s32 $0xFFFFFF80  }
0x1e: {  	v7 =	vld [tilespmem:$0x1A300];
	_ =	sdelay $0x4  }
0x1f: {  	v7 =	vxor.u32 $0x80000000, v7  }
0x20: {  	(xrf0) =	vmax.scan.msk.u32 $0xffff, v7;
	_ =	sdelay $0x5  }
0x21: {  	v7, _, _ =	vpop (xrf0)  }
0x22: {  	(v2sf) =	vpush v7, $0xF;
	_ =	sdelay $0xe  }
0x23: {  	s8 =	spop (v2sf)  }
0x24: {  	s8 =	sxor.u32 $0x80000000, s8  }
0x25: {  	p0 =	sge.s32 s7, s8  }
.Ltmp2:
0x26: {  	_ = 	snop;
	(pc) =	sbr.rel @p0 .LBB2_7-.Ltmp2, $1  }
0x27: {  	_ =	sdelay $0x3  }
0x28: {  	_ =	strace $0x80000048  }
0x29: {  	s8 =	simm.s32 $0x0;
	s13 =	rddreg [dreg:$0x4]  }
0x2a: {  	[tilespmem:s8], [sflag:$0x3] =	stream.linear.gather [hbm4b:s13+s8], $0x1000, $0x200038;
	[tilespmem:$0x1A380] =	vst v63  }
0x2b: {  	_ =	swait.ge [sflag:s22], $0x1000  }
0x2c: {  	[sflag:s22] =	ssyncset.done $0x0  }
0x2d: {  	s14 =	simm.s32 $0x1000;
	s26 =	rddreg [dreg:$0x5];
	[sflag:s22] =	ssyncadd.s32 $0xFFFFF000  }
0x2e: {  	[tilespmem:s14], [sflag:$0x3] =	stream.linear.gather [hbm4b:s26+s8], $0x1000, $0x200038;
	[tilespmem:$0x1A380] =	vst v63  }
0x2f: {  	_ =	swait.ge [sflag:s22], $0x1000  }
0x30: {  	[sflag:s22] =	ssyncset.done $0x0  }
0x31: {  	v7 =	vadd.s32 s8, v2;
	[sflag:s22] =	ssyncadd.s32 $0xFFFFF000  }
0x32: {  	s28 =	simm.s32 $0x10;
	v7 =	vand.u32 $0x7CF, v7;
	s8 =	simm.s32 $0x2020;
	_ =	strace $0x90000048  }
0x33: {  	s13 =	simm.s32 $0x21A0;
	_ =	strace $0x80000049;
	[tilespmem:s8+$0xFFFFFFE0] =	vst v7;
	v7 =	vadd.s32 s28, v2  }
0x34: {  	s29 =	simm.s32 $0x20;
	[tilespmem:s13+$0xFFFFFFE0] =	vst v3;
	v7 =	vand.u32 $0x7DF, v7  }
0x35: {  	[tilespmem:s8+$0xFFFFFFF0] =	vst v7;
	v7 =	vadd.s32 s29, v2  }
0x36: {  	s30 =	simm.s32 $0x30;
	[tilespmem:s13+$0xFFFFFFF0] =	vst v3;
	v7 =	vand.u32 $0x7EF, v7  }
0x37: {  	[tilespmem:s8+$0x0] =	vst v7;
	v7 =	vadd.s32 s30, v2  }
0x38: {  	s21 =	simm.s32 $0x40;
	s14 =	simm.s32 $0x0;
	[tilespmem:s13+$0x0] =	vst v3;
	v7 =	vand.u32 $0x7FF, v7  }
.LBB2_3:
0x39: {  	v8 =	vadd.s32 s21, v2;
	[tilespmem:s8+$0x10] =	vst v7  }
0x3a: {  	s15 =	sadd.s32 $0x10, s21;
	s8 =	sadd.s32 $0x40, s8;
	s14 =	sadd.s32 $0x4, s14;
	v7 =	vand.u32 $0x7CF, v8;
	[tilespmem:s13+$0x10] =	vst v3  }
0x3b: {  	s13 =	sadd.s32 $0x40, s13;
	p0 =	slt.u32 s14, $0x14;
	[tilespmem:s8+$0xFFFFFFE0] =	vst v7;
	v7 =	vadd.s32 s15, v2  }
.Ltmp3:
0x3c: {  	s15 =	sadd.s32 $0x20, s21;
	[tilespmem:s13+$0xFFFFFFE0] =	vst v3;
	v7 =	vand.u32 $0x7DF, v7;
	(pc) =	sbr.rel @p0 .LBB2_3-.Ltmp3, $4  }
0x3d: {  	[tilespmem:s8+$0xFFFFFFF0] =	vst v7;
	v7 =	vadd.s32 s15, v2  }
0x3e: {  	s15 =	sadd.s32 $0x30, s21;
	[tilespmem:s13+$0xFFFFFFF0] =	vst v3;
	v7 =	vand.u32 $0x7EF, v7  }
0x3f: {  	[tilespmem:s8+$0x0] =	vst v7;
	v7 =	vadd.s32 s15, v2  }
0x40: {  	s21 =	sadd.s32 $0x40, s21;
	[tilespmem:s13+$0x0] =	vst v3;
	v7 =	vand.u32 $0x7FF, v7  }
0x41: {  	[tilespmem:s8+$0x10] =	vst v7  }
0x42: {  	[tilespmem:s13+$0x10] =	vst v3  }
0x43: {  	s21 =	simm.s32 $0xFFFFFFF8;
	s8 =	simm.s32 $0x70;
	_ =	strace $0x90000049  }
0x44: {  	s14 =	simm.s32 $0x1040;
	s13 =	simm.s32 $0x40;
	_ =	strace $0x8000004A  }
.LBB2_5:
0x45: {  	v7 =	vld [tilespmem:s13+$0xFFFFFFC0];
	_ =	sdelay $0x4  }
0x46: {  	v7 =	vsub.s32 v7, v1  }
0x47: {  	vm1 =	vgt.s32 v7, $0x0  }
0x48: {  	vm2 =	vlt.u32 v7, $0x180;
	v7 =	vnsel vm1, $0x0, v7  }
0x49: {  	v7 =	vmin.u32 v7, $0x17F;
	_ =	sdelay $0x1  }
0x4a: {  	s15 =	sadd.s32 $0xFFFFFF90, s8  }
0x4b: {  	v8 =	vor.u32 s15, v0  }
0x4c: {  	v8 =	vand.u32 $0x78F, v8  }
0x4d: {  	[tilespmem:v7+s24+$0x0] =	vst.idx.msk vm2, v8  }
0x4e: {  	v8 =	vld [tilespmem:s14+$0xFFFFFFC0];
	_ =	sdelay $0x4  }
0x4f: {  	[tilespmem:v7+s25+$0x0] =	vst.idx.msk vm2, v8  }
0x50: {  	v7 =	vld [tilespmem:s13+$0xFFFFFFD0];
	_ =	sdelay $0x4  }
0x51: {  	v7 =	vsub.s32 v7, v1  }
0x52: {  	vm1 =	vgt.s32 v7, $0x0  }
0x53: {  	vm2 =	vlt.u32 v7, $0x180;
	v7 =	vnsel vm1, $0x0, v7  }
0x54: {  	v7 =	vmin.u32 v7, $0x17F;
	_ =	sdelay $0x1  }
0x55: {  	s20 =	sadd.s32 $0xFFFFFFA0, s8  }
0x56: {  	v8 =	vor.u32 s20, v0  }
0x57: {  	v8 =	vand.u32 $0x79F, v8  }
0x58: {  	[tilespmem:v7+s24+$0x0] =	vst.idx.msk vm2, v8  }
0x59: {  	v8 =	vld [tilespmem:s14+$0xFFFFFFD0];
	_ =	sdelay $0x4  }
0x5a: {  	[tilespmem:v7+s25+$0x0] =	vst.idx.msk vm2, v8  }
0x5b: {  	v7 =	vld [tilespmem:s13+$0xFFFFFFE0];
	_ =	sdelay $0x4  }
0x5c: {  	v7 =	vsub.s32 v7, v1  }
0x5d: {  	vm1 =	vgt.s32 v7, $0x0  }
0x5e: {  	vm2 =	vlt.u32 v7, $0x180;
	v7 =	vnsel vm1, $0x0, v7  }
0x5f: {  	v7 =	vmin.u32 v7, $0x17F;
	_ =	sdelay $0x1  }
0x60: {  	s23 =	sadd.s32 $0xFFFFFFB0, s8  }
0x61: {  	v8 =	vor.u32 s23, v0  }
0x62: {  	v8 =	vand.u32 $0x7AF, v8  }
0x63: {  	[tilespmem:v7+s24+$0x0] =	vst.idx.msk vm2, v8  }
0x64: {  	v8 =	vld [tilespmem:s14+$0xFFFFFFE0];
	_ =	sdelay $0x4  }
0x65: {  	[tilespmem:v7+s25+$0x0] =	vst.idx.msk vm2, v8  }
0x66: {  	v7 =	vld [tilespmem:s13+$0xFFFFFFF0];
	_ =	sdelay $0x4  }
0x67: {  	v7 =	vsub.s32 v7, v1  }
0x68: {  	vm1 =	vgt.s32 v7, $0x0  }
0x69: {  	vm2 =	vlt.u32 v7, $0x180;
	v7 =	vnsel vm1, $0x0, v7  }
0x6a: {  	v7 =	vmin.u32 v7, $0x17F;
	_ =	sdelay $0x1  }
0x6b: {  	s26 =	sadd.s32 $0xFFFFFFC0, s8  }
0x6c: {  	v8 =	vor.u32 s26, v0  }
0x6d: {  	v8 =	vand.u32 $0x7BF, v8  }
0x6e: {  	[tilespmem:v7+s24+$0x0] =	vst.idx.msk vm2, v8  }
0x6f: {  	v8 =	vld [tilespmem:s14+$0xFFFFFFF0];
	_ =	sdelay $0x4  }
0x70: {  	[tilespmem:v7+s25+$0x0] =	vst.idx.msk vm2, v8  }
0x71: {  	v7 =	vld [tilespmem:s13+$0x0];
	_ =	sdelay $0x4  }
0x72: {  	v7 =	vsub.s32 v7, v1  }
0x73: {  	vm1 =	vgt.s32 v7, $0x0  }
0x74: {  	vm2 =	vlt.u32 v7, $0x180;
	v7 =	vnsel vm1, $0x0, v7  }
0x75: {  	v7 =	vmin.u32 v7, $0x17F;
	_ =	sdelay $0x1  }
0x76: {  	s28 =	sadd.s32 $0xFFFFFFD0, s8  }
0x77: {  	v8 =	vor.u32 s28, v0  }
0x78: {  	v8 =	vand.u32 $0x7CF, v8  }
0x79: {  	[tilespmem:v7+s24+$0x0] =	vst.idx.msk vm2, v8  }
0x7a: {  	v8 =	vld [tilespmem:s14+$0x0];
	_ =	sdelay $0x4  }
0x7b: {  	[tilespmem:v7+s25+$0x0] =	vst.idx.msk vm2, v8  }
0x7c: {  	v7 =	vld [tilespmem:s13+$0x10];
	_ =	sdelay $0x4  }
0x7d: {  	v7 =	vsub.s32 v7, v1  }
0x7e: {  	vm1 =	vgt.s32 v7, $0x0  }
0x7f: {  	vm2 =	vlt.u32 v7, $0x180;
	v7 =	vnsel vm1, $0x0, v7  }
0x80: {  	v7 =	vmin.u32 v7, $0x17F;
	_ =	sdelay $0x1  }
0x81: {  	s29 =	sadd.s32 $0xFFFFFFE0, s8  }
0x82: {  	v8 =	vor.u32 s29, v0  }
0x83: {  	v8 =	vand.u32 $0x7DF, v8  }
0x84: {  	[tilespmem:v7+s24+$0x0] =	vst.idx.msk vm2, v8  }
0x85: {  	v8 =	vld [tilespmem:s14+$0x10];
	_ =	sdelay $0x4  }
0x86: {  	[tilespmem:v7+s25+$0x0] =	vst.idx.msk vm2, v8  }
0x87: {  	v7 =	vld [tilespmem:s13+$0x20];
	_ =	sdelay $0x4  }
0x88: {  	v7 =	vsub.s32 v7, v1  }
0x89: {  	vm1 =	vgt.s32 v7, $0x0  }
0x8a: {  	vm2 =	vlt.u32 v7, $0x180;
	v7 =	vnsel vm1, $0x0, v7  }
0x8b: {  	v7 =	vmin.u32 v7, $0x17F;
	_ =	sdelay $0x1  }
0x8c: {  	s30 =	sadd.s32 $0xFFFFFFF0, s8  }
0x8d: {  	v8 =	vor.u32 s30, v0  }
0x8e: {  	v8 =	vand.u32 $0x7EF, v8  }
0x8f: {  	[tilespmem:v7+s24+$0x0] =	vst.idx.msk vm2, v8  }
0x90: {  	v8 =	vld [tilespmem:s14+$0x20];
	_ =	sdelay $0x4  }
0x91: {  	[tilespmem:v7+s25+$0x0] =	vst.idx.msk vm2, v8  }
0x92: {  	v7 =	vld [tilespmem:s13+$0x30];
	_ =	sdelay $0x4  }
0x93: {  	v7 =	vsub.s32 v7, v1  }
0x94: {  	vm1 =	vgt.s32 v7, $0x0  }
0x95: {  	vm2 =	vlt.u32 v7, $0x180;
	v7 =	vnsel vm1, $0x0, v7  }
0x96: {  	v7 =	vmin.u32 v7, $0x17F;
	_ =	sdelay $0x2  }
0x97: {  	v8 =	vor.u32 s8, v0  }
0x98: {  	v8 =	vand.u32 $0x7FF, v8  }
0x99: {  	s21 =	sadd.s32 $0x8, s21;
	[tilespmem:v7+s24+$0x0] =	vst.idx.msk vm2, v8  }
0x9a: {  	p0 =	slt.u32 s21, $0xF8;
	v8 =	vld [tilespmem:s14+$0x30]  }
.Ltmp4:
0x9b: {  	_ = 	snop;
	(pc) =	sbr.rel @p0 .LBB2_5-.Ltmp4, $2  }
0x9c: {  	_ =	sdelay $0x2  }
0x9d: {  	s8 =	sadd.s32 $0x80, s8;
	s13 =	sadd.s32 $0x80, s13;
	s14 =	sadd.s32 $0x80, s14;
	[tilespmem:v7+s25+$0x0] =	vst.idx.msk vm2, v8  }
0x9e: {  	_ =	strace $0x9000004A  }
0x9f: {  	_ =	strace $0x8000004B  }
0xa0: {  	s8 =	rddreg [dreg:$0x6]  }
0xa1: {  	[hbm4b:s8+s3] =	stream.linear.scatter [tilespmem:s25], [sflag:$0x3], $0x180, $0x200038;
	[tilespmem:$0x1A380] =	vst v63  }
0xa2: {  	_ =	swait.ge [sflag:s22], $0x180  }
0xa3: {  	[sflag:s22] =	ssyncset.done $0x0  }
0xa4: {  	[sflag:s22] =	ssyncadd.s32 $0xFFFFFE80  }
0xa5: {  	v7 =	vld [tilespmem:$0x2000];
	_ =	sdelay $0x4  }
0xa6: {  	v8 =	vshll.u32 v7, $0x3  }
0xa7: {  	v7 =	vand.u32 $0x7, v7;
	v8 =	vand.u32 $0xFFFFFFC0, v8  }
0xa8: {  	v7 =	vor.u32 v7, v8  }
0xa9: {  	v8 =	vperm.xlane v7, v4;
	_ =	sdelay $0x1  }
0xaa: {  	v8 =	vadd.s32 v5, v8;
	_ =	sdelay $0x4  }
0xab: {  	[tilespmem:s31], [sflag:$0x1] =	stream.indirect_vreg.gather [hbm4b:s1+s3], $0x80, v8, vm0, $0x2000b8;
	[tilespmem:$0x1A380] =	vst v63  }
0xac: {  	s0 =	simm.s32 $0x2B00;
	v7 =	vperm.xlane v7, v6  }
0xad: {  	[tilespmem:s0], [sflag:$0x1] =	stream.indirect_vreg.gather [hbm4b:s9+s3], $0x80, v8, vm0, $0x2000b8;
	[tilespmem:$0x1A380] =	vst v63  }
0xae: {  	s15 =	simm.s32 $0x3300;
	v7 =	vadd.s32 v5, v7  }
0xaf: {  	[tilespmem:s15], [sflag:$0x1] =	stream.indirect_vreg.gather [hbm4b:s10+s3], $0x80, v8, vm0, $0x2000b8;
	[tilespmem:$0x1A380] =	vst v63  }
0xb0: {  	s16 =	simm.s32 $0x3B00  }
0xb1: {  	[tilespmem:s16], [sflag:$0x1] =	stream.indirect_vreg.gather [hbm4b:s12+s3], $0x80, v8, vm0, $0x2000b8;
	[tilespmem:$0x1A380] =	vst v63  }
0xb2: {  	s17 =	simm.s32 $0x4300  }
0xb3: {  	[tilespmem:s17], [sflag:$0x1] =	stream.indirect_vreg.gather [hbm4b:s1+s3], $0x80, v7, vm0, $0x2000b8;
	[tilespmem:$0x1A380] =	vst v63  }
0xb4: {  	s18 =	simm.s32 $0x4B00  }
0xb5: {  	[tilespmem:s18], [sflag:$0x1] =	stream.indirect_vreg.gather [hbm4b:s9+s3], $0x80, v7, vm0, $0x2000b8;
	[tilespmem:$0x1A380] =	vst v63  }
0xb6: {  	s19 =	simm.s32 $0x5300  }
0xb7: {  	[tilespmem:s19], [sflag:$0x1] =	stream.indirect_vreg.gather [hbm4b:s10+s3], $0x80, v7, vm0, $0x2000b8;
	[tilespmem:$0x1A380] =	vst v63  }
0xb8: {  	s20 =	simm.s32 $0x5B00  }
0xb9: {  	[tilespmem:s20], [sflag:$0x1] =	stream.indirect_vreg.gather [hbm4b:s12+s3], $0x80, v7, vm0, $0x2000b8;
	[tilespmem:$0x1A380] =	vst v63  }
0xba: {  	v7 =	vld [tilespmem:$0x2010];
	_ =	sdelay $0x4  }
0xbb: {  	v8 =	vshll.u32 v7, $0x3  }
0xbc: {  	v7 =	vand.u32 $0x7, v7;
	v8 =	vand.u32 $0xFFFFFFC0, v8  }
0xbd: {  	v7 =	vor.u32 v7, v8  }
0xbe: {  	v8 =	vperm.xlane v7, v4;
	_ =	sdelay $0x1  }
0xbf: {  	v8 =	vadd.s32 v5, v8;
	_ =	sdelay $0x3  }
0xc0: {  	s21 =	simm.s32 $0x6300  }
0xc1: {  	[tilespmem:s21], [sflag:$0x1] =	stream.indirect_vreg.gather [hbm4b:s1+s3], $0x80, v8, vm0, $0x2000b8;
	[tilespmem:$0x1A380] =	vst v63  }
0xc2: {  	s23 =	simm.s32 $0x6B00;
	v7 =	vperm.xlane v7, v6  }
0xc3: {  	[tilespmem:s23], [sflag:$0x1] =	stream.indirect_vreg.gather [hbm4b:s9+s3], $0x80, v8, vm0, $0x2000b8;
	[tilespmem:$0x1A380] =	vst v63  }
0xc4: {  	s26 =	simm.s32 $0x7300;
	v7 =	vadd.s32 v5, v7  }
0xc5: {  	[tilespmem:s26], [sflag:$0x1] =	stream.indirect_vreg.gather [hbm4b:s10+s3], $0x80, v8, vm0, $0x2000b8;
	[tilespmem:$0x1A380] =	vst v63  }
0xc6: {  	s29 =	simm.s32 $0x7B00  }
0xc7: {  	[tilespmem:s29], [sflag:$0x1] =	stream.indirect_vreg.gather [hbm4b:s12+s3], $0x80, v8, vm0, $0x2000b8;
	[tilespmem:$0x1A380] =	vst v63  }
0xc8: {  	s30 =	simm.s32 $0x8300  }
0xc9: {  	[tilespmem:s30], [sflag:$0x1] =	stream.indirect_vreg.gather [hbm4b:s1+s3], $0x80, v7, vm0, $0x2000b8;
	[tilespmem:$0x1A380] =	vst v63  }
0xca: {  	s7 =	simm.s32 $0x8B00  }
0xcb: {  	[tilespmem:s7], [sflag:$0x1] =	stream.indirect_vreg.gather [hbm4b:s9+s3], $0x80, v7, vm0, $0x2000b8;
	[tilespmem:$0x1A380] =	vst v63  }
0xcc: {  	s8 =	simm.s32 $0x9300  }
0xcd: {  	[tilespmem:s8], [sflag:$0x1] =	stream.indirect_vreg.gather [hbm4b:s10+s3], $0x80, v7, vm0, $0x2000b8;
	[tilespmem:$0x1A380] =	vst v63  }
0xce: {  	s13 =	simm.s32 $0x9B00  }
0xcf: {  	[tilespmem:s13], [sflag:$0x1] =	stream.indirect_vreg.gather [hbm4b:s12+s3], $0x80, v7, vm0, $0x2000b8;
	[tilespmem:$0x1A380] =	vst v63  }
0xd0: {  	v7 =	vld [tilespmem:$0x2020];
	_ =	sdelay $0x4  }
0xd1: {  	v8 =	vshll.u32 v7, $0x3  }
0xd2: {  	v7 =	vand.u32 $0x7, v7;
	v8 =	vand.u32 $0xFFFFFFC0, v8  }
0xd3: {  	v7 =	vor.u32 v7, v8  }
0xd4: {  	v8 =	vperm.xlane v7, v4;
	_ =	sdelay $0x1  }
0xd5: {  	v8 =	vadd.s32 v5, v8;
	_ =	sdelay $0x3  }
0xd6: {  	s14 =	simm.s32 $0xA300  }
0xd7: {  	[tilespmem:s14], [sflag:$0x1] =	stream.indirect_vreg.gather [hbm4b:s1+s3], $0x80, v8, vm0, $0x2000b8;
	[tilespmem:$0x1A380] =	vst v63  }
0xd8: {  	s15 =	simm.s32 $0xAB00;
	v7 =	vperm.xlane v7, v6  }
0xd9: {  	[tilespmem:s15], [sflag:$0x1] =	stream.indirect_vreg.gather [hbm4b:s9+s3], $0x80, v8, vm0, $0x2000b8;
	[tilespmem:$0x1A380] =	vst v63  }
0xda: {  	s16 =	simm.s32 $0xB300;
	v7 =	vadd.s32 v5, v7  }
0xdb: {  	[tilespmem:s16], [sflag:$0x1] =	stream.indirect_vreg.gather [hbm4b:s10+s3], $0x80, v8, vm0, $0x2000b8;
	[tilespmem:$0x1A380] =	vst v63  }
0xdc: {  	s17 =	simm.s32 $0xBB00  }
0xdd: {  	[tilespmem:s17], [sflag:$0x1] =	stream.indirect_vreg.gather [hbm4b:s12+s3], $0x80, v8, vm0, $0x2000b8;
	[tilespmem:$0x1A380] =	vst v63  }
0xde: {  	s18 =	simm.s32 $0xC300  }
0xdf: {  	[tilespmem:s18], [sflag:$0x1] =	stream.indirect_vreg.gather [hbm4b:s1+s3], $0x80, v7, vm0, $0x2000b8;
	[tilespmem:$0x1A380] =	vst v63  }
0xe0: {  	s19 =	simm.s32 $0xCB00  }
0xe1: {  	[tilespmem:s19], [sflag:$0x1] =	stream.indirect_vreg.gather [hbm4b:s9+s3], $0x80, v7, vm0, $0x2000b8;
	[tilespmem:$0x1A380] =	vst v63  }
0xe2: {  	s20 =	simm.s32 $0xD300  }
0xe3: {  	[tilespmem:s20], [sflag:$0x1] =	stream.indirect_vreg.gather [hbm4b:s10+s3], $0x80, v7, vm0, $0x2000b8;
	[tilespmem:$0x1A380] =	vst v63  }
0xe4: {  	s23 =	simm.s32 $0xDB00  }
0xe5: {  	[tilespmem:s23], [sflag:$0x1] =	stream.indirect_vreg.gather [hbm4b:s12+s3], $0x80, v7, vm0, $0x2000b8;
	[tilespmem:$0x1A380] =	vst v63  }
0xe6: {  	v7 =	vld [tilespmem:$0x2030];
	_ =	sdelay $0x4  }
0xe7: {  	v8 =	vshll.u32 v7, $0x3  }
0xe8: {  	v7 =	vand.u32 $0x7, v7;
	v8 =	vand.u32 $0xFFFFFFC0, v8  }
0xe9: {  	v7 =	vor.u32 v7, v8  }
0xea: {  	v8 =	vperm.xlane v7, v4;
	_ =	sdelay $0x1  }
0xeb: {  	v8 =	vadd.s32 v5, v8;
	_ =	sdelay $0x3  }
0xec: {  	s7 =	simm.s32 $0xE300  }
0xed: {  	[tilespmem:s7], [sflag:$0x2] =	stream.indirect_vreg.gather [hbm4b:s1+s3], $0x80, v8, vm0, $0x2000b8;
	[tilespmem:$0x1A380] =	vst v63  }
0xee: {  	s26 =	simm.s32 $0xEB00;
	v7 =	vperm.xlane v7, v6  }
0xef: {  	[tilespmem:s26], [sflag:$0x2] =	stream.indirect_vreg.gather [hbm4b:s9+s3], $0x80, v8, vm0, $0x2000b8;
	[tilespmem:$0x1A380] =	vst v63  }
0xf0: {  	s29 =	simm.s32 $0xF300;
	v7 =	vadd.s32 v5, v7  }
0xf1: {  	[tilespmem:s29], [sflag:$0x2] =	stream.indirect_vreg.gather [hbm4b:s10+s3], $0x80, v8, vm0, $0x2000b8;
	[tilespmem:$0x1A380] =	vst v63  }
0xf2: {  	s30 =	simm.s32 $0xFB00  }
0xf3: {  	[tilespmem:s30], [sflag:$0x2] =	stream.indirect_vreg.gather [hbm4b:s12+s3], $0x80, v8, vm0, $0x2000b8;
	[tilespmem:$0x1A380] =	vst v63  }
0xf4: {  	s18 =	simm.s32 $0x10300  }
0xf5: {  	[tilespmem:s18], [sflag:$0x2] =	stream.indirect_vreg.gather [hbm4b:s1+s3], $0x80, v7, vm0, $0x2000b8;
	[tilespmem:$0x1A380] =	vst v63  }
0xf6: {  	s19 =	simm.s32 $0x10B00  }
0xf7: {  	[tilespmem:s19], [sflag:$0x2] =	stream.indirect_vreg.gather [hbm4b:s9+s3], $0x80, v7, vm0, $0x2000b8;
	[tilespmem:$0x1A380] =	vst v63  }
0xf8: {  	s20 =	simm.s32 $0x11300  }
0xf9: {  	[tilespmem:s20], [sflag:$0x2] =	stream.indirect_vreg.gather [hbm4b:s10+s3], $0x80, v7, vm0, $0x2000b8;
	[tilespmem:$0x1A380] =	vst v63  }
0xfa: {  	s23 =	simm.s32 $0x11B00  }
0xfb: {  	[tilespmem:s23], [sflag:$0x2] =	stream.indirect_vreg.gather [hbm4b:s12+s3], $0x80, v7, vm0, $0x2000b8;
	[tilespmem:$0x1A380] =	vst v63  }
0xfc: {  	v7 =	vld [tilespmem:$0x2040];
	_ =	sdelay $0x4  }
0xfd: {  	v8 =	vshll.u32 v7, $0x3  }
0xfe: {  	v7 =	vand.u32 $0x7, v7;
	v8 =	vand.u32 $0xFFFFFFC0, v8  }
0xff: {  	v7 =	vor.u32 v7, v8  }
0x100: {  	v8 =	vperm.xlane v7, v4;
	_ =	sdelay $0x1  }
0x101: {  	v8 =	vadd.s32 v5, v8;
	_ =	sdelay $0x3  }
0x102: {  	s26 =	simm.s32 $0x12300  }
0x103: {  	[tilespmem:s26], [sflag:$0x2] =	stream.indirect_vreg.gather [hbm4b:s1+s3], $0x80, v8, vm0, $0x2000b8;
	[tilespmem:$0x1A380] =	vst v63  }
0x104: {  	s29 =	simm.s32 $0x12B00;
	v7 =	vperm.xlane v7, v6  }
0x105: {  	[tilespmem:s29], [sflag:$0x2] =	stream.indirect_vreg.gather [hbm4b:s9+s3], $0x80, v8, vm0, $0x2000b8;
	[tilespmem:$0x1A380] =	vst v63  }
0x106: {  	s30 =	simm.s32 $0x13300;
	v7 =	vadd.s32 v5, v7  }
0x107: {  	[tilespmem:s30], [sflag:$0x2] =	stream.indirect_vreg.gather [hbm4b:s10+s3], $0x80, v8, vm0, $0x2000b8;
	[tilespmem:$0x1A380] =	vst v63  }
0x108: {  	s18 =	simm.s32 $0x13B00  }
0x109: {  	[tilespmem:s18], [sflag:$0x2] =	stream.indirect_vreg.gather [hbm4b:s12+s3], $0x80, v8, vm0, $0x2000b8;
	[tilespmem:$0x1A380] =	vst v63  }
0x10a: {  	s19 =	simm.s32 $0x14300  }
0x10b: {  	[tilespmem:s19], [sflag:$0x2] =	stream.indirect_vreg.gather [hbm4b:s1+s3], $0x80, v7, vm0, $0x2000b8;
	[tilespmem:$0x1A380] =	vst v63  }
0x10c: {  	s20 =	simm.s32 $0x14B00  }
0x10d: {  	[tilespmem:s20], [sflag:$0x2] =	stream.indirect_vreg.gather [hbm4b:s9+s3], $0x80, v7, vm0, $0x2000b8;
	[tilespmem:$0x1A380] =	vst v63  }
0x10e: {  	s23 =	simm.s32 $0x15300  }
0x10f: {  	[tilespmem:s23], [sflag:$0x2] =	stream.indirect_vreg.gather [hbm4b:s10+s3], $0x80, v7, vm0, $0x2000b8;
	[tilespmem:$0x1A380] =	vst v63  }
0x110: {  	s26 =	simm.s32 $0x15B00  }
0x111: {  	[tilespmem:s26], [sflag:$0x2] =	stream.indirect_vreg.gather [hbm4b:s12+s3], $0x80, v7, vm0, $0x2000b8;
	[tilespmem:$0x1A380] =	vst v63  }
0x112: {  	v7 =	vld [tilespmem:$0x2050];
	_ =	sdelay $0x4  }
0x113: {  	v8 =	vshll.u32 v7, $0x3  }
0x114: {  	v7 =	vand.u32 $0x7, v7;
	v8 =	vand.u32 $0xFFFFFFC0, v8  }
0x115: {  	v7 =	vor.u32 v7, v8  }
0x116: {  	v8 =	vperm.xlane v7, v4;
	_ =	sdelay $0x1  }
0x117: {  	v8 =	vadd.s32 v5, v8;
	_ =	sdelay $0x3  }
0x118: {  	s29 =	simm.s32 $0x16300  }
0x119: {  	[tilespmem:s29], [sflag:$0x2] =	stream.indirect_vreg.gather [hbm4b:s1+s3], $0x80, v8, vm0, $0x2000b8;
	[tilespmem:$0x1A380] =	vst v63  }
0x11a: {  	s30 =	simm.s32 $0x16B00;
	v7 =	vperm.xlane v7, v6  }
0x11b: {  	[tilespmem:s30], [sflag:$0x2] =	stream.indirect_vreg.gather [hbm4b:s9+s3], $0x80, v8, vm0, $0x2000b8;
	[tilespmem:$0x1A380] =	vst v63  }
0x11c: {  	s18 =	simm.s32 $0x17300;
	v7 =	vadd.s32 v5, v7  }
0x11d: {  	[tilespmem:s18], [sflag:$0x2] =	stream.indirect_vreg.gather [hbm4b:s10+s3], $0x80, v8, vm0, $0x2000b8;
	[tilespmem:$0x1A380] =	vst v63  }
0x11e: {  	s19 =	simm.s32 $0x17B00  }
0x11f: {  	[tilespmem:s19], [sflag:$0x2] =	stream.indirect_vreg.gather [hbm4b:s12+s3], $0x80, v8, vm0, $0x2000b8;
	[tilespmem:$0x1A380] =	vst v63  }
0x120: {  	s20 =	simm.s32 $0x18300  }
0x121: {  	[tilespmem:s20], [sflag:$0x2] =	stream.indirect_vreg.gather [hbm4b:s1+s3], $0x80, v7, vm0, $0x2000b8;
	[tilespmem:$0x1A380] =	vst v63  }
0x122: {  	s23 =	simm.s32 $0x18B00  }
0x123: {  	[tilespmem:s23], [sflag:$0x2] =	stream.indirect_vreg.gather [hbm4b:s9+s3], $0x80, v7, vm0, $0x2000b8;
	[tilespmem:$0x1A380] =	vst v63  }
0x124: {  	s26 =	simm.s32 $0x19300  }
0x125: {  	[tilespmem:s26], [sflag:$0x2] =	stream.indirect_vreg.gather [hbm4b:s10+s3], $0x80, v7, vm0, $0x2000b8;
	[tilespmem:$0x1A380] =	vst v63  }
0x126: {  	s29 =	simm.s32 $0x19B00  }
0x127: {  	[tilespmem:s29], [sflag:$0x2] =	stream.indirect_vreg.gather [hbm4b:s12+s3], $0x80, v7, vm0, $0x2000b8;
	[tilespmem:$0x1A380] =	vst v63  }
0x128: {  	_ =	swait.ge [sflag:s4], $0xC000  }
0x129: {  	[sflag:s4] =	ssyncset.done $0x0  }
0x12a: {  	s30 =	rddreg [dreg:$0x7];
	[sflag:s4] =	ssyncadd.s32 $0xFFFF4000  }
0x12b: {  	[hbm4b:s30+s3] =	stream.linear.scatter [tilespmem:s31], [sflag:$0x3], $0xC000, $0x200038;
	[tilespmem:$0x1A380] =	vst v63  }
0x12c: {  	_ =	swait.ge [sflag:s22], $0xC000  }
0x12d: {  	[sflag:s22] =	ssyncset.done $0x0  }
0x12e: {  	[sflag:s22] =	ssyncadd.s32 $0xFFFF4000  }
0x12f: {  	v7 =	vld [tilespmem:$0x2060];
	_ =	sdelay $0x4  }
0x130: {  	v8 =	vshll.u32 v7, $0x3  }
0x131: {  	v7 =	vand.u32 $0x7, v7;
	v8 =	vand.u32 $0xFFFFFFC0, v8  }
0x132: {  	v7 =	vor.u32 v7, v8  }
0x133: {  	v8 =	vperm.xlane v7, v4;
	_ =	sdelay $0x1  }
0x134: {  	v8 =	vadd.s32 v5, v8;
	_ =	sdelay $0x4  }
0x135: {  	[tilespmem:s31], [sflag:$0x1] =	stream.indirect_vreg.gather [hbm4b:s1+s3], $0x80, v8, vm0, $0x2000b8;
	[tilespmem:$0x1A380] =	vst v63  }
0x136: {  	s2 =	simm.s32 $0x2B00;
	v7 =	vperm.xlane v7, v6  }
0x137: {  	[tilespmem:s2], [sflag:$0x1] =	stream.indirect_vreg.gather [hbm4b:s9+s3], $0x80, v8, vm0, $0x2000b8;
	[tilespmem:$0x1A380] =	vst v63  }
0x138: {  	s23 =	simm.s32 $0x3300;
	v7 =	vadd.s32 v5, v7  }
0x139: {  	[tilespmem:s23], [sflag:$0x1] =	stream.indirect_vreg.gather [hbm4b:s10+s3], $0x80, v8, vm0, $0x2000b8;
	[tilespmem:$0x1A380] =	vst v63  }
0x13a: {  	s18 =	simm.s32 $0x3B00  }
0x13b: {  	[tilespmem:s18], [sflag:$0x1] =	stream.indirect_vreg.gather [hbm4b:s12+s3], $0x80, v8, vm0, $0x2000b8;
	[tilespmem:$0x1A380] =	vst v63  }
0x13c: {  	s19 =	simm.s32 $0x4300  }
0x13d: {  	[tilespmem:s19], [sflag:$0x1] =	stream.indirect_vreg.gather [hbm4b:s1+s3], $0x80, v7, vm0, $0x2000b8;
	[tilespmem:$0x1A380] =	vst v63  }
0x13e: {  	s20 =	simm.s32 $0x4B00  }
0x13f: {  	[tilespmem:s20], [sflag:$0x1] =	stream.indirect_vreg.gather [hbm4b:s9+s3], $0x80, v7, vm0, $0x2000b8;
	[tilespmem:$0x1A380] =	vst v63  }
0x140: {  	s26 =	simm.s32 $0x5300  }
0x141: {  	[tilespmem:s26], [sflag:$0x1] =	stream.indirect_vreg.gather [hbm4b:s10+s3], $0x80, v7, vm0, $0x2000b8;
	[tilespmem:$0x1A380] =	vst v63  }
0x142: {  	s6 =	simm.s32 $0x5B00  }
0x143: {  	[tilespmem:s6], [sflag:$0x1] =	stream.indirect_vreg.gather [hbm4b:s12+s3], $0x80, v7, vm0, $0x2000b8;
	[tilespmem:$0x1A380] =	vst v63  }
0x144: {  	v7 =	vld [tilespmem:$0x2070];
	_ =	sdelay $0x4  }
0x145: {  	v8 =	vshll.u32 v7, $0x3  }
0x146: {  	v7 =	vand.u32 $0x7, v7;
	v8 =	vand.u32 $0xFFFFFFC0, v8  }
0x147: {  	v7 =	vor.u32 v7, v8  }
0x148: {  	v8 =	vperm.xlane v7, v4;
	_ =	sdelay $0x1  }
0x149: {  	v8 =	vadd.s32 v5, v8;
	_ =	sdelay $0x3  }
0x14a: {  	s11 =	simm.s32 $0x6300  }
0x14b: {  	[tilespmem:s11], [sflag:$0x1] =	stream.indirect_vreg.gather [hbm4b:s1+s3], $0x80, v8, vm0, $0x2000b8;
	[tilespmem:$0x1A380] =	vst v63  }
0x14c: {  	s28 =	simm.s32 $0x6B00;
	v7 =	vperm.xlane v7, v6  }
0x14d: {  	[tilespmem:s28], [sflag:$0x1] =	stream.indirect_vreg.gather [hbm4b:s9+s3], $0x80, v8, vm0, $0x2000b8;
	[tilespmem:$0x1A380] =	vst v63  }
0x14e: {  	v7 =	vadd.s32 v5, v7;
	s28 =	simm.s32 $0x7300  }
0x14f: {  	[tilespmem:s28], [sflag:$0x1] =	stream.indirect_vreg.gather [hbm4b:s10+s3], $0x80, v8, vm0, $0x2000b8;
	[tilespmem:$0x1A380] =	vst v63  }
0x150: {  	s29 =	simm.s32 $0x7B00  }
0x151: {  	[tilespmem:s29], [sflag:$0x1] =	stream.indirect_vreg.gather [hbm4b:s12+s3], $0x80, v8, vm0, $0x2000b8;
	[tilespmem:$0x1A380] =	vst v63  }
0x152: {  	s30 =	simm.s32 $0x8300  }
0x153: {  	[tilespmem:s30], [sflag:$0x1] =	stream.indirect_vreg.gather [hbm4b:s1+s3], $0x80, v7, vm0, $0x2000b8;
	[tilespmem:$0x1A380] =	vst v63  }
0x154: {  	s2 =	simm.s32 $0x8B00  }
0x155: {  	[tilespmem:s2], [sflag:$0x1] =	stream.indirect_vreg.gather [hbm4b:s9+s3], $0x80, v7, vm0, $0x2000b8;
	[tilespmem:$0x1A380] =	vst v63  }
0x156: {  	s6 =	simm.s32 $0x9300  }
0x157: {  	[tilespmem:s6], [sflag:$0x1] =	stream.indirect_vreg.gather [hbm4b:s10+s3], $0x80, v7, vm0, $0x2000b8;
	[tilespmem:$0x1A380] =	vst v63  }
0x158: {  	s13 =	simm.s32 $0x9B00  }
0x159: {  	[tilespmem:s13], [sflag:$0x1] =	stream.indirect_vreg.gather [hbm4b:s12+s3], $0x80, v7, vm0, $0x2000b8;
	[tilespmem:$0x1A380] =	vst v63  }
0x15a: {  	v7 =	vld [tilespmem:$0x2080];
	_ =	sdelay $0x4  }
0x15b: {  	v8 =	vshll.u32 v7, $0x3  }
0x15c: {  	v7 =	vand.u32 $0x7, v7;
	v8 =	vand.u32 $0xFFFFFFC0, v8  }
0x15d: {  	v7 =	vor.u32 v7, v8  }
0x15e: {  	v8 =	vperm.xlane v7, v4;
	_ =	sdelay $0x1  }
0x15f: {  	v8 =	vadd.s32 v5, v8;
	_ =	sdelay $0x3  }
0x160: {  	s14 =	simm.s32 $0xA300  }
0x161: {  	[tilespmem:s14], [sflag:$0x1] =	stream.indirect_vreg.gather [hbm4b:s1+s3], $0x80, v8, vm0, $0x2000b8;
	[tilespmem:$0x1A380] =	vst v63  }
0x162: {  	s15 =	simm.s32 $0xAB00;
	v7 =	vperm.xlane v7, v6  }
0x163: {  	[tilespmem:s15], [sflag:$0x1] =	stream.indirect_vreg.gather [hbm4b:s9+s3], $0x80, v8, vm0, $0x2000b8;
	[tilespmem:$0x1A380] =	vst v63  }
0x164: {  	s11 =	simm.s32 $0xB300;
	v7 =	vadd.s32 v5, v7  }
0x165: {  	[tilespmem:s11], [sflag:$0x1] =	stream.indirect_vreg.gather [hbm4b:s10+s3], $0x80, v8, vm0, $0x2000b8;
	[tilespmem:$0x1A380] =	vst v63  }
0x166: {  	s17 =	simm.s32 $0xBB00  }
0x167: {  	[tilespmem:s17], [sflag:$0x1] =	stream.indirect_vreg.gather [hbm4b:s12+s3], $0x80, v8, vm0, $0x2000b8;
	[tilespmem:$0x1A380] =	vst v63  }
0x168: {  	s21 =	simm.s32 $0xC300  }
0x169: {  	[tilespmem:s21], [sflag:$0x1] =	stream.indirect_vreg.gather [hbm4b:s1+s3], $0x80, v7, vm0, $0x2000b8;
	[tilespmem:$0x1A380] =	vst v63  }
0x16a: {  	s17 =	simm.s32 $0xCB00  }
0x16b: {  	[tilespmem:s17], [sflag:$0x1] =	stream.indirect_vreg.gather [hbm4b:s9+s3], $0x80, v7, vm0, $0x2000b8;
	[tilespmem:$0x1A380] =	vst v63  }
0x16c: {  	s16 =	simm.s32 $0xD300  }
0x16d: {  	[tilespmem:s16], [sflag:$0x1] =	stream.indirect_vreg.gather [hbm4b:s10+s3], $0x80, v7, vm0, $0x2000b8;
	[tilespmem:$0x1A380] =	vst v63  }
0x16e: {  	s0 =	simm.s32 $0xDB00  }
0x16f: {  	[tilespmem:s0], [sflag:$0x1] =	stream.indirect_vreg.gather [hbm4b:s12+s3], $0x80, v7, vm0, $0x2000b8;
	[tilespmem:$0x1A380] =	vst v63  }
0x170: {  	s0 =	simm.s32 $0x2  }
0x171: {  	_ =	swait.ge [sflag:s0], $0xC000  }
0x172: {  	[sflag:s0] =	ssyncset.done $0x0  }
0x173: {  	s21 =	rddreg [dreg:$0x8];
	[sflag:s0] =	ssyncadd.s32 $0xFFFF4000  }
0x174: {  	[hbm4b:s21+s3] =	stream.linear.scatter [tilespmem:s7], [sflag:$0x3], $0xC000, $0x200038;
	[tilespmem:$0x1A380] =	vst v63  }
0x175: {  	_ =	swait.ge [sflag:s22], $0xC000  }
0x176: {  	[sflag:s22] =	ssyncset.done $0x0  }
0x177: {  	[sflag:s22] =	ssyncadd.s32 $0xFFFF4000  }
0x178: {  	v7 =	vld [tilespmem:$0x2090];
	_ =	sdelay $0x4  }
0x179: {  	v8 =	vshll.u32 v7, $0x3  }
0x17a: {  	v7 =	vand.u32 $0x7, v7;
	v8 =	vand.u32 $0xFFFFFFC0, v8  }
0x17b: {  	v7 =	vor.u32 v7, v8  }
0x17c: {  	v8 =	vperm.xlane v7, v4;
	_ =	sdelay $0x1  }
0x17d: {  	v8 =	vadd.s32 v5, v8;
	_ =	sdelay $0x4  }
0x17e: {  	[tilespmem:s7], [sflag:$0x2] =	stream.indirect_vreg.gather [hbm4b:s1+s3], $0x80, v8, vm0, $0x2000b8;
	[tilespmem:$0x1A380] =	vst v63  }
0x17f: {  	s14 =	simm.s32 $0xEB00;
	v7 =	vperm.xlane v7, v6  }
0x180: {  	[tilespmem:s14], [sflag:$0x2] =	stream.indirect_vreg.gather [hbm4b:s9+s3], $0x80, v8, vm0, $0x2000b8;
	[tilespmem:$0x1A380] =	vst v63  }
0x181: {  	s15 =	simm.s32 $0xF300;
	v7 =	vadd.s32 v5, v7  }
0x182: {  	[tilespmem:s15], [sflag:$0x2] =	stream.indirect_vreg.gather [hbm4b:s10+s3], $0x80, v8, vm0, $0x2000b8;
	[tilespmem:$0x1A380] =	vst v63  }
0x183: {  	s16 =	simm.s32 $0xFB00  }
0x184: {  	[tilespmem:s16], [sflag:$0x2] =	stream.indirect_vreg.gather [hbm4b:s12+s3], $0x80, v8, vm0, $0x2000b8;
	[tilespmem:$0x1A380] =	vst v63  }
0x185: {  	s17 =	simm.s32 $0x10300  }
0x186: {  	[tilespmem:s17], [sflag:$0x2] =	stream.indirect_vreg.gather [hbm4b:s1+s3], $0x80, v7, vm0, $0x2000b8;
	[tilespmem:$0x1A380] =	vst v63  }
0x187: {  	s21 =	simm.s32 $0x10B00  }
0x188: {  	[tilespmem:s21], [sflag:$0x2] =	stream.indirect_vreg.gather [hbm4b:s9+s3], $0x80, v7, vm0, $0x2000b8;
	[tilespmem:$0x1A380] =	vst v63  }
0x189: {  	s16 =	simm.s32 $0x11300  }
0x18a: {  	[tilespmem:s16], [sflag:$0x2] =	stream.indirect_vreg.gather [hbm4b:s10+s3], $0x80, v7, vm0, $0x2000b8;
	[tilespmem:$0x1A380] =	vst v63  }
0x18b: {  	s16 =	simm.s32 $0x11B00  }
0x18c: {  	[tilespmem:s16], [sflag:$0x2] =	stream.indirect_vreg.gather [hbm4b:s12+s3], $0x80, v7, vm0, $0x2000b8;
	[tilespmem:$0x1A380] =	vst v63  }
0x18d: {  	v7 =	vld [tilespmem:$0x20A0];
	_ =	sdelay $0x4  }
0x18e: {  	v8 =	vshll.u32 v7, $0x3  }
0x18f: {  	v7 =	vand.u32 $0x7, v7;
	v8 =	vand.u32 $0xFFFFFFC0, v8  }
0x190: {  	v7 =	vor.u32 v7, v8  }
0x191: {  	v8 =	vperm.xlane v7, v4;
	_ =	sdelay $0x1  }
0x192: {  	v8 =	vadd.s32 v5, v8;
	_ =	sdelay $0x3  }
0x193: {  	s16 =	simm.s32 $0x12300  }
0x194: {  	[tilespmem:s16], [sflag:$0x2] =	stream.indirect_vreg.gather [hbm4b:s1+s3], $0x80, v8, vm0, $0x2000b8;
	[tilespmem:$0x1A380] =	vst v63  }
0x195: {  	v7 =	vperm.xlane v7, v6;
	s16 =	simm.s32 $0x12B00  }
0x196: {  	[tilespmem:s16], [sflag:$0x2] =	stream.indirect_vreg.gather [hbm4b:s9+s3], $0x80, v8, vm0, $0x2000b8;
	[tilespmem:$0x1A380] =	vst v63  }
0x197: {  	v7 =	vadd.s32 v5, v7;
	s16 =	simm.s32 $0x13300  }
0x198: {  	[tilespmem:s16], [sflag:$0x2] =	stream.indirect_vreg.gather [hbm4b:s10+s3], $0x80, v8, vm0, $0x2000b8;
	[tilespmem:$0x1A380] =	vst v63  }
0x199: {  	s16 =	simm.s32 $0x13B00  }
0x19a: {  	[tilespmem:s16], [sflag:$0x2] =	stream.indirect_vreg.gather [hbm4b:s12+s3], $0x80, v8, vm0, $0x2000b8;
	[tilespmem:$0x1A380] =	vst v63  }
0x19b: {  	s16 =	simm.s32 $0x14300  }
0x19c: {  	[tilespmem:s16], [sflag:$0x2] =	stream.indirect_vreg.gather [hbm4b:s1+s3], $0x80, v7, vm0, $0x2000b8;
	[tilespmem:$0x1A380] =	vst v63  }
0x19d: {  	s16 =	simm.s32 $0x14B00  }
0x19e: {  	[tilespmem:s16], [sflag:$0x2] =	stream.indirect_vreg.gather [hbm4b:s9+s3], $0x80, v7, vm0, $0x2000b8;
	[tilespmem:$0x1A380] =	vst v63  }
0x19f: {  	s16 =	simm.s32 $0x15300  }
0x1a0: {  	[tilespmem:s16], [sflag:$0x2] =	stream.indirect_vreg.gather [hbm4b:s10+s3], $0x80, v7, vm0, $0x2000b8;
	[tilespmem:$0x1A380] =	vst v63  }
0x1a1: {  	s16 =	simm.s32 $0x15B00  }
0x1a2: {  	[tilespmem:s16], [sflag:$0x2] =	stream.indirect_vreg.gather [hbm4b:s12+s3], $0x80, v7, vm0, $0x2000b8;
	[tilespmem:$0x1A380] =	vst v63  }
0x1a3: {  	v7 =	vld [tilespmem:$0x20B0];
	_ =	sdelay $0x4  }
0x1a4: {  	v8 =	vshll.u32 v7, $0x3  }
0x1a5: {  	v7 =	vand.u32 $0x7, v7;
	v8 =	vand.u32 $0xFFFFFFC0, v8  }
0x1a6: {  	v7 =	vor.u32 v7, v8  }
0x1a7: {  	v8 =	vperm.xlane v7, v4;
	_ =	sdelay $0x1  }
0x1a8: {  	v8 =	vadd.s32 v5, v8;
	_ =	sdelay $0x3  }
0x1a9: {  	s16 =	simm.s32 $0x16300  }
0x1aa: {  	[tilespmem:s16], [sflag:$0x2] =	stream.indirect_vreg.gather [hbm4b:s1+s3], $0x80, v8, vm0, $0x2000b8;
	[tilespmem:$0x1A380] =	vst v63  }
0x1ab: {  	v7 =	vperm.xlane v7, v6;
	s16 =	simm.s32 $0x16B00  }
0x1ac: {  	[tilespmem:s16], [sflag:$0x2] =	stream.indirect_vreg.gather [hbm4b:s9+s3], $0x80, v8, vm0, $0x2000b8;
	[tilespmem:$0x1A380] =	vst v63  }
0x1ad: {  	v7 =	vadd.s32 v5, v7;
	s16 =	simm.s32 $0x17300  }
0x1ae: {  	[tilespmem:s16], [sflag:$0x2] =	stream.indirect_vreg.gather [hbm4b:s10+s3], $0x80, v8, vm0, $0x2000b8;
	[tilespmem:$0x1A380] =	vst v63  }
0x1af: {  	s16 =	simm.s32 $0x17B00  }
0x1b0: {  	[tilespmem:s16], [sflag:$0x2] =	stream.indirect_vreg.gather [hbm4b:s12+s3], $0x80, v8, vm0, $0x2000b8;
	[tilespmem:$0x1A380] =	vst v63  }
0x1b1: {  	s16 =	simm.s32 $0x18300  }
0x1b2: {  	[tilespmem:s16], [sflag:$0x2] =	stream.indirect_vreg.gather [hbm4b:s1+s3], $0x80, v7, vm0, $0x2000b8;
	[tilespmem:$0x1A380] =	vst v63  }
0x1b3: {  	s16 =	simm.s32 $0x18B00  }
0x1b4: {  	[tilespmem:s16], [sflag:$0x2] =	stream.indirect_vreg.gather [hbm4b:s9+s3], $0x80, v7, vm0, $0x2000b8;
	[tilespmem:$0x1A380] =	vst v63  }
0x1b5: {  	s16 =	simm.s32 $0x19300  }
0x1b6: {  	[tilespmem:s16], [sflag:$0x2] =	stream.indirect_vreg.gather [hbm4b:s10+s3], $0x80, v7, vm0, $0x2000b8;
	[tilespmem:$0x1A380] =	vst v63  }
0x1b7: {  	s16 =	simm.s32 $0x19B00  }
0x1b8: {  	[tilespmem:s16], [sflag:$0x2] =	stream.indirect_vreg.gather [hbm4b:s12+s3], $0x80, v7, vm0, $0x2000b8;
	[tilespmem:$0x1A380] =	vst v63  }
0x1b9: {  	_ =	swait.ge [sflag:s4], $0xC000  }
0x1ba: {  	[sflag:s4] =	ssyncset.done $0x0  }
0x1bb: {  	s16 =	rddreg [dreg:$0x9];
	[sflag:s4] =	ssyncadd.s32 $0xFFFF4000  }
0x1bc: {  	[hbm4b:s16+s3] =	stream.linear.scatter [tilespmem:s31], [sflag:$0x3], $0xC000, $0x200038;
	[tilespmem:$0x1A380] =	vst v63  }
0x1bd: {  	_ =	swait.ge [sflag:s22], $0xC000  }
0x1be: {  	[sflag:s22] =	ssyncset.done $0x0  }
0x1bf: {  	[sflag:s22] =	ssyncadd.s32 $0xFFFF4000  }
0x1c0: {  	v7 =	vld [tilespmem:$0x20C0];
	_ =	sdelay $0x4  }
0x1c1: {  	v8 =	vshll.u32 v7, $0x3  }
0x1c2: {  	v7 =	vand.u32 $0x7, v7;
	v8 =	vand.u32 $0xFFFFFFC0, v8  }
0x1c3: {  	v7 =	vor.u32 v7, v8  }
0x1c4: {  	v8 =	vperm.xlane v7, v4;
	_ =	sdelay $0x1  }
0x1c5: {  	v8 =	vadd.s32 v5, v8;
	_ =	sdelay $0x4  }
0x1c6: {  	[tilespmem:s31], [sflag:$0x1] =	stream.indirect_vreg.gather [hbm4b:s1+s3], $0x80, v8, vm0, $0x2000b8;
	[tilespmem:$0x1A380] =	vst v63  }
0x1c7: {  	s16 =	simm.s32 $0x2B00;
	v7 =	vperm.xlane v7, v6  }
0x1c8: {  	[tilespmem:s16], [sflag:$0x1] =	stream.indirect_vreg.gather [hbm4b:s9+s3], $0x80, v8, vm0, $0x2000b8;
	[tilespmem:$0x1A380] =	vst v63  }
0x1c9: {  	v7 =	vadd.s32 v5, v7  }
0x1ca: {  	[tilespmem:s23], [sflag:$0x1] =	stream.indirect_vreg.gather [hbm4b:s10+s3], $0x80, v8, vm0, $0x2000b8;
	[tilespmem:$0x1A380] =	vst v63  }
0x1cb: {  	_ = 	snop  }
0x1cc: {  	[tilespmem:s18], [sflag:$0x1] =	stream.indirect_vreg.gather [hbm4b:s12+s3], $0x80, v8, vm0, $0x2000b8;
	[tilespmem:$0x1A380] =	vst v63  }
0x1cd: {  	_ = 	snop  }
0x1ce: {  	[tilespmem:s19], [sflag:$0x1] =	stream.indirect_vreg.gather [hbm4b:s1+s3], $0x80, v7, vm0, $0x2000b8;
	[tilespmem:$0x1A380] =	vst v63  }
0x1cf: {  	_ = 	snop  }
0x1d0: {  	[tilespmem:s20], [sflag:$0x1] =	stream.indirect_vreg.gather [hbm4b:s9+s3], $0x80, v7, vm0, $0x2000b8;
	[tilespmem:$0x1A380] =	vst v63  }
0x1d1: {  	_ = 	snop  }
0x1d2: {  	[tilespmem:s26], [sflag:$0x1] =	stream.indirect_vreg.gather [hbm4b:s10+s3], $0x80, v7, vm0, $0x2000b8;
	[tilespmem:$0x1A380] =	vst v63  }
0x1d3: {  	s26 =	simm.s32 $0x5B00  }
0x1d4: {  	[tilespmem:s26], [sflag:$0x1] =	stream.indirect_vreg.gather [hbm4b:s12+s3], $0x80, v7, vm0, $0x2000b8;
	[tilespmem:$0x1A380] =	vst v63  }
0x1d5: {  	v7 =	vld [tilespmem:$0x20D0];
	_ =	sdelay $0x4  }
0x1d6: {  	v8 =	vshll.u32 v7, $0x3  }
0x1d7: {  	v7 =	vand.u32 $0x7, v7;
	v8 =	vand.u32 $0xFFFFFFC0, v8  }
0x1d8: {  	v7 =	vor.u32 v7, v8  }
0x1d9: {  	v8 =	vperm.xlane v7, v4;
	_ =	sdelay $0x1  }
0x1da: {  	v8 =	vadd.s32 v5, v8;
	_ =	sdelay $0x3  }
0x1db: {  	s26 =	simm.s32 $0x6300  }
0x1dc: {  	[tilespmem:s26], [sflag:$0x1] =	stream.indirect_vreg.gather [hbm4b:s1+s3], $0x80, v8, vm0, $0x2000b8;
	[tilespmem:$0x1A380] =	vst v63  }
0x1dd: {  	v7 =	vperm.xlane v7, v6;
	s26 =	simm.s32 $0x6B00  }
0x1de: {  	[tilespmem:s26], [sflag:$0x1] =	stream.indirect_vreg.gather [hbm4b:s9+s3], $0x80, v8, vm0, $0x2000b8;
	[tilespmem:$0x1A380] =	vst v63  }
0x1df: {  	v7 =	vadd.s32 v5, v7  }
0x1e0: {  	[tilespmem:s28], [sflag:$0x1] =	stream.indirect_vreg.gather [hbm4b:s10+s3], $0x80, v8, vm0, $0x2000b8;
	[tilespmem:$0x1A380] =	vst v63  }
0x1e1: {  	_ = 	snop  }
0x1e2: {  	[tilespmem:s29], [sflag:$0x1] =	stream.indirect_vreg.gather [hbm4b:s12+s3], $0x80, v8, vm0, $0x2000b8;
	[tilespmem:$0x1A380] =	vst v63  }
0x1e3: {  	_ = 	snop  }
0x1e4: {  	[tilespmem:s30], [sflag:$0x1] =	stream.indirect_vreg.gather [hbm4b:s1+s3], $0x80, v7, vm0, $0x2000b8;
	[tilespmem:$0x1A380] =	vst v63  }
0x1e5: {  	_ = 	snop  }
0x1e6: {  	[tilespmem:s2], [sflag:$0x1] =	stream.indirect_vreg.gather [hbm4b:s9+s3], $0x80, v7, vm0, $0x2000b8;
	[tilespmem:$0x1A380] =	vst v63  }
0x1e7: {  	_ = 	snop  }
0x1e8: {  	[tilespmem:s6], [sflag:$0x1] =	stream.indirect_vreg.gather [hbm4b:s10+s3], $0x80, v7, vm0, $0x2000b8;
	[tilespmem:$0x1A380] =	vst v63  }
0x1e9: {  	s30 =	simm.s32 $0x9B00  }
0x1ea: {  	[tilespmem:s30], [sflag:$0x1] =	stream.indirect_vreg.gather [hbm4b:s12+s3], $0x80, v7, vm0, $0x2000b8;
	[tilespmem:$0x1A380] =	vst v63  }
0x1eb: {  	v7 =	vld [tilespmem:$0x20E0];
	_ =	sdelay $0x4  }
0x1ec: {  	v8 =	vshll.u32 v7, $0x3  }
0x1ed: {  	v7 =	vand.u32 $0x7, v7;
	v8 =	vand.u32 $0xFFFFFFC0, v8  }
0x1ee: {  	v7 =	vor.u32 v7, v8  }
0x1ef: {  	v8 =	vperm.xlane v7, v4;
	_ =	sdelay $0x1  }
0x1f0: {  	v8 =	vadd.s32 v5, v8;
	_ =	sdelay $0x3  }
0x1f1: {  	s30 =	simm.s32 $0xA300  }
0x1f2: {  	[tilespmem:s30], [sflag:$0x1] =	stream.indirect_vreg.gather [hbm4b:s1+s3], $0x80, v8, vm0, $0x2000b8;
	[tilespmem:$0x1A380] =	vst v63  }
0x1f3: {  	v7 =	vperm.xlane v7, v6;
	s30 =	simm.s32 $0xAB00  }
0x1f4: {  	[tilespmem:s30], [sflag:$0x1] =	stream.indirect_vreg.gather [hbm4b:s9+s3], $0x80, v8, vm0, $0x2000b8;
	[tilespmem:$0x1A380] =	vst v63  }
0x1f5: {  	v7 =	vadd.s32 v5, v7  }
0x1f6: {  	[tilespmem:s11], [sflag:$0x1] =	stream.indirect_vreg.gather [hbm4b:s10+s3], $0x80, v8, vm0, $0x2000b8;
	[tilespmem:$0x1A380] =	vst v63  }
0x1f7: {  	s13 =	simm.s32 $0xBB00  }
0x1f8: {  	[tilespmem:s13], [sflag:$0x1] =	stream.indirect_vreg.gather [hbm4b:s12+s3], $0x80, v8, vm0, $0x2000b8;
	[tilespmem:$0x1A380] =	vst v63  }
0x1f9: {  	s30 =	simm.s32 $0xC300  }
0x1fa: {  	[tilespmem:s30], [sflag:$0x1] =	stream.indirect_vreg.gather [hbm4b:s1+s3], $0x80, v7, vm0, $0x2000b8;
	[tilespmem:$0x1A380] =	vst v63  }
0x1fb: {  	s13 =	simm.s32 $0xCB00  }
0x1fc: {  	[tilespmem:s13], [sflag:$0x1] =	stream.indirect_vreg.gather [hbm4b:s9+s3], $0x80, v7, vm0, $0x2000b8;
	[tilespmem:$0x1A380] =	vst v63  }
0x1fd: {  	s30 =	simm.s32 $0xD300  }
0x1fe: {  	[tilespmem:s30], [sflag:$0x1] =	stream.indirect_vreg.gather [hbm4b:s10+s3], $0x80, v7, vm0, $0x2000b8;
	[tilespmem:$0x1A380] =	vst v63  }
0x1ff: {  	s13 =	simm.s32 $0xDB00  }
0x200: {  	[tilespmem:s13], [sflag:$0x1] =	stream.indirect_vreg.gather [hbm4b:s12+s3], $0x80, v7, vm0, $0x2000b8;
	[tilespmem:$0x1A380] =	vst v63  }
0x201: {  	_ =	swait.ge [sflag:s0], $0xC000  }
0x202: {  	[sflag:s0] =	ssyncset.done $0x0  }
0x203: {  	s30 =	rddreg [dreg:$0xa];
	[sflag:s0] =	ssyncadd.s32 $0xFFFF4000  }
0x204: {  	[hbm4b:s30+s3] =	stream.linear.scatter [tilespmem:s7], [sflag:$0x3], $0xC000, $0x200038;
	[tilespmem:$0x1A380] =	vst v63  }
0x205: {  	_ =	swait.ge [sflag:s22], $0xC000  }
0x206: {  	[sflag:s22] =	ssyncset.done $0x0  }
0x207: {  	[sflag:s22] =	ssyncadd.s32 $0xFFFF4000  }
0x208: {  	v7 =	vld [tilespmem:$0x20F0];
	_ =	sdelay $0x4  }
0x209: {  	v8 =	vshll.u32 v7, $0x3  }
0x20a: {  	v7 =	vand.u32 $0x7, v7;
	v8 =	vand.u32 $0xFFFFFFC0, v8  }
0x20b: {  	v7 =	vor.u32 v7, v8  }
0x20c: {  	v8 =	vperm.xlane v7, v4;
	_ =	sdelay $0x1  }
0x20d: {  	v8 =	vadd.s32 v5, v8;
	_ =	sdelay $0x4  }
0x20e: {  	[tilespmem:s7], [sflag:$0x2] =	stream.indirect_vreg.gather [hbm4b:s1+s3], $0x80, v8, vm0, $0x2000b8;
	[tilespmem:$0x1A380] =	vst v63  }
0x20f: {  	s30 =	simm.s32 $0xEB00;
	v7 =	vperm.xlane v7, v6  }
0x210: {  	[tilespmem:s30], [sflag:$0x2] =	stream.indirect_vreg.gather [hbm4b:s9+s3], $0x80, v8, vm0, $0x2000b8;
	[tilespmem:$0x1A380] =	vst v63  }
0x211: {  	s14 =	simm.s32 $0xF300;
	v7 =	vadd.s32 v5, v7  }
0x212: {  	[tilespmem:s14], [sflag:$0x2] =	stream.indirect_vreg.gather [hbm4b:s10+s3], $0x80, v8, vm0, $0x2000b8;
	[tilespmem:$0x1A380] =	vst v63  }
0x213: {  	s15 =	simm.s32 $0xFB00  }
0x214: {  	[tilespmem:s15], [sflag:$0x2] =	stream.indirect_vreg.gather [hbm4b:s12+s3], $0x80, v8, vm0, $0x2000b8;
	[tilespmem:$0x1A380] =	vst v63  }
0x215: {  	s17 =	simm.s32 $0x10300  }
0x216: {  	[tilespmem:s17], [sflag:$0x2] =	stream.indirect_vreg.gather [hbm4b:s1+s3], $0x80, v7, vm0, $0x2000b8;
	[tilespmem:$0x1A380] =	vst v63  }
0x217: {  	s21 =	simm.s32 $0x10B00  }
0x218: {  	[tilespmem:s21], [sflag:$0x2] =	stream.indirect_vreg.gather [hbm4b:s9+s3], $0x80, v7, vm0, $0x2000b8;
	[tilespmem:$0x1A380] =	vst v63  }
0x219: {  	s21 =	simm.s32 $0x11300  }
0x21a: {  	[tilespmem:s21], [sflag:$0x2] =	stream.indirect_vreg.gather [hbm4b:s10+s3], $0x80, v7, vm0, $0x2000b8;
	[tilespmem:$0x1A380] =	vst v63  }
0x21b: {  	s8 =	simm.s32 $0x11B00  }
0x21c: {  	[tilespmem:s8], [sflag:$0x2] =	stream.indirect_vreg.gather [hbm4b:s12+s3], $0x80, v7, vm0, $0x2000b8;
	[tilespmem:$0x1A380] =	vst v63  }
0x21d: {  	v7 =	vld [tilespmem:$0x2100];
	_ =	sdelay $0x4  }
0x21e: {  	v8 =	vshll.u32 v7, $0x3  }
0x21f: {  	v7 =	vand.u32 $0x7, v7;
	v8 =	vand.u32 $0xFFFFFFC0, v8  }
0x220: {  	v7 =	vor.u32 v7, v8  }
0x221: {  	v8 =	vperm.xlane v7, v4;
	_ =	sdelay $0x1  }
0x222: {  	v8 =	vadd.s32 v5, v8;
	_ =	sdelay $0x3  }
0x223: {  	s8 =	simm.s32 $0x12300  }
0x224: {  	[tilespmem:s8], [sflag:$0x2] =	stream.indirect_vreg.gather [hbm4b:s1+s3], $0x80, v8, vm0, $0x2000b8;
	[tilespmem:$0x1A380] =	vst v63  }
0x225: {  	v7 =	vperm.xlane v7, v6;
	s8 =	simm.s32 $0x12B00  }
0x226: {  	[tilespmem:s8], [sflag:$0x2] =	stream.indirect_vreg.gather [hbm4b:s9+s3], $0x80, v8, vm0, $0x2000b8;
	[tilespmem:$0x1A380] =	vst v63  }
0x227: {  	v7 =	vadd.s32 v5, v7;
	s8 =	simm.s32 $0x13300  }
0x228: {  	[tilespmem:s8], [sflag:$0x2] =	stream.indirect_vreg.gather [hbm4b:s10+s3], $0x80, v8, vm0, $0x2000b8;
	[tilespmem:$0x1A380] =	vst v63  }
0x229: {  	s8 =	simm.s32 $0x13B00  }
0x22a: {  	[tilespmem:s8], [sflag:$0x2] =	stream.indirect_vreg.gather [hbm4b:s12+s3], $0x80, v8, vm0, $0x2000b8;
	[tilespmem:$0x1A380] =	vst v63  }
0x22b: {  	s8 =	simm.s32 $0x14300  }
0x22c: {  	[tilespmem:s8], [sflag:$0x2] =	stream.indirect_vreg.gather [hbm4b:s1+s3], $0x80, v7, vm0, $0x2000b8;
	[tilespmem:$0x1A380] =	vst v63  }
0x22d: {  	s8 =	simm.s32 $0x14B00  }
0x22e: {  	[tilespmem:s8], [sflag:$0x2] =	stream.indirect_vreg.gather [hbm4b:s9+s3], $0x80, v7, vm0, $0x2000b8;
	[tilespmem:$0x1A380] =	vst v63  }
0x22f: {  	s8 =	simm.s32 $0x15300  }
0x230: {  	[tilespmem:s8], [sflag:$0x2] =	stream.indirect_vreg.gather [hbm4b:s10+s3], $0x80, v7, vm0, $0x2000b8;
	[tilespmem:$0x1A380] =	vst v63  }
0x231: {  	s8 =	simm.s32 $0x15B00  }
0x232: {  	[tilespmem:s8], [sflag:$0x2] =	stream.indirect_vreg.gather [hbm4b:s12+s3], $0x80, v7, vm0, $0x2000b8;
	[tilespmem:$0x1A380] =	vst v63  }
0x233: {  	v7 =	vld [tilespmem:$0x2110];
	_ =	sdelay $0x4  }
0x234: {  	v8 =	vshll.u32 v7, $0x3  }
0x235: {  	v7 =	vand.u32 $0x7, v7;
	v8 =	vand.u32 $0xFFFFFFC0, v8  }
0x236: {  	v7 =	vor.u32 v7, v8  }
0x237: {  	v8 =	vperm.xlane v7, v4;
	_ =	sdelay $0x1  }
0x238: {  	v8 =	vadd.s32 v5, v8;
	_ =	sdelay $0x3  }
0x239: {  	s8 =	simm.s32 $0x16300  }
0x23a: {  	[tilespmem:s8], [sflag:$0x2] =	stream.indirect_vreg.gather [hbm4b:s1+s3], $0x80, v8, vm0, $0x2000b8;
	[tilespmem:$0x1A380] =	vst v63  }
0x23b: {  	v7 =	vperm.xlane v7, v6;
	s8 =	simm.s32 $0x16B00  }
0x23c: {  	[tilespmem:s8], [sflag:$0x2] =	stream.indirect_vreg.gather [hbm4b:s9+s3], $0x80, v8, vm0, $0x2000b8;
	[tilespmem:$0x1A380] =	vst v63  }
0x23d: {  	v7 =	vadd.s32 v5, v7;
	s8 =	simm.s32 $0x17300  }
0x23e: {  	[tilespmem:s8], [sflag:$0x2] =	stream.indirect_vreg.gather [hbm4b:s10+s3], $0x80, v8, vm0, $0x2000b8;
	[tilespmem:$0x1A380] =	vst v63  }
0x23f: {  	s8 =	simm.s32 $0x17B00  }
0x240: {  	[tilespmem:s8], [sflag:$0x2] =	stream.indirect_vreg.gather [hbm4b:s12+s3], $0x80, v8, vm0, $0x2000b8;
	[tilespmem:$0x1A380] =	vst v63  }
0x241: {  	s8 =	simm.s32 $0x18300  }
0x242: {  	[tilespmem:s8], [sflag:$0x2] =	stream.indirect_vreg.gather [hbm4b:s1+s3], $0x80, v7, vm0, $0x2000b8;
	[tilespmem:$0x1A380] =	vst v63  }
0x243: {  	s8 =	simm.s32 $0x18B00  }
0x244: {  	[tilespmem:s8], [sflag:$0x2] =	stream.indirect_vreg.gather [hbm4b:s9+s3], $0x80, v7, vm0, $0x2000b8;
	[tilespmem:$0x1A380] =	vst v63  }
0x245: {  	s8 =	simm.s32 $0x19300  }
0x246: {  	[tilespmem:s8], [sflag:$0x2] =	stream.indirect_vreg.gather [hbm4b:s10+s3], $0x80, v7, vm0, $0x2000b8;
	[tilespmem:$0x1A380] =	vst v63  }
0x247: {  	s8 =	simm.s32 $0x19B00  }
0x248: {  	[tilespmem:s8], [sflag:$0x2] =	stream.indirect_vreg.gather [hbm4b:s12+s3], $0x80, v7, vm0, $0x2000b8;
	[tilespmem:$0x1A380] =	vst v63  }
0x249: {  	_ =	swait.ge [sflag:s4], $0xC000  }
0x24a: {  	[sflag:s4] =	ssyncset.done $0x0  }
0x24b: {  	s8 =	rddreg [dreg:$0xb];
	[sflag:s4] =	ssyncadd.s32 $0xFFFF4000  }
0x24c: {  	[hbm4b:s8+s3] =	stream.linear.scatter [tilespmem:s31], [sflag:$0x3], $0xC000, $0x200038;
	[tilespmem:$0x1A380] =	vst v63  }
0x24d: {  	_ =	swait.ge [sflag:s22], $0xC000  }
0x24e: {  	[sflag:s22] =	ssyncset.done $0x0  }
0x24f: {  	[sflag:s22] =	ssyncadd.s32 $0xFFFF4000  }
0x250: {  	v7 =	vld [tilespmem:$0x2120];
	_ =	sdelay $0x4  }
0x251: {  	v8 =	vshll.u32 v7, $0x3  }
0x252: {  	v7 =	vand.u32 $0x7, v7;
	v8 =	vand.u32 $0xFFFFFFC0, v8  }
0x253: {  	v7 =	vor.u32 v7, v8  }
0x254: {  	v8 =	vperm.xlane v7, v4;
	_ =	sdelay $0x1  }
0x255: {  	v8 =	vadd.s32 v5, v8;
	_ =	sdelay $0x4  }
0x256: {  	[tilespmem:s31], [sflag:$0x1] =	stream.indirect_vreg.gather [hbm4b:s1+s3], $0x80, v8, vm0, $0x2000b8;
	[tilespmem:$0x1A380] =	vst v63  }
0x257: {  	s8 =	simm.s32 $0x2B00;
	v7 =	vperm.xlane v7, v6  }
0x258: {  	[tilespmem:s8], [sflag:$0x1] =	stream.indirect_vreg.gather [hbm4b:s9+s3], $0x80, v8, vm0, $0x2000b8;
	[tilespmem:$0x1A380] =	vst v63  }
0x259: {  	s16 =	simm.s32 $0x3300;
	v7 =	vadd.s32 v5, v7  }
0x25a: {  	[tilespmem:s16], [sflag:$0x1] =	stream.indirect_vreg.gather [hbm4b:s10+s3], $0x80, v8, vm0, $0x2000b8;
	[tilespmem:$0x1A380] =	vst v63  }
0x25b: {  	s18 =	simm.s32 $0x3B00  }
0x25c: {  	[tilespmem:s18], [sflag:$0x1] =	stream.indirect_vreg.gather [hbm4b:s12+s3], $0x80, v8, vm0, $0x2000b8;
	[tilespmem:$0x1A380] =	vst v63  }
0x25d: {  	s19 =	simm.s32 $0x4300  }
0x25e: {  	[tilespmem:s19], [sflag:$0x1] =	stream.indirect_vreg.gather [hbm4b:s1+s3], $0x80, v7, vm0, $0x2000b8;
	[tilespmem:$0x1A380] =	vst v63  }
0x25f: {  	s20 =	simm.s32 $0x4B00  }
0x260: {  	[tilespmem:s20], [sflag:$0x1] =	stream.indirect_vreg.gather [hbm4b:s9+s3], $0x80, v7, vm0, $0x2000b8;
	[tilespmem:$0x1A380] =	vst v63  }
0x261: {  	s23 =	simm.s32 $0x5300  }
0x262: {  	[tilespmem:s23], [sflag:$0x1] =	stream.indirect_vreg.gather [hbm4b:s10+s3], $0x80, v7, vm0, $0x2000b8;
	[tilespmem:$0x1A380] =	vst v63  }
0x263: {  	s19 =	simm.s32 $0x5B00  }
0x264: {  	[tilespmem:s19], [sflag:$0x1] =	stream.indirect_vreg.gather [hbm4b:s12+s3], $0x80, v7, vm0, $0x2000b8;
	[tilespmem:$0x1A380] =	vst v63  }
0x265: {  	v7 =	vld [tilespmem:$0x2130];
	_ =	sdelay $0x4  }
0x266: {  	v8 =	vshll.u32 v7, $0x3  }
0x267: {  	v7 =	vand.u32 $0x7, v7;
	v8 =	vand.u32 $0xFFFFFFC0, v8  }
0x268: {  	v7 =	vor.u32 v7, v8  }
0x269: {  	v8 =	vperm.xlane v7, v4;
	_ =	sdelay $0x1  }
0x26a: {  	v8 =	vadd.s32 v5, v8;
	_ =	sdelay $0x3  }
0x26b: {  	s20 =	simm.s32 $0x6300  }
0x26c: {  	[tilespmem:s20], [sflag:$0x1] =	stream.indirect_vreg.gather [hbm4b:s1+s3], $0x80, v8, vm0, $0x2000b8;
	[tilespmem:$0x1A380] =	vst v63  }
0x26d: {  	s23 =	simm.s32 $0x6B00;
	v7 =	vperm.xlane v7, v6  }
0x26e: {  	[tilespmem:s23], [sflag:$0x1] =	stream.indirect_vreg.gather [hbm4b:s9+s3], $0x80, v8, vm0, $0x2000b8;
	[tilespmem:$0x1A380] =	vst v63  }
0x26f: {  	s26 =	simm.s32 $0x7300;
	v7 =	vadd.s32 v5, v7  }
0x270: {  	[tilespmem:s26], [sflag:$0x1] =	stream.indirect_vreg.gather [hbm4b:s10+s3], $0x80, v8, vm0, $0x2000b8;
	[tilespmem:$0x1A380] =	vst v63  }
0x271: {  	s28 =	simm.s32 $0x7B00  }
0x272: {  	[tilespmem:s28], [sflag:$0x1] =	stream.indirect_vreg.gather [hbm4b:s12+s3], $0x80, v8, vm0, $0x2000b8;
	[tilespmem:$0x1A380] =	vst v63  }
0x273: {  	s29 =	simm.s32 $0x8300  }
0x274: {  	[tilespmem:s29], [sflag:$0x1] =	stream.indirect_vreg.gather [hbm4b:s1+s3], $0x80, v7, vm0, $0x2000b8;
	[tilespmem:$0x1A380] =	vst v63  }
0x275: {  	s2 =	simm.s32 $0x8B00  }
0x276: {  	[tilespmem:s2], [sflag:$0x1] =	stream.indirect_vreg.gather [hbm4b:s9+s3], $0x80, v7, vm0, $0x2000b8;
	[tilespmem:$0x1A380] =	vst v63  }
0x277: {  	s6 =	simm.s32 $0x9300  }
0x278: {  	[tilespmem:s6], [sflag:$0x1] =	stream.indirect_vreg.gather [hbm4b:s10+s3], $0x80, v7, vm0, $0x2000b8;
	[tilespmem:$0x1A380] =	vst v63  }
0x279: {  	s6 =	simm.s32 $0x9B00  }
0x27a: {  	[tilespmem:s6], [sflag:$0x1] =	stream.indirect_vreg.gather [hbm4b:s12+s3], $0x80, v7, vm0, $0x2000b8;
	[tilespmem:$0x1A380] =	vst v63  }
0x27b: {  	v7 =	vld [tilespmem:$0x2140];
	_ =	sdelay $0x4  }
0x27c: {  	v8 =	vshll.u32 v7, $0x3  }
0x27d: {  	v7 =	vand.u32 $0x7, v7;
	v8 =	vand.u32 $0xFFFFFFC0, v8  }
0x27e: {  	v7 =	vor.u32 v7, v8  }
0x27f: {  	v8 =	vperm.xlane v7, v4;
	_ =	sdelay $0x1  }
0x280: {  	v8 =	vadd.s32 v5, v8;
	_ =	sdelay $0x3  }
0x281: {  	s8 =	simm.s32 $0xA300  }
0x282: {  	[tilespmem:s8], [sflag:$0x1] =	stream.indirect_vreg.gather [hbm4b:s1+s3], $0x80, v8, vm0, $0x2000b8;
	[tilespmem:$0x1A380] =	vst v63  }
0x283: {  	s16 =	simm.s32 $0xAB00;
	v7 =	vperm.xlane v7, v6  }
0x284: {  	[tilespmem:s16], [sflag:$0x1] =	stream.indirect_vreg.gather [hbm4b:s9+s3], $0x80, v8, vm0, $0x2000b8;
	[tilespmem:$0x1A380] =	vst v63  }
0x285: {  	s11 =	simm.s32 $0xB300;
	v7 =	vadd.s32 v5, v7  }
0x286: {  	[tilespmem:s11], [sflag:$0x1] =	stream.indirect_vreg.gather [hbm4b:s10+s3], $0x80, v8, vm0, $0x2000b8;
	[tilespmem:$0x1A380] =	vst v63  }
0x287: {  	s18 =	simm.s32 $0xBB00  }
0x288: {  	[tilespmem:s18], [sflag:$0x1] =	stream.indirect_vreg.gather [hbm4b:s12+s3], $0x80, v8, vm0, $0x2000b8;
	[tilespmem:$0x1A380] =	vst v63  }
0x289: {  	s19 =	simm.s32 $0xC300  }
0x28a: {  	[tilespmem:s19], [sflag:$0x1] =	stream.indirect_vreg.gather [hbm4b:s1+s3], $0x80, v7, vm0, $0x2000b8;
	[tilespmem:$0x1A380] =	vst v63  }
0x28b: {  	s20 =	simm.s32 $0xCB00  }
0x28c: {  	[tilespmem:s20], [sflag:$0x1] =	stream.indirect_vreg.gather [hbm4b:s9+s3], $0x80, v7, vm0, $0x2000b8;
	[tilespmem:$0x1A380] =	vst v63  }
0x28d: {  	s23 =	simm.s32 $0xD300  }
0x28e: {  	[tilespmem:s23], [sflag:$0x1] =	stream.indirect_vreg.gather [hbm4b:s10+s3], $0x80, v7, vm0, $0x2000b8;
	[tilespmem:$0x1A380] =	vst v63  }
0x28f: {  	s13 =	simm.s32 $0xDB00  }
0x290: {  	[tilespmem:s13], [sflag:$0x1] =	stream.indirect_vreg.gather [hbm4b:s12+s3], $0x80, v7, vm0, $0x2000b8;
	[tilespmem:$0x1A380] =	vst v63  }
0x291: {  	_ =	swait.ge [sflag:s0], $0xC000  }
0x292: {  	[sflag:s0] =	ssyncset.done $0x0  }
0x293: {  	s26 =	rddreg [dreg:$0xc];
	[sflag:s0] =	ssyncadd.s32 $0xFFFF4000  }
0x294: {  	[hbm4b:s26+s3] =	stream.linear.scatter [tilespmem:s7], [sflag:$0x3], $0xC000, $0x200038;
	[tilespmem:$0x1A380] =	vst v63  }
0x295: {  	_ =	swait.ge [sflag:s22], $0xC000  }
0x296: {  	[sflag:s22] =	ssyncset.done $0x0  }
0x297: {  	[sflag:s22] =	ssyncadd.s32 $0xFFFF4000  }
0x298: {  	v7 =	vld [tilespmem:$0x2150];
	_ =	sdelay $0x4  }
0x299: {  	v8 =	vshll.u32 v7, $0x3  }
0x29a: {  	v7 =	vand.u32 $0x7, v7;
	v8 =	vand.u32 $0xFFFFFFC0, v8  }
0x29b: {  	v7 =	vor.u32 v7, v8  }
0x29c: {  	v8 =	vperm.xlane v7, v4;
	_ =	sdelay $0x1  }
0x29d: {  	v8 =	vadd.s32 v5, v8;
	_ =	sdelay $0x4  }
0x29e: {  	[tilespmem:s7], [sflag:$0x2] =	stream.indirect_vreg.gather [hbm4b:s1+s3], $0x80, v8, vm0, $0x2000b8;
	[tilespmem:$0x1A380] =	vst v63  }
0x29f: {  	s28 =	simm.s32 $0xEB00;
	v7 =	vperm.xlane v7, v6  }
0x2a0: {  	[tilespmem:s28], [sflag:$0x2] =	stream.indirect_vreg.gather [hbm4b:s9+s3], $0x80, v8, vm0, $0x2000b8;
	[tilespmem:$0x1A380] =	vst v63  }
0x2a1: {  	s30 =	simm.s32 $0xF300;
	v7 =	vadd.s32 v5, v7  }
0x2a2: {  	[tilespmem:s30], [sflag:$0x2] =	stream.indirect_vreg.gather [hbm4b:s10+s3], $0x80, v8, vm0, $0x2000b8;
	[tilespmem:$0x1A380] =	vst v63  }
0x2a3: {  	s14 =	simm.s32 $0xFB00  }
0x2a4: {  	[tilespmem:s14], [sflag:$0x2] =	stream.indirect_vreg.gather [hbm4b:s12+s3], $0x80, v8, vm0, $0x2000b8;
	[tilespmem:$0x1A380] =	vst v63  }
0x2a5: {  	s15 =	simm.s32 $0x10300  }
0x2a6: {  	[tilespmem:s15], [sflag:$0x2] =	stream.indirect_vreg.gather [hbm4b:s1+s3], $0x80, v7, vm0, $0x2000b8;
	[tilespmem:$0x1A380] =	vst v63  }
0x2a7: {  	s17 =	simm.s32 $0x10B00  }
0x2a8: {  	[tilespmem:s17], [sflag:$0x2] =	stream.indirect_vreg.gather [hbm4b:s9+s3], $0x80, v7, vm0, $0x2000b8;
	[tilespmem:$0x1A380] =	vst v63  }
0x2a9: {  	s21 =	simm.s32 $0x11300  }
0x2aa: {  	[tilespmem:s21], [sflag:$0x2] =	stream.indirect_vreg.gather [hbm4b:s10+s3], $0x80, v7, vm0, $0x2000b8;
	[tilespmem:$0x1A380] =	vst v63  }
0x2ab: {  	s29 =	simm.s32 $0x11B00  }
0x2ac: {  	[tilespmem:s29], [sflag:$0x2] =	stream.indirect_vreg.gather [hbm4b:s12+s3], $0x80, v7, vm0, $0x2000b8;
	[tilespmem:$0x1A380] =	vst v63  }
0x2ad: {  	v7 =	vld [tilespmem:$0x2160];
	_ =	sdelay $0x4  }
0x2ae: {  	v8 =	vshll.u32 v7, $0x3  }
0x2af: {  	v7 =	vand.u32 $0x7, v7;
	v8 =	vand.u32 $0xFFFFFFC0, v8  }
0x2b0: {  	v7 =	vor.u32 v7, v8  }
0x2b1: {  	v8 =	vperm.xlane v7, v4;
	_ =	sdelay $0x1  }
0x2b2: {  	v8 =	vadd.s32 v5, v8;
	_ =	sdelay $0x3  }
0x2b3: {  	s30 =	simm.s32 $0x12300  }
0x2b4: {  	[tilespmem:s30], [sflag:$0x2] =	stream.indirect_vreg.gather [hbm4b:s1+s3], $0x80, v8, vm0, $0x2000b8;
	[tilespmem:$0x1A380] =	vst v63  }
0x2b5: {  	s6 =	simm.s32 $0x12B00;
	v7 =	vperm.xlane v7, v6  }
0x2b6: {  	[tilespmem:s6], [sflag:$0x2] =	stream.indirect_vreg.gather [hbm4b:s9+s3], $0x80, v8, vm0, $0x2000b8;
	[tilespmem:$0x1A380] =	vst v63  }
0x2b7: {  	s8 =	simm.s32 $0x13300;
	v7 =	vadd.s32 v5, v7  }
0x2b8: {  	[tilespmem:s8], [sflag:$0x2] =	stream.indirect_vreg.gather [hbm4b:s10+s3], $0x80, v8, vm0, $0x2000b8;
	[tilespmem:$0x1A380] =	vst v63  }
0x2b9: {  	s11 =	simm.s32 $0x13B00  }
0x2ba: {  	[tilespmem:s11], [sflag:$0x2] =	stream.indirect_vreg.gather [hbm4b:s12+s3], $0x80, v8, vm0, $0x2000b8;
	[tilespmem:$0x1A380] =	vst v63  }
0x2bb: {  	s13 =	simm.s32 $0x14300  }
0x2bc: {  	[tilespmem:s13], [sflag:$0x2] =	stream.indirect_vreg.gather [hbm4b:s1+s3], $0x80, v7, vm0, $0x2000b8;
	[tilespmem:$0x1A380] =	vst v63  }
0x2bd: {  	s14 =	simm.s32 $0x14B00  }
0x2be: {  	[tilespmem:s14], [sflag:$0x2] =	stream.indirect_vreg.gather [hbm4b:s9+s3], $0x80, v7, vm0, $0x2000b8;
	[tilespmem:$0x1A380] =	vst v63  }
0x2bf: {  	s15 =	simm.s32 $0x15300  }
0x2c0: {  	[tilespmem:s15], [sflag:$0x2] =	stream.indirect_vreg.gather [hbm4b:s10+s3], $0x80, v7, vm0, $0x2000b8;
	[tilespmem:$0x1A380] =	vst v63  }
0x2c1: {  	s16 =	simm.s32 $0x15B00  }
0x2c2: {  	[tilespmem:s16], [sflag:$0x2] =	stream.indirect_vreg.gather [hbm4b:s12+s3], $0x80, v7, vm0, $0x2000b8;
	[tilespmem:$0x1A380] =	vst v63  }
0x2c3: {  	v7 =	vld [tilespmem:$0x2170];
	_ =	sdelay $0x4  }
0x2c4: {  	v8 =	vshll.u32 v7, $0x3  }
0x2c5: {  	v7 =	vand.u32 $0x7, v7;
	v8 =	vand.u32 $0xFFFFFFC0, v8  }
0x2c6: {  	v7 =	vor.u32 v7, v8  }
0x2c7: {  	v8 =	vperm.xlane v7, v4;
	_ =	sdelay $0x1  }
0x2c8: {  	v8 =	vadd.s32 v5, v8;
	_ =	sdelay $0x3  }
0x2c9: {  	s17 =	simm.s32 $0x16300  }
0x2ca: {  	[tilespmem:s17], [sflag:$0x2] =	stream.indirect_vreg.gather [hbm4b:s1+s3], $0x80, v8, vm0, $0x2000b8;
	[tilespmem:$0x1A380] =	vst v63  }
0x2cb: {  	s18 =	simm.s32 $0x16B00;
	v7 =	vperm.xlane v7, v6  }
0x2cc: {  	[tilespmem:s18], [sflag:$0x2] =	stream.indirect_vreg.gather [hbm4b:s9+s3], $0x80, v8, vm0, $0x2000b8;
	[tilespmem:$0x1A380] =	vst v63  }
0x2cd: {  	s19 =	simm.s32 $0x17300;
	v7 =	vadd.s32 v5, v7  }
0x2ce: {  	[tilespmem:s19], [sflag:$0x2] =	stream.indirect_vreg.gather [hbm4b:s10+s3], $0x80, v8, vm0, $0x2000b8;
	[tilespmem:$0x1A380] =	vst v63  }
0x2cf: {  	s20 =	simm.s32 $0x17B00  }
0x2d0: {  	[tilespmem:s20], [sflag:$0x2] =	stream.indirect_vreg.gather [hbm4b:s12+s3], $0x80, v8, vm0, $0x2000b8;
	[tilespmem:$0x1A380] =	vst v63  }
0x2d1: {  	s21 =	simm.s32 $0x18300  }
0x2d2: {  	[tilespmem:s21], [sflag:$0x2] =	stream.indirect_vreg.gather [hbm4b:s1+s3], $0x80, v7, vm0, $0x2000b8;
	[tilespmem:$0x1A380] =	vst v63  }
0x2d3: {  	s23 =	simm.s32 $0x18B00  }
0x2d4: {  	[tilespmem:s23], [sflag:$0x2] =	stream.indirect_vreg.gather [hbm4b:s9+s3], $0x80, v7, vm0, $0x2000b8;
	[tilespmem:$0x1A380] =	vst v63  }
0x2d5: {  	s26 =	simm.s32 $0x19300  }
0x2d6: {  	[tilespmem:s26], [sflag:$0x2] =	stream.indirect_vreg.gather [hbm4b:s10+s3], $0x80, v7, vm0, $0x2000b8;
	[tilespmem:$0x1A380] =	vst v63  }
0x2d7: {  	s28 =	simm.s32 $0x19B00  }
0x2d8: {  	[tilespmem:s28], [sflag:$0x2] =	stream.indirect_vreg.gather [hbm4b:s12+s3], $0x80, v7, vm0, $0x2000b8;
	[tilespmem:$0x1A380] =	vst v63  }
0x2d9: {  	_ =	swait.ge [sflag:s4], $0xC000  }
0x2da: {  	[sflag:s4] =	ssyncset.done $0x0  }
0x2db: {  	s29 =	rddreg [dreg:$0xd];
	[sflag:s4] =	ssyncadd.s32 $0xFFFF4000  }
0x2dc: {  	[hbm4b:s29+s3] =	stream.linear.scatter [tilespmem:s31], [sflag:$0x3], $0xC000, $0x200038;
	[tilespmem:$0x1A380] =	vst v63  }
0x2dd: {  	_ =	swait.ge [sflag:s22], $0xC000  }
0x2de: {  	[sflag:s22] =	ssyncset.done $0x0  }
0x2df: {  	[sflag:s22] =	ssyncadd.s32 $0xFFFF4000  }
0x2e0: {  	_ =	swait.ge [sflag:s0], $0xC000  }
0x2e1: {  	[sflag:s0] =	ssyncset.done $0x0  }
0x2e2: {  	s30 =	rddreg [dreg:$0xe];
	[sflag:s0] =	ssyncadd.s32 $0xFFFF4000  }
0x2e3: {  	[hbm4b:s30+s3] =	stream.linear.scatter [tilespmem:s7], [sflag:$0x3], $0xC000, $0x200038;
	[tilespmem:$0x1A380] =	vst v63  }
0x2e4: {  	_ =	swait.ge [sflag:s22], $0xC000  }
0x2e5: {  	[sflag:s22] =	ssyncset.done $0x0  }
.Ltmp5:
0x2e6: {  	[sflag:s22] =	ssyncadd.s32 $0xFFFF4000;
	(pc) =	sbr.rel .LBB2_7-.Ltmp5, $4  }
0x2e7: {  	_ =	strace $0x9000004B  }
0x2e8: {  	s16 =	rddreg [dreg:$0x11]  }
0x2e9: {  	s17 =	rddreg [dreg:$0x10]  }
0x2ea: {  	s13 =	simm.s32 $0x1A300;
	s7 =	rddreg [dreg:$0xf]  }
.LBB2_8:
0x2eb: {  	_ =	sfence.sel $0x180000  }
0x2ec: {  	[bflag:$0x0] =	sbarrier.arrive $0xFFFF  }
0x2ed: {  	_ =	strace $0x90000047  }
0x2ee: {  	s0 =	stileid.u32;
	[bflag:$0x2] =	sbarrier.arrive $0xFFFF  }
0x2ef: {  	p0 =	sne.s32 s0, $0x0;
	s0 =	rddreg [dreg:$0x3]  }
0x2f0: {  	s0 =	sadd.s32 @!p0 $0x100000, s0  }
0x2f1: {  	[sflag:s0] =	ssyncadd.tile.s32 @!p0 $0x1;
	_ =	shalt  }
.Lfunc_end2:
_tile_overlayer_lowered:
.L_overlay_start_2:
0x2f2: {  	(tag) =	ssettag $0x2  }
0x2f3: {  	s0 =	rddreg [dreg:$0x0];
	s2 =	stileid.u32  }
0x2f4: {  	s1 =	rddreg [dreg:$0x1];
	p0 =	sne.s32 s2, $0x0  }
0x2f5: {  	s3 =	rddreg [dreg:$0x2];
	[bflag:$0x3] =	sbarrier.arrive $0xFFFF;
	s2 =	simm.s32 @!p0 $0x1C03  }
0x2f6: {  	[timem:s3], [sflag:s2] =	dma.local @!p0 [hbm:s0], s1  }
0x2f7: {  	s0 =	simm.s32 @!p0 $0x3  }
0x2f8: {  	_ =	swait.ge @!p0 [sflag:s0], s1  }
0x2f9: {  	s1 =	ssub.s32 @!p0 $0x0, s1;
	[sflag:s0] =	ssyncset.done @!p0 $0x0  }
0x2fa: {  	[sflag:s0] =	ssyncadd.s32 @!p0 s1  }
0x2fb: {  	[bflag:$0x3] =	sbarrier.arrive $0xFFFF  }
0x2fc: {  	_ =	shalt  }

// kernel: kernel.9.cloned.1.call-start
scs
__scs_entry_jumppad:
0x0: {  	(pc) =	sbr.rel $0x88, $3  }
0x1: {  	(tag) =	ssettag $0x0;
	lr =	simm.s32 $0x1  }
0x2: {  	[smem:$0x3F9C] =	sst lr;
	_ =	strace $0xD0000000  }
0x3: {  	_ = 	snop  }
0x4: {  	_ = 	snop  }
0x5: {  	_ = 	snop  }
0x6: {  	_ = 	snop  }
0x7: {  	_ = 	snop  }
__scs_overlays_trampoline_lowered:
0x8: {  	[smem:$0x3FAB] =	sst s0  }
0x9: {  	[smem:$0x3FAC] =	sst s1  }
0xa: {  	[smem:$0x3FAD] =	sst s2  }
0xb: {  	[smem:$0x3FAE] =	sst s3  }
0xc: {  	[smem:$0x3FAF] =	sst s4  }
0xd: {  	[smem:$0x3FB0] =	sst s5  }
0xe: {  	[smem:$0x3FB1] =	sst s6  }
0xf: {  	[smem:$0x3FB2] =	sst s7  }
0x10: {  	[smem:$0x3FB3] =	sst s8  }
0x11: {  	[smem:$0x3FB4] =	sst s9;
	s0 =	simm.s32 @!p0 $0x0  }
0x12: {  	s1 =	sld [smem:$0x3F9A];
	s0 =	simm.s32 @p0 $0x1  }
0x13: {  	[smem:$0x3FB5] =	sst s0;
	s0 =	simm.s32 @!p1 $0x0  }
0x14: {  	s2 =	sld [smem:$0x3F99];
	s0 =	simm.s32 @p1 $0x1  }
0x15: {  	[smem:$0x3FB6] =	sst s0;
	s0 =	simm.s32 @!p2 $0x0  }
0x16: {  	s3 =	sld [smem:$0x3FDB];
	s0 =	simm.s32 @p2 $0x1  }
0x17: {  	s4 =	simm.s32 $0x1BF5;
	[smem:$0x3FB8] =	sst s0  }
0x18: {  	s0 =	sld [smem:$0x3F9B];
	_ =	swait.ge [sflag:s4], $0x0  }
0x19: {  	s7 =	sld [smem:$0x3F9C]  }
0x1a: {  	s8 =	sadd.s32 $0xFFFFE003, lr  }
0x1b: {  	s9 =	sadd.s32 $0xFFFFFEF7, lr;
	s5 =	simm.s32 $0xFFFFFFFF;
	p2 =	slt.u32 s8, $0xFFFFF086  }
0x1c: {  	p1 =	slt.u32 s9, $0xF7A;
	s5 =	simm.s32 @!p2 $0x0  }
0x1d: {  	s5 =	simm.s32 @p1 $0x1;
	p0 =	seq.s32 s7, s2  }
0x1e: {  	s7 =	smul.u32 @!p0 $0xF7A, s2;
	p2 =	seq.s32 @!p0 s5, $0x0  }
0x1f: {  	s9 =	smul.u32 $0xF7A, s1;
	s8 =	simm.s32 @!p0 $0x1BF5;
	p2 =	por !p2, p0  }
0x20: {  	[sflag:s8] =	ssyncset.s32 @!p0 $0xFFFFF086;
	s6 =	sadd.s32 @!p0 s3, s7;
	s7 =	simm.s32 @!p0 $0x108  }
0x21: {  	s3 =	sadd.s32 s3, s9;
	s6 =	sadd.s32 @!p0 $0x88, s6;
	s7 =	simm.s32 @p2 $0x1082  }
0x22: {  	[simem:s7], [sflag:s8] =	dma.local @!p0 [hbm:s6], $0xF7A  }
0x23: {  	s9 =	sor.u32 $0xD0000000, s2;
	s6 =	simm.s32 $0x108;
	_ =	swait.ge @!p0 [sflag:s8], $0x0  }
0x24: {  	s3 =	sadd.s32 $0x88, s3;
	s6 =	simm.s32 @!p1 $0x1082;
	[sflag:s4] =	ssyncset.s32 $0xFFFFF086  }
0x25: {  	[simem:s6], [sflag:s4] =	dma.local [hbm:s3], $0xF7A  }
0x26: {  	[smem:$0x3F9C] =	sst s1;
	(tag) =	ssettag s2;
	_ =	strace s9  }
0x27: {  	s1 =	sld [smem:$0x3FAC]  }
0x28: {  	s2 =	sld [smem:$0x3FAD]  }
0x29: {  	s4 =	sld [smem:$0x3FAF]  }
0x2a: {  	p0 =	seq.s32 s5, $0x0;
	s5 =	sld [smem:$0x3FB0]  }
0x2b: {  	s6 =	sld [smem:$0x3FB1]  }
0x2c: {  	s7 =	sld [smem:$0x3FB2]  }
0x2d: {  	s3 =	simm.s32 $0x108;
	s8 =	sld [smem:$0x3FB3]  }
0x2e: {  	s3 =	simm.s32 @!p0 $0x1082;
	s9 =	sld [smem:$0x3FB4]  }
0x2f: {  	lr =	sadd.s32 s0, s3;
	s0 =	sld [smem:$0x3FAB]  }
0x30: {  	s3 =	sld [smem:$0x3FAE]  }
0x31: {  	[smem:$0x3FB7] =	sst s10  }
0x32: {  	s10 =	sld [smem:$0x3FB5];
	_ =	sdelay $0x3  }
0x33: {  	p0 =	seq.s32 s10, $0x1;
	s10 =	sld [smem:$0x3FB7];
	_ =	sdelay $0x3  }
0x34: {  	[smem:$0x3FB7] =	sst s10  }
0x35: {  	s10 =	sld [smem:$0x3FB6];
	_ =	sdelay $0x3  }
0x36: {  	p1 =	seq.s32 s10, $0x1;
	s10 =	sld [smem:$0x3FB7];
	_ =	sdelay $0x3  }
0x37: {  	[smem:$0x3FB7] =	sst s10  }
0x38: {  	s10 =	sld [smem:$0x3FB8]  }
0x39: {  	_ = 	snop;
	(pc) =	sbr.ind lr, $3  }
0x3a: {  	_ = 	snop  }
0x3b: {  	_ = 	snop  }
0x3c: {  	p2 =	seq.s32 s10, $0x1;
	s10 =	sld [smem:$0x3FB7]  }
0x3d: {  	_ =	shalt  }
0x3e: {  	_ =	shalt  }
0x3f: {  	_ =	shalt  }
0x40: {  	_ =	shalt  }
0x41: {  	_ =	shalt  }
0x42: {  	_ =	shalt  }
0x43: {  	_ =	shalt  }
0x44: {  	_ =	shalt  }
0x45: {  	_ =	shalt  }
0x46: {  	_ =	shalt  }
0x47: {  	_ =	shalt  }
0x48: {  	_ =	shalt  }
0x49: {  	_ =	shalt  }
0x4a: {  	_ =	shalt  }
0x4b: {  	_ =	shalt  }
0x4c: {  	_ =	shalt  }
0x4d: {  	_ =	shalt  }
0x4e: {  	_ =	shalt  }
0x4f: {  	_ =	shalt  }
0x50: {  	_ =	shalt  }
0x51: {  	_ =	shalt  }
0x52: {  	_ =	shalt  }
0x53: {  	_ =	shalt  }
0x54: {  	_ =	shalt  }
0x55: {  	_ =	shalt  }
0x56: {  	_ =	shalt  }
0x57: {  	_ =	shalt  }
0x58: {  	_ =	shalt  }
0x59: {  	_ =	shalt  }
0x5a: {  	_ =	shalt  }
0x5b: {  	_ =	shalt  }
0x5c: {  	_ =	shalt  }
0x5d: {  	_ =	shalt  }
0x5e: {  	_ =	shalt  }
0x5f: {  	_ =	shalt  }
0x60: {  	_ =	shalt  }
0x61: {  	_ =	shalt  }
0x62: {  	_ =	shalt  }
0x63: {  	_ =	shalt  }
0x64: {  	_ =	shalt  }
0x65: {  	_ =	shalt  }
0x66: {  	_ =	shalt  }
0x67: {  	_ =	shalt  }
0x68: {  	_ =	shalt  }
0x69: {  	_ =	shalt  }
0x6a: {  	_ =	shalt  }
0x6b: {  	_ =	shalt  }
0x6c: {  	_ =	shalt  }
0x6d: {  	_ =	shalt  }
0x6e: {  	_ =	shalt  }
0x6f: {  	_ =	shalt  }
0x70: {  	_ =	shalt  }
0x71: {  	_ =	shalt  }
0x72: {  	_ =	shalt  }
0x73: {  	_ =	shalt  }
0x74: {  	_ =	shalt  }
0x75: {  	_ =	shalt  }
0x76: {  	_ =	shalt  }
0x77: {  	_ =	shalt  }
0x78: {  	_ =	shalt  }
0x79: {  	_ =	shalt  }
0x7a: {  	_ =	shalt  }
0x7b: {  	_ =	shalt  }
0x7c: {  	_ =	shalt  }
0x7d: {  	_ =	shalt  }
0x7e: {  	_ =	shalt  }
0x7f: {  	_ =	shalt  }
0x80: {  	_ =	shalt  }
0x81: {  	_ =	shalt  }
0x82: {  	_ =	shalt  }
0x83: {  	_ =	shalt  }
0x84: {  	_ =	shalt  }
0x85: {  	_ =	shalt  }
0x86: {  	_ =	shalt  }
0x87: {  	_ =	shalt  }
.Lfunc_end0:
.L_simem_size_0:
called_computation.1_lowered:
.L_overlay_start_0:
0x88: {  	s2 =	sld [smem:$0x3FD9]  }
0x89: {  	s3 =	sld [smem:$0x3FFE];
	_ =	sdelay $0x1  }
0x8a: {  	s1 =	srdreg.scid  }
0x8b: {  	s0 =	sand.u32 $0x1, s1  }
0x8c: {  	s17 =	sshll.u32 s0, $0xA;
	s2 =	sadd.s32 s3, s2  }
0x8d: {  	s2 =	sadd.s32 s2, s17  }
0x8e: {  	[smem:$0x3FC3] =	sst s2  }
0x8f: {  	_ = 	snop  }
0x90: {  	s2 =	sld [smem:$0x3FD0];
	(tm) =	ssettm $0x1  }
0x91: {  	s18 =	sld [smem:$0x3FFB];
	_ =	sdelay $0x3  }
0x92: {  	_ =	strace s18  }
0x93: {  	s3 =	sld [smem:$0x3FFC];
	_ =	sdelay $0x3  }
0x94: {  	_ =	strace s3  }
0x95: {  	s3 =	sld [smem:$0x3FFD];
	_ =	sdelay $0x3  }
0x96: {  	_ =	strace s3  }
0x97: {  	_ =	strace $0x8FFFFFFF  }
0x98: {  	s19 =	sld [smem:$0x3FDB];
	_ =	sdelay $0x1  }
0x99: {  	s4 =	simm.s32 $_scs_section_size  }
0x9a: {  	s5 =	simm.s32 $_size__tile_overlayer_lowered;
	s6 =	simm.s32 $_tile_overlayer_lowered  }
0x9b: {  	s22 =	simm.s32 $0x1BFF;
	s21 =	sshll.u32 s6, $0x1;
	s3 =	sadd.s32 s4, s19  }
0x9c: {  	s7 =	simm.s32 $0x0;
	s20 =	sshll.u32 s5, $0x1;
	s5 =	sadd.s32 s21, s3  }
0x9d: {  	[timem:s7], [sflag:s22] =	dma.local [hbm:s5], s20  }
0x9e: {  	_ =	swait.ge [sflag:s22], s20  }
0x9f: {  	s4 =	ssub.s32 $0x0, s20;
	[sflag:s22] =	ssyncset.done $0x0  }
0xa0: {  	[sflag:s22] =	ssyncadd.s32 s4;
	_ =	sdelay $0x1  }
0xa1: {  	s23 =	simm.s32 $0x1B8B  }
0xa2: {  	_ =	swait.ge [sflag:s23], $0x1  }
0xa3: {  	[sflag:s23] =	ssyncset.done $0x0  }
0xa4: {  	s25 =	simm.s32 $0x1B8E;
	s24 =	sld [smem:$0x3FFE];
	[sflag:s23] =	ssyncadd.s32 $0xFFFFFFFF  }
0xa5: {  	s26 =	simm.s32 $execute0_lowered;
	[smem:$0x3FD2] =	sst s25  }
0xa6: {  	s5 =	sshll.u32 s26, $0x1;
	_ =	strace $0x8000004D;
	[dreg:$0x1] =	wrdreg $0xFFFFFFFF  }
0xa7: {  	s28 =	simm.s32 $_size_execute0_lowered;
	s3 =	sadd.s32 s3, s5;
	[dreg:$0x0] =	wrdreg $0x0  }
0xa8: {  	s5 =	sshll.u32 s28, $0x1;
	[dreg:$0x2] =	wrdreg s3  }
0xa9: {  	[dreg:$0x3] =	wrdreg s5  }
0xaa: {  	[dreg:$0x4] =	wrdreg $0xC0  }
0xab: {  	_ =	task [dreg:s7], $0x5FFFF  }
0xac: {  	[dreg:$0x1] =	wrdreg $0xFFFFFFFF  }
0xad: {  	[dreg:$0x0] =	wrdreg $0x60  }
0xae: {  	[dreg:$0x2] =	wrdreg s24  }
0xaf: {  	[dreg:$0x3] =	wrdreg s2  }
0xb0: {  	[dreg:$0x4] =	wrdreg $0x9  }
0xb1: {  	_ =	task.clear_ibuf [dreg:s7], $0x5FFFF;
	_ =	strace $0x9000004D  }
0xb2: {  	s29 =	simm.s32 $0x9;
	_ =	strace $0x8000004F  }
0xb3: {  	_ =	swait.ge [sflag:s29], $0x1  }
0xb4: {  	[sflag:s29] =	ssyncadd.s32 $0xFFFFFFFF  }
0xb5: {  	_ =	strace $0x9000004F  }
0xb6: {  	_ =	sfence  }
0xb7: {  	s30 =	sld [smem:$0x0];
	_ =	sdelay $0x2  }
0xb8: {  	s31 =	sshll.u32 s1, $0xD;
	s1 =	sshrl.u32 s1, $0x2  }
0xb9: {  	s3 =	sand.u32 $0x4000, s31;
	s1 =	sadd.s32 s1, s30  }
0xba: {  	s0 =	sor.u32 s3, s0;
	s1 =	sshll.u32 s1, $0x11  }
0xbb: {  	s0 =	sor.u32 s1, s0  }
0xbc: {  	s0 =	sadd.s32 $0x8F2B, s0  }
0xbd: {  	[sflag:s0] =	ssyncadd.remote.s32 $0x1  }
0xbe: {  	_ =	sfence.sel $0xFFFF  }
0xbf: {  	[dreg:$0x0] =	wrdreg $0xFFFFFFFF;
	(pc) =	sbr.abs _section_cstart, $3  }
0xc0: {  	[dreg:$0x1] =	wrdreg $0xFFFFFFFF  }
0xc1: {  	_ =	task.clear_ibuf [dreg:s7], $0x2FFFF;
	_ =	strace $0x9FFFFFFF  }
0xc2: {  	(tm) =	ssettm $0x7FFFFFFF  }
0xc3: {  	_ =	shalt  }
tec
execute0_lowered:
.L_overlay_start_1:
0x0: {  	(tag) =	ssettag $0x1  }
0x1: {  	s0 =	srdreg.scid;
	s1 =	rddreg [dreg:$0x0]  }
0x2: {  	s2 =	stileid.u32;
	s4 =	rddreg [dreg:$0x1]  }
0x3: {  	s12 =	simm.s32 $0x3;
	s14 =	simm.s32 $0x100;
	s13 =	simm.s32 $0x9900  }
0x4: {  	s15 =	simm.s32 $0xB100;
	s16 =	simm.s32 $0xB900;
	s10 =	simm.s32 $0xC100  }
0x5: {  	s17 =	simm.s32 $0xC900;
	s11 =	simm.s32 $0xD100;
	s18 =	simm.s32 $0xD900  }
0x6: {  	s19 =	simm.s32 $0xE100;
	s20 =	simm.s32 $0xE900;
	s21 =	simm.s32 $0xF100  }
0x7: {  	s22 =	simm.s32 $0xF900;
	s23 =	simm.s32 $0x1;
	s24 =	simm.s32 $0x2  }
0x8: {  	s25 =	simm.s32 $0x0;
	s0 =	sand.u32 $0x1, s0;
	s3 =	sshll.u32 s2, $0x7  }
0x9: {  	s2 =	simm.s32 $0x0;
	s8 =	sadd.s32 $0x180B00, s1;
	s5 =	sshll.u32 s0, $0x6  }
0xa: {  	[smem:$0x7FF] =	sst s2;
	s0 =	ssub.s32 $0x2, s0;
	s5 =	sor.u32 s5, s3  }
0xb: {  	s7 =	sshrl.u32 s0, $0x1;
	s3 =	sshrl.u32 s5, $0x3;
	s5 =	sshll.u32 s5, $0x7  }
0xc: {  	_ =	strace $0x8000004E;
	s0 =	ssub.s32 s0, s7;
	s31 =	sadd.s32 s4, s5  }
0xd: {  	s6 =	sadd.s32 s3, s1;
	s0 =	smax.u32 s0, $0x1;
	[dreg:$0x5] =	wrdreg s31  }
0xe: {  	s7 =	sadd.s32 $0x180A00, s1;
	s30 =	sadd.s32 $0x200, s6;
	[dreg:$0x7] =	wrdreg s0  }
0xf: {  	v2 =	vlaneseq.u32;
	s3 =	sadd.s32 $0x180800, s1;
	s6 =	sadd.s32 $0x300, s6;
	[dreg:$0x3] =	wrdreg s30  }
0x10: {  	vm0 =	vmmov $0xffff;
	v1 =	vshrl.u32 v2, $0x3;
	[dreg:$0x4] =	wrdreg s6;
	s6 =	sadd.s32 $0x180900, s1;
	s1 =	sadd.s32 $0x1000, s31  }
0x11: {  	v0 =	vand.u32 $0x7, v2;
	v2 =	vor.u32 $0x8, v2;
	v1 =	vmul.u32 $0x8, v1;
	s4 =	simm.s32 $0xA100;
	s5 =	simm.s32 $0xA900;
	[dreg:$0x6] =	wrdreg s1  }
.LBB2_1:
0x12: {  	s0 =	rddreg [dreg:$0x3]  }
0x13: {  	[tilespmem:s2], [sflag:$0x3] =	stream.linear.gather [hbm4b:s0+s2], $0x40, $0x38;
	[tilespmem:$0x10100] =	vst v63  }
0x14: {  	_ =	swait.ge [sflag:s12], $0x40  }
0x15: {  	[sflag:s12] =	ssyncset.done $0x0  }
0x16: {  	s1 =	simm.s32 $0x80;
	s9 =	rddreg [dreg:$0x4];
	[sflag:s12] =	ssyncadd.s32 $0xFFFFFFC0  }
0x17: {  	[tilespmem:s1], [sflag:$0x3] =	stream.linear.gather [hbm4b:s9+s2], $0x40, $0x38;
	[tilespmem:$0x10100] =	vst v63  }
0x18: {  	_ =	swait.ge [sflag:s12], $0x40  }
0x19: {  	[sflag:s12] =	ssyncset.done $0x0  }
0x1a: {  	[sflag:s12] =	ssyncadd.s32 $0xFFFFFFC0  }
0x1b: {  	v3 =	vld [tilespmem:$0x0];
	_ =	sdelay $0x4  }
0x1c: {  	v4 =	vshll.u32 v3, $0x3  }
0x1d: {  	v3 =	vand.u32 $0x7, v3;
	v4 =	vand.u32 $0xFFFFFFC0, v4  }
0x1e: {  	v3 =	vor.u32 v3, v4  }
0x1f: {  	v4 =	vperm.xlane v3, v0;
	_ =	sdelay $0x1  }
0x20: {  	v4 =	vadd.s32 v1, v4;
	_ =	sdelay $0x4  }
0x21: {  	[tilespmem:s14], [sflag:$0x1] =	stream.indirect_vreg.gather [hbm4b:s3+s2], $0x80, v4, vm0, $0xb8;
	[tilespmem:$0x10100] =	vst v63  }
0x22: {  	s26 =	simm.s32 $0x900;
	v3 =	vperm.xlane v3, v2  }
0x23: {  	[tilespmem:s26], [sflag:$0x1] =	stream.indirect_vreg.gather [hbm4b:s6+s2], $0x80, v4, vm0, $0xb8;
	[tilespmem:$0x10100] =	vst v63  }
0x24: {  	s31 =	simm.s32 $0x1100;
	v3 =	vadd.s32 v1, v3  }
0x25: {  	[tilespmem:s31], [sflag:$0x1] =	stream.indirect_vreg.gather [hbm4b:s7+s2], $0x80, v4, vm0, $0xb8;
	[tilespmem:$0x10100] =	vst v63  }
0x26: {  	s1 =	simm.s32 $0x1900  }
0x27: {  	[tilespmem:s1], [sflag:$0x1] =	stream.indirect_vreg.gather [hbm4b:s8+s2], $0x80, v4, vm0, $0xb8;
	[tilespmem:$0x10100] =	vst v63  }
0x28: {  	s9 =	simm.s32 $0x2100  }
0x29: {  	[tilespmem:s9], [sflag:$0x1] =	stream.indirect_vreg.gather [hbm4b:s3+s2], $0x80, v3, vm0, $0xb8;
	[tilespmem:$0x10100] =	vst v63  }
0x2a: {  	s26 =	simm.s32 $0x2900  }
0x2b: {  	[tilespmem:s26], [sflag:$0x1] =	stream.indirect_vreg.gather [hbm4b:s6+s2], $0x80, v3, vm0, $0xb8;
	[tilespmem:$0x10100] =	vst v63  }
0x2c: {  	s31 =	simm.s32 $0x3100  }
0x2d: {  	[tilespmem:s31], [sflag:$0x1] =	stream.indirect_vreg.gather [hbm4b:s7+s2], $0x80, v3, vm0, $0xb8;
	[tilespmem:$0x10100] =	vst v63  }
0x2e: {  	s1 =	simm.s32 $0x3900  }
0x2f: {  	[tilespmem:s1], [sflag:$0x1] =	stream.indirect_vreg.gather [hbm4b:s8+s2], $0x80, v3, vm0, $0xb8;
	[tilespmem:$0x10100] =	vst v63  }
0x30: {  	v3 =	vld [tilespmem:$0x10];
	_ =	sdelay $0x4  }
0x31: {  	v4 =	vshll.u32 v3, $0x3  }
0x32: {  	v3 =	vand.u32 $0x7, v3;
	v4 =	vand.u32 $0xFFFFFFC0, v4  }
0x33: {  	v3 =	vor.u32 v3, v4  }
0x34: {  	v4 =	vperm.xlane v3, v0;
	_ =	sdelay $0x1  }
0x35: {  	v4 =	vadd.s32 v1, v4;
	_ =	sdelay $0x3  }
0x36: {  	s9 =	simm.s32 $0x4100  }
0x37: {  	[tilespmem:s9], [sflag:$0x1] =	stream.indirect_vreg.gather [hbm4b:s3+s2], $0x80, v4, vm0, $0xb8;
	[tilespmem:$0x10100] =	vst v63  }
0x38: {  	s26 =	simm.s32 $0x4900;
	v3 =	vperm.xlane v3, v2  }
0x39: {  	[tilespmem:s26], [sflag:$0x1] =	stream.indirect_vreg.gather [hbm4b:s6+s2], $0x80, v4, vm0, $0xb8;
	[tilespmem:$0x10100] =	vst v63  }
0x3a: {  	s31 =	simm.s32 $0x5100;
	v3 =	vadd.s32 v1, v3  }
0x3b: {  	[tilespmem:s31], [sflag:$0x1] =	stream.indirect_vreg.gather [hbm4b:s7+s2], $0x80, v4, vm0, $0xb8;
	[tilespmem:$0x10100] =	vst v63  }
0x3c: {  	s1 =	simm.s32 $0x5900  }
0x3d: {  	[tilespmem:s1], [sflag:$0x1] =	stream.indirect_vreg.gather [hbm4b:s8+s2], $0x80, v4, vm0, $0xb8;
	[tilespmem:$0x10100] =	vst v63  }
0x3e: {  	s9 =	simm.s32 $0x6100  }
0x3f: {  	[tilespmem:s9], [sflag:$0x1] =	stream.indirect_vreg.gather [hbm4b:s3+s2], $0x80, v3, vm0, $0xb8;
	[tilespmem:$0x10100] =	vst v63  }
0x40: {  	s26 =	simm.s32 $0x6900  }
0x41: {  	[tilespmem:s26], [sflag:$0x1] =	stream.indirect_vreg.gather [hbm4b:s6+s2], $0x80, v3, vm0, $0xb8;
	[tilespmem:$0x10100] =	vst v63  }
0x42: {  	s31 =	simm.s32 $0x7100  }
0x43: {  	[tilespmem:s31], [sflag:$0x1] =	stream.indirect_vreg.gather [hbm4b:s7+s2], $0x80, v3, vm0, $0xb8;
	[tilespmem:$0x10100] =	vst v63  }
0x44: {  	s1 =	simm.s32 $0x7900  }
0x45: {  	[tilespmem:s1], [sflag:$0x1] =	stream.indirect_vreg.gather [hbm4b:s8+s2], $0x80, v3, vm0, $0xb8;
	[tilespmem:$0x10100] =	vst v63  }
0x46: {  	v3 =	vld [tilespmem:$0x80];
	_ =	sdelay $0x4  }
0x47: {  	v4 =	vshll.u32 v3, $0x3  }
0x48: {  	v3 =	vand.u32 $0x7, v3;
	v4 =	vand.u32 $0xFFFFFFC0, v4  }
0x49: {  	v3 =	vor.u32 v3, v4  }
0x4a: {  	v4 =	vperm.xlane v3, v0;
	_ =	sdelay $0x1  }
0x4b: {  	v4 =	vadd.s32 v1, v4;
	_ =	sdelay $0x3  }
0x4c: {  	s9 =	simm.s32 $0x8100  }
0x4d: {  	[tilespmem:s9], [sflag:$0x2] =	stream.indirect_vreg.gather [hbm4b:s3+s2], $0x80, v4, vm0, $0xb8;
	[tilespmem:$0x10100] =	vst v63  }
0x4e: {  	s26 =	simm.s32 $0x8900;
	v3 =	vperm.xlane v3, v2  }
0x4f: {  	[tilespmem:s26], [sflag:$0x2] =	stream.indirect_vreg.gather [hbm4b:s6+s2], $0x80, v4, vm0, $0xb8;
	[tilespmem:$0x10100] =	vst v63  }
0x50: {  	s31 =	simm.s32 $0x9100;
	v3 =	vadd.s32 v1, v3  }
0x51: {  	[tilespmem:s31], [sflag:$0x2] =	stream.indirect_vreg.gather [hbm4b:s7+s2], $0x80, v4, vm0, $0xb8;
	[tilespmem:$0x10100] =	vst v63  }
0x52: {  	_ = 	snop  }
0x53: {  	[tilespmem:s13], [sflag:$0x2] =	stream.indirect_vreg.gather [hbm4b:s8+s2], $0x80, v4, vm0, $0xb8;
	[tilespmem:$0x10100] =	vst v63  }
0x54: {  	_ = 	snop  }
0x55: {  	[tilespmem:s4], [sflag:$0x2] =	stream.indirect_vreg.gather [hbm4b:s3+s2], $0x80, v3, vm0, $0xb8;
	[tilespmem:$0x10100] =	vst v63  }
0x56: {  	_ = 	snop  }
0x57: {  	[tilespmem:s5], [sflag:$0x2] =	stream.indirect_vreg.gather [hbm4b:s6+s2], $0x80, v3, vm0, $0xb8;
	[tilespmem:$0x10100] =	vst v63  }
0x58: {  	_ = 	snop  }
0x59: {  	[tilespmem:s15], [sflag:$0x2] =	stream.indirect_vreg.gather [hbm4b:s7+s2], $0x80, v3, vm0, $0xb8;
	[tilespmem:$0x10100] =	vst v63  }
0x5a: {  	_ = 	snop  }
0x5b: {  	[tilespmem:s16], [sflag:$0x2] =	stream.indirect_vreg.gather [hbm4b:s8+s2], $0x80, v3, vm0, $0xb8;
	[tilespmem:$0x10100] =	vst v63  }
0x5c: {  	v3 =	vld [tilespmem:$0x90];
	_ =	sdelay $0x4  }
0x5d: {  	v4 =	vshll.u32 v3, $0x3  }
0x5e: {  	v3 =	vand.u32 $0x7, v3;
	v4 =	vand.u32 $0xFFFFFFC0, v4  }
0x5f: {  	v3 =	vor.u32 v3, v4  }
0x60: {  	v4 =	vperm.xlane v3, v0;
	_ =	sdelay $0x1  }
0x61: {  	v4 =	vadd.s32 v1, v4;
	_ =	sdelay $0x4  }
0x62: {  	[tilespmem:s10], [sflag:$0x2] =	stream.indirect_vreg.gather [hbm4b:s3+s2], $0x80, v4, vm0, $0xb8;
	[tilespmem:$0x10100] =	vst v63  }
0x63: {  	v3 =	vperm.xlane v3, v2  }
0x64: {  	[tilespmem:s17], [sflag:$0x2] =	stream.indirect_vreg.gather [hbm4b:s6+s2], $0x80, v4, vm0, $0xb8;
	[tilespmem:$0x10100] =	vst v63  }
0x65: {  	v3 =	vadd.s32 v1, v3  }
0x66: {  	[tilespmem:s11], [sflag:$0x2] =	stream.indirect_vreg.gather [hbm4b:s7+s2], $0x80, v4, vm0, $0xb8;
	[tilespmem:$0x10100] =	vst v63  }
0x67: {  	_ = 	snop  }
0x68: {  	[tilespmem:s18], [sflag:$0x2] =	stream.indirect_vreg.gather [hbm4b:s8+s2], $0x80, v4, vm0, $0xb8;
	[tilespmem:$0x10100] =	vst v63  }
0x69: {  	_ = 	snop  }
0x6a: {  	[tilespmem:s19], [sflag:$0x2] =	stream.indirect_vreg.gather [hbm4b:s3+s2], $0x80, v3, vm0, $0xb8;
	[tilespmem:$0x10100] =	vst v63  }
0x6b: {  	_ = 	snop  }
0x6c: {  	[tilespmem:s20], [sflag:$0x2] =	stream.indirect_vreg.gather [hbm4b:s6+s2], $0x80, v3, vm0, $0xb8;
	[tilespmem:$0x10100] =	vst v63  }
0x6d: {  	_ = 	snop  }
0x6e: {  	[tilespmem:s21], [sflag:$0x2] =	stream.indirect_vreg.gather [hbm4b:s7+s2], $0x80, v3, vm0, $0xb8;
	[tilespmem:$0x10100] =	vst v63  }
0x6f: {  	_ = 	snop  }
0x70: {  	[tilespmem:s22], [sflag:$0x2] =	stream.indirect_vreg.gather [hbm4b:s8+s2], $0x80, v3, vm0, $0xb8;
	[tilespmem:$0x10100] =	vst v63  }
0x71: {  	_ =	swait.ge [sflag:s23], $0x8000  }
0x72: {  	s28 =	simm.s32 $0x0;
	s9 =	simm.s32 $0x0;
	[sflag:s23] =	ssyncset.done $0x0  }
0x73: {  	s9 =	sand.u32 $0x6000, s9;
	s26 =	sand.u32 $0x1C00, s2;
	[sflag:s23] =	ssyncadd.s32 $0xFFFF8000  }
0x74: {  	s1 =	sand.u32 $0x380, s28;
	s9 =	sor.u32 s26, s9;
	_ =	swait.ge [sflag:s24], $0x8000  }
0x75: {  	s28 =	sand.u32 $0x40, s2;
	s9 =	sor.u32 s1, s9;
	[sflag:s24] =	ssyncset.done $0x0  }
0x76: {  	s26 =	sor.u32 s28, s9;
	[sflag:s24] =	ssyncadd.s32 $0xFFFF8000  }
0x77: {  	v11 =	vld [tilespmem:s26+$0x8100]  }
0x78: {  	v7 =	vld [tilespmem:s26+$0x8110]  }
0x79: {  	v6 =	vld [tilespmem:s26+$0x8120]  }
0x7a: {  	s29 =	simm.s32 $0x200;
	s31 =	simm.s32 $0x40;
	v4 =	vld [tilespmem:s26+$0x8130]  }
0x7b: {  	s30 =	simm.s32 $0x8;
	s9 =	sand.u32 $0x6000, s31;
	s28 =	sand.u32 $0x1C00, s29;
	v12 =	vld [tilespmem:s26+$0x100]  }
0x7c: {  	s30 =	sand.u32 $0x380, s30;
	s28 =	sor.u32 s28, s9;
	s9 =	simm.s32 $0x40;
	v9 =	vld [tilespmem:s26+$0x110]  }
0x7d: {  	s28 =	sor.u32 s30, s28;
	s30 =	sand.u32 $0x40, s9;
	v10 =	vld [tilespmem:s26+$0x120]  }
0x7e: {  	s28 =	sor.u32 s30, s28;
	v8 =	vld [tilespmem:s26+$0x130]  }
0x7f: {  	v3 =	vld [tilespmem:s28+$0x8100]  }
0x80: {  	s30 =	simm.s32 $0x4;
	v5 =	vld [tilespmem:s28+$0x8110];
	v11 =	vadd.f32 v11, v12  }
.LBB2_2:
0x81: {  	s30 =	sadd.s32 $0x4, s30;
	v12 =	vld [tilespmem:s28+$0x8120];
	v7 =	vadd.f32 v7, v9;
	s29 =	sadd.s32 $0x200, s29  }
0x82: {  	s9 =	sadd.s32 $0x40, s9;
	s31 =	sshll.u32 s30, $0x4;
	p0 =	slt.u32 s30, $0x7FC;
	v13 =	vld [tilespmem:s28+$0x8130];
	[tilespmem:s26+$0x100] =	vst v11;
	v6 =	vadd.f32 v6, v10  }
0x83: {  	s1 =	sand.u32 $0x1C00, s29;
	s0 =	sshll.u32 s30, $0x1;
	s31 =	sand.u32 $0x6000, s31;
	v11 =	vld [tilespmem:s28+$0x100];
	[tilespmem:s26+$0x110] =	vst v7;
	v4 =	vadd.f32 v4, v8  }
.Ltmp0:
0x84: {  	s0 =	sand.u32 $0x380, s0;
	s1 =	sor.u32 s1, s31;
	v9 =	vld [tilespmem:s28+$0x110];
	[tilespmem:s26+$0x120] =	vst v6;
	(pc) =	sbr.rel @p0 .LBB2_2-.Ltmp0, $4  }
0x85: {  	s31 =	sand.u32 $0x40, s9;
	v14 =	vmov v3;
	s0 =	sor.u32 s0, s1;
	v10 =	vld [tilespmem:s28+$0x120];
	[tilespmem:s26+$0x130] =	vst v4;
	v7 =	vmov v5;
	s26 =	smov.u32 s28  }
0x86: {  	s28 =	sor.u32 s31, s0;
	v8 =	vld [tilespmem:s26+$0x130];
	v6 =	vmov v12  }
0x87: {  	v3 =	vld [tilespmem:s28+$0x8100];
	v4 =	vmov v13  }
0x88: {  	v5 =	vld [tilespmem:s28+$0x8110];
	v11 =	vadd.f32 v14, v11  }
0x89: {  	v12 =	vld [tilespmem:s28+$0x8120];
	v7 =	vadd.f32 v7, v9  }
0x8a: {  	v13 =	vld [tilespmem:s28+$0x8130];
	[tilespmem:s26+$0x100] =	vst v11;
	v6 =	vadd.f32 v6, v10  }
0x8b: {  	v9 =	vld [tilespmem:s28+$0x100];
	[tilespmem:s26+$0x110] =	vst v7;
	v4 =	vadd.f32 v4, v8  }
0x8c: {  	v7 =	vld [tilespmem:s28+$0x110];
	[tilespmem:s26+$0x120] =	vst v6  }
0x8d: {  	v6 =	vld [tilespmem:s28+$0x120];
	[tilespmem:s26+$0x130] =	vst v4  }
0x8e: {  	v4 =	vld [tilespmem:s28+$0x130];
	_ =	sdelay $0x1  }
0x8f: {  	v3 =	vadd.f32 v3, v9  }
0x90: {  	v5 =	vadd.f32 v5, v7  }
0x91: {  	[tilespmem:s28+$0x100] =	vst v3;
	v3 =	vadd.f32 v12, v6  }
0x92: {  	[tilespmem:s28+$0x110] =	vst v5;
	v4 =	vadd.f32 v13, v4  }
0x93: {  	[tilespmem:s28+$0x120] =	vst v3  }
0x94: {  	s0 =	rddreg [dreg:$0x5];
	s26 =	simm.s32 $0x0;
	[tilespmem:s28+$0x130] =	vst v4  }
0x95: {  	[hbm4b:s0+s26] =	stream.linear.scatter [tilespmem:s14], [sflag:$0x3], $0x8000, $0x38;
	[tilespmem:$0x10100] =	vst v63  }
0x96: {  	_ =	swait.ge [sflag:s12], $0x8000  }
0x97: {  	[sflag:s12] =	ssyncset.done $0x0  }
0x98: {  	[sflag:s12] =	ssyncadd.s32 $0xFFFF8000  }
0x99: {  	v3 =	vld [tilespmem:$0x20];
	_ =	sdelay $0x4  }
0x9a: {  	v4 =	vshll.u32 v3, $0x3  }
0x9b: {  	v3 =	vand.u32 $0x7, v3;
	v4 =	vand.u32 $0xFFFFFFC0, v4  }
0x9c: {  	v3 =	vor.u32 v3, v4  }
0x9d: {  	v4 =	vperm.xlane v3, v0;
	_ =	sdelay $0x1  }
0x9e: {  	v4 =	vadd.s32 v1, v4;
	_ =	sdelay $0x4  }
0x9f: {  	[tilespmem:s14], [sflag:$0x1] =	stream.indirect_vreg.gather [hbm4b:s3+s26], $0x80, v4, vm0, $0xb8;
	[tilespmem:$0x10100] =	vst v63  }
0xa0: {  	s1 =	simm.s32 $0x900;
	v3 =	vperm.xlane v3, v2  }
0xa1: {  	[tilespmem:s1], [sflag:$0x1] =	stream.indirect_vreg.gather [hbm4b:s6+s26], $0x80, v4, vm0, $0xb8;
	[tilespmem:$0x10100] =	vst v63  }
0xa2: {  	s9 =	simm.s32 $0x1100;
	v3 =	vadd.s32 v1, v3  }
0xa3: {  	[tilespmem:s9], [sflag:$0x1] =	stream.indirect_vreg.gather [hbm4b:s7+s26], $0x80, v4, vm0, $0xb8;
	[tilespmem:$0x10100] =	vst v63  }
0xa4: {  	s31 =	simm.s32 $0x1900  }
0xa5: {  	[tilespmem:s31], [sflag:$0x1] =	stream.indirect_vreg.gather [hbm4b:s8+s26], $0x80, v4, vm0, $0xb8;
	[tilespmem:$0x10100] =	vst v63  }
0xa6: {  	s1 =	simm.s32 $0x2100  }
0xa7: {  	[tilespmem:s1], [sflag:$0x1] =	stream.indirect_vreg.gather [hbm4b:s3+s26], $0x80, v3, vm0, $0xb8;
	[tilespmem:$0x10100] =	vst v63  }
0xa8: {  	s9 =	simm.s32 $0x2900  }
0xa9: {  	[tilespmem:s9], [sflag:$0x1] =	stream.indirect_vreg.gather [hbm4b:s6+s26], $0x80, v3, vm0, $0xb8;
	[tilespmem:$0x10100] =	vst v63  }
0xaa: {  	s31 =	simm.s32 $0x3100  }
0xab: {  	[tilespmem:s31], [sflag:$0x1] =	stream.indirect_vreg.gather [hbm4b:s7+s26], $0x80, v3, vm0, $0xb8;
	[tilespmem:$0x10100] =	vst v63  }
0xac: {  	s1 =	simm.s32 $0x3900  }
0xad: {  	[tilespmem:s1], [sflag:$0x1] =	stream.indirect_vreg.gather [hbm4b:s8+s26], $0x80, v3, vm0, $0xb8;
	[tilespmem:$0x10100] =	vst v63  }
0xae: {  	v3 =	vld [tilespmem:$0x30];
	_ =	sdelay $0x4  }
0xaf: {  	v4 =	vshll.u32 v3, $0x3  }
0xb0: {  	v3 =	vand.u32 $0x7, v3;
	v4 =	vand.u32 $0xFFFFFFC0, v4  }
0xb1: {  	v3 =	vor.u32 v3, v4  }
0xb2: {  	v4 =	vperm.xlane v3, v0;
	_ =	sdelay $0x1  }
0xb3: {  	v4 =	vadd.s32 v1, v4;
	_ =	sdelay $0x3  }
0xb4: {  	s9 =	simm.s32 $0x4100  }
0xb5: {  	[tilespmem:s9], [sflag:$0x1] =	stream.indirect_vreg.gather [hbm4b:s3+s26], $0x80, v4, vm0, $0xb8;
	[tilespmem:$0x10100] =	vst v63  }
0xb6: {  	s31 =	simm.s32 $0x4900;
	v3 =	vperm.xlane v3, v2  }
0xb7: {  	[tilespmem:s31], [sflag:$0x1] =	stream.indirect_vreg.gather [hbm4b:s6+s26], $0x80, v4, vm0, $0xb8;
	[tilespmem:$0x10100] =	vst v63  }
0xb8: {  	s1 =	simm.s32 $0x5100;
	v3 =	vadd.s32 v1, v3  }
0xb9: {  	[tilespmem:s1], [sflag:$0x1] =	stream.indirect_vreg.gather [hbm4b:s7+s26], $0x80, v4, vm0, $0xb8;
	[tilespmem:$0x10100] =	vst v63  }
0xba: {  	s9 =	simm.s32 $0x5900  }
0xbb: {  	[tilespmem:s9], [sflag:$0x1] =	stream.indirect_vreg.gather [hbm4b:s8+s26], $0x80, v4, vm0, $0xb8;
	[tilespmem:$0x10100] =	vst v63  }
0xbc: {  	s31 =	simm.s32 $0x6100  }
0xbd: {  	[tilespmem:s31], [sflag:$0x1] =	stream.indirect_vreg.gather [hbm4b:s3+s26], $0x80, v3, vm0, $0xb8;
	[tilespmem:$0x10100] =	vst v63  }
0xbe: {  	s1 =	simm.s32 $0x6900  }
0xbf: {  	[tilespmem:s1], [sflag:$0x1] =	stream.indirect_vreg.gather [hbm4b:s6+s26], $0x80, v3, vm0, $0xb8;
	[tilespmem:$0x10100] =	vst v63  }
0xc0: {  	s9 =	simm.s32 $0x7100  }
0xc1: {  	[tilespmem:s9], [sflag:$0x1] =	stream.indirect_vreg.gather [hbm4b:s7+s26], $0x80, v3, vm0, $0xb8;
	[tilespmem:$0x10100] =	vst v63  }
0xc2: {  	s31 =	simm.s32 $0x7900  }
0xc3: {  	[tilespmem:s31], [sflag:$0x1] =	stream.indirect_vreg.gather [hbm4b:s8+s26], $0x80, v3, vm0, $0xb8;
	[tilespmem:$0x10100] =	vst v63  }
0xc4: {  	v3 =	vld [tilespmem:$0xA0];
	_ =	sdelay $0x4  }
0xc5: {  	v4 =	vshll.u32 v3, $0x3  }
0xc6: {  	v3 =	vand.u32 $0x7, v3;
	v4 =	vand.u32 $0xFFFFFFC0, v4  }
0xc7: {  	v3 =	vor.u32 v3, v4  }
0xc8: {  	v4 =	vperm.xlane v3, v0;
	_ =	sdelay $0x1  }
0xc9: {  	v4 =	vadd.s32 v1, v4;
	_ =	sdelay $0x3  }
0xca: {  	s1 =	simm.s32 $0x8100  }
0xcb: {  	[tilespmem:s1], [sflag:$0x2] =	stream.indirect_vreg.gather [hbm4b:s3+s26], $0x80, v4, vm0, $0xb8;
	[tilespmem:$0x10100] =	vst v63  }
0xcc: {  	s9 =	simm.s32 $0x8900;
	v3 =	vperm.xlane v3, v2  }
0xcd: {  	[tilespmem:s9], [sflag:$0x2] =	stream.indirect_vreg.gather [hbm4b:s6+s26], $0x80, v4, vm0, $0xb8;
	[tilespmem:$0x10100] =	vst v63  }
0xce: {  	s31 =	simm.s32 $0x9100;
	v3 =	vadd.s32 v1, v3  }
0xcf: {  	[tilespmem:s31], [sflag:$0x2] =	stream.indirect_vreg.gather [hbm4b:s7+s26], $0x80, v4, vm0, $0xb8;
	[tilespmem:$0x10100] =	vst v63  }
0xd0: {  	_ = 	snop  }
0xd1: {  	[tilespmem:s13], [sflag:$0x2] =	stream.indirect_vreg.gather [hbm4b:s8+s26], $0x80, v4, vm0, $0xb8;
	[tilespmem:$0x10100] =	vst v63  }
0xd2: {  	_ = 	snop  }
0xd3: {  	[tilespmem:s4], [sflag:$0x2] =	stream.indirect_vreg.gather [hbm4b:s3+s26], $0x80, v3, vm0, $0xb8;
	[tilespmem:$0x10100] =	vst v63  }
0xd4: {  	_ = 	snop  }
0xd5: {  	[tilespmem:s5], [sflag:$0x2] =	stream.indirect_vreg.gather [hbm4b:s6+s26], $0x80, v3, vm0, $0xb8;
	[tilespmem:$0x10100] =	vst v63  }
0xd6: {  	_ = 	snop  }
0xd7: {  	[tilespmem:s15], [sflag:$0x2] =	stream.indirect_vreg.gather [hbm4b:s7+s26], $0x80, v3, vm0, $0xb8;
	[tilespmem:$0x10100] =	vst v63  }
0xd8: {  	_ = 	snop  }
0xd9: {  	[tilespmem:s16], [sflag:$0x2] =	stream.indirect_vreg.gather [hbm4b:s8+s26], $0x80, v3, vm0, $0xb8;
	[tilespmem:$0x10100] =	vst v63  }
0xda: {  	v3 =	vld [tilespmem:$0xB0];
	_ =	sdelay $0x4  }
0xdb: {  	v4 =	vshll.u32 v3, $0x3  }
0xdc: {  	v3 =	vand.u32 $0x7, v3;
	v4 =	vand.u32 $0xFFFFFFC0, v4  }
0xdd: {  	v3 =	vor.u32 v3, v4  }
0xde: {  	v4 =	vperm.xlane v3, v0;
	_ =	sdelay $0x1  }
0xdf: {  	v4 =	vadd.s32 v1, v4;
	_ =	sdelay $0x4  }
0xe0: {  	[tilespmem:s10], [sflag:$0x2] =	stream.indirect_vreg.gather [hbm4b:s3+s26], $0x80, v4, vm0, $0xb8;
	[tilespmem:$0x10100] =	vst v63  }
0xe1: {  	v3 =	vperm.xlane v3, v2  }
0xe2: {  	[tilespmem:s17], [sflag:$0x2] =	stream.indirect_vreg.gather [hbm4b:s6+s26], $0x80, v4, vm0, $0xb8;
	[tilespmem:$0x10100] =	vst v63  }
0xe3: {  	v3 =	vadd.s32 v1, v3  }
0xe4: {  	[tilespmem:s11], [sflag:$0x2] =	stream.indirect_vreg.gather [hbm4b:s7+s26], $0x80, v4, vm0, $0xb8;
	[tilespmem:$0x10100] =	vst v63  }
0xe5: {  	_ = 	snop  }
0xe6: {  	[tilespmem:s18], [sflag:$0x2] =	stream.indirect_vreg.gather [hbm4b:s8+s26], $0x80, v4, vm0, $0xb8;
	[tilespmem:$0x10100] =	vst v63  }
0xe7: {  	_ = 	snop  }
0xe8: {  	[tilespmem:s19], [sflag:$0x2] =	stream.indirect_vreg.gather [hbm4b:s3+s26], $0x80, v3, vm0, $0xb8;
	[tilespmem:$0x10100] =	vst v63  }
0xe9: {  	_ = 	snop  }
0xea: {  	[tilespmem:s20], [sflag:$0x2] =	stream.indirect_vreg.gather [hbm4b:s6+s26], $0x80, v3, vm0, $0xb8;
	[tilespmem:$0x10100] =	vst v63  }
0xeb: {  	_ = 	snop  }
0xec: {  	[tilespmem:s21], [sflag:$0x2] =	stream.indirect_vreg.gather [hbm4b:s7+s26], $0x80, v3, vm0, $0xb8;
	[tilespmem:$0x10100] =	vst v63  }
0xed: {  	_ = 	snop  }
0xee: {  	[tilespmem:s22], [sflag:$0x2] =	stream.indirect_vreg.gather [hbm4b:s8+s26], $0x80, v3, vm0, $0xb8;
	[tilespmem:$0x10100] =	vst v63  }
0xef: {  	s1 =	simm.s32 $0x0;
	_ =	swait.ge [sflag:s23], $0x8000  }
0xf0: {  	s0 =	sand.u32 $0x6000, s1;
	[sflag:s23] =	ssyncset.done $0x0  }
0xf1: {  	s1 =	sand.u32 $0x1C00, s26;
	s9 =	simm.s32 $0x0;
	[sflag:s23] =	ssyncadd.s32 $0xFFFF8000  }
0xf2: {  	s0 =	sor.u32 s1, s0;
	s9 =	sand.u32 $0x380, s9;
	_ =	swait.ge [sflag:s24], $0x8000  }
0xf3: {  	s31 =	sand.u32 $0x40, s26;
	s0 =	sor.u32 s9, s0;
	[sflag:s24] =	ssyncset.done $0x0  }
0xf4: {  	s26 =	sor.u32 s31, s0;
	[sflag:s24] =	ssyncadd.s32 $0xFFFF8000  }
0xf5: {  	v11 =	vld [tilespmem:s26+$0x8100]  }
0xf6: {  	v7 =	vld [tilespmem:s26+$0x8110]  }
0xf7: {  	v6 =	vld [tilespmem:s26+$0x8120]  }
0xf8: {  	s29 =	simm.s32 $0x200;
	s1 =	simm.s32 $0x40;
	v4 =	vld [tilespmem:s26+$0x8130]  }
0xf9: {  	s9 =	sand.u32 $0x1C00, s29;
	s0 =	sand.u32 $0x6000, s1;
	s31 =	simm.s32 $0x8;
	v63 =	vld [tilespmem:s26+$0x100]  }
0xfa: {  	s0 =	sor.u32 s9, s0;
	s31 =	sand.u32 $0x380, s31;
	s9 =	simm.s32 $0x40;
	v9 =	vld [tilespmem:s26+$0x110]  }
0xfb: {  	s0 =	sor.u32 s31, s0;
	s31 =	sand.u32 $0x40, s9;
	v10 =	vld [tilespmem:s26+$0x120]  }
0xfc: {  	s28 =	sor.u32 s31, s0;
	v8 =	vld [tilespmem:s26+$0x130]  }
0xfd: {  	v3 =	vld [tilespmem:s28+$0x8100]  }
0xfe: {  	s30 =	simm.s32 $0x4;
	v5 =	vld [tilespmem:s28+$0x8110];
	v11 =	vadd.f32 v11, v63  }
.LBB2_4:
0xff: {  	s30 =	sadd.s32 $0x4, s30;
	v12 =	vld [tilespmem:s28+$0x8120];
	v7 =	vadd.f32 v7, v9;
	s29 =	sadd.s32 $0x200, s29  }
0x100: {  	s9 =	sadd.s32 $0x40, s9;
	s0 =	sshll.u32 s30, $0x4;
	p0 =	slt.u32 s30, $0x7FC;
	v13 =	vld [tilespmem:s28+$0x8130];
	[tilespmem:s26+$0x100] =	vst v11;
	v6 =	vadd.f32 v6, v10  }
0x101: {  	s1 =	sand.u32 $0x1C00, s29;
	s31 =	sshll.u32 s30, $0x1;
	s0 =	sand.u32 $0x6000, s0;
	v11 =	vld [tilespmem:s28+$0x100];
	[tilespmem:s26+$0x110] =	vst v7;
	v4 =	vadd.f32 v4, v8  }
.Ltmp1:
0x102: {  	s0 =	sor.u32 s1, s0;
	s1 =	sand.u32 $0x380, s31;
	v9 =	vld [tilespmem:s28+$0x110];
	[tilespmem:s26+$0x120] =	vst v6;
	(pc) =	sbr.rel @p0 .LBB2_4-.Ltmp1, $4  }
0x103: {  	s31 =	sand.u32 $0x40, s9;
	v14 =	vmov v3;
	s0 =	sor.u32 s1, s0;
	v10 =	vld [tilespmem:s28+$0x120];
	[tilespmem:s26+$0x130] =	vst v4;
	v7 =	vmov v5;
	s26 =	smov.u32 s28  }
0x104: {  	s28 =	sor.u32 s31, s0;
	v8 =	vld [tilespmem:s26+$0x130];
	v6 =	vmov v12  }
0x105: {  	v3 =	vld [tilespmem:s28+$0x8100];
	v4 =	vmov v13  }
0x106: {  	v5 =	vld [tilespmem:s28+$0x8110];
	v11 =	vadd.f32 v14, v11  }
0x107: {  	v12 =	vld [tilespmem:s28+$0x8120];
	v7 =	vadd.f32 v7, v9  }
0x108: {  	v13 =	vld [tilespmem:s28+$0x8130];
	[tilespmem:s26+$0x100] =	vst v11;
	v6 =	vadd.f32 v6, v10  }
0x109: {  	v63 =	vld [tilespmem:s28+$0x100];
	[tilespmem:s26+$0x110] =	vst v7;
	v4 =	vadd.f32 v4, v8  }
0x10a: {  	v7 =	vld [tilespmem:s28+$0x110];
	[tilespmem:s26+$0x120] =	vst v6  }
0x10b: {  	v6 =	vld [tilespmem:s28+$0x120];
	[tilespmem:s26+$0x130] =	vst v4  }
0x10c: {  	v4 =	vld [tilespmem:s28+$0x130];
	_ =	sdelay $0x1  }
0x10d: {  	v3 =	vadd.f32 v3, v63  }
0x10e: {  	v5 =	vadd.f32 v5, v7  }
0x10f: {  	[tilespmem:s28+$0x100] =	vst v3;
	v3 =	vadd.f32 v12, v6  }
0x110: {  	[tilespmem:s28+$0x110] =	vst v5;
	v4 =	vadd.f32 v13, v4  }
0x111: {  	[tilespmem:s28+$0x120] =	vst v3  }
0x112: {  	s0 =	rddreg [dreg:$0x6];
	[tilespmem:s28+$0x130] =	vst v4  }
0x113: {  	[hbm4b:s0+s2] =	stream.linear.scatter [tilespmem:s14], [sflag:$0x3], $0x8000, $0x38;
	[tilespmem:$0x10100] =	vst v63  }
0x114: {  	_ =	swait.ge [sflag:s12], $0x8000  }
0x115: {  	s25 =	sadd.s32 $0x1, s25;
	s31 =	rddreg [dreg:$0x7]  }
0x116: {  	p0 =	sne.s32 s25, s31  }
.Ltmp2:
0x117: {  	_ = 	snop;
	(pc) =	sbr.rel @p0 .LBB2_1-.Ltmp2, $3  }
0x118: {  	_ =	sdelay $0x1  }
0x119: {  	[sflag:s12] =	ssyncset.done $0x0  }
0x11a: {  	[sflag:s12] =	ssyncadd.s32 $0xFFFF8000  }
0x11b: {  	_ =	sfence.sel $0x180000  }
0x11c: {  	[bflag:$0x0] =	sbarrier.arrive $0xFFFF  }
0x11d: {  	_ =	strace $0x9000004E  }
0x11e: {  	s0 =	stileid.u32;
	[bflag:$0x2] =	sbarrier.arrive $0xFFFF  }
0x11f: {  	p0 =	sne.s32 s0, $0x0;
	s0 =	rddreg [dreg:$0x2]  }
0x120: {  	s0 =	sadd.s32 @!p0 $0x100000, s0  }
0x121: {  	[sflag:s0] =	ssyncadd.tile.s32 @!p0 $0x1;
	_ =	shalt  }
.Lfunc_end2:
_tile_overlayer_lowered:
.L_overlay_start_2:
0x122: {  	(tag) =	ssettag $0x2  }
0x123: {  	s0 =	rddreg [dreg:$0x0];
	s2 =	stileid.u32  }
0x124: {  	s1 =	rddreg [dreg:$0x1];
	p0 =	sne.s32 s2, $0x0  }
0x125: {  	s3 =	rddreg [dreg:$0x2];
	[bflag:$0x3] =	sbarrier.arrive $0xFFFF;
	s2 =	simm.s32 @!p0 $0x1C03  }
0x126: {  	[timem:s3], [sflag:s2] =	dma.local @!p0 [hbm:s0], s1  }
0x127: {  	s0 =	simm.s32 @!p0 $0x3  }
0x128: {  	_ =	swait.ge @!p0 [sflag:s0], s1  }
0x129: {  	s1 =	ssub.s32 @!p0 $0x0, s1;
	[sflag:s0] =	ssyncset.done @!p0 $0x0  }
0x12a: {  	[sflag:s0] =	ssyncadd.s32 @!p0 s1  }
0x12b: {  	[bflag:$0x3] =	sbarrier.arrive $0xFFFF  }
0x12c: {  	_ =	shalt  }

</sc_bundles>
